<compile_context>
chip_gen: v7x
topology: tpu7x:2x2x1
jax: 0.10.2.dev20260603
libtpu: 0.0.44.dev20260713+nightly
codegen_flags: <defaults>
</compile_context>

<pallas_src>
import functools

import jax
import jax.numpy as jnp
from jax import lax
from jax.experimental import pallas as pl
from jax.experimental.pallas import tpu as pltpu
from jax.experimental.pallas import tpu_sc as plsc

NC = 2
NS = 16
K = 128
BR = 256


def _split(NSC):
  rpt = -(-NSC // NS // 8) * 8
  last = NSC - (NS - 1) * rpt
  assert last > 0 and last % 8 == 0
  return rpt, last


def _make_deg_kernel(NPAD, NSC, C, interpret=False):
  rpt, last = _split(NSC)
  W = 8

  @functools.partial(
      pl.kernel,
      out_type=jax.ShapeDtypeStruct((NC, NPAD, 8), jnp.float32),
      mesh=plsc.VectorSubcoreMesh(core_axis_name="c", subcore_axis_name="s",
                                  num_cores=NC, num_subcores=NS),
      scratch_types=[
          pltpu.VMEM_SHARED((NSC, 8), jnp.float32),
          pltpu.VMEM((C, 2, K), jnp.int32),
          pltpu.VMEM((K, 8), jnp.float32),
          pltpu.SemaphoreType.DMA,
      ],
      interpret=interpret,
  )
  def deg_kernel(eidx_hbm, ones_hbm, zeros_hbm, out_hbm, acc, didx, ones_v,
                 sem):
    c = lax.axis_index("c")
    s = lax.axis_index("s")

    @pl.when(s < NS - 1)
    def _():
      pltpu.sync_copy(zeros_hbm, acc.at[pl.ds(s * rpt, rpt)])

    @pl.when(s == NS - 1)
    def _():
      pltpu.sync_copy(zeros_hbm.at[pl.ds(0, last)],
                      acc.at[pl.ds((NS - 1) * rpt, last)])

    pltpu.sync_copy(ones_hbm, ones_v)
    row0 = (c * NS + s) * C
    pltpu.sync_copy(eidx_hbm.at[pl.ds(row0, C)], didx)
    plsc.subcore_barrier()

    def drain_one():
      pltpu.make_async_copy(ones_v, acc.at[didx.at[0, 1]], sem).wait()

    def step(i, carry):
      pltpu.async_copy(ones_v, acc.at[didx.at[i, 1]], sem, add=True)

      @pl.when(i >= W)
      def _():
        drain_one()

      return carry

    lax.fori_loop(0, C, step, 0)
    for _ in range(W):
      drain_one()
    plsc.subcore_barrier()

    @pl.when(s < NS - 1)
    def _():
      pltpu.sync_copy(acc.at[pl.ds(s * rpt, rpt)],
                      out_hbm.at[c, pl.ds(s * rpt, rpt)])

    @pl.when(s == NS - 1)
    def _():
      pltpu.sync_copy(acc.at[pl.ds((NS - 1) * rpt, last)],
                      out_hbm.at[c, pl.ds((NS - 1) * rpt, last)])

  return deg_kernel


def _make_agg_kernel(NPAD, NSC, D, C, interpret=False):
  rpt, last = _split(NSC)
  assert C % 6 == 2 and C >= 14

  @functools.partial(
      pl.kernel,
      out_type=jax.ShapeDtypeStruct((NC, NPAD, D), jnp.float32),
      mesh=plsc.VectorSubcoreMesh(core_axis_name="c", subcore_axis_name="s",
                                  num_cores=NC, num_subcores=NS),
      scratch_types=[
          pltpu.VMEM_SHARED((NSC, D), jnp.float32),
          pltpu.VMEM((6, 2, K), jnp.int32),
          pltpu.VMEM((3, K, D), jnp.float32),
          pltpu.SemaphoreType.DMA,
          pltpu.SemaphoreType.DMA,
          pltpu.SemaphoreType.DMA,
          pltpu.SemaphoreType.DMA,
          pltpu.SemaphoreType.DMA,
          pltpu.SemaphoreType.DMA,
          pltpu.SemaphoreType.DMA,
          pltpu.SemaphoreType.DMA,
          pltpu.SemaphoreType.DMA,
          pltpu.SemaphoreType.DMA,
          pltpu.SemaphoreType.DMA,
          pltpu.SemaphoreType.DMA,
      ],
      interpret=interpret,
  )
  def agg_kernel(g_hbm, eidx_hbm, zeros_hbm, out_hbm, acc, idx, rows,
                 sg0, sg1, sg2, ss0, ss1, ss2,
                 si0, si1, si2, si3, si4, si5):
    c = lax.axis_index("c")
    s = lax.axis_index("s")
    sem_g = (sg0, sg1, sg2)
    sem_s = (ss0, ss1, ss2)
    sem_i = (si0, si1, si2, si3, si4, si5)
    row0 = (c * NS + s) * C

    def issue_idx(i, q):
      pltpu.async_copy(eidx_hbm.at[row0 + i], idx.at[q], sem_i[q])

    def wait_idx(q):
      pltpu.make_async_copy(eidx_hbm.at[row0], idx.at[q], sem_i[q]).wait()

    def issue_gather(q, p):
      pltpu.async_copy(g_hbm.at[idx.at[q, 0]], rows.at[p], sem_g[p])

    def wait_gather(p):
      pltpu.make_async_copy(g_hbm.at[idx.at[0, 0]], rows.at[p],
                            sem_g[p]).wait()

    def issue_scatter(q, p):
      pltpu.async_copy(rows.at[p], acc.at[idx.at[q, 1]], sem_s[p], add=True)

    def wait_scatter(p):
      pltpu.make_async_copy(rows.at[p], acc.at[idx.at[0, 1]],
                            sem_s[p]).wait()

    @pl.when(s < NS - 1)
    def _():
      pltpu.sync_copy(zeros_hbm, acc.at[pl.ds(s * rpt, rpt)])

    @pl.when(s == NS - 1)
    def _():
      pltpu.sync_copy(zeros_hbm.at[pl.ds(0, last)],
                      acc.at[pl.ds((NS - 1) * rpt, last)])

    for q in range(4):
      issue_idx(q, q)
    plsc.subcore_barrier()
    wait_idx(0)
    issue_gather(0, 0)

    @pl.loop(0, C - 2, step=6)
    def _(gg):
      for po in range(6):
        i = gg + po

        @pl.when(i + 1 < C)
        def _():
          @pl.when(i >= 2)
          def _():
            wait_scatter((po + 1) % 3)
          wait_idx((po + 1) % 6)
          issue_gather((po + 1) % 6, (po + 1) % 3)

        @pl.when(i + 4 < C)
        def _():
          issue_idx(i + 4, (po + 4) % 6)

        wait_gather(po % 3)
        issue_scatter(po, po % 3)

    wait_scatter(1)
    wait_idx(1)
    issue_gather(1, 1)
    wait_gather(0)
    issue_scatter(0, 0)
    wait_gather(1)
    issue_scatter(1, 1)
    for p in (2, 0, 1):
      wait_scatter(p)
    plsc.subcore_barrier()

    @pl.when(s < NS - 1)
    def _():
      pltpu.sync_copy(acc.at[pl.ds(s * rpt, rpt)],
                      out_hbm.at[c, pl.ds(s * rpt, rpt)])

    @pl.when(s == NS - 1)
    def _():
      pltpu.sync_copy(acc.at[pl.ds((NS - 1) * rpt, last)],
                      out_hbm.at[c, pl.ds((NS - 1) * rpt, last)])

  return agg_kernel


def _mm_scale_body(x_ref, w_ref, deg_ref, g_ref, dinv_ref):
  deg = deg_ref[0] + deg_ref[1] + 1.0
  dinv = lax.rsqrt(deg)
  dinv_ref[...] = dinv
  h = jnp.dot(x_ref[...], w_ref[...], preferred_element_type=jnp.float32)
  g_ref[...] = h * dinv[:, :1]


def _layer_body(p_ref, g_ref, dinv_ref, b_ref, w_ref, o_ref):
  dinv = dinv_ref[:, :1]
  t = dinv * (p_ref[0] + p_ref[1] + g_ref[...]) + b_ref[...]
  t = jnp.maximum(t, 0.0)
  o_ref[...] = dinv * jnp.dot(t, w_ref[...],
                              preferred_element_type=jnp.float32)


def _final_body(q_ref, g_ref, dinv_ref, b_ref, o_ref):
  dinv = dinv_ref[:, :1]
  t = dinv * (q_ref[0] + q_ref[1] + g_ref[...]) + b_ref[...]
  o_ref[...] = jnp.maximum(t, 0.0)


def _gcn(x, edge_index, W1, b1, W2, b2, interpret=False):
  N, D = x.shape
  E = edge_index.shape[1]
  NPAD = ((N + 2047) // 2048) * 2048
  NSC = ((N + 16) // 16) * 16
  C0 = -(-E // (NC * NS * K))
  C = C0 + ((2 - C0) % 6)
  EPAD = NC * NS * K * C

  xp = jnp.zeros((NPAD, D), jnp.float32).at[:N].set(x)
  pad = jnp.full((EPAD - E,), N, jnp.int32)
  srcp = jnp.concatenate([edge_index[0], pad]).reshape(-1, 1, K)
  dstp = jnp.concatenate([edge_index[1], pad]).reshape(-1, 1, K)
  eidx = jnp.concatenate([srcp, dstp], axis=1)

  rpt, _ = _split(NSC)
  ones8 = jnp.ones((K, 8), jnp.float32)
  zeros8 = jnp.zeros((rpt, 8), jnp.float32)
  zerosD = jnp.zeros((rpt, D), jnp.float32)

  deg8 = _make_deg_kernel(NPAD, NSC, C, interpret)(eidx, ones8, zeros8)

  grid = (NPAD // BR,)
  blk = pl.BlockSpec((BR, D), lambda i: (i, 0))
  blk8 = pl.BlockSpec((BR, 8), lambda i: (i, 0))
  blk2 = pl.BlockSpec((NC, BR, D), lambda i: (0, i, 0))
  blk28 = pl.BlockSpec((NC, BR, 8), lambda i: (0, i, 0))
  blkw = pl.BlockSpec((D, D), lambda i: (0, 0))
  blkb = pl.BlockSpec((1, D), lambda i: (0, 0))
  fD = jax.ShapeDtypeStruct((NPAD, D), jnp.float32)
  f8 = jax.ShapeDtypeStruct((NPAD, 8), jnp.float32)

  g1, dinv8 = pl.pallas_call(
      _mm_scale_body, grid=grid, in_specs=[blk, blkw, blk28],
      out_specs=[blk, blk8], out_shape=[fD, f8],
      interpret=interpret)(xp, W1, deg8)

  agg = _make_agg_kernel(NPAD, NSC, D, C, interpret)
  P = agg(g1, eidx, zerosD)

  b1r = b1.reshape(1, D)
  b2r = b2.reshape(1, D)
  g2 = pl.pallas_call(
      _layer_body, grid=grid, in_specs=[blk2, blk, blk8, blkb, blkw],
      out_specs=blk, out_shape=fD, interpret=interpret)(
          P, g1, dinv8, b1r, W2)

  Q = agg(g2, eidx, zerosD)

  out = pl.pallas_call(
      _final_body, grid=grid, in_specs=[blk2, blk, blk8, blkb],
      out_specs=blk, out_shape=fD, interpret=interpret)(
          Q, g2, dinv8, b2r)

  return out[:N]


def kernel(x, edge_index, W1, b1, W2, b2):
  return _gcn(x, edge_index, W1, b1, W2, b2)

# --- scband reference (transcript-rebuilt; emitter-appended) ---
"""Pipeline reference for scband-gcn-61323543053108 (READ-ONLY COPY).

The authoritative reference and input builder live on the scoring server;
editing this copy changes nothing except your own understanding.
"""

import jax, jax.numpy as jnp
import numpy as np

N = 10000
E = 320000
D = 128


def _gcn_conv(x, src, dst, W, b, n):
    # x' = x @ W  (PyG GCNConv linear transform)
    h = x @ W
    # degree computed on the self-loop-augmented graph (counts incoming edges)
    deg = jax.ops.segment_sum(jnp.ones_like(src, dtype=h.dtype), dst, num_segments=n)
    dinv = jnp.where(deg > 0, 1.0 / jnp.sqrt(deg), 0.0)
    norm = dinv[src] * dinv[dst]
    msg = h[src] * norm[:, None]
    out = jax.ops.segment_sum(msg, dst, num_segments=n)
    return out + b


def setup_inputs(seed: int = 0) -> dict:
    key = jax.random.key(seed)
    k1, k2, k3, k4 = jax.random.split(key, 4)
    x = jax.random.normal(k1, (N, D), dtype=jnp.float32)
    edge_index = jax.random.randint(k2, (2, E), 0, N, dtype=jnp.int32)
    W1 = jax.random.normal(k3, (D, D), dtype=jnp.float32) * (1.0 / np.sqrt(D))
    b1 = jnp.zeros((D,), dtype=jnp.float32)
    W2 = jax.random.normal(k4, (D, D), dtype=jnp.float32) * (1.0 / np.sqrt(D))
    b2 = jnp.zeros((D,), dtype=jnp.float32)
    return {"x": x, "edge_index": edge_index, "W1": W1, "b1": b1, "W2": W2, "b2": b2}


def reference(x, edge_index, W1, b1, W2, b2):
    n = x.shape[0]
    # GCNConv adds self-loops by default
    loop = jnp.arange(n, dtype=edge_index.dtype)
    src = jnp.concatenate([edge_index[0], loop])
    dst = jnp.concatenate([edge_index[1], loop])
    # layer 1: GCNConv -> ReLU -> Dropout(p=0.0, eval) == identity
    h = _gcn_conv(x, src, dst, W1, b1, n)
    h = jax.nn.relu(h)
    # layer 2
    h = _gcn_conv(h, src, dst, W2, b2, n)
    h = jax.nn.relu(h)
    # head == nn.Identity()
    return h

if __name__ == "__main__":
    import jax
    _d = setup_inputs()
    print(jax.jit(kernel)(*tuple(_d.values())))

</pallas_src>

<mosaic_0001>
#map = affine_map<(d0, d1) -> (0, 0)>
#map1 = affine_map<(d0, d1) -> (0, 0, 0)>
module attributes {stable_mosaic.version = 14 : i64} {
  func.func @agg_kernel(%arg0: i32, %arg1: i32, %arg2: memref<10240x128xf32, #tpu.memory_space<hbm>>, %arg3: memref<2560x2x128xi32, #tpu.memory_space<hbm>>, %arg4: memref<632x128xf32, #tpu.memory_space<hbm>>, %arg5: memref<2x10240x128xf32, #tpu.memory_space<hbm>>, %arg6: memref<10016x128xf32, #tpu.memory_space<vmem_shared>>, %arg7: memref<6x2x128xi32, #tpu.memory_space<vmem>>, %arg8: memref<3x128x128xf32, #tpu.memory_space<vmem>>, %arg9: memref<!tpu.dma_semaphore, #tpu.memory_space<semaphore_mem>>, %arg10: memref<!tpu.dma_semaphore, #tpu.memory_space<semaphore_mem>>, %arg11: memref<!tpu.dma_semaphore, #tpu.memory_space<semaphore_mem>>, %arg12: memref<!tpu.dma_semaphore, #tpu.memory_space<semaphore_mem>>, %arg13: memref<!tpu.dma_semaphore, #tpu.memory_space<semaphore_mem>>, %arg14: memref<!tpu.dma_semaphore, #tpu.memory_space<semaphore_mem>>, %arg15: memref<!tpu.dma_semaphore, #tpu.memory_space<semaphore_mem>>, %arg16: memref<!tpu.dma_semaphore, #tpu.memory_space<semaphore_mem>>, %arg17: memref<!tpu.dma_semaphore, #tpu.memory_space<semaphore_mem>>, %arg18: memref<!tpu.dma_semaphore, #tpu.memory_space<semaphore_mem>>, %arg19: memref<!tpu.dma_semaphore, #tpu.memory_space<semaphore_mem>>, %arg20: memref<!tpu.dma_semaphore, #tpu.memory_space<semaphore_mem>>) attributes {dimension_semantics = [#tpu.dimension_semantics<core_parallel>, #tpu.dimension_semantics<subcore_parallel>], iteration_bounds = array<i64: 2, 16>, scalar_prefetch = 0 : i64, scratch_operands = 15 : i64, tpu.core_type = #tpu.core_type<sc_vector_subcore>, window_params = [{transform_indices = #map}, {transform_indices = #map1}, {transform_indices = #map}, {transform_indices = #map1}]} {
    %mul3A = arith.constant 16 : i32
    %mul3A_0 = arith.muli %arg0, %mul3A : i32
    %add3A = arith.addi %mul3A_0, %arg1 : i32
    %mul3A_1 = arith.constant 80 : i32
    %mul3A_2 = arith.muli %add3A, %mul3A_1 : i32
    %lt3A = arith.constant 15 : i32
    %lt3A_3 = arith.cmpi slt, %arg1, %lt3A : i32
    %convert_element_type3A = arith.extui %lt3A_3 : i1 to i32
    %cond3A = arith.constant 0 : i32
    %cond3A_4 = arith.cmpi ne, %convert_element_type3A, %cond3A : i32
    scf.if %cond3A_4 {
      %mul3A_262 = arith.constant 632 : i32
      %mul3A_263 = arith.muli %arg1, %mul3A_262 : i32
      "tpu.region"() ({
        %run_scoped3A = tpu.sem_alloc : memref<!tpu.dma_semaphore, #tpu.memory_space<semaphore_mem>>
        %dma_start3A_264 = arith.constant 0 : i32
        %dma_start3A_265 = tpu.memref_slice %arg6[%mul3A_263, %dma_start3A_264] : memref<10016x128xf32, #tpu.memory_space<vmem_shared>> -> memref<632x128xf32, #tpu.memory_space<vmem_shared>>
        tpu.enqueue_dma source(%arg4 : memref<632x128xf32, #tpu.memory_space<hbm>>) target(%dma_start3A_265 : memref<632x128xf32, #tpu.memory_space<vmem_shared>>) target_semaphore(%run_scoped3A : memref<!tpu.dma_semaphore, #tpu.memory_space<semaphore_mem>>)
        %dma_wait3A_266 = arith.constant 0 : i32
        %dma_wait3A_267 = tpu.memref_slice %arg6[%mul3A_263, %dma_wait3A_266] : memref<10016x128xf32, #tpu.memory_space<vmem_shared>> -> memref<632x128xf32, #tpu.memory_space<vmem_shared>>
        tpu.wait_dma2 semaphore(%run_scoped3A : memref<!tpu.dma_semaphore, #tpu.memory_space<semaphore_mem>>) src(%arg4 : memref<632x128xf32, #tpu.memory_space<hbm>>) dst(%dma_wait3A_267 : memref<632x128xf32, #tpu.memory_space<vmem_shared>>)
        tpu.yield
      }) : () -> ()
    } else {
    }
    %eq3A = arith.constant 15 : i32
    %eq3A_5 = arith.cmpi eq, %arg1, %eq3A : i32
    %convert_element_type3A_6 = arith.extui %eq3A_5 : i1 to i32
    %cond3A_7 = arith.constant 0 : i32
    %cond3A_8 = arith.cmpi ne, %convert_element_type3A_6, %cond3A_7 : i32
    scf.if %cond3A_8 {
      "tpu.region"() ({
        %run_scoped3A = tpu.sem_alloc : memref<!tpu.dma_semaphore, #tpu.memory_space<semaphore_mem>>
        %dma_start3A_262 = arith.constant 9480 : i32
        %dma_start3A_263 = arith.constant 0 : i32
        %dma_start3A_264 = tpu.memref_slice %arg6[%dma_start3A_262, %dma_start3A_263] : memref<10016x128xf32, #tpu.memory_space<vmem_shared>> -> memref<536x128xf32, #tpu.memory_space<vmem_shared>>
        %dma_start3A_265 = arith.constant 0 : i32
        %dma_start3A_266 = arith.constant 0 : i32
        %dma_start3A_267 = tpu.memref_slice %arg4[%dma_start3A_265, %dma_start3A_266] : memref<632x128xf32, #tpu.memory_space<hbm>> -> memref<536x128xf32, #tpu.memory_space<hbm>>
        tpu.enqueue_dma source(%dma_start3A_267 : memref<536x128xf32, #tpu.memory_space<hbm>>) target(%dma_start3A_264 : memref<536x128xf32, #tpu.memory_space<vmem_shared>>) target_semaphore(%run_scoped3A : memref<!tpu.dma_semaphore, #tpu.memory_space<semaphore_mem>>)
        %dma_wait3A_268 = arith.constant 9480 : i32
        %dma_wait3A_269 = arith.constant 0 : i32
        %dma_wait3A_270 = tpu.memref_slice %arg6[%dma_wait3A_268, %dma_wait3A_269] : memref<10016x128xf32, #tpu.memory_space<vmem_shared>> -> memref<536x128xf32, #tpu.memory_space<vmem_shared>>
        %dma_wait3A_271 = arith.constant 0 : i32
        %dma_wait3A_272 = arith.constant 0 : i32
        %dma_wait3A_273 = tpu.memref_slice %arg4[%dma_wait3A_271, %dma_wait3A_272] : memref<632x128xf32, #tpu.memory_space<hbm>> -> memref<536x128xf32, #tpu.memory_space<hbm>>
        tpu.wait_dma2 semaphore(%run_scoped3A : memref<!tpu.dma_semaphore, #tpu.memory_space<semaphore_mem>>) src(%dma_wait3A_273 : memref<536x128xf32, #tpu.memory_space<hbm>>) dst(%dma_wait3A_270 : memref<536x128xf32, #tpu.memory_space<vmem_shared>>)
        tpu.yield
      }) : () -> ()
    } else {
    }
    %add3A_9 = arith.constant 0 : i32
    %add3A_10 = arith.addi %mul3A_2, %add3A_9 : i32
    %dma_start3A = arith.constant 0 : i32
    %dma_start3A_11 = arith.constant 0 : i32
    %dma_start3A_12 = arith.constant 0 : i32
    %dma_start3A_13 = tpu.memref_slice %arg7[%dma_start3A, %dma_start3A_11, %dma_start3A_12] : memref<6x2x128xi32, #tpu.memory_space<vmem>> -> memref<1x2x128xi32, #tpu.memory_space<vmem>>
    %dma_start3A_14 = tpu.memref_squeeze %dma_start3A_13 : memref<1x2x128xi32, #tpu.memory_space<vmem>> -> memref<2x128xi32, #tpu.memory_space<vmem>>
    %dma_start3A_15 = arith.constant 0 : i32
    %dma_start3A_16 = arith.constant 0 : i32
    %dma_start3A_17 = tpu.memref_slice %arg3[%add3A_10, %dma_start3A_15, %dma_start3A_16] : memref<2560x2x128xi32, #tpu.memory_space<hbm>> -> memref<1x2x128xi32, #tpu.memory_space<hbm>>
    %dma_start3A_18 = tpu.memref_squeeze %dma_start3A_17 : memref<1x2x128xi32, #tpu.memory_space<hbm>> -> memref<2x128xi32, #tpu.memory_space<hbm>>
    %dma_start3A_19 = arith.constant 0 : i32
    %dma_start3A_20 = arith.constant 0 : i32
    %dma_start3A_21 = tpu.memref_slice %arg7[%dma_start3A, %dma_start3A_19, %dma_start3A_20] : memref<6x2x128xi32, #tpu.memory_space<vmem>> -> memref<1x2x128xi32, #tpu.memory_space<vmem>>
    %dma_start3A_22 = tpu.memref_squeeze %dma_start3A_21 : memref<1x2x128xi32, #tpu.memory_space<vmem>> -> memref<2x128xi32, #tpu.memory_space<vmem>>
    %dma_start3A_23 = arith.constant 0 : i32
    %dma_start3A_24 = arith.constant 0 : i32
    %dma_start3A_25 = tpu.memref_slice %arg3[%add3A_10, %dma_start3A_23, %dma_start3A_24] : memref<2560x2x128xi32, #tpu.memory_space<hbm>> -> memref<1x2x128xi32, #tpu.memory_space<hbm>>
    %dma_start3A_26 = tpu.memref_squeeze %dma_start3A_25 : memref<1x2x128xi32, #tpu.memory_space<hbm>> -> memref<2x128xi32, #tpu.memory_space<hbm>>
    tpu.enqueue_dma source(%dma_start3A_26 : memref<2x128xi32, #tpu.memory_space<hbm>>) target(%dma_start3A_22 : memref<2x128xi32, #tpu.memory_space<vmem>>) target_semaphore(%arg15 : memref<!tpu.dma_semaphore, #tpu.memory_space<semaphore_mem>>)
    %add3A_27 = arith.constant 1 : i32
    %add3A_28 = arith.addi %mul3A_2, %add3A_27 : i32
    %dma_start3A_29 = arith.constant 1 : i32
    %dma_start3A_30 = arith.constant 0 : i32
    %dma_start3A_31 = arith.constant 0 : i32
    %dma_start3A_32 = tpu.memref_slice %arg7[%dma_start3A_29, %dma_start3A_30, %dma_start3A_31] : memref<6x2x128xi32, #tpu.memory_space<vmem>> -> memref<1x2x128xi32, #tpu.memory_space<vmem>>
    %dma_start3A_33 = tpu.memref_squeeze %dma_start3A_32 : memref<1x2x128xi32, #tpu.memory_space<vmem>> -> memref<2x128xi32, #tpu.memory_space<vmem>>
    %dma_start3A_34 = arith.constant 0 : i32
    %dma_start3A_35 = arith.constant 0 : i32
    %dma_start3A_36 = tpu.memref_slice %arg3[%add3A_28, %dma_start3A_34, %dma_start3A_35] : memref<2560x2x128xi32, #tpu.memory_space<hbm>> -> memref<1x2x128xi32, #tpu.memory_space<hbm>>
    %dma_start3A_37 = tpu.memref_squeeze %dma_start3A_36 : memref<1x2x128xi32, #tpu.memory_space<hbm>> -> memref<2x128xi32, #tpu.memory_space<hbm>>
    %dma_start3A_38 = arith.constant 0 : i32
    %dma_start3A_39 = arith.constant 0 : i32
    %dma_start3A_40 = tpu.memref_slice %arg7[%dma_start3A_29, %dma_start3A_38, %dma_start3A_39] : memref<6x2x128xi32, #tpu.memory_space<vmem>> -> memref<1x2x128xi32, #tpu.memory_space<vmem>>
    %dma_start3A_41 = tpu.memref_squeeze %dma_start3A_40 : memref<1x2x128xi32, #tpu.memory_space<vmem>> -> memref<2x128xi32, #tpu.memory_space<vmem>>
    %dma_start3A_42 = arith.constant 0 : i32
    %dma_start3A_43 = arith.constant 0 : i32
    %dma_start3A_44 = tpu.memref_slice %arg3[%add3A_28, %dma_start3A_42, %dma_start3A_43] : memref<2560x2x128xi32, #tpu.memory_space<hbm>> -> memref<1x2x128xi32, #tpu.memory_space<hbm>>
    %dma_start3A_45 = tpu.memref_squeeze %dma_start3A_44 : memref<1x2x128xi32, #tpu.memory_space<hbm>> -> memref<2x128xi32, #tpu.memory_space<hbm>>
    tpu.enqueue_dma source(%dma_start3A_45 : memref<2x128xi32, #tpu.memory_space<hbm>>) target(%dma_start3A_41 : memref<2x128xi32, #tpu.memory_space<vmem>>) target_semaphore(%arg16 : memref<!tpu.dma_semaphore, #tpu.memory_space<semaphore_mem>>)
    %add3A_46 = arith.constant 2 : i32
    %add3A_47 = arith.addi %mul3A_2, %add3A_46 : i32
    %dma_start3A_48 = arith.constant 2 : i32
    %dma_start3A_49 = arith.constant 0 : i32
    %dma_start3A_50 = arith.constant 0 : i32
    %dma_start3A_51 = tpu.memref_slice %arg7[%dma_start3A_48, %dma_start3A_49, %dma_start3A_50] : memref<6x2x128xi32, #tpu.memory_space<vmem>> -> memref<1x2x128xi32, #tpu.memory_space<vmem>>
    %dma_start3A_52 = tpu.memref_squeeze %dma_start3A_51 : memref<1x2x128xi32, #tpu.memory_space<vmem>> -> memref<2x128xi32, #tpu.memory_space<vmem>>
    %dma_start3A_53 = arith.constant 0 : i32
    %dma_start3A_54 = arith.constant 0 : i32
    %dma_start3A_55 = tpu.memref_slice %arg3[%add3A_47, %dma_start3A_53, %dma_start3A_54] : memref<2560x2x128xi32, #tpu.memory_space<hbm>> -> memref<1x2x128xi32, #tpu.memory_space<hbm>>
    %dma_start3A_56 = tpu.memref_squeeze %dma_start3A_55 : memref<1x2x128xi32, #tpu.memory_space<hbm>> -> memref<2x128xi32, #tpu.memory_space<hbm>>
    %dma_start3A_57 = arith.constant 0 : i32
    %dma_start3A_58 = arith.constant 0 : i32
    %dma_start3A_59 = tpu.memref_slice %arg7[%dma_start3A_48, %dma_start3A_57, %dma_start3A_58] : memref<6x2x128xi32, #tpu.memory_space<vmem>> -> memref<1x2x128xi32, #tpu.memory_space<vmem>>
    %dma_start3A_60 = tpu.memref_squeeze %dma_start3A_59 : memref<1x2x128xi32, #tpu.memory_space<vmem>> -> memref<2x128xi32, #tpu.memory_space<vmem>>
    %dma_start3A_61 = arith.constant 0 : i32
    %dma_start3A_62 = arith.constant 0 : i32
    %dma_start3A_63 = tpu.memref_slice %arg3[%add3A_47, %dma_start3A_61, %dma_start3A_62] : memref<2560x2x128xi32, #tpu.memory_space<hbm>> -> memref<1x2x128xi32, #tpu.memory_space<hbm>>
    %dma_start3A_64 = tpu.memref_squeeze %dma_start3A_63 : memref<1x2x128xi32, #tpu.memory_space<hbm>> -> memref<2x128xi32, #tpu.memory_space<hbm>>
    tpu.enqueue_dma source(%dma_start3A_64 : memref<2x128xi32, #tpu.memory_space<hbm>>) target(%dma_start3A_60 : memref<2x128xi32, #tpu.memory_space<vmem>>) target_semaphore(%arg17 : memref<!tpu.dma_semaphore, #tpu.memory_space<semaphore_mem>>)
    %add3A_65 = arith.constant 3 : i32
    %add3A_66 = arith.addi %mul3A_2, %add3A_65 : i32
    %dma_start3A_67 = arith.constant 3 : i32
    %dma_start3A_68 = arith.constant 0 : i32
    %dma_start3A_69 = arith.constant 0 : i32
    %dma_start3A_70 = tpu.memref_slice %arg7[%dma_start3A_67, %dma_start3A_68, %dma_start3A_69] : memref<6x2x128xi32, #tpu.memory_space<vmem>> -> memref<1x2x128xi32, #tpu.memory_space<vmem>>
    %dma_start3A_71 = tpu.memref_squeeze %dma_start3A_70 : memref<1x2x128xi32, #tpu.memory_space<vmem>> -> memref<2x128xi32, #tpu.memory_space<vmem>>
    %dma_start3A_72 = arith.constant 0 : i32
    %dma_start3A_73 = arith.constant 0 : i32
    %dma_start3A_74 = tpu.memref_slice %arg3[%add3A_66, %dma_start3A_72, %dma_start3A_73] : memref<2560x2x128xi32, #tpu.memory_space<hbm>> -> memref<1x2x128xi32, #tpu.memory_space<hbm>>
    %dma_start3A_75 = tpu.memref_squeeze %dma_start3A_74 : memref<1x2x128xi32, #tpu.memory_space<hbm>> -> memref<2x128xi32, #tpu.memory_space<hbm>>
    %dma_start3A_76 = arith.constant 0 : i32
    %dma_start3A_77 = arith.constant 0 : i32
    %dma_start3A_78 = tpu.memref_slice %arg7[%dma_start3A_67, %dma_start3A_76, %dma_start3A_77] : memref<6x2x128xi32, #tpu.memory_space<vmem>> -> memref<1x2x128xi32, #tpu.memory_space<vmem>>
    %dma_start3A_79 = tpu.memref_squeeze %dma_start3A_78 : memref<1x2x128xi32, #tpu.memory_space<vmem>> -> memref<2x128xi32, #tpu.memory_space<vmem>>
    %dma_start3A_80 = arith.constant 0 : i32
    %dma_start3A_81 = arith.constant 0 : i32
    %dma_start3A_82 = tpu.memref_slice %arg3[%add3A_66, %dma_start3A_80, %dma_start3A_81] : memref<2560x2x128xi32, #tpu.memory_space<hbm>> -> memref<1x2x128xi32, #tpu.memory_space<hbm>>
    %dma_start3A_83 = tpu.memref_squeeze %dma_start3A_82 : memref<1x2x128xi32, #tpu.memory_space<hbm>> -> memref<2x128xi32, #tpu.memory_space<hbm>>
    tpu.enqueue_dma source(%dma_start3A_83 : memref<2x128xi32, #tpu.memory_space<hbm>>) target(%dma_start3A_79 : memref<2x128xi32, #tpu.memory_space<vmem>>) target_semaphore(%arg18 : memref<!tpu.dma_semaphore, #tpu.memory_space<semaphore_mem>>)
    %barrier3A = arith.constant 0 : index
    tpu.barrier barrier_id(%barrier3A)
    %dma_wait3A = arith.constant 0 : i32
    %dma_wait3A_84 = arith.constant 0 : i32
    %dma_wait3A_85 = arith.constant 0 : i32
    %dma_wait3A_86 = tpu.memref_slice %arg7[%dma_wait3A, %dma_wait3A_84, %dma_wait3A_85] : memref<6x2x128xi32, #tpu.memory_space<vmem>> -> memref<1x2x128xi32, #tpu.memory_space<vmem>>
    %dma_wait3A_87 = tpu.memref_squeeze %dma_wait3A_86 : memref<1x2x128xi32, #tpu.memory_space<vmem>> -> memref<2x128xi32, #tpu.memory_space<vmem>>
    %dma_wait3A_88 = arith.constant 0 : i32
    %dma_wait3A_89 = arith.constant 0 : i32
    %dma_wait3A_90 = tpu.memref_slice %arg3[%mul3A_2, %dma_wait3A_88, %dma_wait3A_89] : memref<2560x2x128xi32, #tpu.memory_space<hbm>> -> memref<1x2x128xi32, #tpu.memory_space<hbm>>
    %dma_wait3A_91 = tpu.memref_squeeze %dma_wait3A_90 : memref<1x2x128xi32, #tpu.memory_space<hbm>> -> memref<2x128xi32, #tpu.memory_space<hbm>>
    %dma_wait3A_92 = arith.constant 0 : i32
    %dma_wait3A_93 = arith.constant 0 : i32
    %dma_wait3A_94 = tpu.memref_slice %arg7[%dma_wait3A, %dma_wait3A_92, %dma_wait3A_93] : memref<6x2x128xi32, #tpu.memory_space<vmem>> -> memref<1x2x128xi32, #tpu.memory_space<vmem>>
    %dma_wait3A_95 = tpu.memref_squeeze %dma_wait3A_94 : memref<1x2x128xi32, #tpu.memory_space<vmem>> -> memref<2x128xi32, #tpu.memory_space<vmem>>
    %dma_wait3A_96 = arith.constant 0 : i32
    %dma_wait3A_97 = arith.constant 0 : i32
    %dma_wait3A_98 = tpu.memref_slice %arg3[%mul3A_2, %dma_wait3A_96, %dma_wait3A_97] : memref<2560x2x128xi32, #tpu.memory_space<hbm>> -> memref<1x2x128xi32, #tpu.memory_space<hbm>>
    %dma_wait3A_99 = tpu.memref_squeeze %dma_wait3A_98 : memref<1x2x128xi32, #tpu.memory_space<hbm>> -> memref<2x128xi32, #tpu.memory_space<hbm>>
    tpu.wait_dma2 semaphore(%arg15 : memref<!tpu.dma_semaphore, #tpu.memory_space<semaphore_mem>>) src(%dma_wait3A_99 : memref<2x128xi32, #tpu.memory_space<hbm>>) dst(%dma_wait3A_95 : memref<2x128xi32, #tpu.memory_space<vmem>>)
    %dma_start3A_100 = arith.constant 0 : i32
    %dma_start3A_101 = arith.constant 0 : i32
    %dma_start3A_102 = arith.constant 0 : i32
    %dma_start3A_103 = arith.constant 0 : i32
    %dma_start3A_104 = arith.constant 0 : i32
    %dma_start3A_105 = tpu.memref_slice %arg8[%dma_start3A_102, %dma_start3A_103, %dma_start3A_104] : memref<3x128x128xf32, #tpu.memory_space<vmem>> -> memref<1x128x128xf32, #tpu.memory_space<vmem>>
    %dma_start3A_106 = tpu.memref_squeeze %dma_start3A_105 : memref<1x128x128xf32, #tpu.memory_space<vmem>> -> memref<128x128xf32, #tpu.memory_space<vmem>>
    %dma_start3A_107 = arith.constant 0 : i32
    %dma_start3A_108 = tpu.memref_slice %arg7[%dma_start3A_100, %dma_start3A_101, %dma_start3A_107] : memref<6x2x128xi32, #tpu.memory_space<vmem>> -> memref<1x1x128xi32, #tpu.memory_space<vmem>>
    %dma_start3A_109 = tpu.memref_squeeze %dma_start3A_108 : memref<1x1x128xi32, #tpu.memory_space<vmem>> -> memref<128xi32, #tpu.memory_space<vmem>>
    %dma_start3A_110 = arith.constant 0 : i32
    %dma_start3A_111 = arith.constant 0 : i32
    %dma_start3A_112 = tpu.memref_slice %arg2[%dma_start3A_110, %dma_start3A_111] : memref<10240x128xf32, #tpu.memory_space<hbm>> -> memref<10240x128xf32, #tpu.memory_space<hbm>>
    tpu.enqueue_indirect_dma source(%dma_start3A_112 : memref<10240x128xf32, #tpu.memory_space<hbm>>) target(%dma_start3A_106 : memref<128x128xf32, #tpu.memory_space<vmem>>) offsets(%dma_start3A_109 : memref<128xi32, #tpu.memory_space<vmem>>) semaphore(%arg9 : memref<!tpu.dma_semaphore, #tpu.memory_space<semaphore_mem>>)
    %scan3A = arith.constant 0 : i32
    %scan3A_113 = arith.constant 13 : i32
    %scan3A_114 = arith.addi %scan3A, %scan3A_113 : i32
    %scan3A_115 = arith.constant 1 : i32
    scf.for %scan3A_262 = %scan3A to %scan3A_114 step %scan3A_115  : i32 {
      %mul3A_263 = arith.constant 6 : i32
      %mul3A_264 = arith.muli %scan3A_262, %mul3A_263 : i32
      %add3A_265 = arith.constant 0 : i32
      %add3A_266 = arith.addi %add3A_265, %mul3A_264 : i32
      %add3A_267 = arith.constant 0 : i32
      %add3A_268 = arith.addi %add3A_266, %add3A_267 : i32
      %add3A_269 = arith.constant 1 : i32
      %add3A_270 = arith.addi %add3A_268, %add3A_269 : i32
      %lt3A_271 = arith.constant 80 : i32
      %lt3A_272 = arith.cmpi slt, %add3A_270, %lt3A_271 : i32
      %convert_element_type3A_273 = arith.extui %lt3A_272 : i1 to i32
      %cond3A_274 = arith.constant 0 : i32
      %cond3A_275 = arith.cmpi ne, %convert_element_type3A_273, %cond3A_274 : i32
      scf.if %cond3A_275 {
        %ge3A = arith.constant 2 : i32
        %ge3A_519 = arith.cmpi sge, %add3A_268, %ge3A : i32
        %convert_element_type3A_520 = arith.extui %ge3A_519 : i1 to i32
        %cond3A_521 = arith.constant 0 : i32
        %cond3A_522 = arith.cmpi ne, %convert_element_type3A_520, %cond3A_521 : i32
        scf.if %cond3A_522 {
          %dma_wait3A_553 = arith.constant 1 : i32
          %dma_wait3A_554 = arith.constant 0 : i32
          %dma_wait3A_555 = arith.constant 1 : i32
          %dma_wait3A_556 = arith.constant 0 : i32
          %dma_wait3A_557 = arith.constant 0 : i32
          %dma_wait3A_558 = tpu.memref_slice %arg8[%dma_wait3A_553, %dma_wait3A_556, %dma_wait3A_557] : memref<3x128x128xf32, #tpu.memory_space<vmem>> -> memref<1x128x128xf32, #tpu.memory_space<vmem>>
          %dma_wait3A_559 = tpu.memref_squeeze %dma_wait3A_558 : memref<1x128x128xf32, #tpu.memory_space<vmem>> -> memref<128x128xf32, #tpu.memory_space<vmem>>
          %dma_wait3A_560 = arith.constant 0 : i32
          %dma_wait3A_561 = tpu.memref_slice %arg7[%dma_wait3A_554, %dma_wait3A_555, %dma_wait3A_560] : memref<6x2x128xi32, #tpu.memory_space<vmem>> -> memref<1x1x128xi32, #tpu.memory_space<vmem>>
          %dma_wait3A_562 = tpu.memref_squeeze %dma_wait3A_561 : memref<1x1x128xi32, #tpu.memory_space<vmem>> -> memref<128xi32, #tpu.memory_space<vmem>>
          %dma_wait3A_563 = arith.constant 0 : i32
          %dma_wait3A_564 = arith.constant 0 : i32
          %dma_wait3A_565 = tpu.memref_slice %arg6[%dma_wait3A_563, %dma_wait3A_564] : memref<10016x128xf32, #tpu.memory_space<vmem_shared>> -> memref<10016x128xf32, #tpu.memory_space<vmem_shared>>
          tpu.wait_indirect_dma semaphore(%arg13 : memref<!tpu.dma_semaphore, #tpu.memory_space<semaphore_mem>>) src(%dma_wait3A_559 : memref<128x128xf32, #tpu.memory_space<vmem>>) dst(%dma_wait3A_565 : memref<10016x128xf32, #tpu.memory_space<vmem_shared>>)
        } else {
        }
        %dma_wait3A_523 = arith.constant 1 : i32
        %dma_wait3A_524 = arith.constant 0 : i32
        %dma_wait3A_525 = arith.constant 0 : i32
        %dma_wait3A_526 = tpu.memref_slice %arg7[%dma_wait3A_523, %dma_wait3A_524, %dma_wait3A_525] : memref<6x2x128xi32, #tpu.memory_space<vmem>> -> memref<1x2x128xi32, #tpu.memory_space<vmem>>
        %dma_wait3A_527 = tpu.memref_squeeze %dma_wait3A_526 : memref<1x2x128xi32, #tpu.memory_space<vmem>> -> memref<2x128xi32, #tpu.memory_space<vmem>>
        %dma_wait3A_528 = arith.constant 0 : i32
        %dma_wait3A_529 = arith.constant 0 : i32
        %dma_wait3A_530 = tpu.memref_slice %arg3[%mul3A_2, %dma_wait3A_528, %dma_wait3A_529] : memref<2560x2x128xi32, #tpu.memory_space<hbm>> -> memref<1x2x128xi32, #tpu.memory_space<hbm>>
        %dma_wait3A_531 = tpu.memref_squeeze %dma_wait3A_530 : memref<1x2x128xi32, #tpu.memory_space<hbm>> -> memref<2x128xi32, #tpu.memory_space<hbm>>
        %dma_wait3A_532 = arith.constant 0 : i32
        %dma_wait3A_533 = arith.constant 0 : i32
        %dma_wait3A_534 = tpu.memref_slice %arg7[%dma_wait3A_523, %dma_wait3A_532, %dma_wait3A_533] : memref<6x2x128xi32, #tpu.memory_space<vmem>> -> memref<1x2x128xi32, #tpu.memory_space<vmem>>
        %dma_wait3A_535 = tpu.memref_squeeze %dma_wait3A_534 : memref<1x2x128xi32, #tpu.memory_space<vmem>> -> memref<2x128xi32, #tpu.memory_space<vmem>>
        %dma_wait3A_536 = arith.constant 0 : i32
        %dma_wait3A_537 = arith.constant 0 : i32
        %dma_wait3A_538 = tpu.memref_slice %arg3[%mul3A_2, %dma_wait3A_536, %dma_wait3A_537] : memref<2560x2x128xi32, #tpu.memory_space<hbm>> -> memref<1x2x128xi32, #tpu.memory_space<hbm>>
        %dma_wait3A_539 = tpu.memref_squeeze %dma_wait3A_538 : memref<1x2x128xi32, #tpu.memory_space<hbm>> -> memref<2x128xi32, #tpu.memory_space<hbm>>
        tpu.wait_dma2 semaphore(%arg16 : memref<!tpu.dma_semaphore, #tpu.memory_space<semaphore_mem>>) src(%dma_wait3A_539 : memref<2x128xi32, #tpu.memory_space<hbm>>) dst(%dma_wait3A_535 : memref<2x128xi32, #tpu.memory_space<vmem>>)
        %dma_start3A_540 = arith.constant 1 : i32
        %dma_start3A_541 = arith.constant 0 : i32
        %dma_start3A_542 = arith.constant 1 : i32
        %dma_start3A_543 = arith.constant 0 : i32
        %dma_start3A_544 = arith.constant 0 : i32
        %dma_start3A_545 = tpu.memref_slice %arg8[%dma_start3A_542, %dma_start3A_543, %dma_start3A_544] : memref<3x128x128xf32, #tpu.memory_space<vmem>> -> memref<1x128x128xf32, #tpu.memory_space<vmem>>
        %dma_start3A_546 = tpu.memref_squeeze %dma_start3A_545 : memref<1x128x128xf32, #tpu.memory_space<vmem>> -> memref<128x128xf32, #tpu.memory_space<vmem>>
        %dma_start3A_547 = arith.constant 0 : i32
        %dma_start3A_548 = tpu.memref_slice %arg7[%dma_start3A_540, %dma_start3A_541, %dma_start3A_547] : memref<6x2x128xi32, #tpu.memory_space<vmem>> -> memref<1x1x128xi32, #tpu.memory_space<vmem>>
        %dma_start3A_549 = tpu.memref_squeeze %dma_start3A_548 : memref<1x1x128xi32, #tpu.memory_space<vmem>> -> memref<128xi32, #tpu.memory_space<vmem>>
        %dma_start3A_550 = arith.constant 0 : i32
        %dma_start3A_551 = arith.constant 0 : i32
        %dma_start3A_552 = tpu.memref_slice %arg2[%dma_start3A_550, %dma_start3A_551] : memref<10240x128xf32, #tpu.memory_space<hbm>> -> memref<10240x128xf32, #tpu.memory_space<hbm>>
        tpu.enqueue_indirect_dma source(%dma_start3A_552 : memref<10240x128xf32, #tpu.memory_space<hbm>>) target(%dma_start3A_546 : memref<128x128xf32, #tpu.memory_space<vmem>>) offsets(%dma_start3A_549 : memref<128xi32, #tpu.memory_space<vmem>>) semaphore(%arg10 : memref<!tpu.dma_semaphore, #tpu.memory_space<semaphore_mem>>)
      } else {
      }
      %add3A_276 = arith.constant 4 : i32
      %add3A_277 = arith.addi %add3A_268, %add3A_276 : i32
      %lt3A_278 = arith.constant 80 : i32
      %lt3A_279 = arith.cmpi slt, %add3A_277, %lt3A_278 : i32
      %convert_element_type3A_280 = arith.extui %lt3A_279 : i1 to i32
      %cond3A_281 = arith.constant 0 : i32
      %cond3A_282 = arith.cmpi ne, %convert_element_type3A_280, %cond3A_281 : i32
      scf.if %cond3A_282 {
        %add3A_519 = arith.constant 4 : i32
        %add3A_520 = arith.addi %add3A_268, %add3A_519 : i32
        %add3A_521 = arith.addi %mul3A_2, %add3A_520 : i32
        %dma_start3A_522 = arith.constant 4 : i32
        %dma_start3A_523 = arith.constant 0 : i32
        %dma_start3A_524 = arith.constant 0 : i32
        %dma_start3A_525 = tpu.memref_slice %arg7[%dma_start3A_522, %dma_start3A_523, %dma_start3A_524] : memref<6x2x128xi32, #tpu.memory_space<vmem>> -> memref<1x2x128xi32, #tpu.memory_space<vmem>>
        %dma_start3A_526 = tpu.memref_squeeze %dma_start3A_525 : memref<1x2x128xi32, #tpu.memory_space<vmem>> -> memref<2x128xi32, #tpu.memory_space<vmem>>
        %dma_start3A_527 = arith.constant 0 : i32
        %dma_start3A_528 = arith.constant 0 : i32
        %dma_start3A_529 = tpu.memref_slice %arg3[%add3A_521, %dma_start3A_527, %dma_start3A_528] : memref<2560x2x128xi32, #tpu.memory_space<hbm>> -> memref<1x2x128xi32, #tpu.memory_space<hbm>>
        %dma_start3A_530 = tpu.memref_squeeze %dma_start3A_529 : memref<1x2x128xi32, #tpu.memory_space<hbm>> -> memref<2x128xi32, #tpu.memory_space<hbm>>
        %dma_start3A_531 = arith.constant 0 : i32
        %dma_start3A_532 = arith.constant 0 : i32
        %dma_start3A_533 = tpu.memref_slice %arg7[%dma_start3A_522, %dma_start3A_531, %dma_start3A_532] : memref<6x2x128xi32, #tpu.memory_space<vmem>> -> memref<1x2x128xi32, #tpu.memory_space<vmem>>
        %dma_start3A_534 = tpu.memref_squeeze %dma_start3A_533 : memref<1x2x128xi32, #tpu.memory_space<vmem>> -> memref<2x128xi32, #tpu.memory_space<vmem>>
        %dma_start3A_535 = arith.constant 0 : i32
        %dma_start3A_536 = arith.constant 0 : i32
        %dma_start3A_537 = tpu.memref_slice %arg3[%add3A_521, %dma_start3A_535, %dma_start3A_536] : memref<2560x2x128xi32, #tpu.memory_space<hbm>> -> memref<1x2x128xi32, #tpu.memory_space<hbm>>
        %dma_start3A_538 = tpu.memref_squeeze %dma_start3A_537 : memref<1x2x128xi32, #tpu.memory_space<hbm>> -> memref<2x128xi32, #tpu.memory_space<hbm>>
        tpu.enqueue_dma source(%dma_start3A_538 : memref<2x128xi32, #tpu.memory_space<hbm>>) target(%dma_start3A_534 : memref<2x128xi32, #tpu.memory_space<vmem>>) target_semaphore(%arg19 : memref<!tpu.dma_semaphore, #tpu.memory_space<semaphore_mem>>)
      } else {
      }
      %dma_wait3A_283 = arith.constant 0 : i32
      %dma_wait3A_284 = arith.constant 0 : i32
      %dma_wait3A_285 = arith.constant 0 : i32
      %dma_wait3A_286 = arith.constant 0 : i32
      %dma_wait3A_287 = arith.constant 0 : i32
      %dma_wait3A_288 = tpu.memref_slice %arg8[%dma_wait3A_285, %dma_wait3A_286, %dma_wait3A_287] : memref<3x128x128xf32, #tpu.memory_space<vmem>> -> memref<1x128x128xf32, #tpu.memory_space<vmem>>
      %dma_wait3A_289 = tpu.memref_squeeze %dma_wait3A_288 : memref<1x128x128xf32, #tpu.memory_space<vmem>> -> memref<128x128xf32, #tpu.memory_space<vmem>>
      %dma_wait3A_290 = arith.constant 0 : i32
      %dma_wait3A_291 = tpu.memref_slice %arg7[%dma_wait3A_283, %dma_wait3A_284, %dma_wait3A_290] : memref<6x2x128xi32, #tpu.memory_space<vmem>> -> memref<1x1x128xi32, #tpu.memory_space<vmem>>
      %dma_wait3A_292 = tpu.memref_squeeze %dma_wait3A_291 : memref<1x1x128xi32, #tpu.memory_space<vmem>> -> memref<128xi32, #tpu.memory_space<vmem>>
      %dma_wait3A_293 = arith.constant 0 : i32
      %dma_wait3A_294 = arith.constant 0 : i32
      %dma_wait3A_295 = tpu.memref_slice %arg2[%dma_wait3A_293, %dma_wait3A_294] : memref<10240x128xf32, #tpu.memory_space<hbm>> -> memref<10240x128xf32, #tpu.memory_space<hbm>>
      tpu.wait_indirect_dma semaphore(%arg9 : memref<!tpu.dma_semaphore, #tpu.memory_space<semaphore_mem>>) src(%dma_wait3A_295 : memref<10240x128xf32, #tpu.memory_space<hbm>>) dst(%dma_wait3A_289 : memref<128x128xf32, #tpu.memory_space<vmem>>)
      %dma_start3A_296 = arith.constant 0 : i32
      %dma_start3A_297 = arith.constant 0 : i32
      %dma_start3A_298 = arith.constant 1 : i32
      %dma_start3A_299 = arith.constant 0 : i32
      %dma_start3A_300 = arith.constant 0 : i32
      %dma_start3A_301 = tpu.memref_slice %arg8[%dma_start3A_296, %dma_start3A_299, %dma_start3A_300] : memref<3x128x128xf32, #tpu.memory_space<vmem>> -> memref<1x128x128xf32, #tpu.memory_space<vmem>>
      %dma_start3A_302 = tpu.memref_squeeze %dma_start3A_301 : memref<1x128x128xf32, #tpu.memory_space<vmem>> -> memref<128x128xf32, #tpu.memory_space<vmem>>
      %dma_start3A_303 = arith.constant 0 : i32
      %dma_start3A_304 = tpu.memref_slice %arg7[%dma_start3A_297, %dma_start3A_298, %dma_start3A_303] : memref<6x2x128xi32, #tpu.memory_space<vmem>> -> memref<1x1x128xi32, #tpu.memory_space<vmem>>
      %dma_start3A_305 = tpu.memref_squeeze %dma_start3A_304 : memref<1x1x128xi32, #tpu.memory_space<vmem>> -> memref<128xi32, #tpu.memory_space<vmem>>
      %dma_start3A_306 = arith.constant 0 : i32
      %dma_start3A_307 = arith.constant 0 : i32
      %dma_start3A_308 = tpu.memref_slice %arg6[%dma_start3A_306, %dma_start3A_307] : memref<10016x128xf32, #tpu.memory_space<vmem_shared>> -> memref<10016x128xf32, #tpu.memory_space<vmem_shared>>
      tpu.enqueue_indirect_dma source(%dma_start3A_302 : memref<128x128xf32, #tpu.memory_space<vmem>>) target(%dma_start3A_308 : memref<10016x128xf32, #tpu.memory_space<vmem_shared>>) offsets(%dma_start3A_305 : memref<128xi32, #tpu.memory_space<vmem>>) semaphore(%arg12 : memref<!tpu.dma_semaphore, #tpu.memory_space<semaphore_mem>>) {add = true}
      %add3A_309 = arith.constant 1 : i32
      %add3A_310 = arith.addi %add3A_266, %add3A_309 : i32
      %add3A_311 = arith.constant 1 : i32
      %add3A_312 = arith.addi %add3A_310, %add3A_311 : i32
      %lt3A_313 = arith.constant 80 : i32
      %lt3A_314 = arith.cmpi slt, %add3A_312, %lt3A_313 : i32
      %convert_element_type3A_315 = arith.extui %lt3A_314 : i1 to i32
      %cond3A_316 = arith.constant 0 : i32
      %cond3A_317 = arith.cmpi ne, %convert_element_type3A_315, %cond3A_316 : i32
      scf.if %cond3A_317 {
        %ge3A = arith.constant 2 : i32
        %ge3A_519 = arith.cmpi sge, %add3A_310, %ge3A : i32
        %convert_element_type3A_520 = arith.extui %ge3A_519 : i1 to i32
        %cond3A_521 = arith.constant 0 : i32
        %cond3A_522 = arith.cmpi ne, %convert_element_type3A_520, %cond3A_521 : i32
        scf.if %cond3A_522 {
          %dma_wait3A_553 = arith.constant 2 : i32
          %dma_wait3A_554 = arith.constant 0 : i32
          %dma_wait3A_555 = arith.constant 1 : i32
          %dma_wait3A_556 = arith.constant 0 : i32
          %dma_wait3A_557 = arith.constant 0 : i32
          %dma_wait3A_558 = tpu.memref_slice %arg8[%dma_wait3A_553, %dma_wait3A_556, %dma_wait3A_557] : memref<3x128x128xf32, #tpu.memory_space<vmem>> -> memref<1x128x128xf32, #tpu.memory_space<vmem>>
          %dma_wait3A_559 = tpu.memref_squeeze %dma_wait3A_558 : memref<1x128x128xf32, #tpu.memory_space<vmem>> -> memref<128x128xf32, #tpu.memory_space<vmem>>
          %dma_wait3A_560 = arith.constant 0 : i32
          %dma_wait3A_561 = tpu.memref_slice %arg7[%dma_wait3A_554, %dma_wait3A_555, %dma_wait3A_560] : memref<6x2x128xi32, #tpu.memory_space<vmem>> -> memref<1x1x128xi32, #tpu.memory_space<vmem>>
          %dma_wait3A_562 = tpu.memref_squeeze %dma_wait3A_561 : memref<1x1x128xi32, #tpu.memory_space<vmem>> -> memref<128xi32, #tpu.memory_space<vmem>>
          %dma_wait3A_563 = arith.constant 0 : i32
          %dma_wait3A_564 = arith.constant 0 : i32
          %dma_wait3A_565 = tpu.memref_slice %arg6[%dma_wait3A_563, %dma_wait3A_564] : memref<10016x128xf32, #tpu.memory_space<vmem_shared>> -> memref<10016x128xf32, #tpu.memory_space<vmem_shared>>
          tpu.wait_indirect_dma semaphore(%arg14 : memref<!tpu.dma_semaphore, #tpu.memory_space<semaphore_mem>>) src(%dma_wait3A_559 : memref<128x128xf32, #tpu.memory_space<vmem>>) dst(%dma_wait3A_565 : memref<10016x128xf32, #tpu.memory_space<vmem_shared>>)
        } else {
        }
        %dma_wait3A_523 = arith.constant 2 : i32
        %dma_wait3A_524 = arith.constant 0 : i32
        %dma_wait3A_525 = arith.constant 0 : i32
        %dma_wait3A_526 = tpu.memref_slice %arg7[%dma_wait3A_523, %dma_wait3A_524, %dma_wait3A_525] : memref<6x2x128xi32, #tpu.memory_space<vmem>> -> memref<1x2x128xi32, #tpu.memory_space<vmem>>
        %dma_wait3A_527 = tpu.memref_squeeze %dma_wait3A_526 : memref<1x2x128xi32, #tpu.memory_space<vmem>> -> memref<2x128xi32, #tpu.memory_space<vmem>>
        %dma_wait3A_528 = arith.constant 0 : i32
        %dma_wait3A_529 = arith.constant 0 : i32
        %dma_wait3A_530 = tpu.memref_slice %arg3[%mul3A_2, %dma_wait3A_528, %dma_wait3A_529] : memref<2560x2x128xi32, #tpu.memory_space<hbm>> -> memref<1x2x128xi32, #tpu.memory_space<hbm>>
        %dma_wait3A_531 = tpu.memref_squeeze %dma_wait3A_530 : memref<1x2x128xi32, #tpu.memory_space<hbm>> -> memref<2x128xi32, #tpu.memory_space<hbm>>
        %dma_wait3A_532 = arith.constant 0 : i32
        %dma_wait3A_533 = arith.constant 0 : i32
        %dma_wait3A_534 = tpu.memref_slice %arg7[%dma_wait3A_523, %dma_wait3A_532, %dma_wait3A_533] : memref<6x2x128xi32, #tpu.memory_space<vmem>> -> memref<1x2x128xi32, #tpu.memory_space<vmem>>
        %dma_wait3A_535 = tpu.memref_squeeze %dma_wait3A_534 : memref<1x2x128xi32, #tpu.memory_space<vmem>> -> memref<2x128xi32, #tpu.memory_space<vmem>>
        %dma_wait3A_536 = arith.constant 0 : i32
        %dma_wait3A_537 = arith.constant 0 : i32
        %dma_wait3A_538 = tpu.memref_slice %arg3[%mul3A_2, %dma_wait3A_536, %dma_wait3A_537] : memref<2560x2x128xi32, #tpu.memory_space<hbm>> -> memref<1x2x128xi32, #tpu.memory_space<hbm>>
        %dma_wait3A_539 = tpu.memref_squeeze %dma_wait3A_538 : memref<1x2x128xi32, #tpu.memory_space<hbm>> -> memref<2x128xi32, #tpu.memory_space<hbm>>
        tpu.wait_dma2 semaphore(%arg17 : memref<!tpu.dma_semaphore, #tpu.memory_space<semaphore_mem>>) src(%dma_wait3A_539 : memref<2x128xi32, #tpu.memory_space<hbm>>) dst(%dma_wait3A_535 : memref<2x128xi32, #tpu.memory_space<vmem>>)
        %dma_start3A_540 = arith.constant 2 : i32
        %dma_start3A_541 = arith.constant 0 : i32
        %dma_start3A_542 = arith.constant 2 : i32
        %dma_start3A_543 = arith.constant 0 : i32
        %dma_start3A_544 = arith.constant 0 : i32
        %dma_start3A_545 = tpu.memref_slice %arg8[%dma_start3A_542, %dma_start3A_543, %dma_start3A_544] : memref<3x128x128xf32, #tpu.memory_space<vmem>> -> memref<1x128x128xf32, #tpu.memory_space<vmem>>
        %dma_start3A_546 = tpu.memref_squeeze %dma_start3A_545 : memref<1x128x128xf32, #tpu.memory_space<vmem>> -> memref<128x128xf32, #tpu.memory_space<vmem>>
        %dma_start3A_547 = arith.constant 0 : i32
        %dma_start3A_548 = tpu.memref_slice %arg7[%dma_start3A_540, %dma_start3A_541, %dma_start3A_547] : memref<6x2x128xi32, #tpu.memory_space<vmem>> -> memref<1x1x128xi32, #tpu.memory_space<vmem>>
        %dma_start3A_549 = tpu.memref_squeeze %dma_start3A_548 : memref<1x1x128xi32, #tpu.memory_space<vmem>> -> memref<128xi32, #tpu.memory_space<vmem>>
        %dma_start3A_550 = arith.constant 0 : i32
        %dma_start3A_551 = arith.constant 0 : i32
        %dma_start3A_552 = tpu.memref_slice %arg2[%dma_start3A_550, %dma_start3A_551] : memref<10240x128xf32, #tpu.memory_space<hbm>> -> memref<10240x128xf32, #tpu.memory_space<hbm>>
        tpu.enqueue_indirect_dma source(%dma_start3A_552 : memref<10240x128xf32, #tpu.memory_space<hbm>>) target(%dma_start3A_546 : memref<128x128xf32, #tpu.memory_space<vmem>>) offsets(%dma_start3A_549 : memref<128xi32, #tpu.memory_space<vmem>>) semaphore(%arg11 : memref<!tpu.dma_semaphore, #tpu.memory_space<semaphore_mem>>)
      } else {
      }
      %add3A_318 = arith.constant 4 : i32
      %add3A_319 = arith.addi %add3A_310, %add3A_318 : i32
      %lt3A_320 = arith.constant 80 : i32
      %lt3A_321 = arith.cmpi slt, %add3A_319, %lt3A_320 : i32
      %convert_element_type3A_322 = arith.extui %lt3A_321 : i1 to i32
      %cond3A_323 = arith.constant 0 : i32
      %cond3A_324 = arith.cmpi ne, %convert_element_type3A_322, %cond3A_323 : i32
      scf.if %cond3A_324 {
        %add3A_519 = arith.constant 4 : i32
        %add3A_520 = arith.addi %add3A_310, %add3A_519 : i32
        %add3A_521 = arith.addi %mul3A_2, %add3A_520 : i32
        %dma_start3A_522 = arith.constant 5 : i32
        %dma_start3A_523 = arith.constant 0 : i32
        %dma_start3A_524 = arith.constant 0 : i32
        %dma_start3A_525 = tpu.memref_slice %arg7[%dma_start3A_522, %dma_start3A_523, %dma_start3A_524] : memref<6x2x128xi32, #tpu.memory_space<vmem>> -> memref<1x2x128xi32, #tpu.memory_space<vmem>>
        %dma_start3A_526 = tpu.memref_squeeze %dma_start3A_525 : memref<1x2x128xi32, #tpu.memory_space<vmem>> -> memref<2x128xi32, #tpu.memory_space<vmem>>
        %dma_start3A_527 = arith.constant 0 : i32
        %dma_start3A_528 = arith.constant 0 : i32
        %dma_start3A_529 = tpu.memref_slice %arg3[%add3A_521, %dma_start3A_527, %dma_start3A_528] : memref<2560x2x128xi32, #tpu.memory_space<hbm>> -> memref<1x2x128xi32, #tpu.memory_space<hbm>>
        %dma_start3A_530 = tpu.memref_squeeze %dma_start3A_529 : memref<1x2x128xi32, #tpu.memory_space<hbm>> -> memref<2x128xi32, #tpu.memory_space<hbm>>
        %dma_start3A_531 = arith.constant 0 : i32
        %dma_start3A_532 = arith.constant 0 : i32
        %dma_start3A_533 = tpu.memref_slice %arg7[%dma_start3A_522, %dma_start3A_531, %dma_start3A_532] : memref<6x2x128xi32, #tpu.memory_space<vmem>> -> memref<1x2x128xi32, #tpu.memory_space<vmem>>
        %dma_start3A_534 = tpu.memref_squeeze %dma_start3A_533 : memref<1x2x128xi32, #tpu.memory_space<vmem>> -> memref<2x128xi32, #tpu.memory_space<vmem>>
        %dma_start3A_535 = arith.constant 0 : i32
        %dma_start3A_536 = arith.constant 0 : i32
        %dma_start3A_537 = tpu.memref_slice %arg3[%add3A_521, %dma_start3A_535, %dma_start3A_536] : memref<2560x2x128xi32, #tpu.memory_space<hbm>> -> memref<1x2x128xi32, #tpu.memory_space<hbm>>
        %dma_start3A_538 = tpu.memref_squeeze %dma_start3A_537 : memref<1x2x128xi32, #tpu.memory_space<hbm>> -> memref<2x128xi32, #tpu.memory_space<hbm>>
        tpu.enqueue_dma source(%dma_start3A_538 : memref<2x128xi32, #tpu.memory_space<hbm>>) target(%dma_start3A_534 : memref<2x128xi32, #tpu.memory_space<vmem>>) target_semaphore(%arg20 : memref<!tpu.dma_semaphore, #tpu.memory_space<semaphore_mem>>)
      } else {
      }
      %dma_wait3A_325 = arith.constant 0 : i32
      %dma_wait3A_326 = arith.constant 0 : i32
      %dma_wait3A_327 = arith.constant 1 : i32
      %dma_wait3A_328 = arith.constant 0 : i32
      %dma_wait3A_329 = arith.constant 0 : i32
      %dma_wait3A_330 = tpu.memref_slice %arg8[%dma_wait3A_327, %dma_wait3A_328, %dma_wait3A_329] : memref<3x128x128xf32, #tpu.memory_space<vmem>> -> memref<1x128x128xf32, #tpu.memory_space<vmem>>
      %dma_wait3A_331 = tpu.memref_squeeze %dma_wait3A_330 : memref<1x128x128xf32, #tpu.memory_space<vmem>> -> memref<128x128xf32, #tpu.memory_space<vmem>>
      %dma_wait3A_332 = arith.constant 0 : i32
      %dma_wait3A_333 = tpu.memref_slice %arg7[%dma_wait3A_325, %dma_wait3A_326, %dma_wait3A_332] : memref<6x2x128xi32, #tpu.memory_space<vmem>> -> memref<1x1x128xi32, #tpu.memory_space<vmem>>
      %dma_wait3A_334 = tpu.memref_squeeze %dma_wait3A_333 : memref<1x1x128xi32, #tpu.memory_space<vmem>> -> memref<128xi32, #tpu.memory_space<vmem>>
      %dma_wait3A_335 = arith.constant 0 : i32
      %dma_wait3A_336 = arith.constant 0 : i32
      %dma_wait3A_337 = tpu.memref_slice %arg2[%dma_wait3A_335, %dma_wait3A_336] : memref<10240x128xf32, #tpu.memory_space<hbm>> -> memref<10240x128xf32, #tpu.memory_space<hbm>>
      tpu.wait_indirect_dma semaphore(%arg10 : memref<!tpu.dma_semaphore, #tpu.memory_space<semaphore_mem>>) src(%dma_wait3A_337 : memref<10240x128xf32, #tpu.memory_space<hbm>>) dst(%dma_wait3A_331 : memref<128x128xf32, #tpu.memory_space<vmem>>)
      %dma_start3A_338 = arith.constant 1 : i32
      %dma_start3A_339 = arith.constant 1 : i32
      %dma_start3A_340 = arith.constant 1 : i32
      %dma_start3A_341 = arith.constant 0 : i32
      %dma_start3A_342 = arith.constant 0 : i32
      %dma_start3A_343 = tpu.memref_slice %arg8[%dma_start3A_338, %dma_start3A_341, %dma_start3A_342] : memref<3x128x128xf32, #tpu.memory_space<vmem>> -> memref<1x128x128xf32, #tpu.memory_space<vmem>>
      %dma_start3A_344 = tpu.memref_squeeze %dma_start3A_343 : memref<1x128x128xf32, #tpu.memory_space<vmem>> -> memref<128x128xf32, #tpu.memory_space<vmem>>
      %dma_start3A_345 = arith.constant 0 : i32
      %dma_start3A_346 = tpu.memref_slice %arg7[%dma_start3A_339, %dma_start3A_340, %dma_start3A_345] : memref<6x2x128xi32, #tpu.memory_space<vmem>> -> memref<1x1x128xi32, #tpu.memory_space<vmem>>
      %dma_start3A_347 = tpu.memref_squeeze %dma_start3A_346 : memref<1x1x128xi32, #tpu.memory_space<vmem>> -> memref<128xi32, #tpu.memory_space<vmem>>
      %dma_start3A_348 = arith.constant 0 : i32
      %dma_start3A_349 = arith.constant 0 : i32
      %dma_start3A_350 = tpu.memref_slice %arg6[%dma_start3A_348, %dma_start3A_349] : memref<10016x128xf32, #tpu.memory_space<vmem_shared>> -> memref<10016x128xf32, #tpu.memory_space<vmem_shared>>
      tpu.enqueue_indirect_dma source(%dma_start3A_344 : memref<128x128xf32, #tpu.memory_space<vmem>>) target(%dma_start3A_350 : memref<10016x128xf32, #tpu.memory_space<vmem_shared>>) offsets(%dma_start3A_347 : memref<128xi32, #tpu.memory_space<vmem>>) semaphore(%arg13 : memref<!tpu.dma_semaphore, #tpu.memory_space<semaphore_mem>>) {add = true}
      %add3A_351 = arith.constant 2 : i32
      %add3A_352 = arith.addi %add3A_266, %add3A_351 : i32
      %add3A_353 = arith.constant 1 : i32
      %add3A_354 = arith.addi %add3A_352, %add3A_353 : i32
      %lt3A_355 = arith.constant 80 : i32
      %lt3A_356 = arith.cmpi slt, %add3A_354, %lt3A_355 : i32
      %convert_element_type3A_357 = arith.extui %lt3A_356 : i1 to i32
      %cond3A_358 = arith.constant 0 : i32
      %cond3A_359 = arith.cmpi ne, %convert_element_type3A_357, %cond3A_358 : i32
      scf.if %cond3A_359 {
        %ge3A = arith.constant 2 : i32
        %ge3A_519 = arith.cmpi sge, %add3A_352, %ge3A : i32
        %convert_element_type3A_520 = arith.extui %ge3A_519 : i1 to i32
        %cond3A_521 = arith.constant 0 : i32
        %cond3A_522 = arith.cmpi ne, %convert_element_type3A_520, %cond3A_521 : i32
        scf.if %cond3A_522 {
          %dma_wait3A_553 = arith.constant 0 : i32
          %dma_wait3A_554 = arith.constant 0 : i32
          %dma_wait3A_555 = arith.constant 1 : i32
          %dma_wait3A_556 = arith.constant 0 : i32
          %dma_wait3A_557 = arith.constant 0 : i32
          %dma_wait3A_558 = tpu.memref_slice %arg8[%dma_wait3A_553, %dma_wait3A_556, %dma_wait3A_557] : memref<3x128x128xf32, #tpu.memory_space<vmem>> -> memref<1x128x128xf32, #tpu.memory_space<vmem>>
          %dma_wait3A_559 = tpu.memref_squeeze %dma_wait3A_558 : memref<1x128x128xf32, #tpu.memory_space<vmem>> -> memref<128x128xf32, #tpu.memory_space<vmem>>
          %dma_wait3A_560 = arith.constant 0 : i32
          %dma_wait3A_561 = tpu.memref_slice %arg7[%dma_wait3A_554, %dma_wait3A_555, %dma_wait3A_560] : memref<6x2x128xi32, #tpu.memory_space<vmem>> -> memref<1x1x128xi32, #tpu.memory_space<vmem>>
          %dma_wait3A_562 = tpu.memref_squeeze %dma_wait3A_561 : memref<1x1x128xi32, #tpu.memory_space<vmem>> -> memref<128xi32, #tpu.memory_space<vmem>>
          %dma_wait3A_563 = arith.constant 0 : i32
          %dma_wait3A_564 = arith.constant 0 : i32
          %dma_wait3A_565 = tpu.memref_slice %arg6[%dma_wait3A_563, %dma_wait3A_564] : memref<10016x128xf32, #tpu.memory_space<vmem_shared>> -> memref<10016x128xf32, #tpu.memory_space<vmem_shared>>
          tpu.wait_indirect_dma semaphore(%arg12 : memref<!tpu.dma_semaphore, #tpu.memory_space<semaphore_mem>>) src(%dma_wait3A_559 : memref<128x128xf32, #tpu.memory_space<vmem>>) dst(%dma_wait3A_565 : memref<10016x128xf32, #tpu.memory_space<vmem_shared>>)
        } else {
        }
        %dma_wait3A_523 = arith.constant 3 : i32
        %dma_wait3A_524 = arith.constant 0 : i32
        %dma_wait3A_525 = arith.constant 0 : i32
        %dma_wait3A_526 = tpu.memref_slice %arg7[%dma_wait3A_523, %dma_wait3A_524, %dma_wait3A_525] : memref<6x2x128xi32, #tpu.memory_space<vmem>> -> memref<1x2x128xi32, #tpu.memory_space<vmem>>
        %dma_wait3A_527 = tpu.memref_squeeze %dma_wait3A_526 : memref<1x2x128xi32, #tpu.memory_space<vmem>> -> memref<2x128xi32, #tpu.memory_space<vmem>>
        %dma_wait3A_528 = arith.constant 0 : i32
        %dma_wait3A_529 = arith.constant 0 : i32
        %dma_wait3A_530 = tpu.memref_slice %arg3[%mul3A_2, %dma_wait3A_528, %dma_wait3A_529] : memref<2560x2x128xi32, #tpu.memory_space<hbm>> -> memref<1x2x128xi32, #tpu.memory_space<hbm>>
        %dma_wait3A_531 = tpu.memref_squeeze %dma_wait3A_530 : memref<1x2x128xi32, #tpu.memory_space<hbm>> -> memref<2x128xi32, #tpu.memory_space<hbm>>
        %dma_wait3A_532 = arith.constant 0 : i32
        %dma_wait3A_533 = arith.constant 0 : i32
        %dma_wait3A_534 = tpu.memref_slice %arg7[%dma_wait3A_523, %dma_wait3A_532, %dma_wait3A_533] : memref<6x2x128xi32, #tpu.memory_space<vmem>> -> memref<1x2x128xi32, #tpu.memory_space<vmem>>
        %dma_wait3A_535 = tpu.memref_squeeze %dma_wait3A_534 : memref<1x2x128xi32, #tpu.memory_space<vmem>> -> memref<2x128xi32, #tpu.memory_space<vmem>>
        %dma_wait3A_536 = arith.constant 0 : i32
        %dma_wait3A_537 = arith.constant 0 : i32
        %dma_wait3A_538 = tpu.memref_slice %arg3[%mul3A_2, %dma_wait3A_536, %dma_wait3A_537] : memref<2560x2x128xi32, #tpu.memory_space<hbm>> -> memref<1x2x128xi32, #tpu.memory_space<hbm>>
        %dma_wait3A_539 = tpu.memref_squeeze %dma_wait3A_538 : memref<1x2x128xi32, #tpu.memory_space<hbm>> -> memref<2x128xi32, #tpu.memory_space<hbm>>
        tpu.wait_dma2 semaphore(%arg18 : memref<!tpu.dma_semaphore, #tpu.memory_space<semaphore_mem>>) src(%dma_wait3A_539 : memref<2x128xi32, #tpu.memory_space<hbm>>) dst(%dma_wait3A_535 : memref<2x128xi32, #tpu.memory_space<vmem>>)
        %dma_start3A_540 = arith.constant 3 : i32
        %dma_start3A_541 = arith.constant 0 : i32
        %dma_start3A_542 = arith.constant 0 : i32
        %dma_start3A_543 = arith.constant 0 : i32
        %dma_start3A_544 = arith.constant 0 : i32
        %dma_start3A_545 = tpu.memref_slice %arg8[%dma_start3A_542, %dma_start3A_543, %dma_start3A_544] : memref<3x128x128xf32, #tpu.memory_space<vmem>> -> memref<1x128x128xf32, #tpu.memory_space<vmem>>
        %dma_start3A_546 = tpu.memref_squeeze %dma_start3A_545 : memref<1x128x128xf32, #tpu.memory_space<vmem>> -> memref<128x128xf32, #tpu.memory_space<vmem>>
        %dma_start3A_547 = arith.constant 0 : i32
        %dma_start3A_548 = tpu.memref_slice %arg7[%dma_start3A_540, %dma_start3A_541, %dma_start3A_547] : memref<6x2x128xi32, #tpu.memory_space<vmem>> -> memref<1x1x128xi32, #tpu.memory_space<vmem>>
        %dma_start3A_549 = tpu.memref_squeeze %dma_start3A_548 : memref<1x1x128xi32, #tpu.memory_space<vmem>> -> memref<128xi32, #tpu.memory_space<vmem>>
        %dma_start3A_550 = arith.constant 0 : i32
        %dma_start3A_551 = arith.constant 0 : i32
        %dma_start3A_552 = tpu.memref_slice %arg2[%dma_start3A_550, %dma_start3A_551] : memref<10240x128xf32, #tpu.memory_space<hbm>> -> memref<10240x128xf32, #tpu.memory_space<hbm>>
        tpu.enqueue_indirect_dma source(%dma_start3A_552 : memref<10240x128xf32, #tpu.memory_space<hbm>>) target(%dma_start3A_546 : memref<128x128xf32, #tpu.memory_space<vmem>>) offsets(%dma_start3A_549 : memref<128xi32, #tpu.memory_space<vmem>>) semaphore(%arg9 : memref<!tpu.dma_semaphore, #tpu.memory_space<semaphore_mem>>)
      } else {
      }
      %add3A_360 = arith.constant 4 : i32
      %add3A_361 = arith.addi %add3A_352, %add3A_360 : i32
      %lt3A_362 = arith.constant 80 : i32
      %lt3A_363 = arith.cmpi slt, %add3A_361, %lt3A_362 : i32
      %convert_element_type3A_364 = arith.extui %lt3A_363 : i1 to i32
      %cond3A_365 = arith.constant 0 : i32
      %cond3A_366 = arith.cmpi ne, %convert_element_type3A_364, %cond3A_365 : i32
      scf.if %cond3A_366 {
        %add3A_519 = arith.constant 4 : i32
        %add3A_520 = arith.addi %add3A_352, %add3A_519 : i32
        %add3A_521 = arith.addi %mul3A_2, %add3A_520 : i32
        %dma_start3A_522 = arith.constant 0 : i32
        %dma_start3A_523 = arith.constant 0 : i32
        %dma_start3A_524 = arith.constant 0 : i32
        %dma_start3A_525 = tpu.memref_slice %arg7[%dma_start3A_522, %dma_start3A_523, %dma_start3A_524] : memref<6x2x128xi32, #tpu.memory_space<vmem>> -> memref<1x2x128xi32, #tpu.memory_space<vmem>>
        %dma_start3A_526 = tpu.memref_squeeze %dma_start3A_525 : memref<1x2x128xi32, #tpu.memory_space<vmem>> -> memref<2x128xi32, #tpu.memory_space<vmem>>
        %dma_start3A_527 = arith.constant 0 : i32
        %dma_start3A_528 = arith.constant 0 : i32
        %dma_start3A_529 = tpu.memref_slice %arg3[%add3A_521, %dma_start3A_527, %dma_start3A_528] : memref<2560x2x128xi32, #tpu.memory_space<hbm>> -> memref<1x2x128xi32, #tpu.memory_space<hbm>>
        %dma_start3A_530 = tpu.memref_squeeze %dma_start3A_529 : memref<1x2x128xi32, #tpu.memory_space<hbm>> -> memref<2x128xi32, #tpu.memory_space<hbm>>
        %dma_start3A_531 = arith.constant 0 : i32
        %dma_start3A_532 = arith.constant 0 : i32
        %dma_start3A_533 = tpu.memref_slice %arg7[%dma_start3A_522, %dma_start3A_531, %dma_start3A_532] : memref<6x2x128xi32, #tpu.memory_space<vmem>> -> memref<1x2x128xi32, #tpu.memory_space<vmem>>
        %dma_start3A_534 = tpu.memref_squeeze %dma_start3A_533 : memref<1x2x128xi32, #tpu.memory_space<vmem>> -> memref<2x128xi32, #tpu.memory_space<vmem>>
        %dma_start3A_535 = arith.constant 0 : i32
        %dma_start3A_536 = arith.constant 0 : i32
        %dma_start3A_537 = tpu.memref_slice %arg3[%add3A_521, %dma_start3A_535, %dma_start3A_536] : memref<2560x2x128xi32, #tpu.memory_space<hbm>> -> memref<1x2x128xi32, #tpu.memory_space<hbm>>
        %dma_start3A_538 = tpu.memref_squeeze %dma_start3A_537 : memref<1x2x128xi32, #tpu.memory_space<hbm>> -> memref<2x128xi32, #tpu.memory_space<hbm>>
        tpu.enqueue_dma source(%dma_start3A_538 : memref<2x128xi32, #tpu.memory_space<hbm>>) target(%dma_start3A_534 : memref<2x128xi32, #tpu.memory_space<vmem>>) target_semaphore(%arg15 : memref<!tpu.dma_semaphore, #tpu.memory_space<semaphore_mem>>)
      } else {
      }
      %dma_wait3A_367 = arith.constant 0 : i32
      %dma_wait3A_368 = arith.constant 0 : i32
      %dma_wait3A_369 = arith.constant 2 : i32
      %dma_wait3A_370 = arith.constant 0 : i32
      %dma_wait3A_371 = arith.constant 0 : i32
      %dma_wait3A_372 = tpu.memref_slice %arg8[%dma_wait3A_369, %dma_wait3A_370, %dma_wait3A_371] : memref<3x128x128xf32, #tpu.memory_space<vmem>> -> memref<1x128x128xf32, #tpu.memory_space<vmem>>
      %dma_wait3A_373 = tpu.memref_squeeze %dma_wait3A_372 : memref<1x128x128xf32, #tpu.memory_space<vmem>> -> memref<128x128xf32, #tpu.memory_space<vmem>>
      %dma_wait3A_374 = arith.constant 0 : i32
      %dma_wait3A_375 = tpu.memref_slice %arg7[%dma_wait3A_367, %dma_wait3A_368, %dma_wait3A_374] : memref<6x2x128xi32, #tpu.memory_space<vmem>> -> memref<1x1x128xi32, #tpu.memory_space<vmem>>
      %dma_wait3A_376 = tpu.memref_squeeze %dma_wait3A_375 : memref<1x1x128xi32, #tpu.memory_space<vmem>> -> memref<128xi32, #tpu.memory_space<vmem>>
      %dma_wait3A_377 = arith.constant 0 : i32
      %dma_wait3A_378 = arith.constant 0 : i32
      %dma_wait3A_379 = tpu.memref_slice %arg2[%dma_wait3A_377, %dma_wait3A_378] : memref<10240x128xf32, #tpu.memory_space<hbm>> -> memref<10240x128xf32, #tpu.memory_space<hbm>>
      tpu.wait_indirect_dma semaphore(%arg11 : memref<!tpu.dma_semaphore, #tpu.memory_space<semaphore_mem>>) src(%dma_wait3A_379 : memref<10240x128xf32, #tpu.memory_space<hbm>>) dst(%dma_wait3A_373 : memref<128x128xf32, #tpu.memory_space<vmem>>)
      %dma_start3A_380 = arith.constant 2 : i32
      %dma_start3A_381 = arith.constant 2 : i32
      %dma_start3A_382 = arith.constant 1 : i32
      %dma_start3A_383 = arith.constant 0 : i32
      %dma_start3A_384 = arith.constant 0 : i32
      %dma_start3A_385 = tpu.memref_slice %arg8[%dma_start3A_380, %dma_start3A_383, %dma_start3A_384] : memref<3x128x128xf32, #tpu.memory_space<vmem>> -> memref<1x128x128xf32, #tpu.memory_space<vmem>>
      %dma_start3A_386 = tpu.memref_squeeze %dma_start3A_385 : memref<1x128x128xf32, #tpu.memory_space<vmem>> -> memref<128x128xf32, #tpu.memory_space<vmem>>
      %dma_start3A_387 = arith.constant 0 : i32
      %dma_start3A_388 = tpu.memref_slice %arg7[%dma_start3A_381, %dma_start3A_382, %dma_start3A_387] : memref<6x2x128xi32, #tpu.memory_space<vmem>> -> memref<1x1x128xi32, #tpu.memory_space<vmem>>
      %dma_start3A_389 = tpu.memref_squeeze %dma_start3A_388 : memref<1x1x128xi32, #tpu.memory_space<vmem>> -> memref<128xi32, #tpu.memory_space<vmem>>
      %dma_start3A_390 = arith.constant 0 : i32
      %dma_start3A_391 = arith.constant 0 : i32
      %dma_start3A_392 = tpu.memref_slice %arg6[%dma_start3A_390, %dma_start3A_391] : memref<10016x128xf32, #tpu.memory_space<vmem_shared>> -> memref<10016x128xf32, #tpu.memory_space<vmem_shared>>
      tpu.enqueue_indirect_dma source(%dma_start3A_386 : memref<128x128xf32, #tpu.memory_space<vmem>>) target(%dma_start3A_392 : memref<10016x128xf32, #tpu.memory_space<vmem_shared>>) offsets(%dma_start3A_389 : memref<128xi32, #tpu.memory_space<vmem>>) semaphore(%arg14 : memref<!tpu.dma_semaphore, #tpu.memory_space<semaphore_mem>>) {add = true}
      %add3A_393 = arith.constant 3 : i32
      %add3A_394 = arith.addi %add3A_266, %add3A_393 : i32
      %add3A_395 = arith.constant 1 : i32
      %add3A_396 = arith.addi %add3A_394, %add3A_395 : i32
      %lt3A_397 = arith.constant 80 : i32
      %lt3A_398 = arith.cmpi slt, %add3A_396, %lt3A_397 : i32
      %convert_element_type3A_399 = arith.extui %lt3A_398 : i1 to i32
      %cond3A_400 = arith.constant 0 : i32
      %cond3A_401 = arith.cmpi ne, %convert_element_type3A_399, %cond3A_400 : i32
      scf.if %cond3A_401 {
        %ge3A = arith.constant 2 : i32
        %ge3A_519 = arith.cmpi sge, %add3A_394, %ge3A : i32
        %convert_element_type3A_520 = arith.extui %ge3A_519 : i1 to i32
        %cond3A_521 = arith.constant 0 : i32
        %cond3A_522 = arith.cmpi ne, %convert_element_type3A_520, %cond3A_521 : i32
        scf.if %cond3A_522 {
          %dma_wait3A_553 = arith.constant 1 : i32
          %dma_wait3A_554 = arith.constant 0 : i32
          %dma_wait3A_555 = arith.constant 1 : i32
          %dma_wait3A_556 = arith.constant 0 : i32
          %dma_wait3A_557 = arith.constant 0 : i32
          %dma_wait3A_558 = tpu.memref_slice %arg8[%dma_wait3A_553, %dma_wait3A_556, %dma_wait3A_557] : memref<3x128x128xf32, #tpu.memory_space<vmem>> -> memref<1x128x128xf32, #tpu.memory_space<vmem>>
          %dma_wait3A_559 = tpu.memref_squeeze %dma_wait3A_558 : memref<1x128x128xf32, #tpu.memory_space<vmem>> -> memref<128x128xf32, #tpu.memory_space<vmem>>
          %dma_wait3A_560 = arith.constant 0 : i32
          %dma_wait3A_561 = tpu.memref_slice %arg7[%dma_wait3A_554, %dma_wait3A_555, %dma_wait3A_560] : memref<6x2x128xi32, #tpu.memory_space<vmem>> -> memref<1x1x128xi32, #tpu.memory_space<vmem>>
          %dma_wait3A_562 = tpu.memref_squeeze %dma_wait3A_561 : memref<1x1x128xi32, #tpu.memory_space<vmem>> -> memref<128xi32, #tpu.memory_space<vmem>>
          %dma_wait3A_563 = arith.constant 0 : i32
          %dma_wait3A_564 = arith.constant 0 : i32
          %dma_wait3A_565 = tpu.memref_slice %arg6[%dma_wait3A_563, %dma_wait3A_564] : memref<10016x128xf32, #tpu.memory_space<vmem_shared>> -> memref<10016x128xf32, #tpu.memory_space<vmem_shared>>
          tpu.wait_indirect_dma semaphore(%arg13 : memref<!tpu.dma_semaphore, #tpu.memory_space<semaphore_mem>>) src(%dma_wait3A_559 : memref<128x128xf32, #tpu.memory_space<vmem>>) dst(%dma_wait3A_565 : memref<10016x128xf32, #tpu.memory_space<vmem_shared>>)
        } else {
        }
        %dma_wait3A_523 = arith.constant 4 : i32
        %dma_wait3A_524 = arith.constant 0 : i32
        %dma_wait3A_525 = arith.constant 0 : i32
        %dma_wait3A_526 = tpu.memref_slice %arg7[%dma_wait3A_523, %dma_wait3A_524, %dma_wait3A_525] : memref<6x2x128xi32, #tpu.memory_space<vmem>> -> memref<1x2x128xi32, #tpu.memory_space<vmem>>
        %dma_wait3A_527 = tpu.memref_squeeze %dma_wait3A_526 : memref<1x2x128xi32, #tpu.memory_space<vmem>> -> memref<2x128xi32, #tpu.memory_space<vmem>>
        %dma_wait3A_528 = arith.constant 0 : i32
        %dma_wait3A_529 = arith.constant 0 : i32
        %dma_wait3A_530 = tpu.memref_slice %arg3[%mul3A_2, %dma_wait3A_528, %dma_wait3A_529] : memref<2560x2x128xi32, #tpu.memory_space<hbm>> -> memref<1x2x128xi32, #tpu.memory_space<hbm>>
        %dma_wait3A_531 = tpu.memref_squeeze %dma_wait3A_530 : memref<1x2x128xi32, #tpu.memory_space<hbm>> -> memref<2x128xi32, #tpu.memory_space<hbm>>
        %dma_wait3A_532 = arith.constant 0 : i32
        %dma_wait3A_533 = arith.constant 0 : i32
        %dma_wait3A_534 = tpu.memref_slice %arg7[%dma_wait3A_523, %dma_wait3A_532, %dma_wait3A_533] : memref<6x2x128xi32, #tpu.memory_space<vmem>> -> memref<1x2x128xi32, #tpu.memory_space<vmem>>
        %dma_wait3A_535 = tpu.memref_squeeze %dma_wait3A_534 : memref<1x2x128xi32, #tpu.memory_space<vmem>> -> memref<2x128xi32, #tpu.memory_space<vmem>>
        %dma_wait3A_536 = arith.constant 0 : i32
        %dma_wait3A_537 = arith.constant 0 : i32
        %dma_wait3A_538 = tpu.memref_slice %arg3[%mul3A_2, %dma_wait3A_536, %dma_wait3A_537] : memref<2560x2x128xi32, #tpu.memory_space<hbm>> -> memref<1x2x128xi32, #tpu.memory_space<hbm>>
        %dma_wait3A_539 = tpu.memref_squeeze %dma_wait3A_538 : memref<1x2x128xi32, #tpu.memory_space<hbm>> -> memref<2x128xi32, #tpu.memory_space<hbm>>
        tpu.wait_dma2 semaphore(%arg19 : memref<!tpu.dma_semaphore, #tpu.memory_space<semaphore_mem>>) src(%dma_wait3A_539 : memref<2x128xi32, #tpu.memory_space<hbm>>) dst(%dma_wait3A_535 : memref<2x128xi32, #tpu.memory_space<vmem>>)
        %dma_start3A_540 = arith.constant 4 : i32
        %dma_start3A_541 = arith.constant 0 : i32
        %dma_start3A_542 = arith.constant 1 : i32
        %dma_start3A_543 = arith.constant 0 : i32
        %dma_start3A_544 = arith.constant 0 : i32
        %dma_start3A_545 = tpu.memref_slice %arg8[%dma_start3A_542, %dma_start3A_543, %dma_start3A_544] : memref<3x128x128xf32, #tpu.memory_space<vmem>> -> memref<1x128x128xf32, #tpu.memory_space<vmem>>
        %dma_start3A_546 = tpu.memref_squeeze %dma_start3A_545 : memref<1x128x128xf32, #tpu.memory_space<vmem>> -> memref<128x128xf32, #tpu.memory_space<vmem>>
        %dma_start3A_547 = arith.constant 0 : i32
        %dma_start3A_548 = tpu.memref_slice %arg7[%dma_start3A_540, %dma_start3A_541, %dma_start3A_547] : memref<6x2x128xi32, #tpu.memory_space<vmem>> -> memref<1x1x128xi32, #tpu.memory_space<vmem>>
        %dma_start3A_549 = tpu.memref_squeeze %dma_start3A_548 : memref<1x1x128xi32, #tpu.memory_space<vmem>> -> memref<128xi32, #tpu.memory_space<vmem>>
        %dma_start3A_550 = arith.constant 0 : i32
        %dma_start3A_551 = arith.constant 0 : i32
        %dma_start3A_552 = tpu.memref_slice %arg2[%dma_start3A_550, %dma_start3A_551] : memref<10240x128xf32, #tpu.memory_space<hbm>> -> memref<10240x128xf32, #tpu.memory_space<hbm>>
        tpu.enqueue_indirect_dma source(%dma_start3A_552 : memref<10240x128xf32, #tpu.memory_space<hbm>>) target(%dma_start3A_546 : memref<128x128xf32, #tpu.memory_space<vmem>>) offsets(%dma_start3A_549 : memref<128xi32, #tpu.memory_space<vmem>>) semaphore(%arg10 : memref<!tpu.dma_semaphore, #tpu.memory_space<semaphore_mem>>)
      } else {
      }
      %add3A_402 = arith.constant 4 : i32
      %add3A_403 = arith.addi %add3A_394, %add3A_402 : i32
      %lt3A_404 = arith.constant 80 : i32
      %lt3A_405 = arith.cmpi slt, %add3A_403, %lt3A_404 : i32
      %convert_element_type3A_406 = arith.extui %lt3A_405 : i1 to i32
      %cond3A_407 = arith.constant 0 : i32
      %cond3A_408 = arith.cmpi ne, %convert_element_type3A_406, %cond3A_407 : i32
      scf.if %cond3A_408 {
        %add3A_519 = arith.constant 4 : i32
        %add3A_520 = arith.addi %add3A_394, %add3A_519 : i32
        %add3A_521 = arith.addi %mul3A_2, %add3A_520 : i32
        %dma_start3A_522 = arith.constant 1 : i32
        %dma_start3A_523 = arith.constant 0 : i32
        %dma_start3A_524 = arith.constant 0 : i32
        %dma_start3A_525 = tpu.memref_slice %arg7[%dma_start3A_522, %dma_start3A_523, %dma_start3A_524] : memref<6x2x128xi32, #tpu.memory_space<vmem>> -> memref<1x2x128xi32, #tpu.memory_space<vmem>>
        %dma_start3A_526 = tpu.memref_squeeze %dma_start3A_525 : memref<1x2x128xi32, #tpu.memory_space<vmem>> -> memref<2x128xi32, #tpu.memory_space<vmem>>
        %dma_start3A_527 = arith.constant 0 : i32
        %dma_start3A_528 = arith.constant 0 : i32
        %dma_start3A_529 = tpu.memref_slice %arg3[%add3A_521, %dma_start3A_527, %dma_start3A_528] : memref<2560x2x128xi32, #tpu.memory_space<hbm>> -> memref<1x2x128xi32, #tpu.memory_space<hbm>>
        %dma_start3A_530 = tpu.memref_squeeze %dma_start3A_529 : memref<1x2x128xi32, #tpu.memory_space<hbm>> -> memref<2x128xi32, #tpu.memory_space<hbm>>
        %dma_start3A_531 = arith.constant 0 : i32
        %dma_start3A_532 = arith.constant 0 : i32
        %dma_start3A_533 = tpu.memref_slice %arg7[%dma_start3A_522, %dma_start3A_531, %dma_start3A_532] : memref<6x2x128xi32, #tpu.memory_space<vmem>> -> memref<1x2x128xi32, #tpu.memory_space<vmem>>
        %dma_start3A_534 = tpu.memref_squeeze %dma_start3A_533 : memref<1x2x128xi32, #tpu.memory_space<vmem>> -> memref<2x128xi32, #tpu.memory_space<vmem>>
        %dma_start3A_535 = arith.constant 0 : i32
        %dma_start3A_536 = arith.constant 0 : i32
        %dma_start3A_537 = tpu.memref_slice %arg3[%add3A_521, %dma_start3A_535, %dma_start3A_536] : memref<2560x2x128xi32, #tpu.memory_space<hbm>> -> memref<1x2x128xi32, #tpu.memory_space<hbm>>
        %dma_start3A_538 = tpu.memref_squeeze %dma_start3A_537 : memref<1x2x128xi32, #tpu.memory_space<hbm>> -> memref<2x128xi32, #tpu.memory_space<hbm>>
        tpu.enqueue_dma source(%dma_start3A_538 : memref<2x128xi32, #tpu.memory_space<hbm>>) target(%dma_start3A_534 : memref<2x128xi32, #tpu.memory_space<vmem>>) target_semaphore(%arg16 : memref<!tpu.dma_semaphore, #tpu.memory_space<semaphore_mem>>)
      } else {
      }
      %dma_wait3A_409 = arith.constant 0 : i32
      %dma_wait3A_410 = arith.constant 0 : i32
      %dma_wait3A_411 = arith.constant 0 : i32
      %dma_wait3A_412 = arith.constant 0 : i32
      %dma_wait3A_413 = arith.constant 0 : i32
      %dma_wait3A_414 = tpu.memref_slice %arg8[%dma_wait3A_411, %dma_wait3A_412, %dma_wait3A_413] : memref<3x128x128xf32, #tpu.memory_space<vmem>> -> memref<1x128x128xf32, #tpu.memory_space<vmem>>
      %dma_wait3A_415 = tpu.memref_squeeze %dma_wait3A_414 : memref<1x128x128xf32, #tpu.memory_space<vmem>> -> memref<128x128xf32, #tpu.memory_space<vmem>>
      %dma_wait3A_416 = arith.constant 0 : i32
      %dma_wait3A_417 = tpu.memref_slice %arg7[%dma_wait3A_409, %dma_wait3A_410, %dma_wait3A_416] : memref<6x2x128xi32, #tpu.memory_space<vmem>> -> memref<1x1x128xi32, #tpu.memory_space<vmem>>
      %dma_wait3A_418 = tpu.memref_squeeze %dma_wait3A_417 : memref<1x1x128xi32, #tpu.memory_space<vmem>> -> memref<128xi32, #tpu.memory_space<vmem>>
      %dma_wait3A_419 = arith.constant 0 : i32
      %dma_wait3A_420 = arith.constant 0 : i32
      %dma_wait3A_421 = tpu.memref_slice %arg2[%dma_wait3A_419, %dma_wait3A_420] : memref<10240x128xf32, #tpu.memory_space<hbm>> -> memref<10240x128xf32, #tpu.memory_space<hbm>>
      tpu.wait_indirect_dma semaphore(%arg9 : memref<!tpu.dma_semaphore, #tpu.memory_space<semaphore_mem>>) src(%dma_wait3A_421 : memref<10240x128xf32, #tpu.memory_space<hbm>>) dst(%dma_wait3A_415 : memref<128x128xf32, #tpu.memory_space<vmem>>)
      %dma_start3A_422 = arith.constant 0 : i32
      %dma_start3A_423 = arith.constant 3 : i32
      %dma_start3A_424 = arith.constant 1 : i32
      %dma_start3A_425 = arith.constant 0 : i32
      %dma_start3A_426 = arith.constant 0 : i32
      %dma_start3A_427 = tpu.memref_slice %arg8[%dma_start3A_422, %dma_start3A_425, %dma_start3A_426] : memref<3x128x128xf32, #tpu.memory_space<vmem>> -> memref<1x128x128xf32, #tpu.memory_space<vmem>>
      %dma_start3A_428 = tpu.memref_squeeze %dma_start3A_427 : memref<1x128x128xf32, #tpu.memory_space<vmem>> -> memref<128x128xf32, #tpu.memory_space<vmem>>
      %dma_start3A_429 = arith.constant 0 : i32
      %dma_start3A_430 = tpu.memref_slice %arg7[%dma_start3A_423, %dma_start3A_424, %dma_start3A_429] : memref<6x2x128xi32, #tpu.memory_space<vmem>> -> memref<1x1x128xi32, #tpu.memory_space<vmem>>
      %dma_start3A_431 = tpu.memref_squeeze %dma_start3A_430 : memref<1x1x128xi32, #tpu.memory_space<vmem>> -> memref<128xi32, #tpu.memory_space<vmem>>
      %dma_start3A_432 = arith.constant 0 : i32
      %dma_start3A_433 = arith.constant 0 : i32
      %dma_start3A_434 = tpu.memref_slice %arg6[%dma_start3A_432, %dma_start3A_433] : memref<10016x128xf32, #tpu.memory_space<vmem_shared>> -> memref<10016x128xf32, #tpu.memory_space<vmem_shared>>
      tpu.enqueue_indirect_dma source(%dma_start3A_428 : memref<128x128xf32, #tpu.memory_space<vmem>>) target(%dma_start3A_434 : memref<10016x128xf32, #tpu.memory_space<vmem_shared>>) offsets(%dma_start3A_431 : memref<128xi32, #tpu.memory_space<vmem>>) semaphore(%arg12 : memref<!tpu.dma_semaphore, #tpu.memory_space<semaphore_mem>>) {add = true}
      %add3A_435 = arith.constant 4 : i32
      %add3A_436 = arith.addi %add3A_266, %add3A_435 : i32
      %add3A_437 = arith.constant 1 : i32
      %add3A_438 = arith.addi %add3A_436, %add3A_437 : i32
      %lt3A_439 = arith.constant 80 : i32
      %lt3A_440 = arith.cmpi slt, %add3A_438, %lt3A_439 : i32
      %convert_element_type3A_441 = arith.extui %lt3A_440 : i1 to i32
      %cond3A_442 = arith.constant 0 : i32
      %cond3A_443 = arith.cmpi ne, %convert_element_type3A_441, %cond3A_442 : i32
      scf.if %cond3A_443 {
        %ge3A = arith.constant 2 : i32
        %ge3A_519 = arith.cmpi sge, %add3A_436, %ge3A : i32
        %convert_element_type3A_520 = arith.extui %ge3A_519 : i1 to i32
        %cond3A_521 = arith.constant 0 : i32
        %cond3A_522 = arith.cmpi ne, %convert_element_type3A_520, %cond3A_521 : i32
        scf.if %cond3A_522 {
          %dma_wait3A_553 = arith.constant 2 : i32
          %dma_wait3A_554 = arith.constant 0 : i32
          %dma_wait3A_555 = arith.constant 1 : i32
          %dma_wait3A_556 = arith.constant 0 : i32
          %dma_wait3A_557 = arith.constant 0 : i32
          %dma_wait3A_558 = tpu.memref_slice %arg8[%dma_wait3A_553, %dma_wait3A_556, %dma_wait3A_557] : memref<3x128x128xf32, #tpu.memory_space<vmem>> -> memref<1x128x128xf32, #tpu.memory_space<vmem>>
          %dma_wait3A_559 = tpu.memref_squeeze %dma_wait3A_558 : memref<1x128x128xf32, #tpu.memory_space<vmem>> -> memref<128x128xf32, #tpu.memory_space<vmem>>
          %dma_wait3A_560 = arith.constant 0 : i32
          %dma_wait3A_561 = tpu.memref_slice %arg7[%dma_wait3A_554, %dma_wait3A_555, %dma_wait3A_560] : memref<6x2x128xi32, #tpu.memory_space<vmem>> -> memref<1x1x128xi32, #tpu.memory_space<vmem>>
          %dma_wait3A_562 = tpu.memref_squeeze %dma_wait3A_561 : memref<1x1x128xi32, #tpu.memory_space<vmem>> -> memref<128xi32, #tpu.memory_space<vmem>>
          %dma_wait3A_563 = arith.constant 0 : i32
          %dma_wait3A_564 = arith.constant 0 : i32
          %dma_wait3A_565 = tpu.memref_slice %arg6[%dma_wait3A_563, %dma_wait3A_564] : memref<10016x128xf32, #tpu.memory_space<vmem_shared>> -> memref<10016x128xf32, #tpu.memory_space<vmem_shared>>
          tpu.wait_indirect_dma semaphore(%arg14 : memref<!tpu.dma_semaphore, #tpu.memory_space<semaphore_mem>>) src(%dma_wait3A_559 : memref<128x128xf32, #tpu.memory_space<vmem>>) dst(%dma_wait3A_565 : memref<10016x128xf32, #tpu.memory_space<vmem_shared>>)
        } else {
        }
        %dma_wait3A_523 = arith.constant 5 : i32
        %dma_wait3A_524 = arith.constant 0 : i32
        %dma_wait3A_525 = arith.constant 0 : i32
        %dma_wait3A_526 = tpu.memref_slice %arg7[%dma_wait3A_523, %dma_wait3A_524, %dma_wait3A_525] : memref<6x2x128xi32, #tpu.memory_space<vmem>> -> memref<1x2x128xi32, #tpu.memory_space<vmem>>
        %dma_wait3A_527 = tpu.memref_squeeze %dma_wait3A_526 : memref<1x2x128xi32, #tpu.memory_space<vmem>> -> memref<2x128xi32, #tpu.memory_space<vmem>>
        %dma_wait3A_528 = arith.constant 0 : i32
        %dma_wait3A_529 = arith.constant 0 : i32
        %dma_wait3A_530 = tpu.memref_slice %arg3[%mul3A_2, %dma_wait3A_528, %dma_wait3A_529] : memref<2560x2x128xi32, #tpu.memory_space<hbm>> -> memref<1x2x128xi32, #tpu.memory_space<hbm>>
        %dma_wait3A_531 = tpu.memref_squeeze %dma_wait3A_530 : memref<1x2x128xi32, #tpu.memory_space<hbm>> -> memref<2x128xi32, #tpu.memory_space<hbm>>
        %dma_wait3A_532 = arith.constant 0 : i32
        %dma_wait3A_533 = arith.constant 0 : i32
        %dma_wait3A_534 = tpu.memref_slice %arg7[%dma_wait3A_523, %dma_wait3A_532, %dma_wait3A_533] : memref<6x2x128xi32, #tpu.memory_space<vmem>> -> memref<1x2x128xi32, #tpu.memory_space<vmem>>
        %dma_wait3A_535 = tpu.memref_squeeze %dma_wait3A_534 : memref<1x2x128xi32, #tpu.memory_space<vmem>> -> memref<2x128xi32, #tpu.memory_space<vmem>>
        %dma_wait3A_536 = arith.constant 0 : i32
        %dma_wait3A_537 = arith.constant 0 : i32
        %dma_wait3A_538 = tpu.memref_slice %arg3[%mul3A_2, %dma_wait3A_536, %dma_wait3A_537] : memref<2560x2x128xi32, #tpu.memory_space<hbm>> -> memref<1x2x128xi32, #tpu.memory_space<hbm>>
        %dma_wait3A_539 = tpu.memref_squeeze %dma_wait3A_538 : memref<1x2x128xi32, #tpu.memory_space<hbm>> -> memref<2x128xi32, #tpu.memory_space<hbm>>
        tpu.wait_dma2 semaphore(%arg20 : memref<!tpu.dma_semaphore, #tpu.memory_space<semaphore_mem>>) src(%dma_wait3A_539 : memref<2x128xi32, #tpu.memory_space<hbm>>) dst(%dma_wait3A_535 : memref<2x128xi32, #tpu.memory_space<vmem>>)
        %dma_start3A_540 = arith.constant 5 : i32
        %dma_start3A_541 = arith.constant 0 : i32
        %dma_start3A_542 = arith.constant 2 : i32
        %dma_start3A_543 = arith.constant 0 : i32
        %dma_start3A_544 = arith.constant 0 : i32
        %dma_start3A_545 = tpu.memref_slice %arg8[%dma_start3A_542, %dma_start3A_543, %dma_start3A_544] : memref<3x128x128xf32, #tpu.memory_space<vmem>> -> memref<1x128x128xf32, #tpu.memory_space<vmem>>
        %dma_start3A_546 = tpu.memref_squeeze %dma_start3A_545 : memref<1x128x128xf32, #tpu.memory_space<vmem>> -> memref<128x128xf32, #tpu.memory_space<vmem>>
        %dma_start3A_547 = arith.constant 0 : i32
        %dma_start3A_548 = tpu.memref_slice %arg7[%dma_start3A_540, %dma_start3A_541, %dma_start3A_547] : memref<6x2x128xi32, #tpu.memory_space<vmem>> -> memref<1x1x128xi32, #tpu.memory_space<vmem>>
        %dma_start3A_549 = tpu.memref_squeeze %dma_start3A_548 : memref<1x1x128xi32, #tpu.memory_space<vmem>> -> memref<128xi32, #tpu.memory_space<vmem>>
        %dma_start3A_550 = arith.constant 0 : i32
        %dma_start3A_551 = arith.constant 0 : i32
        %dma_start3A_552 = tpu.memref_slice %arg2[%dma_start3A_550, %dma_start3A_551] : memref<10240x128xf32, #tpu.memory_space<hbm>> -> memref<10240x128xf32, #tpu.memory_space<hbm>>
        tpu.enqueue_indirect_dma source(%dma_start3A_552 : memref<10240x128xf32, #tpu.memory_space<hbm>>) target(%dma_start3A_546 : memref<128x128xf32, #tpu.memory_space<vmem>>) offsets(%dma_start3A_549 : memref<128xi32, #tpu.memory_space<vmem>>) semaphore(%arg11 : memref<!tpu.dma_semaphore, #tpu.memory_space<semaphore_mem>>)
      } else {
      }
      %add3A_444 = arith.constant 4 : i32
      %add3A_445 = arith.addi %add3A_436, %add3A_444 : i32
      %lt3A_446 = arith.constant 80 : i32
      %lt3A_447 = arith.cmpi slt, %add3A_445, %lt3A_446 : i32
      %convert_element_type3A_448 = arith.extui %lt3A_447 : i1 to i32
      %cond3A_449 = arith.constant 0 : i32
      %cond3A_450 = arith.cmpi ne, %convert_element_type3A_448, %cond3A_449 : i32
      scf.if %cond3A_450 {
        %add3A_519 = arith.constant 4 : i32
        %add3A_520 = arith.addi %add3A_436, %add3A_519 : i32
        %add3A_521 = arith.addi %mul3A_2, %add3A_520 : i32
        %dma_start3A_522 = arith.constant 2 : i32
        %dma_start3A_523 = arith.constant 0 : i32
        %dma_start3A_524 = arith.constant 0 : i32
        %dma_start3A_525 = tpu.memref_slice %arg7[%dma_start3A_522, %dma_start3A_523, %dma_start3A_524] : memref<6x2x128xi32, #tpu.memory_space<vmem>> -> memref<1x2x128xi32, #tpu.memory_space<vmem>>
        %dma_start3A_526 = tpu.memref_squeeze %dma_start3A_525 : memref<1x2x128xi32, #tpu.memory_space<vmem>> -> memref<2x128xi32, #tpu.memory_space<vmem>>
        %dma_start3A_527 = arith.constant 0 : i32
        %dma_start3A_528 = arith.constant 0 : i32
        %dma_start3A_529 = tpu.memref_slice %arg3[%add3A_521, %dma_start3A_527, %dma_start3A_528] : memref<2560x2x128xi32, #tpu.memory_space<hbm>> -> memref<1x2x128xi32, #tpu.memory_space<hbm>>
        %dma_start3A_530 = tpu.memref_squeeze %dma_start3A_529 : memref<1x2x128xi32, #tpu.memory_space<hbm>> -> memref<2x128xi32, #tpu.memory_space<hbm>>
        %dma_start3A_531 = arith.constant 0 : i32
        %dma_start3A_532 = arith.constant 0 : i32
        %dma_start3A_533 = tpu.memref_slice %arg7[%dma_start3A_522, %dma_start3A_531, %dma_start3A_532] : memref<6x2x128xi32, #tpu.memory_space<vmem>> -> memref<1x2x128xi32, #tpu.memory_space<vmem>>
        %dma_start3A_534 = tpu.memref_squeeze %dma_start3A_533 : memref<1x2x128xi32, #tpu.memory_space<vmem>> -> memref<2x128xi32, #tpu.memory_space<vmem>>
        %dma_start3A_535 = arith.constant 0 : i32
        %dma_start3A_536 = arith.constant 0 : i32
        %dma_start3A_537 = tpu.memref_slice %arg3[%add3A_521, %dma_start3A_535, %dma_start3A_536] : memref<2560x2x128xi32, #tpu.memory_space<hbm>> -> memref<1x2x128xi32, #tpu.memory_space<hbm>>
        %dma_start3A_538 = tpu.memref_squeeze %dma_start3A_537 : memref<1x2x128xi32, #tpu.memory_space<hbm>> -> memref<2x128xi32, #tpu.memory_space<hbm>>
        tpu.enqueue_dma source(%dma_start3A_538 : memref<2x128xi32, #tpu.memory_space<hbm>>) target(%dma_start3A_534 : memref<2x128xi32, #tpu.memory_space<vmem>>) target_semaphore(%arg17 : memref<!tpu.dma_semaphore, #tpu.memory_space<semaphore_mem>>)
      } else {
      }
      %dma_wait3A_451 = arith.constant 0 : i32
      %dma_wait3A_452 = arith.constant 0 : i32
      %dma_wait3A_453 = arith.constant 1 : i32
      %dma_wait3A_454 = arith.constant 0 : i32
      %dma_wait3A_455 = arith.constant 0 : i32
      %dma_wait3A_456 = tpu.memref_slice %arg8[%dma_wait3A_453, %dma_wait3A_454, %dma_wait3A_455] : memref<3x128x128xf32, #tpu.memory_space<vmem>> -> memref<1x128x128xf32, #tpu.memory_space<vmem>>
      %dma_wait3A_457 = tpu.memref_squeeze %dma_wait3A_456 : memref<1x128x128xf32, #tpu.memory_space<vmem>> -> memref<128x128xf32, #tpu.memory_space<vmem>>
      %dma_wait3A_458 = arith.constant 0 : i32
      %dma_wait3A_459 = tpu.memref_slice %arg7[%dma_wait3A_451, %dma_wait3A_452, %dma_wait3A_458] : memref<6x2x128xi32, #tpu.memory_space<vmem>> -> memref<1x1x128xi32, #tpu.memory_space<vmem>>
      %dma_wait3A_460 = tpu.memref_squeeze %dma_wait3A_459 : memref<1x1x128xi32, #tpu.memory_space<vmem>> -> memref<128xi32, #tpu.memory_space<vmem>>
      %dma_wait3A_461 = arith.constant 0 : i32
      %dma_wait3A_462 = arith.constant 0 : i32
      %dma_wait3A_463 = tpu.memref_slice %arg2[%dma_wait3A_461, %dma_wait3A_462] : memref<10240x128xf32, #tpu.memory_space<hbm>> -> memref<10240x128xf32, #tpu.memory_space<hbm>>
      tpu.wait_indirect_dma semaphore(%arg10 : memref<!tpu.dma_semaphore, #tpu.memory_space<semaphore_mem>>) src(%dma_wait3A_463 : memref<10240x128xf32, #tpu.memory_space<hbm>>) dst(%dma_wait3A_457 : memref<128x128xf32, #tpu.memory_space<vmem>>)
      %dma_start3A_464 = arith.constant 1 : i32
      %dma_start3A_465 = arith.constant 4 : i32
      %dma_start3A_466 = arith.constant 1 : i32
      %dma_start3A_467 = arith.constant 0 : i32
      %dma_start3A_468 = arith.constant 0 : i32
      %dma_start3A_469 = tpu.memref_slice %arg8[%dma_start3A_464, %dma_start3A_467, %dma_start3A_468] : memref<3x128x128xf32, #tpu.memory_space<vmem>> -> memref<1x128x128xf32, #tpu.memory_space<vmem>>
      %dma_start3A_470 = tpu.memref_squeeze %dma_start3A_469 : memref<1x128x128xf32, #tpu.memory_space<vmem>> -> memref<128x128xf32, #tpu.memory_space<vmem>>
      %dma_start3A_471 = arith.constant 0 : i32
      %dma_start3A_472 = tpu.memref_slice %arg7[%dma_start3A_465, %dma_start3A_466, %dma_start3A_471] : memref<6x2x128xi32, #tpu.memory_space<vmem>> -> memref<1x1x128xi32, #tpu.memory_space<vmem>>
      %dma_start3A_473 = tpu.memref_squeeze %dma_start3A_472 : memref<1x1x128xi32, #tpu.memory_space<vmem>> -> memref<128xi32, #tpu.memory_space<vmem>>
      %dma_start3A_474 = arith.constant 0 : i32
      %dma_start3A_475 = arith.constant 0 : i32
      %dma_start3A_476 = tpu.memref_slice %arg6[%dma_start3A_474, %dma_start3A_475] : memref<10016x128xf32, #tpu.memory_space<vmem_shared>> -> memref<10016x128xf32, #tpu.memory_space<vmem_shared>>
      tpu.enqueue_indirect_dma source(%dma_start3A_470 : memref<128x128xf32, #tpu.memory_space<vmem>>) target(%dma_start3A_476 : memref<10016x128xf32, #tpu.memory_space<vmem_shared>>) offsets(%dma_start3A_473 : memref<128xi32, #tpu.memory_space<vmem>>) semaphore(%arg13 : memref<!tpu.dma_semaphore, #tpu.memory_space<semaphore_mem>>) {add = true}
      %add3A_477 = arith.constant 5 : i32
      %add3A_478 = arith.addi %add3A_266, %add3A_477 : i32
      %add3A_479 = arith.constant 1 : i32
      %add3A_480 = arith.addi %add3A_478, %add3A_479 : i32
      %lt3A_481 = arith.constant 80 : i32
      %lt3A_482 = arith.cmpi slt, %add3A_480, %lt3A_481 : i32
      %convert_element_type3A_483 = arith.extui %lt3A_482 : i1 to i32
      %cond3A_484 = arith.constant 0 : i32
      %cond3A_485 = arith.cmpi ne, %convert_element_type3A_483, %cond3A_484 : i32
      scf.if %cond3A_485 {
        %ge3A = arith.constant 2 : i32
        %ge3A_519 = arith.cmpi sge, %add3A_478, %ge3A : i32
        %convert_element_type3A_520 = arith.extui %ge3A_519 : i1 to i32
        %cond3A_521 = arith.constant 0 : i32
        %cond3A_522 = arith.cmpi ne, %convert_element_type3A_520, %cond3A_521 : i32
        scf.if %cond3A_522 {
          %dma_wait3A_553 = arith.constant 0 : i32
          %dma_wait3A_554 = arith.constant 0 : i32
          %dma_wait3A_555 = arith.constant 1 : i32
          %dma_wait3A_556 = arith.constant 0 : i32
          %dma_wait3A_557 = arith.constant 0 : i32
          %dma_wait3A_558 = tpu.memref_slice %arg8[%dma_wait3A_553, %dma_wait3A_556, %dma_wait3A_557] : memref<3x128x128xf32, #tpu.memory_space<vmem>> -> memref<1x128x128xf32, #tpu.memory_space<vmem>>
          %dma_wait3A_559 = tpu.memref_squeeze %dma_wait3A_558 : memref<1x128x128xf32, #tpu.memory_space<vmem>> -> memref<128x128xf32, #tpu.memory_space<vmem>>
          %dma_wait3A_560 = arith.constant 0 : i32
          %dma_wait3A_561 = tpu.memref_slice %arg7[%dma_wait3A_554, %dma_wait3A_555, %dma_wait3A_560] : memref<6x2x128xi32, #tpu.memory_space<vmem>> -> memref<1x1x128xi32, #tpu.memory_space<vmem>>
          %dma_wait3A_562 = tpu.memref_squeeze %dma_wait3A_561 : memref<1x1x128xi32, #tpu.memory_space<vmem>> -> memref<128xi32, #tpu.memory_space<vmem>>
          %dma_wait3A_563 = arith.constant 0 : i32
          %dma_wait3A_564 = arith.constant 0 : i32
          %dma_wait3A_565 = tpu.memref_slice %arg6[%dma_wait3A_563, %dma_wait3A_564] : memref<10016x128xf32, #tpu.memory_space<vmem_shared>> -> memref<10016x128xf32, #tpu.memory_space<vmem_shared>>
          tpu.wait_indirect_dma semaphore(%arg12 : memref<!tpu.dma_semaphore, #tpu.memory_space<semaphore_mem>>) src(%dma_wait3A_559 : memref<128x128xf32, #tpu.memory_space<vmem>>) dst(%dma_wait3A_565 : memref<10016x128xf32, #tpu.memory_space<vmem_shared>>)
        } else {
        }
        %dma_wait3A_523 = arith.constant 0 : i32
        %dma_wait3A_524 = arith.constant 0 : i32
        %dma_wait3A_525 = arith.constant 0 : i32
        %dma_wait3A_526 = tpu.memref_slice %arg7[%dma_wait3A_523, %dma_wait3A_524, %dma_wait3A_525] : memref<6x2x128xi32, #tpu.memory_space<vmem>> -> memref<1x2x128xi32, #tpu.memory_space<vmem>>
        %dma_wait3A_527 = tpu.memref_squeeze %dma_wait3A_526 : memref<1x2x128xi32, #tpu.memory_space<vmem>> -> memref<2x128xi32, #tpu.memory_space<vmem>>
        %dma_wait3A_528 = arith.constant 0 : i32
        %dma_wait3A_529 = arith.constant 0 : i32
        %dma_wait3A_530 = tpu.memref_slice %arg3[%mul3A_2, %dma_wait3A_528, %dma_wait3A_529] : memref<2560x2x128xi32, #tpu.memory_space<hbm>> -> memref<1x2x128xi32, #tpu.memory_space<hbm>>
        %dma_wait3A_531 = tpu.memref_squeeze %dma_wait3A_530 : memref<1x2x128xi32, #tpu.memory_space<hbm>> -> memref<2x128xi32, #tpu.memory_space<hbm>>
        %dma_wait3A_532 = arith.constant 0 : i32
        %dma_wait3A_533 = arith.constant 0 : i32
        %dma_wait3A_534 = tpu.memref_slice %arg7[%dma_wait3A_523, %dma_wait3A_532, %dma_wait3A_533] : memref<6x2x128xi32, #tpu.memory_space<vmem>> -> memref<1x2x128xi32, #tpu.memory_space<vmem>>
        %dma_wait3A_535 = tpu.memref_squeeze %dma_wait3A_534 : memref<1x2x128xi32, #tpu.memory_space<vmem>> -> memref<2x128xi32, #tpu.memory_space<vmem>>
        %dma_wait3A_536 = arith.constant 0 : i32
        %dma_wait3A_537 = arith.constant 0 : i32
        %dma_wait3A_538 = tpu.memref_slice %arg3[%mul3A_2, %dma_wait3A_536, %dma_wait3A_537] : memref<2560x2x128xi32, #tpu.memory_space<hbm>> -> memref<1x2x128xi32, #tpu.memory_space<hbm>>
        %dma_wait3A_539 = tpu.memref_squeeze %dma_wait3A_538 : memref<1x2x128xi32, #tpu.memory_space<hbm>> -> memref<2x128xi32, #tpu.memory_space<hbm>>
        tpu.wait_dma2 semaphore(%arg15 : memref<!tpu.dma_semaphore, #tpu.memory_space<semaphore_mem>>) src(%dma_wait3A_539 : memref<2x128xi32, #tpu.memory_space<hbm>>) dst(%dma_wait3A_535 : memref<2x128xi32, #tpu.memory_space<vmem>>)
        %dma_start3A_540 = arith.constant 0 : i32
        %dma_start3A_541 = arith.constant 0 : i32
        %dma_start3A_542 = arith.constant 0 : i32
        %dma_start3A_543 = arith.constant 0 : i32
        %dma_start3A_544 = arith.constant 0 : i32
        %dma_start3A_545 = tpu.memref_slice %arg8[%dma_start3A_542, %dma_start3A_543, %dma_start3A_544] : memref<3x128x128xf32, #tpu.memory_space<vmem>> -> memref<1x128x128xf32, #tpu.memory_space<vmem>>
        %dma_start3A_546 = tpu.memref_squeeze %dma_start3A_545 : memref<1x128x128xf32, #tpu.memory_space<vmem>> -> memref<128x128xf32, #tpu.memory_space<vmem>>
        %dma_start3A_547 = arith.constant 0 : i32
        %dma_start3A_548 = tpu.memref_slice %arg7[%dma_start3A_540, %dma_start3A_541, %dma_start3A_547] : memref<6x2x128xi32, #tpu.memory_space<vmem>> -> memref<1x1x128xi32, #tpu.memory_space<vmem>>
        %dma_start3A_549 = tpu.memref_squeeze %dma_start3A_548 : memref<1x1x128xi32, #tpu.memory_space<vmem>> -> memref<128xi32, #tpu.memory_space<vmem>>
        %dma_start3A_550 = arith.constant 0 : i32
        %dma_start3A_551 = arith.constant 0 : i32
        %dma_start3A_552 = tpu.memref_slice %arg2[%dma_start3A_550, %dma_start3A_551] : memref<10240x128xf32, #tpu.memory_space<hbm>> -> memref<10240x128xf32, #tpu.memory_space<hbm>>
        tpu.enqueue_indirect_dma source(%dma_start3A_552 : memref<10240x128xf32, #tpu.memory_space<hbm>>) target(%dma_start3A_546 : memref<128x128xf32, #tpu.memory_space<vmem>>) offsets(%dma_start3A_549 : memref<128xi32, #tpu.memory_space<vmem>>) semaphore(%arg9 : memref<!tpu.dma_semaphore, #tpu.memory_space<semaphore_mem>>)
      } else {
      }
      %add3A_486 = arith.constant 4 : i32
      %add3A_487 = arith.addi %add3A_478, %add3A_486 : i32
      %lt3A_488 = arith.constant 80 : i32
      %lt3A_489 = arith.cmpi slt, %add3A_487, %lt3A_488 : i32
      %convert_element_type3A_490 = arith.extui %lt3A_489 : i1 to i32
      %cond3A_491 = arith.constant 0 : i32
      %cond3A_492 = arith.cmpi ne, %convert_element_type3A_490, %cond3A_491 : i32
      scf.if %cond3A_492 {
        %add3A_519 = arith.constant 4 : i32
        %add3A_520 = arith.addi %add3A_478, %add3A_519 : i32
        %add3A_521 = arith.addi %mul3A_2, %add3A_520 : i32
        %dma_start3A_522 = arith.constant 3 : i32
        %dma_start3A_523 = arith.constant 0 : i32
        %dma_start3A_524 = arith.constant 0 : i32
        %dma_start3A_525 = tpu.memref_slice %arg7[%dma_start3A_522, %dma_start3A_523, %dma_start3A_524] : memref<6x2x128xi32, #tpu.memory_space<vmem>> -> memref<1x2x128xi32, #tpu.memory_space<vmem>>
        %dma_start3A_526 = tpu.memref_squeeze %dma_start3A_525 : memref<1x2x128xi32, #tpu.memory_space<vmem>> -> memref<2x128xi32, #tpu.memory_space<vmem>>
        %dma_start3A_527 = arith.constant 0 : i32
        %dma_start3A_528 = arith.constant 0 : i32
        %dma_start3A_529 = tpu.memref_slice %arg3[%add3A_521, %dma_start3A_527, %dma_start3A_528] : memref<2560x2x128xi32, #tpu.memory_space<hbm>> -> memref<1x2x128xi32, #tpu.memory_space<hbm>>
        %dma_start3A_530 = tpu.memref_squeeze %dma_start3A_529 : memref<1x2x128xi32, #tpu.memory_space<hbm>> -> memref<2x128xi32, #tpu.memory_space<hbm>>
        %dma_start3A_531 = arith.constant 0 : i32
        %dma_start3A_532 = arith.constant 0 : i32
        %dma_start3A_533 = tpu.memref_slice %arg7[%dma_start3A_522, %dma_start3A_531, %dma_start3A_532] : memref<6x2x128xi32, #tpu.memory_space<vmem>> -> memref<1x2x128xi32, #tpu.memory_space<vmem>>
        %dma_start3A_534 = tpu.memref_squeeze %dma_start3A_533 : memref<1x2x128xi32, #tpu.memory_space<vmem>> -> memref<2x128xi32, #tpu.memory_space<vmem>>
        %dma_start3A_535 = arith.constant 0 : i32
        %dma_start3A_536 = arith.constant 0 : i32
        %dma_start3A_537 = tpu.memref_slice %arg3[%add3A_521, %dma_start3A_535, %dma_start3A_536] : memref<2560x2x128xi32, #tpu.memory_space<hbm>> -> memref<1x2x128xi32, #tpu.memory_space<hbm>>
        %dma_start3A_538 = tpu.memref_squeeze %dma_start3A_537 : memref<1x2x128xi32, #tpu.memory_space<hbm>> -> memref<2x128xi32, #tpu.memory_space<hbm>>
        tpu.enqueue_dma source(%dma_start3A_538 : memref<2x128xi32, #tpu.memory_space<hbm>>) target(%dma_start3A_534 : memref<2x128xi32, #tpu.memory_space<vmem>>) target_semaphore(%arg18 : memref<!tpu.dma_semaphore, #tpu.memory_space<semaphore_mem>>)
      } else {
      }
      %dma_wait3A_493 = arith.constant 0 : i32
      %dma_wait3A_494 = arith.constant 0 : i32
      %dma_wait3A_495 = arith.constant 2 : i32
      %dma_wait3A_496 = arith.constant 0 : i32
      %dma_wait3A_497 = arith.constant 0 : i32
      %dma_wait3A_498 = tpu.memref_slice %arg8[%dma_wait3A_495, %dma_wait3A_496, %dma_wait3A_497] : memref<3x128x128xf32, #tpu.memory_space<vmem>> -> memref<1x128x128xf32, #tpu.memory_space<vmem>>
      %dma_wait3A_499 = tpu.memref_squeeze %dma_wait3A_498 : memref<1x128x128xf32, #tpu.memory_space<vmem>> -> memref<128x128xf32, #tpu.memory_space<vmem>>
      %dma_wait3A_500 = arith.constant 0 : i32
      %dma_wait3A_501 = tpu.memref_slice %arg7[%dma_wait3A_493, %dma_wait3A_494, %dma_wait3A_500] : memref<6x2x128xi32, #tpu.memory_space<vmem>> -> memref<1x1x128xi32, #tpu.memory_space<vmem>>
      %dma_wait3A_502 = tpu.memref_squeeze %dma_wait3A_501 : memref<1x1x128xi32, #tpu.memory_space<vmem>> -> memref<128xi32, #tpu.memory_space<vmem>>
      %dma_wait3A_503 = arith.constant 0 : i32
      %dma_wait3A_504 = arith.constant 0 : i32
      %dma_wait3A_505 = tpu.memref_slice %arg2[%dma_wait3A_503, %dma_wait3A_504] : memref<10240x128xf32, #tpu.memory_space<hbm>> -> memref<10240x128xf32, #tpu.memory_space<hbm>>
      tpu.wait_indirect_dma semaphore(%arg11 : memref<!tpu.dma_semaphore, #tpu.memory_space<semaphore_mem>>) src(%dma_wait3A_505 : memref<10240x128xf32, #tpu.memory_space<hbm>>) dst(%dma_wait3A_499 : memref<128x128xf32, #tpu.memory_space<vmem>>)
      %dma_start3A_506 = arith.constant 2 : i32
      %dma_start3A_507 = arith.constant 5 : i32
      %dma_start3A_508 = arith.constant 1 : i32
      %dma_start3A_509 = arith.constant 0 : i32
      %dma_start3A_510 = arith.constant 0 : i32
      %dma_start3A_511 = tpu.memref_slice %arg8[%dma_start3A_506, %dma_start3A_509, %dma_start3A_510] : memref<3x128x128xf32, #tpu.memory_space<vmem>> -> memref<1x128x128xf32, #tpu.memory_space<vmem>>
      %dma_start3A_512 = tpu.memref_squeeze %dma_start3A_511 : memref<1x128x128xf32, #tpu.memory_space<vmem>> -> memref<128x128xf32, #tpu.memory_space<vmem>>
      %dma_start3A_513 = arith.constant 0 : i32
      %dma_start3A_514 = tpu.memref_slice %arg7[%dma_start3A_507, %dma_start3A_508, %dma_start3A_513] : memref<6x2x128xi32, #tpu.memory_space<vmem>> -> memref<1x1x128xi32, #tpu.memory_space<vmem>>
      %dma_start3A_515 = tpu.memref_squeeze %dma_start3A_514 : memref<1x1x128xi32, #tpu.memory_space<vmem>> -> memref<128xi32, #tpu.memory_space<vmem>>
      %dma_start3A_516 = arith.constant 0 : i32
      %dma_start3A_517 = arith.constant 0 : i32
      %dma_start3A_518 = tpu.memref_slice %arg6[%dma_start3A_516, %dma_start3A_517] : memref<10016x128xf32, #tpu.memory_space<vmem_shared>> -> memref<10016x128xf32, #tpu.memory_space<vmem_shared>>
      tpu.enqueue_indirect_dma source(%dma_start3A_512 : memref<128x128xf32, #tpu.memory_space<vmem>>) target(%dma_start3A_518 : memref<10016x128xf32, #tpu.memory_space<vmem_shared>>) offsets(%dma_start3A_515 : memref<128xi32, #tpu.memory_space<vmem>>) semaphore(%arg14 : memref<!tpu.dma_semaphore, #tpu.memory_space<semaphore_mem>>) {add = true}
    }
    %scan3A_116 = arith.constant 13 : i32
    %dma_wait3A_117 = arith.constant 1 : i32
    %dma_wait3A_118 = arith.constant 0 : i32
    %dma_wait3A_119 = arith.constant 1 : i32
    %dma_wait3A_120 = arith.constant 0 : i32
    %dma_wait3A_121 = arith.constant 0 : i32
    %dma_wait3A_122 = tpu.memref_slice %arg8[%dma_wait3A_117, %dma_wait3A_120, %dma_wait3A_121] : memref<3x128x128xf32, #tpu.memory_space<vmem>> -> memref<1x128x128xf32, #tpu.memory_space<vmem>>
    %dma_wait3A_123 = tpu.memref_squeeze %dma_wait3A_122 : memref<1x128x128xf32, #tpu.memory_space<vmem>> -> memref<128x128xf32, #tpu.memory_space<vmem>>
    %dma_wait3A_124 = arith.constant 0 : i32
    %dma_wait3A_125 = tpu.memref_slice %arg7[%dma_wait3A_118, %dma_wait3A_119, %dma_wait3A_124] : memref<6x2x128xi32, #tpu.memory_space<vmem>> -> memref<1x1x128xi32, #tpu.memory_space<vmem>>
    %dma_wait3A_126 = tpu.memref_squeeze %dma_wait3A_125 : memref<1x1x128xi32, #tpu.memory_space<vmem>> -> memref<128xi32, #tpu.memory_space<vmem>>
    %dma_wait3A_127 = arith.constant 0 : i32
    %dma_wait3A_128 = arith.constant 0 : i32
    %dma_wait3A_129 = tpu.memref_slice %arg6[%dma_wait3A_127, %dma_wait3A_128] : memref<10016x128xf32, #tpu.memory_space<vmem_shared>> -> memref<10016x128xf32, #tpu.memory_space<vmem_shared>>
    tpu.wait_indirect_dma semaphore(%arg13 : memref<!tpu.dma_semaphore, #tpu.memory_space<semaphore_mem>>) src(%dma_wait3A_123 : memref<128x128xf32, #tpu.memory_space<vmem>>) dst(%dma_wait3A_129 : memref<10016x128xf32, #tpu.memory_space<vmem_shared>>)
    %dma_wait3A_130 = arith.constant 1 : i32
    %dma_wait3A_131 = arith.constant 0 : i32
    %dma_wait3A_132 = arith.constant 0 : i32
    %dma_wait3A_133 = tpu.memref_slice %arg7[%dma_wait3A_130, %dma_wait3A_131, %dma_wait3A_132] : memref<6x2x128xi32, #tpu.memory_space<vmem>> -> memref<1x2x128xi32, #tpu.memory_space<vmem>>
    %dma_wait3A_134 = tpu.memref_squeeze %dma_wait3A_133 : memref<1x2x128xi32, #tpu.memory_space<vmem>> -> memref<2x128xi32, #tpu.memory_space<vmem>>
    %dma_wait3A_135 = arith.constant 0 : i32
    %dma_wait3A_136 = arith.constant 0 : i32
    %dma_wait3A_137 = tpu.memref_slice %arg3[%mul3A_2, %dma_wait3A_135, %dma_wait3A_136] : memref<2560x2x128xi32, #tpu.memory_space<hbm>> -> memref<1x2x128xi32, #tpu.memory_space<hbm>>
    %dma_wait3A_138 = tpu.memref_squeeze %dma_wait3A_137 : memref<1x2x128xi32, #tpu.memory_space<hbm>> -> memref<2x128xi32, #tpu.memory_space<hbm>>
    %dma_wait3A_139 = arith.constant 0 : i32
    %dma_wait3A_140 = arith.constant 0 : i32
    %dma_wait3A_141 = tpu.memref_slice %arg7[%dma_wait3A_130, %dma_wait3A_139, %dma_wait3A_140] : memref<6x2x128xi32, #tpu.memory_space<vmem>> -> memref<1x2x128xi32, #tpu.memory_space<vmem>>
    %dma_wait3A_142 = tpu.memref_squeeze %dma_wait3A_141 : memref<1x2x128xi32, #tpu.memory_space<vmem>> -> memref<2x128xi32, #tpu.memory_space<vmem>>
    %dma_wait3A_143 = arith.constant 0 : i32
    %dma_wait3A_144 = arith.constant 0 : i32
    %dma_wait3A_145 = tpu.memref_slice %arg3[%mul3A_2, %dma_wait3A_143, %dma_wait3A_144] : memref<2560x2x128xi32, #tpu.memory_space<hbm>> -> memref<1x2x128xi32, #tpu.memory_space<hbm>>
    %dma_wait3A_146 = tpu.memref_squeeze %dma_wait3A_145 : memref<1x2x128xi32, #tpu.memory_space<hbm>> -> memref<2x128xi32, #tpu.memory_space<hbm>>
    tpu.wait_dma2 semaphore(%arg16 : memref<!tpu.dma_semaphore, #tpu.memory_space<semaphore_mem>>) src(%dma_wait3A_146 : memref<2x128xi32, #tpu.memory_space<hbm>>) dst(%dma_wait3A_142 : memref<2x128xi32, #tpu.memory_space<vmem>>)
    %dma_start3A_147 = arith.constant 1 : i32
    %dma_start3A_148 = arith.constant 0 : i32
    %dma_start3A_149 = arith.constant 1 : i32
    %dma_start3A_150 = arith.constant 0 : i32
    %dma_start3A_151 = arith.constant 0 : i32
    %dma_start3A_152 = tpu.memref_slice %arg8[%dma_start3A_149, %dma_start3A_150, %dma_start3A_151] : memref<3x128x128xf32, #tpu.memory_space<vmem>> -> memref<1x128x128xf32, #tpu.memory_space<vmem>>
    %dma_start3A_153 = tpu.memref_squeeze %dma_start3A_152 : memref<1x128x128xf32, #tpu.memory_space<vmem>> -> memref<128x128xf32, #tpu.memory_space<vmem>>
    %dma_start3A_154 = arith.constant 0 : i32
    %dma_start3A_155 = tpu.memref_slice %arg7[%dma_start3A_147, %dma_start3A_148, %dma_start3A_154] : memref<6x2x128xi32, #tpu.memory_space<vmem>> -> memref<1x1x128xi32, #tpu.memory_space<vmem>>
    %dma_start3A_156 = tpu.memref_squeeze %dma_start3A_155 : memref<1x1x128xi32, #tpu.memory_space<vmem>> -> memref<128xi32, #tpu.memory_space<vmem>>
    %dma_start3A_157 = arith.constant 0 : i32
    %dma_start3A_158 = arith.constant 0 : i32
    %dma_start3A_159 = tpu.memref_slice %arg2[%dma_start3A_157, %dma_start3A_158] : memref<10240x128xf32, #tpu.memory_space<hbm>> -> memref<10240x128xf32, #tpu.memory_space<hbm>>
    tpu.enqueue_indirect_dma source(%dma_start3A_159 : memref<10240x128xf32, #tpu.memory_space<hbm>>) target(%dma_start3A_153 : memref<128x128xf32, #tpu.memory_space<vmem>>) offsets(%dma_start3A_156 : memref<128xi32, #tpu.memory_space<vmem>>) semaphore(%arg10 : memref<!tpu.dma_semaphore, #tpu.memory_space<semaphore_mem>>)
    %dma_wait3A_160 = arith.constant 0 : i32
    %dma_wait3A_161 = arith.constant 0 : i32
    %dma_wait3A_162 = arith.constant 0 : i32
    %dma_wait3A_163 = arith.constant 0 : i32
    %dma_wait3A_164 = arith.constant 0 : i32
    %dma_wait3A_165 = tpu.memref_slice %arg8[%dma_wait3A_162, %dma_wait3A_163, %dma_wait3A_164] : memref<3x128x128xf32, #tpu.memory_space<vmem>> -> memref<1x128x128xf32, #tpu.memory_space<vmem>>
    %dma_wait3A_166 = tpu.memref_squeeze %dma_wait3A_165 : memref<1x128x128xf32, #tpu.memory_space<vmem>> -> memref<128x128xf32, #tpu.memory_space<vmem>>
    %dma_wait3A_167 = arith.constant 0 : i32
    %dma_wait3A_168 = tpu.memref_slice %arg7[%dma_wait3A_160, %dma_wait3A_161, %dma_wait3A_167] : memref<6x2x128xi32, #tpu.memory_space<vmem>> -> memref<1x1x128xi32, #tpu.memory_space<vmem>>
    %dma_wait3A_169 = tpu.memref_squeeze %dma_wait3A_168 : memref<1x1x128xi32, #tpu.memory_space<vmem>> -> memref<128xi32, #tpu.memory_space<vmem>>
    %dma_wait3A_170 = arith.constant 0 : i32
    %dma_wait3A_171 = arith.constant 0 : i32
    %dma_wait3A_172 = tpu.memref_slice %arg2[%dma_wait3A_170, %dma_wait3A_171] : memref<10240x128xf32, #tpu.memory_space<hbm>> -> memref<10240x128xf32, #tpu.memory_space<hbm>>
    tpu.wait_indirect_dma semaphore(%arg9 : memref<!tpu.dma_semaphore, #tpu.memory_space<semaphore_mem>>) src(%dma_wait3A_172 : memref<10240x128xf32, #tpu.memory_space<hbm>>) dst(%dma_wait3A_166 : memref<128x128xf32, #tpu.memory_space<vmem>>)
    %dma_start3A_173 = arith.constant 0 : i32
    %dma_start3A_174 = arith.constant 0 : i32
    %dma_start3A_175 = arith.constant 1 : i32
    %dma_start3A_176 = arith.constant 0 : i32
    %dma_start3A_177 = arith.constant 0 : i32
    %dma_start3A_178 = tpu.memref_slice %arg8[%dma_start3A_173, %dma_start3A_176, %dma_start3A_177] : memref<3x128x128xf32, #tpu.memory_space<vmem>> -> memref<1x128x128xf32, #tpu.memory_space<vmem>>
    %dma_start3A_179 = tpu.memref_squeeze %dma_start3A_178 : memref<1x128x128xf32, #tpu.memory_space<vmem>> -> memref<128x128xf32, #tpu.memory_space<vmem>>
    %dma_start3A_180 = arith.constant 0 : i32
    %dma_start3A_181 = tpu.memref_slice %arg7[%dma_start3A_174, %dma_start3A_175, %dma_start3A_180] : memref<6x2x128xi32, #tpu.memory_space<vmem>> -> memref<1x1x128xi32, #tpu.memory_space<vmem>>
    %dma_start3A_182 = tpu.memref_squeeze %dma_start3A_181 : memref<1x1x128xi32, #tpu.memory_space<vmem>> -> memref<128xi32, #tpu.memory_space<vmem>>
    %dma_start3A_183 = arith.constant 0 : i32
    %dma_start3A_184 = arith.constant 0 : i32
    %dma_start3A_185 = tpu.memref_slice %arg6[%dma_start3A_183, %dma_start3A_184] : memref<10016x128xf32, #tpu.memory_space<vmem_shared>> -> memref<10016x128xf32, #tpu.memory_space<vmem_shared>>
    tpu.enqueue_indirect_dma source(%dma_start3A_179 : memref<128x128xf32, #tpu.memory_space<vmem>>) target(%dma_start3A_185 : memref<10016x128xf32, #tpu.memory_space<vmem_shared>>) offsets(%dma_start3A_182 : memref<128xi32, #tpu.memory_space<vmem>>) semaphore(%arg12 : memref<!tpu.dma_semaphore, #tpu.memory_space<semaphore_mem>>) {add = true}
    %dma_wait3A_186 = arith.constant 0 : i32
    %dma_wait3A_187 = arith.constant 0 : i32
    %dma_wait3A_188 = arith.constant 1 : i32
    %dma_wait3A_189 = arith.constant 0 : i32
    %dma_wait3A_190 = arith.constant 0 : i32
    %dma_wait3A_191 = tpu.memref_slice %arg8[%dma_wait3A_188, %dma_wait3A_189, %dma_wait3A_190] : memref<3x128x128xf32, #tpu.memory_space<vmem>> -> memref<1x128x128xf32, #tpu.memory_space<vmem>>
    %dma_wait3A_192 = tpu.memref_squeeze %dma_wait3A_191 : memref<1x128x128xf32, #tpu.memory_space<vmem>> -> memref<128x128xf32, #tpu.memory_space<vmem>>
    %dma_wait3A_193 = arith.constant 0 : i32
    %dma_wait3A_194 = tpu.memref_slice %arg7[%dma_wait3A_186, %dma_wait3A_187, %dma_wait3A_193] : memref<6x2x128xi32, #tpu.memory_space<vmem>> -> memref<1x1x128xi32, #tpu.memory_space<vmem>>
    %dma_wait3A_195 = tpu.memref_squeeze %dma_wait3A_194 : memref<1x1x128xi32, #tpu.memory_space<vmem>> -> memref<128xi32, #tpu.memory_space<vmem>>
    %dma_wait3A_196 = arith.constant 0 : i32
    %dma_wait3A_197 = arith.constant 0 : i32
    %dma_wait3A_198 = tpu.memref_slice %arg2[%dma_wait3A_196, %dma_wait3A_197] : memref<10240x128xf32, #tpu.memory_space<hbm>> -> memref<10240x128xf32, #tpu.memory_space<hbm>>
    tpu.wait_indirect_dma semaphore(%arg10 : memref<!tpu.dma_semaphore, #tpu.memory_space<semaphore_mem>>) src(%dma_wait3A_198 : memref<10240x128xf32, #tpu.memory_space<hbm>>) dst(%dma_wait3A_192 : memref<128x128xf32, #tpu.memory_space<vmem>>)
    %dma_start3A_199 = arith.constant 1 : i32
    %dma_start3A_200 = arith.constant 1 : i32
    %dma_start3A_201 = arith.constant 1 : i32
    %dma_start3A_202 = arith.constant 0 : i32
    %dma_start3A_203 = arith.constant 0 : i32
    %dma_start3A_204 = tpu.memref_slice %arg8[%dma_start3A_199, %dma_start3A_202, %dma_start3A_203] : memref<3x128x128xf32, #tpu.memory_space<vmem>> -> memref<1x128x128xf32, #tpu.memory_space<vmem>>
    %dma_start3A_205 = tpu.memref_squeeze %dma_start3A_204 : memref<1x128x128xf32, #tpu.memory_space<vmem>> -> memref<128x128xf32, #tpu.memory_space<vmem>>
    %dma_start3A_206 = arith.constant 0 : i32
    %dma_start3A_207 = tpu.memref_slice %arg7[%dma_start3A_200, %dma_start3A_201, %dma_start3A_206] : memref<6x2x128xi32, #tpu.memory_space<vmem>> -> memref<1x1x128xi32, #tpu.memory_space<vmem>>
    %dma_start3A_208 = tpu.memref_squeeze %dma_start3A_207 : memref<1x1x128xi32, #tpu.memory_space<vmem>> -> memref<128xi32, #tpu.memory_space<vmem>>
    %dma_start3A_209 = arith.constant 0 : i32
    %dma_start3A_210 = arith.constant 0 : i32
    %dma_start3A_211 = tpu.memref_slice %arg6[%dma_start3A_209, %dma_start3A_210] : memref<10016x128xf32, #tpu.memory_space<vmem_shared>> -> memref<10016x128xf32, #tpu.memory_space<vmem_shared>>
    tpu.enqueue_indirect_dma source(%dma_start3A_205 : memref<128x128xf32, #tpu.memory_space<vmem>>) target(%dma_start3A_211 : memref<10016x128xf32, #tpu.memory_space<vmem_shared>>) offsets(%dma_start3A_208 : memref<128xi32, #tpu.memory_space<vmem>>) semaphore(%arg13 : memref<!tpu.dma_semaphore, #tpu.memory_space<semaphore_mem>>) {add = true}
    %dma_wait3A_212 = arith.constant 2 : i32
    %dma_wait3A_213 = arith.constant 0 : i32
    %dma_wait3A_214 = arith.constant 1 : i32
    %dma_wait3A_215 = arith.constant 0 : i32
    %dma_wait3A_216 = arith.constant 0 : i32
    %dma_wait3A_217 = tpu.memref_slice %arg8[%dma_wait3A_212, %dma_wait3A_215, %dma_wait3A_216] : memref<3x128x128xf32, #tpu.memory_space<vmem>> -> memref<1x128x128xf32, #tpu.memory_space<vmem>>
    %dma_wait3A_218 = tpu.memref_squeeze %dma_wait3A_217 : memref<1x128x128xf32, #tpu.memory_space<vmem>> -> memref<128x128xf32, #tpu.memory_space<vmem>>
    %dma_wait3A_219 = arith.constant 0 : i32
    %dma_wait3A_220 = tpu.memref_slice %arg7[%dma_wait3A_213, %dma_wait3A_214, %dma_wait3A_219] : memref<6x2x128xi32, #tpu.memory_space<vmem>> -> memref<1x1x128xi32, #tpu.memory_space<vmem>>
    %dma_wait3A_221 = tpu.memref_squeeze %dma_wait3A_220 : memref<1x1x128xi32, #tpu.memory_space<vmem>> -> memref<128xi32, #tpu.memory_space<vmem>>
    %dma_wait3A_222 = arith.constant 0 : i32
    %dma_wait3A_223 = arith.constant 0 : i32
    %dma_wait3A_224 = tpu.memref_slice %arg6[%dma_wait3A_222, %dma_wait3A_223] : memref<10016x128xf32, #tpu.memory_space<vmem_shared>> -> memref<10016x128xf32, #tpu.memory_space<vmem_shared>>
    tpu.wait_indirect_dma semaphore(%arg14 : memref<!tpu.dma_semaphore, #tpu.memory_space<semaphore_mem>>) src(%dma_wait3A_218 : memref<128x128xf32, #tpu.memory_space<vmem>>) dst(%dma_wait3A_224 : memref<10016x128xf32, #tpu.memory_space<vmem_shared>>)
    %dma_wait3A_225 = arith.constant 0 : i32
    %dma_wait3A_226 = arith.constant 0 : i32
    %dma_wait3A_227 = arith.constant 1 : i32
    %dma_wait3A_228 = arith.constant 0 : i32
    %dma_wait3A_229 = arith.constant 0 : i32
    %dma_wait3A_230 = tpu.memref_slice %arg8[%dma_wait3A_225, %dma_wait3A_228, %dma_wait3A_229] : memref<3x128x128xf32, #tpu.memory_space<vmem>> -> memref<1x128x128xf32, #tpu.memory_space<vmem>>
    %dma_wait3A_231 = tpu.memref_squeeze %dma_wait3A_230 : memref<1x128x128xf32, #tpu.memory_space<vmem>> -> memref<128x128xf32, #tpu.memory_space<vmem>>
    %dma_wait3A_232 = arith.constant 0 : i32
    %dma_wait3A_233 = tpu.memref_slice %arg7[%dma_wait3A_226, %dma_wait3A_227, %dma_wait3A_232] : memref<6x2x128xi32, #tpu.memory_space<vmem>> -> memref<1x1x128xi32, #tpu.memory_space<vmem>>
    %dma_wait3A_234 = tpu.memref_squeeze %dma_wait3A_233 : memref<1x1x128xi32, #tpu.memory_space<vmem>> -> memref<128xi32, #tpu.memory_space<vmem>>
    %dma_wait3A_235 = arith.constant 0 : i32
    %dma_wait3A_236 = arith.constant 0 : i32
    %dma_wait3A_237 = tpu.memref_slice %arg6[%dma_wait3A_235, %dma_wait3A_236] : memref<10016x128xf32, #tpu.memory_space<vmem_shared>> -> memref<10016x128xf32, #tpu.memory_space<vmem_shared>>
    tpu.wait_indirect_dma semaphore(%arg12 : memref<!tpu.dma_semaphore, #tpu.memory_space<semaphore_mem>>) src(%dma_wait3A_231 : memref<128x128xf32, #tpu.memory_space<vmem>>) dst(%dma_wait3A_237 : memref<10016x128xf32, #tpu.memory_space<vmem_shared>>)
    %dma_wait3A_238 = arith.constant 1 : i32
    %dma_wait3A_239 = arith.constant 0 : i32
    %dma_wait3A_240 = arith.constant 1 : i32
    %dma_wait3A_241 = arith.constant 0 : i32
    %dma_wait3A_242 = arith.constant 0 : i32
    %dma_wait3A_243 = tpu.memref_slice %arg8[%dma_wait3A_238, %dma_wait3A_241, %dma_wait3A_242] : memref<3x128x128xf32, #tpu.memory_space<vmem>> -> memref<1x128x128xf32, #tpu.memory_space<vmem>>
    %dma_wait3A_244 = tpu.memref_squeeze %dma_wait3A_243 : memref<1x128x128xf32, #tpu.memory_space<vmem>> -> memref<128x128xf32, #tpu.memory_space<vmem>>
    %dma_wait3A_245 = arith.constant 0 : i32
    %dma_wait3A_246 = tpu.memref_slice %arg7[%dma_wait3A_239, %dma_wait3A_240, %dma_wait3A_245] : memref<6x2x128xi32, #tpu.memory_space<vmem>> -> memref<1x1x128xi32, #tpu.memory_space<vmem>>
    %dma_wait3A_247 = tpu.memref_squeeze %dma_wait3A_246 : memref<1x1x128xi32, #tpu.memory_space<vmem>> -> memref<128xi32, #tpu.memory_space<vmem>>
    %dma_wait3A_248 = arith.constant 0 : i32
    %dma_wait3A_249 = arith.constant 0 : i32
    %dma_wait3A_250 = tpu.memref_slice %arg6[%dma_wait3A_248, %dma_wait3A_249] : memref<10016x128xf32, #tpu.memory_space<vmem_shared>> -> memref<10016x128xf32, #tpu.memory_space<vmem_shared>>
    tpu.wait_indirect_dma semaphore(%arg13 : memref<!tpu.dma_semaphore, #tpu.memory_space<semaphore_mem>>) src(%dma_wait3A_244 : memref<128x128xf32, #tpu.memory_space<vmem>>) dst(%dma_wait3A_250 : memref<10016x128xf32, #tpu.memory_space<vmem_shared>>)
    %barrier3A_251 = arith.constant 0 : index
    tpu.barrier barrier_id(%barrier3A_251)
    %lt3A_252 = arith.constant 15 : i32
    %lt3A_253 = arith.cmpi slt, %arg1, %lt3A_252 : i32
    %convert_element_type3A_254 = arith.extui %lt3A_253 : i1 to i32
    %cond3A_255 = arith.constant 0 : i32
    %cond3A_256 = arith.cmpi ne, %convert_element_type3A_254, %cond3A_255 : i32
    scf.if %cond3A_256 {
      %mul3A_262 = arith.constant 632 : i32
      %mul3A_263 = arith.muli %arg1, %mul3A_262 : i32
      %mul3A_264 = arith.constant 632 : i32
      %mul3A_265 = arith.muli %arg1, %mul3A_264 : i32
      "tpu.region"() ({
        %run_scoped3A = tpu.sem_alloc : memref<!tpu.dma_semaphore, #tpu.memory_space<semaphore_mem>>
        %dma_start3A_266 = arith.constant 0 : i32
        %dma_start3A_267 = tpu.memref_slice %arg5[%arg0, %mul3A_265, %dma_start3A_266] : memref<2x10240x128xf32, #tpu.memory_space<hbm>> -> memref<1x632x128xf32, #tpu.memory_space<hbm>>
        %dma_start3A_268 = tpu.memref_squeeze %dma_start3A_267 : memref<1x632x128xf32, #tpu.memory_space<hbm>> -> memref<632x128xf32, #tpu.memory_space<hbm>>
        %dma_start3A_269 = arith.constant 0 : i32
        %dma_start3A_270 = tpu.memref_slice %arg6[%mul3A_263, %dma_start3A_269] : memref<10016x128xf32, #tpu.memory_space<vmem_shared>> -> memref<632x128xf32, #tpu.memory_space<vmem_shared>>
        tpu.enqueue_dma source(%dma_start3A_270 : memref<632x128xf32, #tpu.memory_space<vmem_shared>>) target(%dma_start3A_268 : memref<632x128xf32, #tpu.memory_space<hbm>>) target_semaphore(%run_scoped3A : memref<!tpu.dma_semaphore, #tpu.memory_space<semaphore_mem>>)
        %dma_wait3A_271 = arith.constant 0 : i32
        %dma_wait3A_272 = tpu.memref_slice %arg5[%arg0, %mul3A_265, %dma_wait3A_271] : memref<2x10240x128xf32, #tpu.memory_space<hbm>> -> memref<1x632x128xf32, #tpu.memory_space<hbm>>
        %dma_wait3A_273 = tpu.memref_squeeze %dma_wait3A_272 : memref<1x632x128xf32, #tpu.memory_space<hbm>> -> memref<632x128xf32, #tpu.memory_space<hbm>>
        %dma_wait3A_274 = arith.constant 0 : i32
        %dma_wait3A_275 = tpu.memref_slice %arg6[%mul3A_263, %dma_wait3A_274] : memref<10016x128xf32, #tpu.memory_space<vmem_shared>> -> memref<632x128xf32, #tpu.memory_space<vmem_shared>>
        tpu.wait_dma2 semaphore(%run_scoped3A : memref<!tpu.dma_semaphore, #tpu.memory_space<semaphore_mem>>) src(%dma_wait3A_275 : memref<632x128xf32, #tpu.memory_space<vmem_shared>>) dst(%dma_wait3A_273 : memref<632x128xf32, #tpu.memory_space<hbm>>)
        tpu.yield
      }) : () -> ()
    } else {
    }
    %eq3A_257 = arith.constant 15 : i32
    %eq3A_258 = arith.cmpi eq, %arg1, %eq3A_257 : i32
    %convert_element_type3A_259 = arith.extui %eq3A_258 : i1 to i32
    %cond3A_260 = arith.constant 0 : i32
    %cond3A_261 = arith.cmpi ne, %convert_element_type3A_259, %cond3A_260 : i32
    scf.if %cond3A_261 {
      "tpu.region"() ({
        %run_scoped3A = tpu.sem_alloc : memref<!tpu.dma_semaphore, #tpu.memory_space<semaphore_mem>>
        %dma_start3A_262 = arith.constant 9480 : i32
        %dma_start3A_263 = arith.constant 0 : i32
        %dma_start3A_264 = tpu.memref_slice %arg5[%arg0, %dma_start3A_262, %dma_start3A_263] : memref<2x10240x128xf32, #tpu.memory_space<hbm>> -> memref<1x536x128xf32, #tpu.memory_space<hbm>>
        %dma_start3A_265 = tpu.memref_squeeze %dma_start3A_264 : memref<1x536x128xf32, #tpu.memory_space<hbm>> -> memref<536x128xf32, #tpu.memory_space<hbm>>
        %dma_start3A_266 = arith.constant 9480 : i32
        %dma_start3A_267 = arith.constant 0 : i32
        %dma_start3A_268 = tpu.memref_slice %arg6[%dma_start3A_266, %dma_start3A_267] : memref<10016x128xf32, #tpu.memory_space<vmem_shared>> -> memref<536x128xf32, #tpu.memory_space<vmem_shared>>
        tpu.enqueue_dma source(%dma_start3A_268 : memref<536x128xf32, #tpu.memory_space<vmem_shared>>) target(%dma_start3A_265 : memref<536x128xf32, #tpu.memory_space<hbm>>) target_semaphore(%run_scoped3A : memref<!tpu.dma_semaphore, #tpu.memory_space<semaphore_mem>>)
        %dma_wait3A_269 = arith.constant 9480 : i32
        %dma_wait3A_270 = arith.constant 0 : i32
        %dma_wait3A_271 = tpu.memref_slice %arg5[%arg0, %dma_wait3A_269, %dma_wait3A_270] : memref<2x10240x128xf32, #tpu.memory_space<hbm>> -> memref<1x536x128xf32, #tpu.memory_space<hbm>>
        %dma_wait3A_272 = tpu.memref_squeeze %dma_wait3A_271 : memref<1x536x128xf32, #tpu.memory_space<hbm>> -> memref<536x128xf32, #tpu.memory_space<hbm>>
        %dma_wait3A_273 = arith.constant 9480 : i32
        %dma_wait3A_274 = arith.constant 0 : i32
        %dma_wait3A_275 = tpu.memref_slice %arg6[%dma_wait3A_273, %dma_wait3A_274] : memref<10016x128xf32, #tpu.memory_space<vmem_shared>> -> memref<536x128xf32, #tpu.memory_space<vmem_shared>>
        tpu.wait_dma2 semaphore(%run_scoped3A : memref<!tpu.dma_semaphore, #tpu.memory_space<semaphore_mem>>) src(%dma_wait3A_275 : memref<536x128xf32, #tpu.memory_space<vmem_shared>>) dst(%dma_wait3A_272 : memref<536x128xf32, #tpu.memory_space<hbm>>)
        tpu.yield
      }) : () -> ()
    } else {
    }
    return
  }
}

#map = affine_map<(d0, d1) -> (0, 0, 0)>
#map1 = affine_map<(d0, d1) -> (0, 0)>
module attributes {stable_mosaic.version = 14 : i64} {
  func.func @deg_kernel(%arg0: i32, %arg1: i32, %arg2: memref<2560x2x128xi32, #tpu.memory_space<hbm>>, %arg3: memref<128x8xf32, #tpu.memory_space<hbm>>, %arg4: memref<632x8xf32, #tpu.memory_space<hbm>>, %arg5: memref<2x10240x8xf32, #tpu.memory_space<hbm>>, %arg6: memref<10016x8xf32, #tpu.memory_space<vmem_shared>>, %arg7: memref<80x2x128xi32, #tpu.memory_space<vmem>>, %arg8: memref<128x8xf32, #tpu.memory_space<vmem>>, %arg9: memref<!tpu.dma_semaphore, #tpu.memory_space<semaphore_mem>>) attributes {dimension_semantics = [#tpu.dimension_semantics<core_parallel>, #tpu.dimension_semantics<subcore_parallel>], iteration_bounds = array<i64: 2, 16>, scalar_prefetch = 0 : i64, scratch_operands = 4 : i64, tpu.core_type = #tpu.core_type<sc_vector_subcore>, window_params = [{transform_indices = #map}, {transform_indices = #map1}, {transform_indices = #map1}, {transform_indices = #map}]} {
    %lt3A = arith.constant 15 : i32
    %lt3A_0 = arith.cmpi slt, %arg1, %lt3A : i32
    %convert_element_type3A = arith.extui %lt3A_0 : i1 to i32
    %cond3A = arith.constant 0 : i32
    %cond3A_1 = arith.cmpi ne, %convert_element_type3A, %cond3A : i32
    scf.if %cond3A_1 {
      %mul3A_88 = arith.constant 632 : i32
      %mul3A_89 = arith.muli %arg1, %mul3A_88 : i32
      "tpu.region"() ({
        %run_scoped3A = tpu.sem_alloc : memref<!tpu.dma_semaphore, #tpu.memory_space<semaphore_mem>>
        %dma_start3A = arith.constant 0 : i32
        %dma_start3A_90 = tpu.memref_slice %arg6[%mul3A_89, %dma_start3A] : memref<10016x8xf32, #tpu.memory_space<vmem_shared>> -> memref<632x8xf32, #tpu.memory_space<vmem_shared>>
        tpu.enqueue_dma source(%arg4 : memref<632x8xf32, #tpu.memory_space<hbm>>) target(%dma_start3A_90 : memref<632x8xf32, #tpu.memory_space<vmem_shared>>) target_semaphore(%run_scoped3A : memref<!tpu.dma_semaphore, #tpu.memory_space<semaphore_mem>>)
        %dma_wait3A_91 = arith.constant 0 : i32
        %dma_wait3A_92 = tpu.memref_slice %arg6[%mul3A_89, %dma_wait3A_91] : memref<10016x8xf32, #tpu.memory_space<vmem_shared>> -> memref<632x8xf32, #tpu.memory_space<vmem_shared>>
        tpu.wait_dma2 semaphore(%run_scoped3A : memref<!tpu.dma_semaphore, #tpu.memory_space<semaphore_mem>>) src(%arg4 : memref<632x8xf32, #tpu.memory_space<hbm>>) dst(%dma_wait3A_92 : memref<632x8xf32, #tpu.memory_space<vmem_shared>>)
        tpu.yield
      }) : () -> ()
    } else {
    }
    %eq3A = arith.constant 15 : i32
    %eq3A_2 = arith.cmpi eq, %arg1, %eq3A : i32
    %convert_element_type3A_3 = arith.extui %eq3A_2 : i1 to i32
    %cond3A_4 = arith.constant 0 : i32
    %cond3A_5 = arith.cmpi ne, %convert_element_type3A_3, %cond3A_4 : i32
    scf.if %cond3A_5 {
      "tpu.region"() ({
        %run_scoped3A = tpu.sem_alloc : memref<!tpu.dma_semaphore, #tpu.memory_space<semaphore_mem>>
        %dma_start3A = arith.constant 9480 : i32
        %dma_start3A_88 = arith.constant 0 : i32
        %dma_start3A_89 = tpu.memref_slice %arg6[%dma_start3A, %dma_start3A_88] : memref<10016x8xf32, #tpu.memory_space<vmem_shared>> -> memref<536x8xf32, #tpu.memory_space<vmem_shared>>
        %dma_start3A_90 = arith.constant 0 : i32
        %dma_start3A_91 = arith.constant 0 : i32
        %dma_start3A_92 = tpu.memref_slice %arg4[%dma_start3A_90, %dma_start3A_91] : memref<632x8xf32, #tpu.memory_space<hbm>> -> memref<536x8xf32, #tpu.memory_space<hbm>>
        tpu.enqueue_dma source(%dma_start3A_92 : memref<536x8xf32, #tpu.memory_space<hbm>>) target(%dma_start3A_89 : memref<536x8xf32, #tpu.memory_space<vmem_shared>>) target_semaphore(%run_scoped3A : memref<!tpu.dma_semaphore, #tpu.memory_space<semaphore_mem>>)
        %dma_wait3A_93 = arith.constant 9480 : i32
        %dma_wait3A_94 = arith.constant 0 : i32
        %dma_wait3A_95 = tpu.memref_slice %arg6[%dma_wait3A_93, %dma_wait3A_94] : memref<10016x8xf32, #tpu.memory_space<vmem_shared>> -> memref<536x8xf32, #tpu.memory_space<vmem_shared>>
        %dma_wait3A_96 = arith.constant 0 : i32
        %dma_wait3A_97 = arith.constant 0 : i32
        %dma_wait3A_98 = tpu.memref_slice %arg4[%dma_wait3A_96, %dma_wait3A_97] : memref<632x8xf32, #tpu.memory_space<hbm>> -> memref<536x8xf32, #tpu.memory_space<hbm>>
        tpu.wait_dma2 semaphore(%run_scoped3A : memref<!tpu.dma_semaphore, #tpu.memory_space<semaphore_mem>>) src(%dma_wait3A_98 : memref<536x8xf32, #tpu.memory_space<hbm>>) dst(%dma_wait3A_95 : memref<536x8xf32, #tpu.memory_space<vmem_shared>>)
        tpu.yield
      }) : () -> ()
    } else {
    }
    "tpu.region"() ({
      %run_scoped3A = tpu.sem_alloc : memref<!tpu.dma_semaphore, #tpu.memory_space<semaphore_mem>>
      tpu.enqueue_dma source(%arg3 : memref<128x8xf32, #tpu.memory_space<hbm>>) target(%arg8 : memref<128x8xf32, #tpu.memory_space<vmem>>) target_semaphore(%run_scoped3A : memref<!tpu.dma_semaphore, #tpu.memory_space<semaphore_mem>>)
      tpu.wait_dma2 semaphore(%run_scoped3A : memref<!tpu.dma_semaphore, #tpu.memory_space<semaphore_mem>>) src(%arg3 : memref<128x8xf32, #tpu.memory_space<hbm>>) dst(%arg8 : memref<128x8xf32, #tpu.memory_space<vmem>>)
      tpu.yield
    }) : () -> ()
    %mul3A = arith.constant 16 : i32
    %mul3A_6 = arith.muli %arg0, %mul3A : i32
    %add3A = arith.addi %mul3A_6, %arg1 : i32
    %mul3A_7 = arith.constant 80 : i32
    %mul3A_8 = arith.muli %add3A, %mul3A_7 : i32
    "tpu.region"() ({
      %run_scoped3A = tpu.sem_alloc : memref<!tpu.dma_semaphore, #tpu.memory_space<semaphore_mem>>
      %dma_start3A = arith.constant 0 : i32
      %dma_start3A_88 = arith.constant 0 : i32
      %dma_start3A_89 = tpu.memref_slice %arg2[%mul3A_8, %dma_start3A, %dma_start3A_88] : memref<2560x2x128xi32, #tpu.memory_space<hbm>> -> memref<80x2x128xi32, #tpu.memory_space<hbm>>
      %dma_start3A_90 = arith.constant 0 : i32
      %dma_start3A_91 = arith.constant 0 : i32
      %dma_start3A_92 = tpu.memref_slice %arg2[%mul3A_8, %dma_start3A_90, %dma_start3A_91] : memref<2560x2x128xi32, #tpu.memory_space<hbm>> -> memref<80x2x128xi32, #tpu.memory_space<hbm>>
      tpu.enqueue_dma source(%dma_start3A_92 : memref<80x2x128xi32, #tpu.memory_space<hbm>>) target(%arg7 : memref<80x2x128xi32, #tpu.memory_space<vmem>>) target_semaphore(%run_scoped3A : memref<!tpu.dma_semaphore, #tpu.memory_space<semaphore_mem>>)
      %dma_wait3A_93 = arith.constant 0 : i32
      %dma_wait3A_94 = arith.constant 0 : i32
      %dma_wait3A_95 = tpu.memref_slice %arg2[%mul3A_8, %dma_wait3A_93, %dma_wait3A_94] : memref<2560x2x128xi32, #tpu.memory_space<hbm>> -> memref<80x2x128xi32, #tpu.memory_space<hbm>>
      %dma_wait3A_96 = arith.constant 0 : i32
      %dma_wait3A_97 = arith.constant 0 : i32
      %dma_wait3A_98 = tpu.memref_slice %arg2[%mul3A_8, %dma_wait3A_96, %dma_wait3A_97] : memref<2560x2x128xi32, #tpu.memory_space<hbm>> -> memref<80x2x128xi32, #tpu.memory_space<hbm>>
      tpu.wait_dma2 semaphore(%run_scoped3A : memref<!tpu.dma_semaphore, #tpu.memory_space<semaphore_mem>>) src(%dma_wait3A_98 : memref<80x2x128xi32, #tpu.memory_space<hbm>>) dst(%arg7 : memref<80x2x128xi32, #tpu.memory_space<vmem>>)
      tpu.yield
    }) : () -> ()
    %barrier3A = arith.constant 0 : index
    tpu.barrier barrier_id(%barrier3A)
    %scan3A = arith.constant 0 : i32
    %scan3A_9 = arith.constant 0 : i32
    %scan3A_10 = arith.constant 80 : i32
    %scan3A_11 = arith.addi %scan3A_9, %scan3A_10 : i32
    %scan3A_12 = arith.constant 1 : i32
    scf.for %scan3A_88 = %scan3A_9 to %scan3A_11 step %scan3A_12  : i32 {
      %dma_start3A = arith.constant 1 : i32
      %dma_start3A_89 = arith.constant 0 : i32
      %dma_start3A_90 = tpu.memref_slice %arg7[%scan3A_88, %dma_start3A, %dma_start3A_89] : memref<80x2x128xi32, #tpu.memory_space<vmem>> -> memref<1x1x128xi32, #tpu.memory_space<vmem>>
      %dma_start3A_91 = tpu.memref_squeeze %dma_start3A_90 : memref<1x1x128xi32, #tpu.memory_space<vmem>> -> memref<128xi32, #tpu.memory_space<vmem>>
      %dma_start3A_92 = arith.constant 0 : i32
      %dma_start3A_93 = arith.constant 0 : i32
      %dma_start3A_94 = tpu.memref_slice %arg6[%dma_start3A_92, %dma_start3A_93] : memref<10016x8xf32, #tpu.memory_space<vmem_shared>> -> memref<10016x8xf32, #tpu.memory_space<vmem_shared>>
      tpu.enqueue_indirect_dma source(%arg8 : memref<128x8xf32, #tpu.memory_space<vmem>>) target(%dma_start3A_94 : memref<10016x8xf32, #tpu.memory_space<vmem_shared>>) offsets(%dma_start3A_91 : memref<128xi32, #tpu.memory_space<vmem>>) semaphore(%arg9 : memref<!tpu.dma_semaphore, #tpu.memory_space<semaphore_mem>>) {add = true}
      %ge3A = arith.constant 8 : i32
      %ge3A_95 = arith.cmpi sge, %scan3A_88, %ge3A : i32
      %convert_element_type3A_96 = arith.extui %ge3A_95 : i1 to i32
      %cond3A_97 = arith.constant 0 : i32
      %cond3A_98 = arith.cmpi ne, %convert_element_type3A_96, %cond3A_97 : i32
      scf.if %cond3A_98 {
        %dma_wait3A_99 = arith.constant 0 : i32
        %dma_wait3A_100 = arith.constant 1 : i32
        %dma_wait3A_101 = arith.constant 0 : i32
        %dma_wait3A_102 = tpu.memref_slice %arg7[%dma_wait3A_99, %dma_wait3A_100, %dma_wait3A_101] : memref<80x2x128xi32, #tpu.memory_space<vmem>> -> memref<1x1x128xi32, #tpu.memory_space<vmem>>
        %dma_wait3A_103 = tpu.memref_squeeze %dma_wait3A_102 : memref<1x1x128xi32, #tpu.memory_space<vmem>> -> memref<128xi32, #tpu.memory_space<vmem>>
        %dma_wait3A_104 = arith.constant 0 : i32
        %dma_wait3A_105 = arith.constant 0 : i32
        %dma_wait3A_106 = tpu.memref_slice %arg6[%dma_wait3A_104, %dma_wait3A_105] : memref<10016x8xf32, #tpu.memory_space<vmem_shared>> -> memref<10016x8xf32, #tpu.memory_space<vmem_shared>>
        tpu.wait_indirect_dma semaphore(%arg9 : memref<!tpu.dma_semaphore, #tpu.memory_space<semaphore_mem>>) src(%arg8 : memref<128x8xf32, #tpu.memory_space<vmem>>) dst(%dma_wait3A_106 : memref<10016x8xf32, #tpu.memory_space<vmem_shared>>)
      } else {
      }
    }
    %scan3A_13 = arith.constant 80 : i32
    %dma_wait3A = arith.constant 0 : i32
    %dma_wait3A_14 = arith.constant 1 : i32
    %dma_wait3A_15 = arith.constant 0 : i32
    %dma_wait3A_16 = tpu.memref_slice %arg7[%dma_wait3A, %dma_wait3A_14, %dma_wait3A_15] : memref<80x2x128xi32, #tpu.memory_space<vmem>> -> memref<1x1x128xi32, #tpu.memory_space<vmem>>
    %dma_wait3A_17 = tpu.memref_squeeze %dma_wait3A_16 : memref<1x1x128xi32, #tpu.memory_space<vmem>> -> memref<128xi32, #tpu.memory_space<vmem>>
    %dma_wait3A_18 = arith.constant 0 : i32
    %dma_wait3A_19 = arith.constant 0 : i32
    %dma_wait3A_20 = tpu.memref_slice %arg6[%dma_wait3A_18, %dma_wait3A_19] : memref<10016x8xf32, #tpu.memory_space<vmem_shared>> -> memref<10016x8xf32, #tpu.memory_space<vmem_shared>>
    tpu.wait_indirect_dma semaphore(%arg9 : memref<!tpu.dma_semaphore, #tpu.memory_space<semaphore_mem>>) src(%arg8 : memref<128x8xf32, #tpu.memory_space<vmem>>) dst(%dma_wait3A_20 : memref<10016x8xf32, #tpu.memory_space<vmem_shared>>)
    %dma_wait3A_21 = arith.constant 0 : i32
    %dma_wait3A_22 = arith.constant 1 : i32
    %dma_wait3A_23 = arith.constant 0 : i32
    %dma_wait3A_24 = tpu.memref_slice %arg7[%dma_wait3A_21, %dma_wait3A_22, %dma_wait3A_23] : memref<80x2x128xi32, #tpu.memory_space<vmem>> -> memref<1x1x128xi32, #tpu.memory_space<vmem>>
    %dma_wait3A_25 = tpu.memref_squeeze %dma_wait3A_24 : memref<1x1x128xi32, #tpu.memory_space<vmem>> -> memref<128xi32, #tpu.memory_space<vmem>>
    %dma_wait3A_26 = arith.constant 0 : i32
    %dma_wait3A_27 = arith.constant 0 : i32
    %dma_wait3A_28 = tpu.memref_slice %arg6[%dma_wait3A_26, %dma_wait3A_27] : memref<10016x8xf32, #tpu.memory_space<vmem_shared>> -> memref<10016x8xf32, #tpu.memory_space<vmem_shared>>
    tpu.wait_indirect_dma semaphore(%arg9 : memref<!tpu.dma_semaphore, #tpu.memory_space<semaphore_mem>>) src(%arg8 : memref<128x8xf32, #tpu.memory_space<vmem>>) dst(%dma_wait3A_28 : memref<10016x8xf32, #tpu.memory_space<vmem_shared>>)
    %dma_wait3A_29 = arith.constant 0 : i32
    %dma_wait3A_30 = arith.constant 1 : i32
    %dma_wait3A_31 = arith.constant 0 : i32
    %dma_wait3A_32 = tpu.memref_slice %arg7[%dma_wait3A_29, %dma_wait3A_30, %dma_wait3A_31] : memref<80x2x128xi32, #tpu.memory_space<vmem>> -> memref<1x1x128xi32, #tpu.memory_space<vmem>>
    %dma_wait3A_33 = tpu.memref_squeeze %dma_wait3A_32 : memref<1x1x128xi32, #tpu.memory_space<vmem>> -> memref<128xi32, #tpu.memory_space<vmem>>
    %dma_wait3A_34 = arith.constant 0 : i32
    %dma_wait3A_35 = arith.constant 0 : i32
    %dma_wait3A_36 = tpu.memref_slice %arg6[%dma_wait3A_34, %dma_wait3A_35] : memref<10016x8xf32, #tpu.memory_space<vmem_shared>> -> memref<10016x8xf32, #tpu.memory_space<vmem_shared>>
    tpu.wait_indirect_dma semaphore(%arg9 : memref<!tpu.dma_semaphore, #tpu.memory_space<semaphore_mem>>) src(%arg8 : memref<128x8xf32, #tpu.memory_space<vmem>>) dst(%dma_wait3A_36 : memref<10016x8xf32, #tpu.memory_space<vmem_shared>>)
    %dma_wait3A_37 = arith.constant 0 : i32
    %dma_wait3A_38 = arith.constant 1 : i32
    %dma_wait3A_39 = arith.constant 0 : i32
    %dma_wait3A_40 = tpu.memref_slice %arg7[%dma_wait3A_37, %dma_wait3A_38, %dma_wait3A_39] : memref<80x2x128xi32, #tpu.memory_space<vmem>> -> memref<1x1x128xi32, #tpu.memory_space<vmem>>
    %dma_wait3A_41 = tpu.memref_squeeze %dma_wait3A_40 : memref<1x1x128xi32, #tpu.memory_space<vmem>> -> memref<128xi32, #tpu.memory_space<vmem>>
    %dma_wait3A_42 = arith.constant 0 : i32
    %dma_wait3A_43 = arith.constant 0 : i32
    %dma_wait3A_44 = tpu.memref_slice %arg6[%dma_wait3A_42, %dma_wait3A_43] : memref<10016x8xf32, #tpu.memory_space<vmem_shared>> -> memref<10016x8xf32, #tpu.memory_space<vmem_shared>>
    tpu.wait_indirect_dma semaphore(%arg9 : memref<!tpu.dma_semaphore, #tpu.memory_space<semaphore_mem>>) src(%arg8 : memref<128x8xf32, #tpu.memory_space<vmem>>) dst(%dma_wait3A_44 : memref<10016x8xf32, #tpu.memory_space<vmem_shared>>)
    %dma_wait3A_45 = arith.constant 0 : i32
    %dma_wait3A_46 = arith.constant 1 : i32
    %dma_wait3A_47 = arith.constant 0 : i32
    %dma_wait3A_48 = tpu.memref_slice %arg7[%dma_wait3A_45, %dma_wait3A_46, %dma_wait3A_47] : memref<80x2x128xi32, #tpu.memory_space<vmem>> -> memref<1x1x128xi32, #tpu.memory_space<vmem>>
    %dma_wait3A_49 = tpu.memref_squeeze %dma_wait3A_48 : memref<1x1x128xi32, #tpu.memory_space<vmem>> -> memref<128xi32, #tpu.memory_space<vmem>>
    %dma_wait3A_50 = arith.constant 0 : i32
    %dma_wait3A_51 = arith.constant 0 : i32
    %dma_wait3A_52 = tpu.memref_slice %arg6[%dma_wait3A_50, %dma_wait3A_51] : memref<10016x8xf32, #tpu.memory_space<vmem_shared>> -> memref<10016x8xf32, #tpu.memory_space<vmem_shared>>
    tpu.wait_indirect_dma semaphore(%arg9 : memref<!tpu.dma_semaphore, #tpu.memory_space<semaphore_mem>>) src(%arg8 : memref<128x8xf32, #tpu.memory_space<vmem>>) dst(%dma_wait3A_52 : memref<10016x8xf32, #tpu.memory_space<vmem_shared>>)
    %dma_wait3A_53 = arith.constant 0 : i32
    %dma_wait3A_54 = arith.constant 1 : i32
    %dma_wait3A_55 = arith.constant 0 : i32
    %dma_wait3A_56 = tpu.memref_slice %arg7[%dma_wait3A_53, %dma_wait3A_54, %dma_wait3A_55] : memref<80x2x128xi32, #tpu.memory_space<vmem>> -> memref<1x1x128xi32, #tpu.memory_space<vmem>>
    %dma_wait3A_57 = tpu.memref_squeeze %dma_wait3A_56 : memref<1x1x128xi32, #tpu.memory_space<vmem>> -> memref<128xi32, #tpu.memory_space<vmem>>
    %dma_wait3A_58 = arith.constant 0 : i32
    %dma_wait3A_59 = arith.constant 0 : i32
    %dma_wait3A_60 = tpu.memref_slice %arg6[%dma_wait3A_58, %dma_wait3A_59] : memref<10016x8xf32, #tpu.memory_space<vmem_shared>> -> memref<10016x8xf32, #tpu.memory_space<vmem_shared>>
    tpu.wait_indirect_dma semaphore(%arg9 : memref<!tpu.dma_semaphore, #tpu.memory_space<semaphore_mem>>) src(%arg8 : memref<128x8xf32, #tpu.memory_space<vmem>>) dst(%dma_wait3A_60 : memref<10016x8xf32, #tpu.memory_space<vmem_shared>>)
    %dma_wait3A_61 = arith.constant 0 : i32
    %dma_wait3A_62 = arith.constant 1 : i32
    %dma_wait3A_63 = arith.constant 0 : i32
    %dma_wait3A_64 = tpu.memref_slice %arg7[%dma_wait3A_61, %dma_wait3A_62, %dma_wait3A_63] : memref<80x2x128xi32, #tpu.memory_space<vmem>> -> memref<1x1x128xi32, #tpu.memory_space<vmem>>
    %dma_wait3A_65 = tpu.memref_squeeze %dma_wait3A_64 : memref<1x1x128xi32, #tpu.memory_space<vmem>> -> memref<128xi32, #tpu.memory_space<vmem>>
    %dma_wait3A_66 = arith.constant 0 : i32
    %dma_wait3A_67 = arith.constant 0 : i32
    %dma_wait3A_68 = tpu.memref_slice %arg6[%dma_wait3A_66, %dma_wait3A_67] : memref<10016x8xf32, #tpu.memory_space<vmem_shared>> -> memref<10016x8xf32, #tpu.memory_space<vmem_shared>>
    tpu.wait_indirect_dma semaphore(%arg9 : memref<!tpu.dma_semaphore, #tpu.memory_space<semaphore_mem>>) src(%arg8 : memref<128x8xf32, #tpu.memory_space<vmem>>) dst(%dma_wait3A_68 : memref<10016x8xf32, #tpu.memory_space<vmem_shared>>)
    %dma_wait3A_69 = arith.constant 0 : i32
    %dma_wait3A_70 = arith.constant 1 : i32
    %dma_wait3A_71 = arith.constant 0 : i32
    %dma_wait3A_72 = tpu.memref_slice %arg7[%dma_wait3A_69, %dma_wait3A_70, %dma_wait3A_71] : memref<80x2x128xi32, #tpu.memory_space<vmem>> -> memref<1x1x128xi32, #tpu.memory_space<vmem>>
    %dma_wait3A_73 = tpu.memref_squeeze %dma_wait3A_72 : memref<1x1x128xi32, #tpu.memory_space<vmem>> -> memref<128xi32, #tpu.memory_space<vmem>>
    %dma_wait3A_74 = arith.constant 0 : i32
    %dma_wait3A_75 = arith.constant 0 : i32
    %dma_wait3A_76 = tpu.memref_slice %arg6[%dma_wait3A_74, %dma_wait3A_75] : memref<10016x8xf32, #tpu.memory_space<vmem_shared>> -> memref<10016x8xf32, #tpu.memory_space<vmem_shared>>
    tpu.wait_indirect_dma semaphore(%arg9 : memref<!tpu.dma_semaphore, #tpu.memory_space<semaphore_mem>>) src(%arg8 : memref<128x8xf32, #tpu.memory_space<vmem>>) dst(%dma_wait3A_76 : memref<10016x8xf32, #tpu.memory_space<vmem_shared>>)
    %barrier3A_77 = arith.constant 0 : index
    tpu.barrier barrier_id(%barrier3A_77)
    %lt3A_78 = arith.constant 15 : i32
    %lt3A_79 = arith.cmpi slt, %arg1, %lt3A_78 : i32
    %convert_element_type3A_80 = arith.extui %lt3A_79 : i1 to i32
    %cond3A_81 = arith.constant 0 : i32
    %cond3A_82 = arith.cmpi ne, %convert_element_type3A_80, %cond3A_81 : i32
    scf.if %cond3A_82 {
      %mul3A_88 = arith.constant 632 : i32
      %mul3A_89 = arith.muli %arg1, %mul3A_88 : i32
      %mul3A_90 = arith.constant 632 : i32
      %mul3A_91 = arith.muli %arg1, %mul3A_90 : i32
      "tpu.region"() ({
        %run_scoped3A = tpu.sem_alloc : memref<!tpu.dma_semaphore, #tpu.memory_space<semaphore_mem>>
        %dma_start3A = arith.constant 0 : i32
        %dma_start3A_92 = tpu.memref_slice %arg5[%arg0, %mul3A_91, %dma_start3A] : memref<2x10240x8xf32, #tpu.memory_space<hbm>> -> memref<1x632x8xf32, #tpu.memory_space<hbm>>
        %dma_start3A_93 = tpu.memref_squeeze %dma_start3A_92 : memref<1x632x8xf32, #tpu.memory_space<hbm>> -> memref<632x8xf32, #tpu.memory_space<hbm>>
        %dma_start3A_94 = arith.constant 0 : i32
        %dma_start3A_95 = tpu.memref_slice %arg6[%mul3A_89, %dma_start3A_94] : memref<10016x8xf32, #tpu.memory_space<vmem_shared>> -> memref<632x8xf32, #tpu.memory_space<vmem_shared>>
        tpu.enqueue_dma source(%dma_start3A_95 : memref<632x8xf32, #tpu.memory_space<vmem_shared>>) target(%dma_start3A_93 : memref<632x8xf32, #tpu.memory_space<hbm>>) target_semaphore(%run_scoped3A : memref<!tpu.dma_semaphore, #tpu.memory_space<semaphore_mem>>)
        %dma_wait3A_96 = arith.constant 0 : i32
        %dma_wait3A_97 = tpu.memref_slice %arg5[%arg0, %mul3A_91, %dma_wait3A_96] : memref<2x10240x8xf32, #tpu.memory_space<hbm>> -> memref<1x632x8xf32, #tpu.memory_space<hbm>>
        %dma_wait3A_98 = tpu.memref_squeeze %dma_wait3A_97 : memref<1x632x8xf32, #tpu.memory_space<hbm>> -> memref<632x8xf32, #tpu.memory_space<hbm>>
        %dma_wait3A_99 = arith.constant 0 : i32
        %dma_wait3A_100 = tpu.memref_slice %arg6[%mul3A_89, %dma_wait3A_99] : memref<10016x8xf32, #tpu.memory_space<vmem_shared>> -> memref<632x8xf32, #tpu.memory_space<vmem_shared>>
        tpu.wait_dma2 semaphore(%run_scoped3A : memref<!tpu.dma_semaphore, #tpu.memory_space<semaphore_mem>>) src(%dma_wait3A_100 : memref<632x8xf32, #tpu.memory_space<vmem_shared>>) dst(%dma_wait3A_98 : memref<632x8xf32, #tpu.memory_space<hbm>>)
        tpu.yield
      }) : () -> ()
    } else {
    }
    %eq3A_83 = arith.constant 15 : i32
    %eq3A_84 = arith.cmpi eq, %arg1, %eq3A_83 : i32
    %convert_element_type3A_85 = arith.extui %eq3A_84 : i1 to i32
    %cond3A_86 = arith.constant 0 : i32
    %cond3A_87 = arith.cmpi ne, %convert_element_type3A_85, %cond3A_86 : i32
    scf.if %cond3A_87 {
      "tpu.region"() ({
        %run_scoped3A = tpu.sem_alloc : memref<!tpu.dma_semaphore, #tpu.memory_space<semaphore_mem>>
        %dma_start3A = arith.constant 9480 : i32
        %dma_start3A_88 = arith.constant 0 : i32
        %dma_start3A_89 = tpu.memref_slice %arg5[%arg0, %dma_start3A, %dma_start3A_88] : memref<2x10240x8xf32, #tpu.memory_space<hbm>> -> memref<1x536x8xf32, #tpu.memory_space<hbm>>
        %dma_start3A_90 = tpu.memref_squeeze %dma_start3A_89 : memref<1x536x8xf32, #tpu.memory_space<hbm>> -> memref<536x8xf32, #tpu.memory_space<hbm>>
        %dma_start3A_91 = arith.constant 9480 : i32
        %dma_start3A_92 = arith.constant 0 : i32
        %dma_start3A_93 = tpu.memref_slice %arg6[%dma_start3A_91, %dma_start3A_92] : memref<10016x8xf32, #tpu.memory_space<vmem_shared>> -> memref<536x8xf32, #tpu.memory_space<vmem_shared>>
        tpu.enqueue_dma source(%dma_start3A_93 : memref<536x8xf32, #tpu.memory_space<vmem_shared>>) target(%dma_start3A_90 : memref<536x8xf32, #tpu.memory_space<hbm>>) target_semaphore(%run_scoped3A : memref<!tpu.dma_semaphore, #tpu.memory_space<semaphore_mem>>)
        %dma_wait3A_94 = arith.constant 9480 : i32
        %dma_wait3A_95 = arith.constant 0 : i32
        %dma_wait3A_96 = tpu.memref_slice %arg5[%arg0, %dma_wait3A_94, %dma_wait3A_95] : memref<2x10240x8xf32, #tpu.memory_space<hbm>> -> memref<1x536x8xf32, #tpu.memory_space<hbm>>
        %dma_wait3A_97 = tpu.memref_squeeze %dma_wait3A_96 : memref<1x536x8xf32, #tpu.memory_space<hbm>> -> memref<536x8xf32, #tpu.memory_space<hbm>>
        %dma_wait3A_98 = arith.constant 9480 : i32
        %dma_wait3A_99 = arith.constant 0 : i32
        %dma_wait3A_100 = tpu.memref_slice %arg6[%dma_wait3A_98, %dma_wait3A_99] : memref<10016x8xf32, #tpu.memory_space<vmem_shared>> -> memref<536x8xf32, #tpu.memory_space<vmem_shared>>
        tpu.wait_dma2 semaphore(%run_scoped3A : memref<!tpu.dma_semaphore, #tpu.memory_space<semaphore_mem>>) src(%dma_wait3A_100 : memref<536x8xf32, #tpu.memory_space<vmem_shared>>) dst(%dma_wait3A_97 : memref<536x8xf32, #tpu.memory_space<hbm>>)
        tpu.yield
      }) : () -> ()
    } else {
    }
    return
  }
}

#map = affine_map<(d0, d1) -> (0, 0)>
#map1 = affine_map<(d0, d1) -> (0, 0, 0)>
module attributes {stable_mosaic.version = 14 : i64} {
  func.func @agg_kernel(%arg0: i32, %arg1: i32, %arg2: memref<10240x128xf32, #tpu.memory_space<hbm>>, %arg3: memref<2560x2x128xi32, #tpu.memory_space<hbm>>, %arg4: memref<632x128xf32, #tpu.memory_space<hbm>>, %arg5: memref<2x10240x128xf32, #tpu.memory_space<hbm>>, %arg6: memref<10016x128xf32, #tpu.memory_space<vmem_shared>>, %arg7: memref<6x2x128xi32, #tpu.memory_space<vmem>>, %arg8: memref<3x128x128xf32, #tpu.memory_space<vmem>>, %arg9: memref<!tpu.dma_semaphore, #tpu.memory_space<semaphore_mem>>, %arg10: memref<!tpu.dma_semaphore, #tpu.memory_space<semaphore_mem>>, %arg11: memref<!tpu.dma_semaphore, #tpu.memory_space<semaphore_mem>>, %arg12: memref<!tpu.dma_semaphore, #tpu.memory_space<semaphore_mem>>, %arg13: memref<!tpu.dma_semaphore, #tpu.memory_space<semaphore_mem>>, %arg14: memref<!tpu.dma_semaphore, #tpu.memory_space<semaphore_mem>>, %arg15: memref<!tpu.dma_semaphore, #tpu.memory_space<semaphore_mem>>, %arg16: memref<!tpu.dma_semaphore, #tpu.memory_space<semaphore_mem>>, %arg17: memref<!tpu.dma_semaphore, #tpu.memory_space<semaphore_mem>>, %arg18: memref<!tpu.dma_semaphore, #tpu.memory_space<semaphore_mem>>, %arg19: memref<!tpu.dma_semaphore, #tpu.memory_space<semaphore_mem>>, %arg20: memref<!tpu.dma_semaphore, #tpu.memory_space<semaphore_mem>>) attributes {dimension_semantics = [#tpu.dimension_semantics<core_parallel>, #tpu.dimension_semantics<subcore_parallel>], iteration_bounds = array<i64: 2, 16>, scalar_prefetch = 0 : i64, scratch_operands = 15 : i64, tpu.core_type = #tpu.core_type<sc_vector_subcore>, window_params = [{transform_indices = #map}, {transform_indices = #map1}, {transform_indices = #map}, {transform_indices = #map1}]} {
    %mul3A = arith.constant 16 : i32
    %mul3A_0 = arith.muli %arg0, %mul3A : i32
    %add3A = arith.addi %mul3A_0, %arg1 : i32
    %mul3A_1 = arith.constant 80 : i32
    %mul3A_2 = arith.muli %add3A, %mul3A_1 : i32
    %lt3A = arith.constant 15 : i32
    %lt3A_3 = arith.cmpi slt, %arg1, %lt3A : i32
    %convert_element_type3A = arith.extui %lt3A_3 : i1 to i32
    %cond3A = arith.constant 0 : i32
    %cond3A_4 = arith.cmpi ne, %convert_element_type3A, %cond3A : i32
    scf.if %cond3A_4 {
      %mul3A_262 = arith.constant 632 : i32
      %mul3A_263 = arith.muli %arg1, %mul3A_262 : i32
      "tpu.region"() ({
        %run_scoped3A = tpu.sem_alloc : memref<!tpu.dma_semaphore, #tpu.memory_space<semaphore_mem>>
        %dma_start3A_264 = arith.constant 0 : i32
        %dma_start3A_265 = tpu.memref_slice %arg6[%mul3A_263, %dma_start3A_264] : memref<10016x128xf32, #tpu.memory_space<vmem_shared>> -> memref<632x128xf32, #tpu.memory_space<vmem_shared>>
        tpu.enqueue_dma source(%arg4 : memref<632x128xf32, #tpu.memory_space<hbm>>) target(%dma_start3A_265 : memref<632x128xf32, #tpu.memory_space<vmem_shared>>) target_semaphore(%run_scoped3A : memref<!tpu.dma_semaphore, #tpu.memory_space<semaphore_mem>>)
        %dma_wait3A_266 = arith.constant 0 : i32
        %dma_wait3A_267 = tpu.memref_slice %arg6[%mul3A_263, %dma_wait3A_266] : memref<10016x128xf32, #tpu.memory_space<vmem_shared>> -> memref<632x128xf32, #tpu.memory_space<vmem_shared>>
        tpu.wait_dma2 semaphore(%run_scoped3A : memref<!tpu.dma_semaphore, #tpu.memory_space<semaphore_mem>>) src(%arg4 : memref<632x128xf32, #tpu.memory_space<hbm>>) dst(%dma_wait3A_267 : memref<632x128xf32, #tpu.memory_space<vmem_shared>>)
        tpu.yield
      }) : () -> ()
    } else {
    }
    %eq3A = arith.constant 15 : i32
    %eq3A_5 = arith.cmpi eq, %arg1, %eq3A : i32
    %convert_element_type3A_6 = arith.extui %eq3A_5 : i1 to i32
    %cond3A_7 = arith.constant 0 : i32
    %cond3A_8 = arith.cmpi ne, %convert_element_type3A_6, %cond3A_7 : i32
    scf.if %cond3A_8 {
      "tpu.region"() ({
        %run_scoped3A = tpu.sem_alloc : memref<!tpu.dma_semaphore, #tpu.memory_space<semaphore_mem>>
        %dma_start3A_262 = arith.constant 9480 : i32
        %dma_start3A_263 = arith.constant 0 : i32
        %dma_start3A_264 = tpu.memref_slice %arg6[%dma_start3A_262, %dma_start3A_263] : memref<10016x128xf32, #tpu.memory_space<vmem_shared>> -> memref<536x128xf32, #tpu.memory_space<vmem_shared>>
        %dma_start3A_265 = arith.constant 0 : i32
        %dma_start3A_266 = arith.constant 0 : i32
        %dma_start3A_267 = tpu.memref_slice %arg4[%dma_start3A_265, %dma_start3A_266] : memref<632x128xf32, #tpu.memory_space<hbm>> -> memref<536x128xf32, #tpu.memory_space<hbm>>
        tpu.enqueue_dma source(%dma_start3A_267 : memref<536x128xf32, #tpu.memory_space<hbm>>) target(%dma_start3A_264 : memref<536x128xf32, #tpu.memory_space<vmem_shared>>) target_semaphore(%run_scoped3A : memref<!tpu.dma_semaphore, #tpu.memory_space<semaphore_mem>>)
        %dma_wait3A_268 = arith.constant 9480 : i32
        %dma_wait3A_269 = arith.constant 0 : i32
        %dma_wait3A_270 = tpu.memref_slice %arg6[%dma_wait3A_268, %dma_wait3A_269] : memref<10016x128xf32, #tpu.memory_space<vmem_shared>> -> memref<536x128xf32, #tpu.memory_space<vmem_shared>>
        %dma_wait3A_271 = arith.constant 0 : i32
        %dma_wait3A_272 = arith.constant 0 : i32
        %dma_wait3A_273 = tpu.memref_slice %arg4[%dma_wait3A_271, %dma_wait3A_272] : memref<632x128xf32, #tpu.memory_space<hbm>> -> memref<536x128xf32, #tpu.memory_space<hbm>>
        tpu.wait_dma2 semaphore(%run_scoped3A : memref<!tpu.dma_semaphore, #tpu.memory_space<semaphore_mem>>) src(%dma_wait3A_273 : memref<536x128xf32, #tpu.memory_space<hbm>>) dst(%dma_wait3A_270 : memref<536x128xf32, #tpu.memory_space<vmem_shared>>)
        tpu.yield
      }) : () -> ()
    } else {
    }
    %add3A_9 = arith.constant 0 : i32
    %add3A_10 = arith.addi %mul3A_2, %add3A_9 : i32
    %dma_start3A = arith.constant 0 : i32
    %dma_start3A_11 = arith.constant 0 : i32
    %dma_start3A_12 = arith.constant 0 : i32
    %dma_start3A_13 = tpu.memref_slice %arg7[%dma_start3A, %dma_start3A_11, %dma_start3A_12] : memref<6x2x128xi32, #tpu.memory_space<vmem>> -> memref<1x2x128xi32, #tpu.memory_space<vmem>>
    %dma_start3A_14 = tpu.memref_squeeze %dma_start3A_13 : memref<1x2x128xi32, #tpu.memory_space<vmem>> -> memref<2x128xi32, #tpu.memory_space<vmem>>
    %dma_start3A_15 = arith.constant 0 : i32
    %dma_start3A_16 = arith.constant 0 : i32
    %dma_start3A_17 = tpu.memref_slice %arg3[%add3A_10, %dma_start3A_15, %dma_start3A_16] : memref<2560x2x128xi32, #tpu.memory_space<hbm>> -> memref<1x2x128xi32, #tpu.memory_space<hbm>>
    %dma_start3A_18 = tpu.memref_squeeze %dma_start3A_17 : memref<1x2x128xi32, #tpu.memory_space<hbm>> -> memref<2x128xi32, #tpu.memory_space<hbm>>
    %dma_start3A_19 = arith.constant 0 : i32
    %dma_start3A_20 = arith.constant 0 : i32
    %dma_start3A_21 = tpu.memref_slice %arg7[%dma_start3A, %dma_start3A_19, %dma_start3A_20] : memref<6x2x128xi32, #tpu.memory_space<vmem>> -> memref<1x2x128xi32, #tpu.memory_space<vmem>>
    %dma_start3A_22 = tpu.memref_squeeze %dma_start3A_21 : memref<1x2x128xi32, #tpu.memory_space<vmem>> -> memref<2x128xi32, #tpu.memory_space<vmem>>
    %dma_start3A_23 = arith.constant 0 : i32
    %dma_start3A_24 = arith.constant 0 : i32
    %dma_start3A_25 = tpu.memref_slice %arg3[%add3A_10, %dma_start3A_23, %dma_start3A_24] : memref<2560x2x128xi32, #tpu.memory_space<hbm>> -> memref<1x2x128xi32, #tpu.memory_space<hbm>>
    %dma_start3A_26 = tpu.memref_squeeze %dma_start3A_25 : memref<1x2x128xi32, #tpu.memory_space<hbm>> -> memref<2x128xi32, #tpu.memory_space<hbm>>
    tpu.enqueue_dma source(%dma_start3A_26 : memref<2x128xi32, #tpu.memory_space<hbm>>) target(%dma_start3A_22 : memref<2x128xi32, #tpu.memory_space<vmem>>) target_semaphore(%arg15 : memref<!tpu.dma_semaphore, #tpu.memory_space<semaphore_mem>>)
    %add3A_27 = arith.constant 1 : i32
    %add3A_28 = arith.addi %mul3A_2, %add3A_27 : i32
    %dma_start3A_29 = arith.constant 1 : i32
    %dma_start3A_30 = arith.constant 0 : i32
    %dma_start3A_31 = arith.constant 0 : i32
    %dma_start3A_32 = tpu.memref_slice %arg7[%dma_start3A_29, %dma_start3A_30, %dma_start3A_31] : memref<6x2x128xi32, #tpu.memory_space<vmem>> -> memref<1x2x128xi32, #tpu.memory_space<vmem>>
    %dma_start3A_33 = tpu.memref_squeeze %dma_start3A_32 : memref<1x2x128xi32, #tpu.memory_space<vmem>> -> memref<2x128xi32, #tpu.memory_space<vmem>>
    %dma_start3A_34 = arith.constant 0 : i32
    %dma_start3A_35 = arith.constant 0 : i32
    %dma_start3A_36 = tpu.memref_slice %arg3[%add3A_28, %dma_start3A_34, %dma_start3A_35] : memref<2560x2x128xi32, #tpu.memory_space<hbm>> -> memref<1x2x128xi32, #tpu.memory_space<hbm>>
    %dma_start3A_37 = tpu.memref_squeeze %dma_start3A_36 : memref<1x2x128xi32, #tpu.memory_space<hbm>> -> memref<2x128xi32, #tpu.memory_space<hbm>>
    %dma_start3A_38 = arith.constant 0 : i32
    %dma_start3A_39 = arith.constant 0 : i32
    %dma_start3A_40 = tpu.memref_slice %arg7[%dma_start3A_29, %dma_start3A_38, %dma_start3A_39] : memref<6x2x128xi32, #tpu.memory_space<vmem>> -> memref<1x2x128xi32, #tpu.memory_space<vmem>>
    %dma_start3A_41 = tpu.memref_squeeze %dma_start3A_40 : memref<1x2x128xi32, #tpu.memory_space<vmem>> -> memref<2x128xi32, #tpu.memory_space<vmem>>
    %dma_start3A_42 = arith.constant 0 : i32
    %dma_start3A_43 = arith.constant 0 : i32
    %dma_start3A_44 = tpu.memref_slice %arg3[%add3A_28, %dma_start3A_42, %dma_start3A_43] : memref<2560x2x128xi32, #tpu.memory_space<hbm>> -> memref<1x2x128xi32, #tpu.memory_space<hbm>>
    %dma_start3A_45 = tpu.memref_squeeze %dma_start3A_44 : memref<1x2x128xi32, #tpu.memory_space<hbm>> -> memref<2x128xi32, #tpu.memory_space<hbm>>
    tpu.enqueue_dma source(%dma_start3A_45 : memref<2x128xi32, #tpu.memory_space<hbm>>) target(%dma_start3A_41 : memref<2x128xi32, #tpu.memory_space<vmem>>) target_semaphore(%arg16 : memref<!tpu.dma_semaphore, #tpu.memory_space<semaphore_mem>>)
    %add3A_46 = arith.constant 2 : i32
    %add3A_47 = arith.addi %mul3A_2, %add3A_46 : i32
    %dma_start3A_48 = arith.constant 2 : i32
    %dma_start3A_49 = arith.constant 0 : i32
    %dma_start3A_50 = arith.constant 0 : i32
    %dma_start3A_51 = tpu.memref_slice %arg7[%dma_start3A_48, %dma_start3A_49, %dma_start3A_50] : memref<6x2x128xi32, #tpu.memory_space<vmem>> -> memref<1x2x128xi32, #tpu.memory_space<vmem>>
    %dma_start3A_52 = tpu.memref_squeeze %dma_start3A_51 : memref<1x2x128xi32, #tpu.memory_space<vmem>> -> memref<2x128xi32, #tpu.memory_space<vmem>>
    %dma_start3A_53 = arith.constant 0 : i32
    %dma_start3A_54 = arith.constant 0 : i32
    %dma_start3A_55 = tpu.memref_slice %arg3[%add3A_47, %dma_start3A_53, %dma_start3A_54] : memref<2560x2x128xi32, #tpu.memory_space<hbm>> -> memref<1x2x128xi32, #tpu.memory_space<hbm>>
    %dma_start3A_56 = tpu.memref_squeeze %dma_start3A_55 : memref<1x2x128xi32, #tpu.memory_space<hbm>> -> memref<2x128xi32, #tpu.memory_space<hbm>>
    %dma_start3A_57 = arith.constant 0 : i32
    %dma_start3A_58 = arith.constant 0 : i32
    %dma_start3A_59 = tpu.memref_slice %arg7[%dma_start3A_48, %dma_start3A_57, %dma_start3A_58] : memref<6x2x128xi32, #tpu.memory_space<vmem>> -> memref<1x2x128xi32, #tpu.memory_space<vmem>>
    %dma_start3A_60 = tpu.memref_squeeze %dma_start3A_59 : memref<1x2x128xi32, #tpu.memory_space<vmem>> -> memref<2x128xi32, #tpu.memory_space<vmem>>
    %dma_start3A_61 = arith.constant 0 : i32
    %dma_start3A_62 = arith.constant 0 : i32
    %dma_start3A_63 = tpu.memref_slice %arg3[%add3A_47, %dma_start3A_61, %dma_start3A_62] : memref<2560x2x128xi32, #tpu.memory_space<hbm>> -> memref<1x2x128xi32, #tpu.memory_space<hbm>>
    %dma_start3A_64 = tpu.memref_squeeze %dma_start3A_63 : memref<1x2x128xi32, #tpu.memory_space<hbm>> -> memref<2x128xi32, #tpu.memory_space<hbm>>
    tpu.enqueue_dma source(%dma_start3A_64 : memref<2x128xi32, #tpu.memory_space<hbm>>) target(%dma_start3A_60 : memref<2x128xi32, #tpu.memory_space<vmem>>) target_semaphore(%arg17 : memref<!tpu.dma_semaphore, #tpu.memory_space<semaphore_mem>>)
    %add3A_65 = arith.constant 3 : i32
    %add3A_66 = arith.addi %mul3A_2, %add3A_65 : i32
    %dma_start3A_67 = arith.constant 3 : i32
    %dma_start3A_68 = arith.constant 0 : i32
    %dma_start3A_69 = arith.constant 0 : i32
    %dma_start3A_70 = tpu.memref_slice %arg7[%dma_start3A_67, %dma_start3A_68, %dma_start3A_69] : memref<6x2x128xi32, #tpu.memory_space<vmem>> -> memref<1x2x128xi32, #tpu.memory_space<vmem>>
    %dma_start3A_71 = tpu.memref_squeeze %dma_start3A_70 : memref<1x2x128xi32, #tpu.memory_space<vmem>> -> memref<2x128xi32, #tpu.memory_space<vmem>>
    %dma_start3A_72 = arith.constant 0 : i32
    %dma_start3A_73 = arith.constant 0 : i32
    %dma_start3A_74 = tpu.memref_slice %arg3[%add3A_66, %dma_start3A_72, %dma_start3A_73] : memref<2560x2x128xi32, #tpu.memory_space<hbm>> -> memref<1x2x128xi32, #tpu.memory_space<hbm>>
    %dma_start3A_75 = tpu.memref_squeeze %dma_start3A_74 : memref<1x2x128xi32, #tpu.memory_space<hbm>> -> memref<2x128xi32, #tpu.memory_space<hbm>>
    %dma_start3A_76 = arith.constant 0 : i32
    %dma_start3A_77 = arith.constant 0 : i32
    %dma_start3A_78 = tpu.memref_slice %arg7[%dma_start3A_67, %dma_start3A_76, %dma_start3A_77] : memref<6x2x128xi32, #tpu.memory_space<vmem>> -> memref<1x2x128xi32, #tpu.memory_space<vmem>>
    %dma_start3A_79 = tpu.memref_squeeze %dma_start3A_78 : memref<1x2x128xi32, #tpu.memory_space<vmem>> -> memref<2x128xi32, #tpu.memory_space<vmem>>
    %dma_start3A_80 = arith.constant 0 : i32
    %dma_start3A_81 = arith.constant 0 : i32
    %dma_start3A_82 = tpu.memref_slice %arg3[%add3A_66, %dma_start3A_80, %dma_start3A_81] : memref<2560x2x128xi32, #tpu.memory_space<hbm>> -> memref<1x2x128xi32, #tpu.memory_space<hbm>>
    %dma_start3A_83 = tpu.memref_squeeze %dma_start3A_82 : memref<1x2x128xi32, #tpu.memory_space<hbm>> -> memref<2x128xi32, #tpu.memory_space<hbm>>
    tpu.enqueue_dma source(%dma_start3A_83 : memref<2x128xi32, #tpu.memory_space<hbm>>) target(%dma_start3A_79 : memref<2x128xi32, #tpu.memory_space<vmem>>) target_semaphore(%arg18 : memref<!tpu.dma_semaphore, #tpu.memory_space<semaphore_mem>>)
    %barrier3A = arith.constant 0 : index
    tpu.barrier barrier_id(%barrier3A)
    %dma_wait3A = arith.constant 0 : i32
    %dma_wait3A_84 = arith.constant 0 : i32
    %dma_wait3A_85 = arith.constant 0 : i32
    %dma_wait3A_86 = tpu.memref_slice %arg7[%dma_wait3A, %dma_wait3A_84, %dma_wait3A_85] : memref<6x2x128xi32, #tpu.memory_space<vmem>> -> memref<1x2x128xi32, #tpu.memory_space<vmem>>
    %dma_wait3A_87 = tpu.memref_squeeze %dma_wait3A_86 : memref<1x2x128xi32, #tpu.memory_space<vmem>> -> memref<2x128xi32, #tpu.memory_space<vmem>>
    %dma_wait3A_88 = arith.constant 0 : i32
    %dma_wait3A_89 = arith.constant 0 : i32
    %dma_wait3A_90 = tpu.memref_slice %arg3[%mul3A_2, %dma_wait3A_88, %dma_wait3A_89] : memref<2560x2x128xi32, #tpu.memory_space<hbm>> -> memref<1x2x128xi32, #tpu.memory_space<hbm>>
    %dma_wait3A_91 = tpu.memref_squeeze %dma_wait3A_90 : memref<1x2x128xi32, #tpu.memory_space<hbm>> -> memref<2x128xi32, #tpu.memory_space<hbm>>
    %dma_wait3A_92 = arith.constant 0 : i32
    %dma_wait3A_93 = arith.constant 0 : i32
    %dma_wait3A_94 = tpu.memref_slice %arg7[%dma_wait3A, %dma_wait3A_92, %dma_wait3A_93] : memref<6x2x128xi32, #tpu.memory_space<vmem>> -> memref<1x2x128xi32, #tpu.memory_space<vmem>>
    %dma_wait3A_95 = tpu.memref_squeeze %dma_wait3A_94 : memref<1x2x128xi32, #tpu.memory_space<vmem>> -> memref<2x128xi32, #tpu.memory_space<vmem>>
    %dma_wait3A_96 = arith.constant 0 : i32
    %dma_wait3A_97 = arith.constant 0 : i32
    %dma_wait3A_98 = tpu.memref_slice %arg3[%mul3A_2, %dma_wait3A_96, %dma_wait3A_97] : memref<2560x2x128xi32, #tpu.memory_space<hbm>> -> memref<1x2x128xi32, #tpu.memory_space<hbm>>
    %dma_wait3A_99 = tpu.memref_squeeze %dma_wait3A_98 : memref<1x2x128xi32, #tpu.memory_space<hbm>> -> memref<2x128xi32, #tpu.memory_space<hbm>>
    tpu.wait_dma2 semaphore(%arg15 : memref<!tpu.dma_semaphore, #tpu.memory_space<semaphore_mem>>) src(%dma_wait3A_99 : memref<2x128xi32, #tpu.memory_space<hbm>>) dst(%dma_wait3A_95 : memref<2x128xi32, #tpu.memory_space<vmem>>)
    %dma_start3A_100 = arith.constant 0 : i32
    %dma_start3A_101 = arith.constant 0 : i32
    %dma_start3A_102 = arith.constant 0 : i32
    %dma_start3A_103 = arith.constant 0 : i32
    %dma_start3A_104 = arith.constant 0 : i32
    %dma_start3A_105 = tpu.memref_slice %arg8[%dma_start3A_102, %dma_start3A_103, %dma_start3A_104] : memref<3x128x128xf32, #tpu.memory_space<vmem>> -> memref<1x128x128xf32, #tpu.memory_space<vmem>>
    %dma_start3A_106 = tpu.memref_squeeze %dma_start3A_105 : memref<1x128x128xf32, #tpu.memory_space<vmem>> -> memref<128x128xf32, #tpu.memory_space<vmem>>
    %dma_start3A_107 = arith.constant 0 : i32
    %dma_start3A_108 = tpu.memref_slice %arg7[%dma_start3A_100, %dma_start3A_101, %dma_start3A_107] : memref<6x2x128xi32, #tpu.memory_space<vmem>> -> memref<1x1x128xi32, #tpu.memory_space<vmem>>
    %dma_start3A_109 = tpu.memref_squeeze %dma_start3A_108 : memref<1x1x128xi32, #tpu.memory_space<vmem>> -> memref<128xi32, #tpu.memory_space<vmem>>
    %dma_start3A_110 = arith.constant 0 : i32
    %dma_start3A_111 = arith.constant 0 : i32
    %dma_start3A_112 = tpu.memref_slice %arg2[%dma_start3A_110, %dma_start3A_111] : memref<10240x128xf32, #tpu.memory_space<hbm>> -> memref<10240x128xf32, #tpu.memory_space<hbm>>
    tpu.enqueue_indirect_dma source(%dma_start3A_112 : memref<10240x128xf32, #tpu.memory_space<hbm>>) target(%dma_start3A_106 : memref<128x128xf32, #tpu.memory_space<vmem>>) offsets(%dma_start3A_109 : memref<128xi32, #tpu.memory_space<vmem>>) semaphore(%arg9 : memref<!tpu.dma_semaphore, #tpu.memory_space<semaphore_mem>>)
    %scan3A = arith.constant 0 : i32
    %scan3A_113 = arith.constant 13 : i32
    %scan3A_114 = arith.addi %scan3A, %scan3A_113 : i32
    %scan3A_115 = arith.constant 1 : i32
    scf.for %scan3A_262 = %scan3A to %scan3A_114 step %scan3A_115  : i32 {
      %mul3A_263 = arith.constant 6 : i32
      %mul3A_264 = arith.muli %scan3A_262, %mul3A_263 : i32
      %add3A_265 = arith.constant 0 : i32
      %add3A_266 = arith.addi %add3A_265, %mul3A_264 : i32
      %add3A_267 = arith.constant 0 : i32
      %add3A_268 = arith.addi %add3A_266, %add3A_267 : i32
      %add3A_269 = arith.constant 1 : i32
      %add3A_270 = arith.addi %add3A_268, %add3A_269 : i32
      %lt3A_271 = arith.constant 80 : i32
      %lt3A_272 = arith.cmpi slt, %add3A_270, %lt3A_271 : i32
      %convert_element_type3A_273 = arith.extui %lt3A_272 : i1 to i32
      %cond3A_274 = arith.constant 0 : i32
      %cond3A_275 = arith.cmpi ne, %convert_element_type3A_273, %cond3A_274 : i32
      scf.if %cond3A_275 {
        %ge3A = arith.constant 2 : i32
        %ge3A_519 = arith.cmpi sge, %add3A_268, %ge3A : i32
        %convert_element_type3A_520 = arith.extui %ge3A_519 : i1 to i32
        %cond3A_521 = arith.constant 0 : i32
        %cond3A_522 = arith.cmpi ne, %convert_element_type3A_520, %cond3A_521 : i32
        scf.if %cond3A_522 {
          %dma_wait3A_553 = arith.constant 1 : i32
          %dma_wait3A_554 = arith.constant 0 : i32
          %dma_wait3A_555 = arith.constant 1 : i32
          %dma_wait3A_556 = arith.constant 0 : i32
          %dma_wait3A_557 = arith.constant 0 : i32
          %dma_wait3A_558 = tpu.memref_slice %arg8[%dma_wait3A_553, %dma_wait3A_556, %dma_wait3A_557] : memref<3x128x128xf32, #tpu.memory_space<vmem>> -> memref<1x128x128xf32, #tpu.memory_space<vmem>>
          %dma_wait3A_559 = tpu.memref_squeeze %dma_wait3A_558 : memref<1x128x128xf32, #tpu.memory_space<vmem>> -> memref<128x128xf32, #tpu.memory_space<vmem>>
          %dma_wait3A_560 = arith.constant 0 : i32
          %dma_wait3A_561 = tpu.memref_slice %arg7[%dma_wait3A_554, %dma_wait3A_555, %dma_wait3A_560] : memref<6x2x128xi32, #tpu.memory_space<vmem>> -> memref<1x1x128xi32, #tpu.memory_space<vmem>>
          %dma_wait3A_562 = tpu.memref_squeeze %dma_wait3A_561 : memref<1x1x128xi32, #tpu.memory_space<vmem>> -> memref<128xi32, #tpu.memory_space<vmem>>
          %dma_wait3A_563 = arith.constant 0 : i32
          %dma_wait3A_564 = arith.constant 0 : i32
          %dma_wait3A_565 = tpu.memref_slice %arg6[%dma_wait3A_563, %dma_wait3A_564] : memref<10016x128xf32, #tpu.memory_space<vmem_shared>> -> memref<10016x128xf32, #tpu.memory_space<vmem_shared>>
          tpu.wait_indirect_dma semaphore(%arg13 : memref<!tpu.dma_semaphore, #tpu.memory_space<semaphore_mem>>) src(%dma_wait3A_559 : memref<128x128xf32, #tpu.memory_space<vmem>>) dst(%dma_wait3A_565 : memref<10016x128xf32, #tpu.memory_space<vmem_shared>>)
        } else {
        }
        %dma_wait3A_523 = arith.constant 1 : i32
        %dma_wait3A_524 = arith.constant 0 : i32
        %dma_wait3A_525 = arith.constant 0 : i32
        %dma_wait3A_526 = tpu.memref_slice %arg7[%dma_wait3A_523, %dma_wait3A_524, %dma_wait3A_525] : memref<6x2x128xi32, #tpu.memory_space<vmem>> -> memref<1x2x128xi32, #tpu.memory_space<vmem>>
        %dma_wait3A_527 = tpu.memref_squeeze %dma_wait3A_526 : memref<1x2x128xi32, #tpu.memory_space<vmem>> -> memref<2x128xi32, #tpu.memory_space<vmem>>
        %dma_wait3A_528 = arith.constant 0 : i32
        %dma_wait3A_529 = arith.constant 0 : i32
        %dma_wait3A_530 = tpu.memref_slice %arg3[%mul3A_2, %dma_wait3A_528, %dma_wait3A_529] : memref<2560x2x128xi32, #tpu.memory_space<hbm>> -> memref<1x2x128xi32, #tpu.memory_space<hbm>>
        %dma_wait3A_531 = tpu.memref_squeeze %dma_wait3A_530 : memref<1x2x128xi32, #tpu.memory_space<hbm>> -> memref<2x128xi32, #tpu.memory_space<hbm>>
        %dma_wait3A_532 = arith.constant 0 : i32
        %dma_wait3A_533 = arith.constant 0 : i32
        %dma_wait3A_534 = tpu.memref_slice %arg7[%dma_wait3A_523, %dma_wait3A_532, %dma_wait3A_533] : memref<6x2x128xi32, #tpu.memory_space<vmem>> -> memref<1x2x128xi32, #tpu.memory_space<vmem>>
        %dma_wait3A_535 = tpu.memref_squeeze %dma_wait3A_534 : memref<1x2x128xi32, #tpu.memory_space<vmem>> -> memref<2x128xi32, #tpu.memory_space<vmem>>
        %dma_wait3A_536 = arith.constant 0 : i32
        %dma_wait3A_537 = arith.constant 0 : i32
        %dma_wait3A_538 = tpu.memref_slice %arg3[%mul3A_2, %dma_wait3A_536, %dma_wait3A_537] : memref<2560x2x128xi32, #tpu.memory_space<hbm>> -> memref<1x2x128xi32, #tpu.memory_space<hbm>>
        %dma_wait3A_539 = tpu.memref_squeeze %dma_wait3A_538 : memref<1x2x128xi32, #tpu.memory_space<hbm>> -> memref<2x128xi32, #tpu.memory_space<hbm>>
        tpu.wait_dma2 semaphore(%arg16 : memref<!tpu.dma_semaphore, #tpu.memory_space<semaphore_mem>>) src(%dma_wait3A_539 : memref<2x128xi32, #tpu.memory_space<hbm>>) dst(%dma_wait3A_535 : memref<2x128xi32, #tpu.memory_space<vmem>>)
        %dma_start3A_540 = arith.constant 1 : i32
        %dma_start3A_541 = arith.constant 0 : i32
        %dma_start3A_542 = arith.constant 1 : i32
        %dma_start3A_543 = arith.constant 0 : i32
        %dma_start3A_544 = arith.constant 0 : i32
        %dma_start3A_545 = tpu.memref_slice %arg8[%dma_start3A_542, %dma_start3A_543, %dma_start3A_544] : memref<3x128x128xf32, #tpu.memory_space<vmem>> -> memref<1x128x128xf32, #tpu.memory_space<vmem>>
        %dma_start3A_546 = tpu.memref_squeeze %dma_start3A_545 : memref<1x128x128xf32, #tpu.memory_space<vmem>> -> memref<128x128xf32, #tpu.memory_space<vmem>>
        %dma_start3A_547 = arith.constant 0 : i32
        %dma_start3A_548 = tpu.memref_slice %arg7[%dma_start3A_540, %dma_start3A_541, %dma_start3A_547] : memref<6x2x128xi32, #tpu.memory_space<vmem>> -> memref<1x1x128xi32, #tpu.memory_space<vmem>>
        %dma_start3A_549 = tpu.memref_squeeze %dma_start3A_548 : memref<1x1x128xi32, #tpu.memory_space<vmem>> -> memref<128xi32, #tpu.memory_space<vmem>>
        %dma_start3A_550 = arith.constant 0 : i32
        %dma_start3A_551 = arith.constant 0 : i32
        %dma_start3A_552 = tpu.memref_slice %arg2[%dma_start3A_550, %dma_start3A_551] : memref<10240x128xf32, #tpu.memory_space<hbm>> -> memref<10240x128xf32, #tpu.memory_space<hbm>>
        tpu.enqueue_indirect_dma source(%dma_start3A_552 : memref<10240x128xf32, #tpu.memory_space<hbm>>) target(%dma_start3A_546 : memref<128x128xf32, #tpu.memory_space<vmem>>) offsets(%dma_start3A_549 : memref<128xi32, #tpu.memory_space<vmem>>) semaphore(%arg10 : memref<!tpu.dma_semaphore, #tpu.memory_space<semaphore_mem>>)
      } else {
      }
      %add3A_276 = arith.constant 4 : i32
      %add3A_277 = arith.addi %add3A_268, %add3A_276 : i32
      %lt3A_278 = arith.constant 80 : i32
      %lt3A_279 = arith.cmpi slt, %add3A_277, %lt3A_278 : i32
      %convert_element_type3A_280 = arith.extui %lt3A_279 : i1 to i32
      %cond3A_281 = arith.constant 0 : i32
      %cond3A_282 = arith.cmpi ne, %convert_element_type3A_280, %cond3A_281 : i32
      scf.if %cond3A_282 {
        %add3A_519 = arith.constant 4 : i32
        %add3A_520 = arith.addi %add3A_268, %add3A_519 : i32
        %add3A_521 = arith.addi %mul3A_2, %add3A_520 : i32
        %dma_start3A_522 = arith.constant 4 : i32
        %dma_start3A_523 = arith.constant 0 : i32
        %dma_start3A_524 = arith.constant 0 : i32
        %dma_start3A_525 = tpu.memref_slice %arg7[%dma_start3A_522, %dma_start3A_523, %dma_start3A_524] : memref<6x2x128xi32, #tpu.memory_space<vmem>> -> memref<1x2x128xi32, #tpu.memory_space<vmem>>
        %dma_start3A_526 = tpu.memref_squeeze %dma_start3A_525 : memref<1x2x128xi32, #tpu.memory_space<vmem>> -> memref<2x128xi32, #tpu.memory_space<vmem>>
        %dma_start3A_527 = arith.constant 0 : i32
        %dma_start3A_528 = arith.constant 0 : i32
        %dma_start3A_529 = tpu.memref_slice %arg3[%add3A_521, %dma_start3A_527, %dma_start3A_528] : memref<2560x2x128xi32, #tpu.memory_space<hbm>> -> memref<1x2x128xi32, #tpu.memory_space<hbm>>
        %dma_start3A_530 = tpu.memref_squeeze %dma_start3A_529 : memref<1x2x128xi32, #tpu.memory_space<hbm>> -> memref<2x128xi32, #tpu.memory_space<hbm>>
        %dma_start3A_531 = arith.constant 0 : i32
        %dma_start3A_532 = arith.constant 0 : i32
        %dma_start3A_533 = tpu.memref_slice %arg7[%dma_start3A_522, %dma_start3A_531, %dma_start3A_532] : memref<6x2x128xi32, #tpu.memory_space<vmem>> -> memref<1x2x128xi32, #tpu.memory_space<vmem>>
        %dma_start3A_534 = tpu.memref_squeeze %dma_start3A_533 : memref<1x2x128xi32, #tpu.memory_space<vmem>> -> memref<2x128xi32, #tpu.memory_space<vmem>>
        %dma_start3A_535 = arith.constant 0 : i32
        %dma_start3A_536 = arith.constant 0 : i32
        %dma_start3A_537 = tpu.memref_slice %arg3[%add3A_521, %dma_start3A_535, %dma_start3A_536] : memref<2560x2x128xi32, #tpu.memory_space<hbm>> -> memref<1x2x128xi32, #tpu.memory_space<hbm>>
        %dma_start3A_538 = tpu.memref_squeeze %dma_start3A_537 : memref<1x2x128xi32, #tpu.memory_space<hbm>> -> memref<2x128xi32, #tpu.memory_space<hbm>>
        tpu.enqueue_dma source(%dma_start3A_538 : memref<2x128xi32, #tpu.memory_space<hbm>>) target(%dma_start3A_534 : memref<2x128xi32, #tpu.memory_space<vmem>>) target_semaphore(%arg19 : memref<!tpu.dma_semaphore, #tpu.memory_space<semaphore_mem>>)
      } else {
      }
      %dma_wait3A_283 = arith.constant 0 : i32
      %dma_wait3A_284 = arith.constant 0 : i32
      %dma_wait3A_285 = arith.constant 0 : i32
      %dma_wait3A_286 = arith.constant 0 : i32
      %dma_wait3A_287 = arith.constant 0 : i32
      %dma_wait3A_288 = tpu.memref_slice %arg8[%dma_wait3A_285, %dma_wait3A_286, %dma_wait3A_287] : memref<3x128x128xf32, #tpu.memory_space<vmem>> -> memref<1x128x128xf32, #tpu.memory_space<vmem>>
      %dma_wait3A_289 = tpu.memref_squeeze %dma_wait3A_288 : memref<1x128x128xf32, #tpu.memory_space<vmem>> -> memref<128x128xf32, #tpu.memory_space<vmem>>
      %dma_wait3A_290 = arith.constant 0 : i32
      %dma_wait3A_291 = tpu.memref_slice %arg7[%dma_wait3A_283, %dma_wait3A_284, %dma_wait3A_290] : memref<6x2x128xi32, #tpu.memory_space<vmem>> -> memref<1x1x128xi32, #tpu.memory_space<vmem>>
      %dma_wait3A_292 = tpu.memref_squeeze %dma_wait3A_291 : memref<1x1x128xi32, #tpu.memory_space<vmem>> -> memref<128xi32, #tpu.memory_space<vmem>>
      %dma_wait3A_293 = arith.constant 0 : i32
      %dma_wait3A_294 = arith.constant 0 : i32
      %dma_wait3A_295 = tpu.memref_slice %arg2[%dma_wait3A_293, %dma_wait3A_294] : memref<10240x128xf32, #tpu.memory_space<hbm>> -> memref<10240x128xf32, #tpu.memory_space<hbm>>
      tpu.wait_indirect_dma semaphore(%arg9 : memref<!tpu.dma_semaphore, #tpu.memory_space<semaphore_mem>>) src(%dma_wait3A_295 : memref<10240x128xf32, #tpu.memory_space<hbm>>) dst(%dma_wait3A_289 : memref<128x128xf32, #tpu.memory_space<vmem>>)
      %dma_start3A_296 = arith.constant 0 : i32
      %dma_start3A_297 = arith.constant 0 : i32
      %dma_start3A_298 = arith.constant 1 : i32
      %dma_start3A_299 = arith.constant 0 : i32
      %dma_start3A_300 = arith.constant 0 : i32
      %dma_start3A_301 = tpu.memref_slice %arg8[%dma_start3A_296, %dma_start3A_299, %dma_start3A_300] : memref<3x128x128xf32, #tpu.memory_space<vmem>> -> memref<1x128x128xf32, #tpu.memory_space<vmem>>
      %dma_start3A_302 = tpu.memref_squeeze %dma_start3A_301 : memref<1x128x128xf32, #tpu.memory_space<vmem>> -> memref<128x128xf32, #tpu.memory_space<vmem>>
      %dma_start3A_303 = arith.constant 0 : i32
      %dma_start3A_304 = tpu.memref_slice %arg7[%dma_start3A_297, %dma_start3A_298, %dma_start3A_303] : memref<6x2x128xi32, #tpu.memory_space<vmem>> -> memref<1x1x128xi32, #tpu.memory_space<vmem>>
      %dma_start3A_305 = tpu.memref_squeeze %dma_start3A_304 : memref<1x1x128xi32, #tpu.memory_space<vmem>> -> memref<128xi32, #tpu.memory_space<vmem>>
      %dma_start3A_306 = arith.constant 0 : i32
      %dma_start3A_307 = arith.constant 0 : i32
      %dma_start3A_308 = tpu.memref_slice %arg6[%dma_start3A_306, %dma_start3A_307] : memref<10016x128xf32, #tpu.memory_space<vmem_shared>> -> memref<10016x128xf32, #tpu.memory_space<vmem_shared>>
      tpu.enqueue_indirect_dma source(%dma_start3A_302 : memref<128x128xf32, #tpu.memory_space<vmem>>) target(%dma_start3A_308 : memref<10016x128xf32, #tpu.memory_space<vmem_shared>>) offsets(%dma_start3A_305 : memref<128xi32, #tpu.memory_space<vmem>>) semaphore(%arg12 : memref<!tpu.dma_semaphore, #tpu.memory_space<semaphore_mem>>) {add = true}
      %add3A_309 = arith.constant 1 : i32
      %add3A_310 = arith.addi %add3A_266, %add3A_309 : i32
      %add3A_311 = arith.constant 1 : i32
      %add3A_312 = arith.addi %add3A_310, %add3A_311 : i32
      %lt3A_313 = arith.constant 80 : i32
      %lt3A_314 = arith.cmpi slt, %add3A_312, %lt3A_313 : i32
      %convert_element_type3A_315 = arith.extui %lt3A_314 : i1 to i32
      %cond3A_316 = arith.constant 0 : i32
      %cond3A_317 = arith.cmpi ne, %convert_element_type3A_315, %cond3A_316 : i32
      scf.if %cond3A_317 {
        %ge3A = arith.constant 2 : i32
        %ge3A_519 = arith.cmpi sge, %add3A_310, %ge3A : i32
        %convert_element_type3A_520 = arith.extui %ge3A_519 : i1 to i32
        %cond3A_521 = arith.constant 0 : i32
        %cond3A_522 = arith.cmpi ne, %convert_element_type3A_520, %cond3A_521 : i32
        scf.if %cond3A_522 {
          %dma_wait3A_553 = arith.constant 2 : i32
          %dma_wait3A_554 = arith.constant 0 : i32
          %dma_wait3A_555 = arith.constant 1 : i32
          %dma_wait3A_556 = arith.constant 0 : i32
          %dma_wait3A_557 = arith.constant 0 : i32
          %dma_wait3A_558 = tpu.memref_slice %arg8[%dma_wait3A_553, %dma_wait3A_556, %dma_wait3A_557] : memref<3x128x128xf32, #tpu.memory_space<vmem>> -> memref<1x128x128xf32, #tpu.memory_space<vmem>>
          %dma_wait3A_559 = tpu.memref_squeeze %dma_wait3A_558 : memref<1x128x128xf32, #tpu.memory_space<vmem>> -> memref<128x128xf32, #tpu.memory_space<vmem>>
          %dma_wait3A_560 = arith.constant 0 : i32
          %dma_wait3A_561 = tpu.memref_slice %arg7[%dma_wait3A_554, %dma_wait3A_555, %dma_wait3A_560] : memref<6x2x128xi32, #tpu.memory_space<vmem>> -> memref<1x1x128xi32, #tpu.memory_space<vmem>>
          %dma_wait3A_562 = tpu.memref_squeeze %dma_wait3A_561 : memref<1x1x128xi32, #tpu.memory_space<vmem>> -> memref<128xi32, #tpu.memory_space<vmem>>
          %dma_wait3A_563 = arith.constant 0 : i32
          %dma_wait3A_564 = arith.constant 0 : i32
          %dma_wait3A_565 = tpu.memref_slice %arg6[%dma_wait3A_563, %dma_wait3A_564] : memref<10016x128xf32, #tpu.memory_space<vmem_shared>> -> memref<10016x128xf32, #tpu.memory_space<vmem_shared>>
          tpu.wait_indirect_dma semaphore(%arg14 : memref<!tpu.dma_semaphore, #tpu.memory_space<semaphore_mem>>) src(%dma_wait3A_559 : memref<128x128xf32, #tpu.memory_space<vmem>>) dst(%dma_wait3A_565 : memref<10016x128xf32, #tpu.memory_space<vmem_shared>>)
        } else {
        }
        %dma_wait3A_523 = arith.constant 2 : i32
        %dma_wait3A_524 = arith.constant 0 : i32
        %dma_wait3A_525 = arith.constant 0 : i32
        %dma_wait3A_526 = tpu.memref_slice %arg7[%dma_wait3A_523, %dma_wait3A_524, %dma_wait3A_525] : memref<6x2x128xi32, #tpu.memory_space<vmem>> -> memref<1x2x128xi32, #tpu.memory_space<vmem>>
        %dma_wait3A_527 = tpu.memref_squeeze %dma_wait3A_526 : memref<1x2x128xi32, #tpu.memory_space<vmem>> -> memref<2x128xi32, #tpu.memory_space<vmem>>
        %dma_wait3A_528 = arith.constant 0 : i32
        %dma_wait3A_529 = arith.constant 0 : i32
        %dma_wait3A_530 = tpu.memref_slice %arg3[%mul3A_2, %dma_wait3A_528, %dma_wait3A_529] : memref<2560x2x128xi32, #tpu.memory_space<hbm>> -> memref<1x2x128xi32, #tpu.memory_space<hbm>>
        %dma_wait3A_531 = tpu.memref_squeeze %dma_wait3A_530 : memref<1x2x128xi32, #tpu.memory_space<hbm>> -> memref<2x128xi32, #tpu.memory_space<hbm>>
        %dma_wait3A_532 = arith.constant 0 : i32
        %dma_wait3A_533 = arith.constant 0 : i32
        %dma_wait3A_534 = tpu.memref_slice %arg7[%dma_wait3A_523, %dma_wait3A_532, %dma_wait3A_533] : memref<6x2x128xi32, #tpu.memory_space<vmem>> -> memref<1x2x128xi32, #tpu.memory_space<vmem>>
        %dma_wait3A_535 = tpu.memref_squeeze %dma_wait3A_534 : memref<1x2x128xi32, #tpu.memory_space<vmem>> -> memref<2x128xi32, #tpu.memory_space<vmem>>
        %dma_wait3A_536 = arith.constant 0 : i32
        %dma_wait3A_537 = arith.constant 0 : i32
        %dma_wait3A_538 = tpu.memref_slice %arg3[%mul3A_2, %dma_wait3A_536, %dma_wait3A_537] : memref<2560x2x128xi32, #tpu.memory_space<hbm>> -> memref<1x2x128xi32, #tpu.memory_space<hbm>>
        %dma_wait3A_539 = tpu.memref_squeeze %dma_wait3A_538 : memref<1x2x128xi32, #tpu.memory_space<hbm>> -> memref<2x128xi32, #tpu.memory_space<hbm>>
        tpu.wait_dma2 semaphore(%arg17 : memref<!tpu.dma_semaphore, #tpu.memory_space<semaphore_mem>>) src(%dma_wait3A_539 : memref<2x128xi32, #tpu.memory_space<hbm>>) dst(%dma_wait3A_535 : memref<2x128xi32, #tpu.memory_space<vmem>>)
        %dma_start3A_540 = arith.constant 2 : i32
        %dma_start3A_541 = arith.constant 0 : i32
        %dma_start3A_542 = arith.constant 2 : i32
        %dma_start3A_543 = arith.constant 0 : i32
        %dma_start3A_544 = arith.constant 0 : i32
        %dma_start3A_545 = tpu.memref_slice %arg8[%dma_start3A_542, %dma_start3A_543, %dma_start3A_544] : memref<3x128x128xf32, #tpu.memory_space<vmem>> -> memref<1x128x128xf32, #tpu.memory_space<vmem>>
        %dma_start3A_546 = tpu.memref_squeeze %dma_start3A_545 : memref<1x128x128xf32, #tpu.memory_space<vmem>> -> memref<128x128xf32, #tpu.memory_space<vmem>>
        %dma_start3A_547 = arith.constant 0 : i32
        %dma_start3A_548 = tpu.memref_slice %arg7[%dma_start3A_540, %dma_start3A_541, %dma_start3A_547] : memref<6x2x128xi32, #tpu.memory_space<vmem>> -> memref<1x1x128xi32, #tpu.memory_space<vmem>>
        %dma_start3A_549 = tpu.memref_squeeze %dma_start3A_548 : memref<1x1x128xi32, #tpu.memory_space<vmem>> -> memref<128xi32, #tpu.memory_space<vmem>>
        %dma_start3A_550 = arith.constant 0 : i32
        %dma_start3A_551 = arith.constant 0 : i32
        %dma_start3A_552 = tpu.memref_slice %arg2[%dma_start3A_550, %dma_start3A_551] : memref<10240x128xf32, #tpu.memory_space<hbm>> -> memref<10240x128xf32, #tpu.memory_space<hbm>>
        tpu.enqueue_indirect_dma source(%dma_start3A_552 : memref<10240x128xf32, #tpu.memory_space<hbm>>) target(%dma_start3A_546 : memref<128x128xf32, #tpu.memory_space<vmem>>) offsets(%dma_start3A_549 : memref<128xi32, #tpu.memory_space<vmem>>) semaphore(%arg11 : memref<!tpu.dma_semaphore, #tpu.memory_space<semaphore_mem>>)
      } else {
      }
      %add3A_318 = arith.constant 4 : i32
      %add3A_319 = arith.addi %add3A_310, %add3A_318 : i32
      %lt3A_320 = arith.constant 80 : i32
      %lt3A_321 = arith.cmpi slt, %add3A_319, %lt3A_320 : i32
      %convert_element_type3A_322 = arith.extui %lt3A_321 : i1 to i32
      %cond3A_323 = arith.constant 0 : i32
      %cond3A_324 = arith.cmpi ne, %convert_element_type3A_322, %cond3A_323 : i32
      scf.if %cond3A_324 {
        %add3A_519 = arith.constant 4 : i32
        %add3A_520 = arith.addi %add3A_310, %add3A_519 : i32
        %add3A_521 = arith.addi %mul3A_2, %add3A_520 : i32
        %dma_start3A_522 = arith.constant 5 : i32
        %dma_start3A_523 = arith.constant 0 : i32
        %dma_start3A_524 = arith.constant 0 : i32
        %dma_start3A_525 = tpu.memref_slice %arg7[%dma_start3A_522, %dma_start3A_523, %dma_start3A_524] : memref<6x2x128xi32, #tpu.memory_space<vmem>> -> memref<1x2x128xi32, #tpu.memory_space<vmem>>
        %dma_start3A_526 = tpu.memref_squeeze %dma_start3A_525 : memref<1x2x128xi32, #tpu.memory_space<vmem>> -> memref<2x128xi32, #tpu.memory_space<vmem>>
        %dma_start3A_527 = arith.constant 0 : i32
        %dma_start3A_528 = arith.constant 0 : i32
        %dma_start3A_529 = tpu.memref_slice %arg3[%add3A_521, %dma_start3A_527, %dma_start3A_528] : memref<2560x2x128xi32, #tpu.memory_space<hbm>> -> memref<1x2x128xi32, #tpu.memory_space<hbm>>
        %dma_start3A_530 = tpu.memref_squeeze %dma_start3A_529 : memref<1x2x128xi32, #tpu.memory_space<hbm>> -> memref<2x128xi32, #tpu.memory_space<hbm>>
        %dma_start3A_531 = arith.constant 0 : i32
        %dma_start3A_532 = arith.constant 0 : i32
        %dma_start3A_533 = tpu.memref_slice %arg7[%dma_start3A_522, %dma_start3A_531, %dma_start3A_532] : memref<6x2x128xi32, #tpu.memory_space<vmem>> -> memref<1x2x128xi32, #tpu.memory_space<vmem>>
        %dma_start3A_534 = tpu.memref_squeeze %dma_start3A_533 : memref<1x2x128xi32, #tpu.memory_space<vmem>> -> memref<2x128xi32, #tpu.memory_space<vmem>>
        %dma_start3A_535 = arith.constant 0 : i32
        %dma_start3A_536 = arith.constant 0 : i32
        %dma_start3A_537 = tpu.memref_slice %arg3[%add3A_521, %dma_start3A_535, %dma_start3A_536] : memref<2560x2x128xi32, #tpu.memory_space<hbm>> -> memref<1x2x128xi32, #tpu.memory_space<hbm>>
        %dma_start3A_538 = tpu.memref_squeeze %dma_start3A_537 : memref<1x2x128xi32, #tpu.memory_space<hbm>> -> memref<2x128xi32, #tpu.memory_space<hbm>>
        tpu.enqueue_dma source(%dma_start3A_538 : memref<2x128xi32, #tpu.memory_space<hbm>>) target(%dma_start3A_534 : memref<2x128xi32, #tpu.memory_space<vmem>>) target_semaphore(%arg20 : memref<!tpu.dma_semaphore, #tpu.memory_space<semaphore_mem>>)
      } else {
      }
      %dma_wait3A_325 = arith.constant 0 : i32
      %dma_wait3A_326 = arith.constant 0 : i32
      %dma_wait3A_327 = arith.constant 1 : i32
      %dma_wait3A_328 = arith.constant 0 : i32
      %dma_wait3A_329 = arith.constant 0 : i32
      %dma_wait3A_330 = tpu.memref_slice %arg8[%dma_wait3A_327, %dma_wait3A_328, %dma_wait3A_329] : memref<3x128x128xf32, #tpu.memory_space<vmem>> -> memref<1x128x128xf32, #tpu.memory_space<vmem>>
      %dma_wait3A_331 = tpu.memref_squeeze %dma_wait3A_330 : memref<1x128x128xf32, #tpu.memory_space<vmem>> -> memref<128x128xf32, #tpu.memory_space<vmem>>
      %dma_wait3A_332 = arith.constant 0 : i32
      %dma_wait3A_333 = tpu.memref_slice %arg7[%dma_wait3A_325, %dma_wait3A_326, %dma_wait3A_332] : memref<6x2x128xi32, #tpu.memory_space<vmem>> -> memref<1x1x128xi32, #tpu.memory_space<vmem>>
      %dma_wait3A_334 = tpu.memref_squeeze %dma_wait3A_333 : memref<1x1x128xi32, #tpu.memory_space<vmem>> -> memref<128xi32, #tpu.memory_space<vmem>>
      %dma_wait3A_335 = arith.constant 0 : i32
      %dma_wait3A_336 = arith.constant 0 : i32
      %dma_wait3A_337 = tpu.memref_slice %arg2[%dma_wait3A_335, %dma_wait3A_336] : memref<10240x128xf32, #tpu.memory_space<hbm>> -> memref<10240x128xf32, #tpu.memory_space<hbm>>
      tpu.wait_indirect_dma semaphore(%arg10 : memref<!tpu.dma_semaphore, #tpu.memory_space<semaphore_mem>>) src(%dma_wait3A_337 : memref<10240x128xf32, #tpu.memory_space<hbm>>) dst(%dma_wait3A_331 : memref<128x128xf32, #tpu.memory_space<vmem>>)
      %dma_start3A_338 = arith.constant 1 : i32
      %dma_start3A_339 = arith.constant 1 : i32
      %dma_start3A_340 = arith.constant 1 : i32
      %dma_start3A_341 = arith.constant 0 : i32
      %dma_start3A_342 = arith.constant 0 : i32
      %dma_start3A_343 = tpu.memref_slice %arg8[%dma_start3A_338, %dma_start3A_341, %dma_start3A_342] : memref<3x128x128xf32, #tpu.memory_space<vmem>> -> memref<1x128x128xf32, #tpu.memory_space<vmem>>
      %dma_start3A_344 = tpu.memref_squeeze %dma_start3A_343 : memref<1x128x128xf32, #tpu.memory_space<vmem>> -> memref<128x128xf32, #tpu.memory_space<vmem>>
      %dma_start3A_345 = arith.constant 0 : i32
      %dma_start3A_346 = tpu.memref_slice %arg7[%dma_start3A_339, %dma_start3A_340, %dma_start3A_345] : memref<6x2x128xi32, #tpu.memory_space<vmem>> -> memref<1x1x128xi32, #tpu.memory_space<vmem>>
      %dma_start3A_347 = tpu.memref_squeeze %dma_start3A_346 : memref<1x1x128xi32, #tpu.memory_space<vmem>> -> memref<128xi32, #tpu.memory_space<vmem>>
      %dma_start3A_348 = arith.constant 0 : i32
      %dma_start3A_349 = arith.constant 0 : i32
      %dma_start3A_350 = tpu.memref_slice %arg6[%dma_start3A_348, %dma_start3A_349] : memref<10016x128xf32, #tpu.memory_space<vmem_shared>> -> memref<10016x128xf32, #tpu.memory_space<vmem_shared>>
      tpu.enqueue_indirect_dma source(%dma_start3A_344 : memref<128x128xf32, #tpu.memory_space<vmem>>) target(%dma_start3A_350 : memref<10016x128xf32, #tpu.memory_space<vmem_shared>>) offsets(%dma_start3A_347 : memref<128xi32, #tpu.memory_space<vmem>>) semaphore(%arg13 : memref<!tpu.dma_semaphore, #tpu.memory_space<semaphore_mem>>) {add = true}
      %add3A_351 = arith.constant 2 : i32
      %add3A_352 = arith.addi %add3A_266, %add3A_351 : i32
      %add3A_353 = arith.constant 1 : i32
      %add3A_354 = arith.addi %add3A_352, %add3A_353 : i32
      %lt3A_355 = arith.constant 80 : i32
      %lt3A_356 = arith.cmpi slt, %add3A_354, %lt3A_355 : i32
      %convert_element_type3A_357 = arith.extui %lt3A_356 : i1 to i32
      %cond3A_358 = arith.constant 0 : i32
      %cond3A_359 = arith.cmpi ne, %convert_element_type3A_357, %cond3A_358 : i32
      scf.if %cond3A_359 {
        %ge3A = arith.constant 2 : i32
        %ge3A_519 = arith.cmpi sge, %add3A_352, %ge3A : i32
        %convert_element_type3A_520 = arith.extui %ge3A_519 : i1 to i32
        %cond3A_521 = arith.constant 0 : i32
        %cond3A_522 = arith.cmpi ne, %convert_element_type3A_520, %cond3A_521 : i32
        scf.if %cond3A_522 {
          %dma_wait3A_553 = arith.constant 0 : i32
          %dma_wait3A_554 = arith.constant 0 : i32
          %dma_wait3A_555 = arith.constant 1 : i32
          %dma_wait3A_556 = arith.constant 0 : i32
          %dma_wait3A_557 = arith.constant 0 : i32
          %dma_wait3A_558 = tpu.memref_slice %arg8[%dma_wait3A_553, %dma_wait3A_556, %dma_wait3A_557] : memref<3x128x128xf32, #tpu.memory_space<vmem>> -> memref<1x128x128xf32, #tpu.memory_space<vmem>>
          %dma_wait3A_559 = tpu.memref_squeeze %dma_wait3A_558 : memref<1x128x128xf32, #tpu.memory_space<vmem>> -> memref<128x128xf32, #tpu.memory_space<vmem>>
          %dma_wait3A_560 = arith.constant 0 : i32
          %dma_wait3A_561 = tpu.memref_slice %arg7[%dma_wait3A_554, %dma_wait3A_555, %dma_wait3A_560] : memref<6x2x128xi32, #tpu.memory_space<vmem>> -> memref<1x1x128xi32, #tpu.memory_space<vmem>>
          %dma_wait3A_562 = tpu.memref_squeeze %dma_wait3A_561 : memref<1x1x128xi32, #tpu.memory_space<vmem>> -> memref<128xi32, #tpu.memory_space<vmem>>
          %dma_wait3A_563 = arith.constant 0 : i32
          %dma_wait3A_564 = arith.constant 0 : i32
          %dma_wait3A_565 = tpu.memref_slice %arg6[%dma_wait3A_563, %dma_wait3A_564] : memref<10016x128xf32, #tpu.memory_space<vmem_shared>> -> memref<10016x128xf32, #tpu.memory_space<vmem_shared>>
          tpu.wait_indirect_dma semaphore(%arg12 : memref<!tpu.dma_semaphore, #tpu.memory_space<semaphore_mem>>) src(%dma_wait3A_559 : memref<128x128xf32, #tpu.memory_space<vmem>>) dst(%dma_wait3A_565 : memref<10016x128xf32, #tpu.memory_space<vmem_shared>>)
        } else {
        }
        %dma_wait3A_523 = arith.constant 3 : i32
        %dma_wait3A_524 = arith.constant 0 : i32
        %dma_wait3A_525 = arith.constant 0 : i32
        %dma_wait3A_526 = tpu.memref_slice %arg7[%dma_wait3A_523, %dma_wait3A_524, %dma_wait3A_525] : memref<6x2x128xi32, #tpu.memory_space<vmem>> -> memref<1x2x128xi32, #tpu.memory_space<vmem>>
        %dma_wait3A_527 = tpu.memref_squeeze %dma_wait3A_526 : memref<1x2x128xi32, #tpu.memory_space<vmem>> -> memref<2x128xi32, #tpu.memory_space<vmem>>
        %dma_wait3A_528 = arith.constant 0 : i32
        %dma_wait3A_529 = arith.constant 0 : i32
        %dma_wait3A_530 = tpu.memref_slice %arg3[%mul3A_2, %dma_wait3A_528, %dma_wait3A_529] : memref<2560x2x128xi32, #tpu.memory_space<hbm>> -> memref<1x2x128xi32, #tpu.memory_space<hbm>>
        %dma_wait3A_531 = tpu.memref_squeeze %dma_wait3A_530 : memref<1x2x128xi32, #tpu.memory_space<hbm>> -> memref<2x128xi32, #tpu.memory_space<hbm>>
        %dma_wait3A_532 = arith.constant 0 : i32
        %dma_wait3A_533 = arith.constant 0 : i32
        %dma_wait3A_534 = tpu.memref_slice %arg7[%dma_wait3A_523, %dma_wait3A_532, %dma_wait3A_533] : memref<6x2x128xi32, #tpu.memory_space<vmem>> -> memref<1x2x128xi32, #tpu.memory_space<vmem>>
        %dma_wait3A_535 = tpu.memref_squeeze %dma_wait3A_534 : memref<1x2x128xi32, #tpu.memory_space<vmem>> -> memref<2x128xi32, #tpu.memory_space<vmem>>
        %dma_wait3A_536 = arith.constant 0 : i32
        %dma_wait3A_537 = arith.constant 0 : i32
        %dma_wait3A_538 = tpu.memref_slice %arg3[%mul3A_2, %dma_wait3A_536, %dma_wait3A_537] : memref<2560x2x128xi32, #tpu.memory_space<hbm>> -> memref<1x2x128xi32, #tpu.memory_space<hbm>>
        %dma_wait3A_539 = tpu.memref_squeeze %dma_wait3A_538 : memref<1x2x128xi32, #tpu.memory_space<hbm>> -> memref<2x128xi32, #tpu.memory_space<hbm>>
        tpu.wait_dma2 semaphore(%arg18 : memref<!tpu.dma_semaphore, #tpu.memory_space<semaphore_mem>>) src(%dma_wait3A_539 : memref<2x128xi32, #tpu.memory_space<hbm>>) dst(%dma_wait3A_535 : memref<2x128xi32, #tpu.memory_space<vmem>>)
        %dma_start3A_540 = arith.constant 3 : i32
        %dma_start3A_541 = arith.constant 0 : i32
        %dma_start3A_542 = arith.constant 0 : i32
        %dma_start3A_543 = arith.constant 0 : i32
        %dma_start3A_544 = arith.constant 0 : i32
        %dma_start3A_545 = tpu.memref_slice %arg8[%dma_start3A_542, %dma_start3A_543, %dma_start3A_544] : memref<3x128x128xf32, #tpu.memory_space<vmem>> -> memref<1x128x128xf32, #tpu.memory_space<vmem>>
        %dma_start3A_546 = tpu.memref_squeeze %dma_start3A_545 : memref<1x128x128xf32, #tpu.memory_space<vmem>> -> memref<128x128xf32, #tpu.memory_space<vmem>>
        %dma_start3A_547 = arith.constant 0 : i32
        %dma_start3A_548 = tpu.memref_slice %arg7[%dma_start3A_540, %dma_start3A_541, %dma_start3A_547] : memref<6x2x128xi32, #tpu.memory_space<vmem>> -> memref<1x1x128xi32, #tpu.memory_space<vmem>>
        %dma_start3A_549 = tpu.memref_squeeze %dma_start3A_548 : memref<1x1x128xi32, #tpu.memory_space<vmem>> -> memref<128xi32, #tpu.memory_space<vmem>>
        %dma_start3A_550 = arith.constant 0 : i32
        %dma_start3A_551 = arith.constant 0 : i32
        %dma_start3A_552 = tpu.memref_slice %arg2[%dma_start3A_550, %dma_start3A_551] : memref<10240x128xf32, #tpu.memory_space<hbm>> -> memref<10240x128xf32, #tpu.memory_space<hbm>>
        tpu.enqueue_indirect_dma source(%dma_start3A_552 : memref<10240x128xf32, #tpu.memory_space<hbm>>) target(%dma_start3A_546 : memref<128x128xf32, #tpu.memory_space<vmem>>) offsets(%dma_start3A_549 : memref<128xi32, #tpu.memory_space<vmem>>) semaphore(%arg9 : memref<!tpu.dma_semaphore, #tpu.memory_space<semaphore_mem>>)
      } else {
      }
      %add3A_360 = arith.constant 4 : i32
      %add3A_361 = arith.addi %add3A_352, %add3A_360 : i32
      %lt3A_362 = arith.constant 80 : i32
      %lt3A_363 = arith.cmpi slt, %add3A_361, %lt3A_362 : i32
      %convert_element_type3A_364 = arith.extui %lt3A_363 : i1 to i32
      %cond3A_365 = arith.constant 0 : i32
      %cond3A_366 = arith.cmpi ne, %convert_element_type3A_364, %cond3A_365 : i32
      scf.if %cond3A_366 {
        %add3A_519 = arith.constant 4 : i32
        %add3A_520 = arith.addi %add3A_352, %add3A_519 : i32
        %add3A_521 = arith.addi %mul3A_2, %add3A_520 : i32
        %dma_start3A_522 = arith.constant 0 : i32
        %dma_start3A_523 = arith.constant 0 : i32
        %dma_start3A_524 = arith.constant 0 : i32
        %dma_start3A_525 = tpu.memref_slice %arg7[%dma_start3A_522, %dma_start3A_523, %dma_start3A_524] : memref<6x2x128xi32, #tpu.memory_space<vmem>> -> memref<1x2x128xi32, #tpu.memory_space<vmem>>
        %dma_start3A_526 = tpu.memref_squeeze %dma_start3A_525 : memref<1x2x128xi32, #tpu.memory_space<vmem>> -> memref<2x128xi32, #tpu.memory_space<vmem>>
        %dma_start3A_527 = arith.constant 0 : i32
        %dma_start3A_528 = arith.constant 0 : i32
        %dma_start3A_529 = tpu.memref_slice %arg3[%add3A_521, %dma_start3A_527, %dma_start3A_528] : memref<2560x2x128xi32, #tpu.memory_space<hbm>> -> memref<1x2x128xi32, #tpu.memory_space<hbm>>
        %dma_start3A_530 = tpu.memref_squeeze %dma_start3A_529 : memref<1x2x128xi32, #tpu.memory_space<hbm>> -> memref<2x128xi32, #tpu.memory_space<hbm>>
        %dma_start3A_531 = arith.constant 0 : i32
        %dma_start3A_532 = arith.constant 0 : i32
        %dma_start3A_533 = tpu.memref_slice %arg7[%dma_start3A_522, %dma_start3A_531, %dma_start3A_532] : memref<6x2x128xi32, #tpu.memory_space<vmem>> -> memref<1x2x128xi32, #tpu.memory_space<vmem>>
        %dma_start3A_534 = tpu.memref_squeeze %dma_start3A_533 : memref<1x2x128xi32, #tpu.memory_space<vmem>> -> memref<2x128xi32, #tpu.memory_space<vmem>>
        %dma_start3A_535 = arith.constant 0 : i32
        %dma_start3A_536 = arith.constant 0 : i32
        %dma_start3A_537 = tpu.memref_slice %arg3[%add3A_521, %dma_start3A_535, %dma_start3A_536] : memref<2560x2x128xi32, #tpu.memory_space<hbm>> -> memref<1x2x128xi32, #tpu.memory_space<hbm>>
        %dma_start3A_538 = tpu.memref_squeeze %dma_start3A_537 : memref<1x2x128xi32, #tpu.memory_space<hbm>> -> memref<2x128xi32, #tpu.memory_space<hbm>>
        tpu.enqueue_dma source(%dma_start3A_538 : memref<2x128xi32, #tpu.memory_space<hbm>>) target(%dma_start3A_534 : memref<2x128xi32, #tpu.memory_space<vmem>>) target_semaphore(%arg15 : memref<!tpu.dma_semaphore, #tpu.memory_space<semaphore_mem>>)
      } else {
      }
      %dma_wait3A_367 = arith.constant 0 : i32
      %dma_wait3A_368 = arith.constant 0 : i32
      %dma_wait3A_369 = arith.constant 2 : i32
      %dma_wait3A_370 = arith.constant 0 : i32
      %dma_wait3A_371 = arith.constant 0 : i32
      %dma_wait3A_372 = tpu.memref_slice %arg8[%dma_wait3A_369, %dma_wait3A_370, %dma_wait3A_371] : memref<3x128x128xf32, #tpu.memory_space<vmem>> -> memref<1x128x128xf32, #tpu.memory_space<vmem>>
      %dma_wait3A_373 = tpu.memref_squeeze %dma_wait3A_372 : memref<1x128x128xf32, #tpu.memory_space<vmem>> -> memref<128x128xf32, #tpu.memory_space<vmem>>
      %dma_wait3A_374 = arith.constant 0 : i32
      %dma_wait3A_375 = tpu.memref_slice %arg7[%dma_wait3A_367, %dma_wait3A_368, %dma_wait3A_374] : memref<6x2x128xi32, #tpu.memory_space<vmem>> -> memref<1x1x128xi32, #tpu.memory_space<vmem>>
      %dma_wait3A_376 = tpu.memref_squeeze %dma_wait3A_375 : memref<1x1x128xi32, #tpu.memory_space<vmem>> -> memref<128xi32, #tpu.memory_space<vmem>>
      %dma_wait3A_377 = arith.constant 0 : i32
      %dma_wait3A_378 = arith.constant 0 : i32
      %dma_wait3A_379 = tpu.memref_slice %arg2[%dma_wait3A_377, %dma_wait3A_378] : memref<10240x128xf32, #tpu.memory_space<hbm>> -> memref<10240x128xf32, #tpu.memory_space<hbm>>
      tpu.wait_indirect_dma semaphore(%arg11 : memref<!tpu.dma_semaphore, #tpu.memory_space<semaphore_mem>>) src(%dma_wait3A_379 : memref<10240x128xf32, #tpu.memory_space<hbm>>) dst(%dma_wait3A_373 : memref<128x128xf32, #tpu.memory_space<vmem>>)
      %dma_start3A_380 = arith.constant 2 : i32
      %dma_start3A_381 = arith.constant 2 : i32
      %dma_start3A_382 = arith.constant 1 : i32
      %dma_start3A_383 = arith.constant 0 : i32
      %dma_start3A_384 = arith.constant 0 : i32
      %dma_start3A_385 = tpu.memref_slice %arg8[%dma_start3A_380, %dma_start3A_383, %dma_start3A_384] : memref<3x128x128xf32, #tpu.memory_space<vmem>> -> memref<1x128x128xf32, #tpu.memory_space<vmem>>
      %dma_start3A_386 = tpu.memref_squeeze %dma_start3A_385 : memref<1x128x128xf32, #tpu.memory_space<vmem>> -> memref<128x128xf32, #tpu.memory_space<vmem>>
      %dma_start3A_387 = arith.constant 0 : i32
      %dma_start3A_388 = tpu.memref_slice %arg7[%dma_start3A_381, %dma_start3A_382, %dma_start3A_387] : memref<6x2x128xi32, #tpu.memory_space<vmem>> -> memref<1x1x128xi32, #tpu.memory_space<vmem>>
      %dma_start3A_389 = tpu.memref_squeeze %dma_start3A_388 : memref<1x1x128xi32, #tpu.memory_space<vmem>> -> memref<128xi32, #tpu.memory_space<vmem>>
      %dma_start3A_390 = arith.constant 0 : i32
      %dma_start3A_391 = arith.constant 0 : i32
      %dma_start3A_392 = tpu.memref_slice %arg6[%dma_start3A_390, %dma_start3A_391] : memref<10016x128xf32, #tpu.memory_space<vmem_shared>> -> memref<10016x128xf32, #tpu.memory_space<vmem_shared>>
      tpu.enqueue_indirect_dma source(%dma_start3A_386 : memref<128x128xf32, #tpu.memory_space<vmem>>) target(%dma_start3A_392 : memref<10016x128xf32, #tpu.memory_space<vmem_shared>>) offsets(%dma_start3A_389 : memref<128xi32, #tpu.memory_space<vmem>>) semaphore(%arg14 : memref<!tpu.dma_semaphore, #tpu.memory_space<semaphore_mem>>) {add = true}
      %add3A_393 = arith.constant 3 : i32
      %add3A_394 = arith.addi %add3A_266, %add3A_393 : i32
      %add3A_395 = arith.constant 1 : i32
      %add3A_396 = arith.addi %add3A_394, %add3A_395 : i32
      %lt3A_397 = arith.constant 80 : i32
      %lt3A_398 = arith.cmpi slt, %add3A_396, %lt3A_397 : i32
      %convert_element_type3A_399 = arith.extui %lt3A_398 : i1 to i32
      %cond3A_400 = arith.constant 0 : i32
      %cond3A_401 = arith.cmpi ne, %convert_element_type3A_399, %cond3A_400 : i32
      scf.if %cond3A_401 {
        %ge3A = arith.constant 2 : i32
        %ge3A_519 = arith.cmpi sge, %add3A_394, %ge3A : i32
        %convert_element_type3A_520 = arith.extui %ge3A_519 : i1 to i32
        %cond3A_521 = arith.constant 0 : i32
        %cond3A_522 = arith.cmpi ne, %convert_element_type3A_520, %cond3A_521 : i32
        scf.if %cond3A_522 {
          %dma_wait3A_553 = arith.constant 1 : i32
          %dma_wait3A_554 = arith.constant 0 : i32
          %dma_wait3A_555 = arith.constant 1 : i32
          %dma_wait3A_556 = arith.constant 0 : i32
          %dma_wait3A_557 = arith.constant 0 : i32
          %dma_wait3A_558 = tpu.memref_slice %arg8[%dma_wait3A_553, %dma_wait3A_556, %dma_wait3A_557] : memref<3x128x128xf32, #tpu.memory_space<vmem>> -> memref<1x128x128xf32, #tpu.memory_space<vmem>>
          %dma_wait3A_559 = tpu.memref_squeeze %dma_wait3A_558 : memref<1x128x128xf32, #tpu.memory_space<vmem>> -> memref<128x128xf32, #tpu.memory_space<vmem>>
          %dma_wait3A_560 = arith.constant 0 : i32
          %dma_wait3A_561 = tpu.memref_slice %arg7[%dma_wait3A_554, %dma_wait3A_555, %dma_wait3A_560] : memref<6x2x128xi32, #tpu.memory_space<vmem>> -> memref<1x1x128xi32, #tpu.memory_space<vmem>>
          %dma_wait3A_562 = tpu.memref_squeeze %dma_wait3A_561 : memref<1x1x128xi32, #tpu.memory_space<vmem>> -> memref<128xi32, #tpu.memory_space<vmem>>
          %dma_wait3A_563 = arith.constant 0 : i32
          %dma_wait3A_564 = arith.constant 0 : i32
          %dma_wait3A_565 = tpu.memref_slice %arg6[%dma_wait3A_563, %dma_wait3A_564] : memref<10016x128xf32, #tpu.memory_space<vmem_shared>> -> memref<10016x128xf32, #tpu.memory_space<vmem_shared>>
          tpu.wait_indirect_dma semaphore(%arg13 : memref<!tpu.dma_semaphore, #tpu.memory_space<semaphore_mem>>) src(%dma_wait3A_559 : memref<128x128xf32, #tpu.memory_space<vmem>>) dst(%dma_wait3A_565 : memref<10016x128xf32, #tpu.memory_space<vmem_shared>>)
        } else {
        }
        %dma_wait3A_523 = arith.constant 4 : i32
        %dma_wait3A_524 = arith.constant 0 : i32
        %dma_wait3A_525 = arith.constant 0 : i32
        %dma_wait3A_526 = tpu.memref_slice %arg7[%dma_wait3A_523, %dma_wait3A_524, %dma_wait3A_525] : memref<6x2x128xi32, #tpu.memory_space<vmem>> -> memref<1x2x128xi32, #tpu.memory_space<vmem>>
        %dma_wait3A_527 = tpu.memref_squeeze %dma_wait3A_526 : memref<1x2x128xi32, #tpu.memory_space<vmem>> -> memref<2x128xi32, #tpu.memory_space<vmem>>
        %dma_wait3A_528 = arith.constant 0 : i32
        %dma_wait3A_529 = arith.constant 0 : i32
        %dma_wait3A_530 = tpu.memref_slice %arg3[%mul3A_2, %dma_wait3A_528, %dma_wait3A_529] : memref<2560x2x128xi32, #tpu.memory_space<hbm>> -> memref<1x2x128xi32, #tpu.memory_space<hbm>>
        %dma_wait3A_531 = tpu.memref_squeeze %dma_wait3A_530 : memref<1x2x128xi32, #tpu.memory_space<hbm>> -> memref<2x128xi32, #tpu.memory_space<hbm>>
        %dma_wait3A_532 = arith.constant 0 : i32
        %dma_wait3A_533 = arith.constant 0 : i32
        %dma_wait3A_534 = tpu.memref_slice %arg7[%dma_wait3A_523, %dma_wait3A_532, %dma_wait3A_533] : memref<6x2x128xi32, #tpu.memory_space<vmem>> -> memref<1x2x128xi32, #tpu.memory_space<vmem>>
        %dma_wait3A_535 = tpu.memref_squeeze %dma_wait3A_534 : memref<1x2x128xi32, #tpu.memory_space<vmem>> -> memref<2x128xi32, #tpu.memory_space<vmem>>
        %dma_wait3A_536 = arith.constant 0 : i32
        %dma_wait3A_537 = arith.constant 0 : i32
        %dma_wait3A_538 = tpu.memref_slice %arg3[%mul3A_2, %dma_wait3A_536, %dma_wait3A_537] : memref<2560x2x128xi32, #tpu.memory_space<hbm>> -> memref<1x2x128xi32, #tpu.memory_space<hbm>>
        %dma_wait3A_539 = tpu.memref_squeeze %dma_wait3A_538 : memref<1x2x128xi32, #tpu.memory_space<hbm>> -> memref<2x128xi32, #tpu.memory_space<hbm>>
        tpu.wait_dma2 semaphore(%arg19 : memref<!tpu.dma_semaphore, #tpu.memory_space<semaphore_mem>>) src(%dma_wait3A_539 : memref<2x128xi32, #tpu.memory_space<hbm>>) dst(%dma_wait3A_535 : memref<2x128xi32, #tpu.memory_space<vmem>>)
        %dma_start3A_540 = arith.constant 4 : i32
        %dma_start3A_541 = arith.constant 0 : i32
        %dma_start3A_542 = arith.constant 1 : i32
        %dma_start3A_543 = arith.constant 0 : i32
        %dma_start3A_544 = arith.constant 0 : i32
        %dma_start3A_545 = tpu.memref_slice %arg8[%dma_start3A_542, %dma_start3A_543, %dma_start3A_544] : memref<3x128x128xf32, #tpu.memory_space<vmem>> -> memref<1x128x128xf32, #tpu.memory_space<vmem>>
        %dma_start3A_546 = tpu.memref_squeeze %dma_start3A_545 : memref<1x128x128xf32, #tpu.memory_space<vmem>> -> memref<128x128xf32, #tpu.memory_space<vmem>>
        %dma_start3A_547 = arith.constant 0 : i32
        %dma_start3A_548 = tpu.memref_slice %arg7[%dma_start3A_540, %dma_start3A_541, %dma_start3A_547] : memref<6x2x128xi32, #tpu.memory_space<vmem>> -> memref<1x1x128xi32, #tpu.memory_space<vmem>>
        %dma_start3A_549 = tpu.memref_squeeze %dma_start3A_548 : memref<1x1x128xi32, #tpu.memory_space<vmem>> -> memref<128xi32, #tpu.memory_space<vmem>>
        %dma_start3A_550 = arith.constant 0 : i32
        %dma_start3A_551 = arith.constant 0 : i32
        %dma_start3A_552 = tpu.memref_slice %arg2[%dma_start3A_550, %dma_start3A_551] : memref<10240x128xf32, #tpu.memory_space<hbm>> -> memref<10240x128xf32, #tpu.memory_space<hbm>>
        tpu.enqueue_indirect_dma source(%dma_start3A_552 : memref<10240x128xf32, #tpu.memory_space<hbm>>) target(%dma_start3A_546 : memref<128x128xf32, #tpu.memory_space<vmem>>) offsets(%dma_start3A_549 : memref<128xi32, #tpu.memory_space<vmem>>) semaphore(%arg10 : memref<!tpu.dma_semaphore, #tpu.memory_space<semaphore_mem>>)
      } else {
      }
      %add3A_402 = arith.constant 4 : i32
      %add3A_403 = arith.addi %add3A_394, %add3A_402 : i32
      %lt3A_404 = arith.constant 80 : i32
      %lt3A_405 = arith.cmpi slt, %add3A_403, %lt3A_404 : i32
      %convert_element_type3A_406 = arith.extui %lt3A_405 : i1 to i32
      %cond3A_407 = arith.constant 0 : i32
      %cond3A_408 = arith.cmpi ne, %convert_element_type3A_406, %cond3A_407 : i32
      scf.if %cond3A_408 {
        %add3A_519 = arith.constant 4 : i32
        %add3A_520 = arith.addi %add3A_394, %add3A_519 : i32
        %add3A_521 = arith.addi %mul3A_2, %add3A_520 : i32
        %dma_start3A_522 = arith.constant 1 : i32
        %dma_start3A_523 = arith.constant 0 : i32
        %dma_start3A_524 = arith.constant 0 : i32
        %dma_start3A_525 = tpu.memref_slice %arg7[%dma_start3A_522, %dma_start3A_523, %dma_start3A_524] : memref<6x2x128xi32, #tpu.memory_space<vmem>> -> memref<1x2x128xi32, #tpu.memory_space<vmem>>
        %dma_start3A_526 = tpu.memref_squeeze %dma_start3A_525 : memref<1x2x128xi32, #tpu.memory_space<vmem>> -> memref<2x128xi32, #tpu.memory_space<vmem>>
        %dma_start3A_527 = arith.constant 0 : i32
        %dma_start3A_528 = arith.constant 0 : i32
        %dma_start3A_529 = tpu.memref_slice %arg3[%add3A_521, %dma_start3A_527, %dma_start3A_528] : memref<2560x2x128xi32, #tpu.memory_space<hbm>> -> memref<1x2x128xi32, #tpu.memory_space<hbm>>
        %dma_start3A_530 = tpu.memref_squeeze %dma_start3A_529 : memref<1x2x128xi32, #tpu.memory_space<hbm>> -> memref<2x128xi32, #tpu.memory_space<hbm>>
        %dma_start3A_531 = arith.constant 0 : i32
        %dma_start3A_532 = arith.constant 0 : i32
        %dma_start3A_533 = tpu.memref_slice %arg7[%dma_start3A_522, %dma_start3A_531, %dma_start3A_532] : memref<6x2x128xi32, #tpu.memory_space<vmem>> -> memref<1x2x128xi32, #tpu.memory_space<vmem>>
        %dma_start3A_534 = tpu.memref_squeeze %dma_start3A_533 : memref<1x2x128xi32, #tpu.memory_space<vmem>> -> memref<2x128xi32, #tpu.memory_space<vmem>>
        %dma_start3A_535 = arith.constant 0 : i32
        %dma_start3A_536 = arith.constant 0 : i32
        %dma_start3A_537 = tpu.memref_slice %arg3[%add3A_521, %dma_start3A_535, %dma_start3A_536] : memref<2560x2x128xi32, #tpu.memory_space<hbm>> -> memref<1x2x128xi32, #tpu.memory_space<hbm>>
        %dma_start3A_538 = tpu.memref_squeeze %dma_start3A_537 : memref<1x2x128xi32, #tpu.memory_space<hbm>> -> memref<2x128xi32, #tpu.memory_space<hbm>>
        tpu.enqueue_dma source(%dma_start3A_538 : memref<2x128xi32, #tpu.memory_space<hbm>>) target(%dma_start3A_534 : memref<2x128xi32, #tpu.memory_space<vmem>>) target_semaphore(%arg16 : memref<!tpu.dma_semaphore, #tpu.memory_space<semaphore_mem>>)
      } else {
      }
      %dma_wait3A_409 = arith.constant 0 : i32
      %dma_wait3A_410 = arith.constant 0 : i32
      %dma_wait3A_411 = arith.constant 0 : i32
      %dma_wait3A_412 = arith.constant 0 : i32
      %dma_wait3A_413 = arith.constant 0 : i32
      %dma_wait3A_414 = tpu.memref_slice %arg8[%dma_wait3A_411, %dma_wait3A_412, %dma_wait3A_413] : memref<3x128x128xf32, #tpu.memory_space<vmem>> -> memref<1x128x128xf32, #tpu.memory_space<vmem>>
      %dma_wait3A_415 = tpu.memref_squeeze %dma_wait3A_414 : memref<1x128x128xf32, #tpu.memory_space<vmem>> -> memref<128x128xf32, #tpu.memory_space<vmem>>
      %dma_wait3A_416 = arith.constant 0 : i32
      %dma_wait3A_417 = tpu.memref_slice %arg7[%dma_wait3A_409, %dma_wait3A_410, %dma_wait3A_416] : memref<6x2x128xi32, #tpu.memory_space<vmem>> -> memref<1x1x128xi32, #tpu.memory_space<vmem>>
      %dma_wait3A_418 = tpu.memref_squeeze %dma_wait3A_417 : memref<1x1x128xi32, #tpu.memory_space<vmem>> -> memref<128xi32, #tpu.memory_space<vmem>>
      %dma_wait3A_419 = arith.constant 0 : i32
      %dma_wait3A_420 = arith.constant 0 : i32
      %dma_wait3A_421 = tpu.memref_slice %arg2[%dma_wait3A_419, %dma_wait3A_420] : memref<10240x128xf32, #tpu.memory_space<hbm>> -> memref<10240x128xf32, #tpu.memory_space<hbm>>
      tpu.wait_indirect_dma semaphore(%arg9 : memref<!tpu.dma_semaphore, #tpu.memory_space<semaphore_mem>>) src(%dma_wait3A_421 : memref<10240x128xf32, #tpu.memory_space<hbm>>) dst(%dma_wait3A_415 : memref<128x128xf32, #tpu.memory_space<vmem>>)
      %dma_start3A_422 = arith.constant 0 : i32
      %dma_start3A_423 = arith.constant 3 : i32
      %dma_start3A_424 = arith.constant 1 : i32
      %dma_start3A_425 = arith.constant 0 : i32
      %dma_start3A_426 = arith.constant 0 : i32
      %dma_start3A_427 = tpu.memref_slice %arg8[%dma_start3A_422, %dma_start3A_425, %dma_start3A_426] : memref<3x128x128xf32, #tpu.memory_space<vmem>> -> memref<1x128x128xf32, #tpu.memory_space<vmem>>
      %dma_start3A_428 = tpu.memref_squeeze %dma_start3A_427 : memref<1x128x128xf32, #tpu.memory_space<vmem>> -> memref<128x128xf32, #tpu.memory_space<vmem>>
      %dma_start3A_429 = arith.constant 0 : i32
      %dma_start3A_430 = tpu.memref_slice %arg7[%dma_start3A_423, %dma_start3A_424, %dma_start3A_429] : memref<6x2x128xi32, #tpu.memory_space<vmem>> -> memref<1x1x128xi32, #tpu.memory_space<vmem>>
      %dma_start3A_431 = tpu.memref_squeeze %dma_start3A_430 : memref<1x1x128xi32, #tpu.memory_space<vmem>> -> memref<128xi32, #tpu.memory_space<vmem>>
      %dma_start3A_432 = arith.constant 0 : i32
      %dma_start3A_433 = arith.constant 0 : i32
      %dma_start3A_434 = tpu.memref_slice %arg6[%dma_start3A_432, %dma_start3A_433] : memref<10016x128xf32, #tpu.memory_space<vmem_shared>> -> memref<10016x128xf32, #tpu.memory_space<vmem_shared>>
      tpu.enqueue_indirect_dma source(%dma_start3A_428 : memref<128x128xf32, #tpu.memory_space<vmem>>) target(%dma_start3A_434 : memref<10016x128xf32, #tpu.memory_space<vmem_shared>>) offsets(%dma_start3A_431 : memref<128xi32, #tpu.memory_space<vmem>>) semaphore(%arg12 : memref<!tpu.dma_semaphore, #tpu.memory_space<semaphore_mem>>) {add = true}
      %add3A_435 = arith.constant 4 : i32
      %add3A_436 = arith.addi %add3A_266, %add3A_435 : i32
      %add3A_437 = arith.constant 1 : i32
      %add3A_438 = arith.addi %add3A_436, %add3A_437 : i32
      %lt3A_439 = arith.constant 80 : i32
      %lt3A_440 = arith.cmpi slt, %add3A_438, %lt3A_439 : i32
      %convert_element_type3A_441 = arith.extui %lt3A_440 : i1 to i32
      %cond3A_442 = arith.constant 0 : i32
      %cond3A_443 = arith.cmpi ne, %convert_element_type3A_441, %cond3A_442 : i32
      scf.if %cond3A_443 {
        %ge3A = arith.constant 2 : i32
        %ge3A_519 = arith.cmpi sge, %add3A_436, %ge3A : i32
        %convert_element_type3A_520 = arith.extui %ge3A_519 : i1 to i32
        %cond3A_521 = arith.constant 0 : i32
        %cond3A_522 = arith.cmpi ne, %convert_element_type3A_520, %cond3A_521 : i32
        scf.if %cond3A_522 {
          %dma_wait3A_553 = arith.constant 2 : i32
          %dma_wait3A_554 = arith.constant 0 : i32
          %dma_wait3A_555 = arith.constant 1 : i32
          %dma_wait3A_556 = arith.constant 0 : i32
          %dma_wait3A_557 = arith.constant 0 : i32
          %dma_wait3A_558 = tpu.memref_slice %arg8[%dma_wait3A_553, %dma_wait3A_556, %dma_wait3A_557] : memref<3x128x128xf32, #tpu.memory_space<vmem>> -> memref<1x128x128xf32, #tpu.memory_space<vmem>>
          %dma_wait3A_559 = tpu.memref_squeeze %dma_wait3A_558 : memref<1x128x128xf32, #tpu.memory_space<vmem>> -> memref<128x128xf32, #tpu.memory_space<vmem>>
          %dma_wait3A_560 = arith.constant 0 : i32
          %dma_wait3A_561 = tpu.memref_slice %arg7[%dma_wait3A_554, %dma_wait3A_555, %dma_wait3A_560] : memref<6x2x128xi32, #tpu.memory_space<vmem>> -> memref<1x1x128xi32, #tpu.memory_space<vmem>>
          %dma_wait3A_562 = tpu.memref_squeeze %dma_wait3A_561 : memref<1x1x128xi32, #tpu.memory_space<vmem>> -> memref<128xi32, #tpu.memory_space<vmem>>
          %dma_wait3A_563 = arith.constant 0 : i32
          %dma_wait3A_564 = arith.constant 0 : i32
          %dma_wait3A_565 = tpu.memref_slice %arg6[%dma_wait3A_563, %dma_wait3A_564] : memref<10016x128xf32, #tpu.memory_space<vmem_shared>> -> memref<10016x128xf32, #tpu.memory_space<vmem_shared>>
          tpu.wait_indirect_dma semaphore(%arg14 : memref<!tpu.dma_semaphore, #tpu.memory_space<semaphore_mem>>) src(%dma_wait3A_559 : memref<128x128xf32, #tpu.memory_space<vmem>>) dst(%dma_wait3A_565 : memref<10016x128xf32, #tpu.memory_space<vmem_shared>>)
        } else {
        }
        %dma_wait3A_523 = arith.constant 5 : i32
        %dma_wait3A_524 = arith.constant 0 : i32
        %dma_wait3A_525 = arith.constant 0 : i32
        %dma_wait3A_526 = tpu.memref_slice %arg7[%dma_wait3A_523, %dma_wait3A_524, %dma_wait3A_525] : memref<6x2x128xi32, #tpu.memory_space<vmem>> -> memref<1x2x128xi32, #tpu.memory_space<vmem>>
        %dma_wait3A_527 = tpu.memref_squeeze %dma_wait3A_526 : memref<1x2x128xi32, #tpu.memory_space<vmem>> -> memref<2x128xi32, #tpu.memory_space<vmem>>
        %dma_wait3A_528 = arith.constant 0 : i32
        %dma_wait3A_529 = arith.constant 0 : i32
        %dma_wait3A_530 = tpu.memref_slice %arg3[%mul3A_2, %dma_wait3A_528, %dma_wait3A_529] : memref<2560x2x128xi32, #tpu.memory_space<hbm>> -> memref<1x2x128xi32, #tpu.memory_space<hbm>>
        %dma_wait3A_531 = tpu.memref_squeeze %dma_wait3A_530 : memref<1x2x128xi32, #tpu.memory_space<hbm>> -> memref<2x128xi32, #tpu.memory_space<hbm>>
        %dma_wait3A_532 = arith.constant 0 : i32
        %dma_wait3A_533 = arith.constant 0 : i32
        %dma_wait3A_534 = tpu.memref_slice %arg7[%dma_wait3A_523, %dma_wait3A_532, %dma_wait3A_533] : memref<6x2x128xi32, #tpu.memory_space<vmem>> -> memref<1x2x128xi32, #tpu.memory_space<vmem>>
        %dma_wait3A_535 = tpu.memref_squeeze %dma_wait3A_534 : memref<1x2x128xi32, #tpu.memory_space<vmem>> -> memref<2x128xi32, #tpu.memory_space<vmem>>
        %dma_wait3A_536 = arith.constant 0 : i32
        %dma_wait3A_537 = arith.constant 0 : i32
        %dma_wait3A_538 = tpu.memref_slice %arg3[%mul3A_2, %dma_wait3A_536, %dma_wait3A_537] : memref<2560x2x128xi32, #tpu.memory_space<hbm>> -> memref<1x2x128xi32, #tpu.memory_space<hbm>>
        %dma_wait3A_539 = tpu.memref_squeeze %dma_wait3A_538 : memref<1x2x128xi32, #tpu.memory_space<hbm>> -> memref<2x128xi32, #tpu.memory_space<hbm>>
        tpu.wait_dma2 semaphore(%arg20 : memref<!tpu.dma_semaphore, #tpu.memory_space<semaphore_mem>>) src(%dma_wait3A_539 : memref<2x128xi32, #tpu.memory_space<hbm>>) dst(%dma_wait3A_535 : memref<2x128xi32, #tpu.memory_space<vmem>>)
        %dma_start3A_540 = arith.constant 5 : i32
        %dma_start3A_541 = arith.constant 0 : i32
        %dma_start3A_542 = arith.constant 2 : i32
        %dma_start3A_543 = arith.constant 0 : i32
        %dma_start3A_544 = arith.constant 0 : i32
        %dma_start3A_545 = tpu.memref_slice %arg8[%dma_start3A_542, %dma_start3A_543, %dma_start3A_544] : memref<3x128x128xf32, #tpu.memory_space<vmem>> -> memref<1x128x128xf32, #tpu.memory_space<vmem>>
        %dma_start3A_546 = tpu.memref_squeeze %dma_start3A_545 : memref<1x128x128xf32, #tpu.memory_space<vmem>> -> memref<128x128xf32, #tpu.memory_space<vmem>>
        %dma_start3A_547 = arith.constant 0 : i32
        %dma_start3A_548 = tpu.memref_slice %arg7[%dma_start3A_540, %dma_start3A_541, %dma_start3A_547] : memref<6x2x128xi32, #tpu.memory_space<vmem>> -> memref<1x1x128xi32, #tpu.memory_space<vmem>>
        %dma_start3A_549 = tpu.memref_squeeze %dma_start3A_548 : memref<1x1x128xi32, #tpu.memory_space<vmem>> -> memref<128xi32, #tpu.memory_space<vmem>>
        %dma_start3A_550 = arith.constant 0 : i32
        %dma_start3A_551 = arith.constant 0 : i32
        %dma_start3A_552 = tpu.memref_slice %arg2[%dma_start3A_550, %dma_start3A_551] : memref<10240x128xf32, #tpu.memory_space<hbm>> -> memref<10240x128xf32, #tpu.memory_space<hbm>>
        tpu.enqueue_indirect_dma source(%dma_start3A_552 : memref<10240x128xf32, #tpu.memory_space<hbm>>) target(%dma_start3A_546 : memref<128x128xf32, #tpu.memory_space<vmem>>) offsets(%dma_start3A_549 : memref<128xi32, #tpu.memory_space<vmem>>) semaphore(%arg11 : memref<!tpu.dma_semaphore, #tpu.memory_space<semaphore_mem>>)
      } else {
      }
      %add3A_444 = arith.constant 4 : i32
      %add3A_445 = arith.addi %add3A_436, %add3A_444 : i32
      %lt3A_446 = arith.constant 80 : i32
      %lt3A_447 = arith.cmpi slt, %add3A_445, %lt3A_446 : i32
      %convert_element_type3A_448 = arith.extui %lt3A_447 : i1 to i32
      %cond3A_449 = arith.constant 0 : i32
      %cond3A_450 = arith.cmpi ne, %convert_element_type3A_448, %cond3A_449 : i32
      scf.if %cond3A_450 {
        %add3A_519 = arith.constant 4 : i32
        %add3A_520 = arith.addi %add3A_436, %add3A_519 : i32
        %add3A_521 = arith.addi %mul3A_2, %add3A_520 : i32
        %dma_start3A_522 = arith.constant 2 : i32
        %dma_start3A_523 = arith.constant 0 : i32
        %dma_start3A_524 = arith.constant 0 : i32
        %dma_start3A_525 = tpu.memref_slice %arg7[%dma_start3A_522, %dma_start3A_523, %dma_start3A_524] : memref<6x2x128xi32, #tpu.memory_space<vmem>> -> memref<1x2x128xi32, #tpu.memory_space<vmem>>
        %dma_start3A_526 = tpu.memref_squeeze %dma_start3A_525 : memref<1x2x128xi32, #tpu.memory_space<vmem>> -> memref<2x128xi32, #tpu.memory_space<vmem>>
        %dma_start3A_527 = arith.constant 0 : i32
        %dma_start3A_528 = arith.constant 0 : i32
        %dma_start3A_529 = tpu.memref_slice %arg3[%add3A_521, %dma_start3A_527, %dma_start3A_528] : memref<2560x2x128xi32, #tpu.memory_space<hbm>> -> memref<1x2x128xi32, #tpu.memory_space<hbm>>
        %dma_start3A_530 = tpu.memref_squeeze %dma_start3A_529 : memref<1x2x128xi32, #tpu.memory_space<hbm>> -> memref<2x128xi32, #tpu.memory_space<hbm>>
        %dma_start3A_531 = arith.constant 0 : i32
        %dma_start3A_532 = arith.constant 0 : i32
        %dma_start3A_533 = tpu.memref_slice %arg7[%dma_start3A_522, %dma_start3A_531, %dma_start3A_532] : memref<6x2x128xi32, #tpu.memory_space<vmem>> -> memref<1x2x128xi32, #tpu.memory_space<vmem>>
        %dma_start3A_534 = tpu.memref_squeeze %dma_start3A_533 : memref<1x2x128xi32, #tpu.memory_space<vmem>> -> memref<2x128xi32, #tpu.memory_space<vmem>>
        %dma_start3A_535 = arith.constant 0 : i32
        %dma_start3A_536 = arith.constant 0 : i32
        %dma_start3A_537 = tpu.memref_slice %arg3[%add3A_521, %dma_start3A_535, %dma_start3A_536] : memref<2560x2x128xi32, #tpu.memory_space<hbm>> -> memref<1x2x128xi32, #tpu.memory_space<hbm>>
        %dma_start3A_538 = tpu.memref_squeeze %dma_start3A_537 : memref<1x2x128xi32, #tpu.memory_space<hbm>> -> memref<2x128xi32, #tpu.memory_space<hbm>>
        tpu.enqueue_dma source(%dma_start3A_538 : memref<2x128xi32, #tpu.memory_space<hbm>>) target(%dma_start3A_534 : memref<2x128xi32, #tpu.memory_space<vmem>>) target_semaphore(%arg17 : memref<!tpu.dma_semaphore, #tpu.memory_space<semaphore_mem>>)
      } else {
      }
      %dma_wait3A_451 = arith.constant 0 : i32
      %dma_wait3A_452 = arith.constant 0 : i32
      %dma_wait3A_453 = arith.constant 1 : i32
      %dma_wait3A_454 = arith.constant 0 : i32
      %dma_wait3A_455 = arith.constant 0 : i32
      %dma_wait3A_456 = tpu.memref_slice %arg8[%dma_wait3A_453, %dma_wait3A_454, %dma_wait3A_455] : memref<3x128x128xf32, #tpu.memory_space<vmem>> -> memref<1x128x128xf32, #tpu.memory_space<vmem>>
      %dma_wait3A_457 = tpu.memref_squeeze %dma_wait3A_456 : memref<1x128x128xf32, #tpu.memory_space<vmem>> -> memref<128x128xf32, #tpu.memory_space<vmem>>
      %dma_wait3A_458 = arith.constant 0 : i32
      %dma_wait3A_459 = tpu.memref_slice %arg7[%dma_wait3A_451, %dma_wait3A_452, %dma_wait3A_458] : memref<6x2x128xi32, #tpu.memory_space<vmem>> -> memref<1x1x128xi32, #tpu.memory_space<vmem>>
      %dma_wait3A_460 = tpu.memref_squeeze %dma_wait3A_459 : memref<1x1x128xi32, #tpu.memory_space<vmem>> -> memref<128xi32, #tpu.memory_space<vmem>>
      %dma_wait3A_461 = arith.constant 0 : i32
      %dma_wait3A_462 = arith.constant 0 : i32
      %dma_wait3A_463 = tpu.memref_slice %arg2[%dma_wait3A_461, %dma_wait3A_462] : memref<10240x128xf32, #tpu.memory_space<hbm>> -> memref<10240x128xf32, #tpu.memory_space<hbm>>
      tpu.wait_indirect_dma semaphore(%arg10 : memref<!tpu.dma_semaphore, #tpu.memory_space<semaphore_mem>>) src(%dma_wait3A_463 : memref<10240x128xf32, #tpu.memory_space<hbm>>) dst(%dma_wait3A_457 : memref<128x128xf32, #tpu.memory_space<vmem>>)
      %dma_start3A_464 = arith.constant 1 : i32
      %dma_start3A_465 = arith.constant 4 : i32
      %dma_start3A_466 = arith.constant 1 : i32
      %dma_start3A_467 = arith.constant 0 : i32
      %dma_start3A_468 = arith.constant 0 : i32
      %dma_start3A_469 = tpu.memref_slice %arg8[%dma_start3A_464, %dma_start3A_467, %dma_start3A_468] : memref<3x128x128xf32, #tpu.memory_space<vmem>> -> memref<1x128x128xf32, #tpu.memory_space<vmem>>
      %dma_start3A_470 = tpu.memref_squeeze %dma_start3A_469 : memref<1x128x128xf32, #tpu.memory_space<vmem>> -> memref<128x128xf32, #tpu.memory_space<vmem>>
      %dma_start3A_471 = arith.constant 0 : i32
      %dma_start3A_472 = tpu.memref_slice %arg7[%dma_start3A_465, %dma_start3A_466, %dma_start3A_471] : memref<6x2x128xi32, #tpu.memory_space<vmem>> -> memref<1x1x128xi32, #tpu.memory_space<vmem>>
      %dma_start3A_473 = tpu.memref_squeeze %dma_start3A_472 : memref<1x1x128xi32, #tpu.memory_space<vmem>> -> memref<128xi32, #tpu.memory_space<vmem>>
      %dma_start3A_474 = arith.constant 0 : i32
      %dma_start3A_475 = arith.constant 0 : i32
      %dma_start3A_476 = tpu.memref_slice %arg6[%dma_start3A_474, %dma_start3A_475] : memref<10016x128xf32, #tpu.memory_space<vmem_shared>> -> memref<10016x128xf32, #tpu.memory_space<vmem_shared>>
      tpu.enqueue_indirect_dma source(%dma_start3A_470 : memref<128x128xf32, #tpu.memory_space<vmem>>) target(%dma_start3A_476 : memref<10016x128xf32, #tpu.memory_space<vmem_shared>>) offsets(%dma_start3A_473 : memref<128xi32, #tpu.memory_space<vmem>>) semaphore(%arg13 : memref<!tpu.dma_semaphore, #tpu.memory_space<semaphore_mem>>) {add = true}
      %add3A_477 = arith.constant 5 : i32
      %add3A_478 = arith.addi %add3A_266, %add3A_477 : i32
      %add3A_479 = arith.constant 1 : i32
      %add3A_480 = arith.addi %add3A_478, %add3A_479 : i32
      %lt3A_481 = arith.constant 80 : i32
      %lt3A_482 = arith.cmpi slt, %add3A_480, %lt3A_481 : i32
      %convert_element_type3A_483 = arith.extui %lt3A_482 : i1 to i32
      %cond3A_484 = arith.constant 0 : i32
      %cond3A_485 = arith.cmpi ne, %convert_element_type3A_483, %cond3A_484 : i32
      scf.if %cond3A_485 {
        %ge3A = arith.constant 2 : i32
        %ge3A_519 = arith.cmpi sge, %add3A_478, %ge3A : i32
        %convert_element_type3A_520 = arith.extui %ge3A_519 : i1 to i32
        %cond3A_521 = arith.constant 0 : i32
        %cond3A_522 = arith.cmpi ne, %convert_element_type3A_520, %cond3A_521 : i32
        scf.if %cond3A_522 {
          %dma_wait3A_553 = arith.constant 0 : i32
          %dma_wait3A_554 = arith.constant 0 : i32
          %dma_wait3A_555 = arith.constant 1 : i32
          %dma_wait3A_556 = arith.constant 0 : i32
          %dma_wait3A_557 = arith.constant 0 : i32
          %dma_wait3A_558 = tpu.memref_slice %arg8[%dma_wait3A_553, %dma_wait3A_556, %dma_wait3A_557] : memref<3x128x128xf32, #tpu.memory_space<vmem>> -> memref<1x128x128xf32, #tpu.memory_space<vmem>>
          %dma_wait3A_559 = tpu.memref_squeeze %dma_wait3A_558 : memref<1x128x128xf32, #tpu.memory_space<vmem>> -> memref<128x128xf32, #tpu.memory_space<vmem>>
          %dma_wait3A_560 = arith.constant 0 : i32
          %dma_wait3A_561 = tpu.memref_slice %arg7[%dma_wait3A_554, %dma_wait3A_555, %dma_wait3A_560] : memref<6x2x128xi32, #tpu.memory_space<vmem>> -> memref<1x1x128xi32, #tpu.memory_space<vmem>>
          %dma_wait3A_562 = tpu.memref_squeeze %dma_wait3A_561 : memref<1x1x128xi32, #tpu.memory_space<vmem>> -> memref<128xi32, #tpu.memory_space<vmem>>
          %dma_wait3A_563 = arith.constant 0 : i32
          %dma_wait3A_564 = arith.constant 0 : i32
          %dma_wait3A_565 = tpu.memref_slice %arg6[%dma_wait3A_563, %dma_wait3A_564] : memref<10016x128xf32, #tpu.memory_space<vmem_shared>> -> memref<10016x128xf32, #tpu.memory_space<vmem_shared>>
          tpu.wait_indirect_dma semaphore(%arg12 : memref<!tpu.dma_semaphore, #tpu.memory_space<semaphore_mem>>) src(%dma_wait3A_559 : memref<128x128xf32, #tpu.memory_space<vmem>>) dst(%dma_wait3A_565 : memref<10016x128xf32, #tpu.memory_space<vmem_shared>>)
        } else {
        }
        %dma_wait3A_523 = arith.constant 0 : i32
        %dma_wait3A_524 = arith.constant 0 : i32
        %dma_wait3A_525 = arith.constant 0 : i32
        %dma_wait3A_526 = tpu.memref_slice %arg7[%dma_wait3A_523, %dma_wait3A_524, %dma_wait3A_525] : memref<6x2x128xi32, #tpu.memory_space<vmem>> -> memref<1x2x128xi32, #tpu.memory_space<vmem>>
        %dma_wait3A_527 = tpu.memref_squeeze %dma_wait3A_526 : memref<1x2x128xi32, #tpu.memory_space<vmem>> -> memref<2x128xi32, #tpu.memory_space<vmem>>
        %dma_wait3A_528 = arith.constant 0 : i32
        %dma_wait3A_529 = arith.constant 0 : i32
        %dma_wait3A_530 = tpu.memref_slice %arg3[%mul3A_2, %dma_wait3A_528, %dma_wait3A_529] : memref<2560x2x128xi32, #tpu.memory_space<hbm>> -> memref<1x2x128xi32, #tpu.memory_space<hbm>>
        %dma_wait3A_531 = tpu.memref_squeeze %dma_wait3A_530 : memref<1x2x128xi32, #tpu.memory_space<hbm>> -> memref<2x128xi32, #tpu.memory_space<hbm>>
        %dma_wait3A_532 = arith.constant 0 : i32
        %dma_wait3A_533 = arith.constant 0 : i32
        %dma_wait3A_534 = tpu.memref_slice %arg7[%dma_wait3A_523, %dma_wait3A_532, %dma_wait3A_533] : memref<6x2x128xi32, #tpu.memory_space<vmem>> -> memref<1x2x128xi32, #tpu.memory_space<vmem>>
        %dma_wait3A_535 = tpu.memref_squeeze %dma_wait3A_534 : memref<1x2x128xi32, #tpu.memory_space<vmem>> -> memref<2x128xi32, #tpu.memory_space<vmem>>
        %dma_wait3A_536 = arith.constant 0 : i32
        %dma_wait3A_537 = arith.constant 0 : i32
        %dma_wait3A_538 = tpu.memref_slice %arg3[%mul3A_2, %dma_wait3A_536, %dma_wait3A_537] : memref<2560x2x128xi32, #tpu.memory_space<hbm>> -> memref<1x2x128xi32, #tpu.memory_space<hbm>>
        %dma_wait3A_539 = tpu.memref_squeeze %dma_wait3A_538 : memref<1x2x128xi32, #tpu.memory_space<hbm>> -> memref<2x128xi32, #tpu.memory_space<hbm>>
        tpu.wait_dma2 semaphore(%arg15 : memref<!tpu.dma_semaphore, #tpu.memory_space<semaphore_mem>>) src(%dma_wait3A_539 : memref<2x128xi32, #tpu.memory_space<hbm>>) dst(%dma_wait3A_535 : memref<2x128xi32, #tpu.memory_space<vmem>>)
        %dma_start3A_540 = arith.constant 0 : i32
        %dma_start3A_541 = arith.constant 0 : i32
        %dma_start3A_542 = arith.constant 0 : i32
        %dma_start3A_543 = arith.constant 0 : i32
        %dma_start3A_544 = arith.constant 0 : i32
        %dma_start3A_545 = tpu.memref_slice %arg8[%dma_start3A_542, %dma_start3A_543, %dma_start3A_544] : memref<3x128x128xf32, #tpu.memory_space<vmem>> -> memref<1x128x128xf32, #tpu.memory_space<vmem>>
        %dma_start3A_546 = tpu.memref_squeeze %dma_start3A_545 : memref<1x128x128xf32, #tpu.memory_space<vmem>> -> memref<128x128xf32, #tpu.memory_space<vmem>>
        %dma_start3A_547 = arith.constant 0 : i32
        %dma_start3A_548 = tpu.memref_slice %arg7[%dma_start3A_540, %dma_start3A_541, %dma_start3A_547] : memref<6x2x128xi32, #tpu.memory_space<vmem>> -> memref<1x1x128xi32, #tpu.memory_space<vmem>>
        %dma_start3A_549 = tpu.memref_squeeze %dma_start3A_548 : memref<1x1x128xi32, #tpu.memory_space<vmem>> -> memref<128xi32, #tpu.memory_space<vmem>>
        %dma_start3A_550 = arith.constant 0 : i32
        %dma_start3A_551 = arith.constant 0 : i32
        %dma_start3A_552 = tpu.memref_slice %arg2[%dma_start3A_550, %dma_start3A_551] : memref<10240x128xf32, #tpu.memory_space<hbm>> -> memref<10240x128xf32, #tpu.memory_space<hbm>>
        tpu.enqueue_indirect_dma source(%dma_start3A_552 : memref<10240x128xf32, #tpu.memory_space<hbm>>) target(%dma_start3A_546 : memref<128x128xf32, #tpu.memory_space<vmem>>) offsets(%dma_start3A_549 : memref<128xi32, #tpu.memory_space<vmem>>) semaphore(%arg9 : memref<!tpu.dma_semaphore, #tpu.memory_space<semaphore_mem>>)
      } else {
      }
      %add3A_486 = arith.constant 4 : i32
      %add3A_487 = arith.addi %add3A_478, %add3A_486 : i32
      %lt3A_488 = arith.constant 80 : i32
      %lt3A_489 = arith.cmpi slt, %add3A_487, %lt3A_488 : i32
      %convert_element_type3A_490 = arith.extui %lt3A_489 : i1 to i32
      %cond3A_491 = arith.constant 0 : i32
      %cond3A_492 = arith.cmpi ne, %convert_element_type3A_490, %cond3A_491 : i32
      scf.if %cond3A_492 {
        %add3A_519 = arith.constant 4 : i32
        %add3A_520 = arith.addi %add3A_478, %add3A_519 : i32
        %add3A_521 = arith.addi %mul3A_2, %add3A_520 : i32
        %dma_start3A_522 = arith.constant 3 : i32
        %dma_start3A_523 = arith.constant 0 : i32
        %dma_start3A_524 = arith.constant 0 : i32
        %dma_start3A_525 = tpu.memref_slice %arg7[%dma_start3A_522, %dma_start3A_523, %dma_start3A_524] : memref<6x2x128xi32, #tpu.memory_space<vmem>> -> memref<1x2x128xi32, #tpu.memory_space<vmem>>
        %dma_start3A_526 = tpu.memref_squeeze %dma_start3A_525 : memref<1x2x128xi32, #tpu.memory_space<vmem>> -> memref<2x128xi32, #tpu.memory_space<vmem>>
        %dma_start3A_527 = arith.constant 0 : i32
        %dma_start3A_528 = arith.constant 0 : i32
        %dma_start3A_529 = tpu.memref_slice %arg3[%add3A_521, %dma_start3A_527, %dma_start3A_528] : memref<2560x2x128xi32, #tpu.memory_space<hbm>> -> memref<1x2x128xi32, #tpu.memory_space<hbm>>
        %dma_start3A_530 = tpu.memref_squeeze %dma_start3A_529 : memref<1x2x128xi32, #tpu.memory_space<hbm>> -> memref<2x128xi32, #tpu.memory_space<hbm>>
        %dma_start3A_531 = arith.constant 0 : i32
        %dma_start3A_532 = arith.constant 0 : i32
        %dma_start3A_533 = tpu.memref_slice %arg7[%dma_start3A_522, %dma_start3A_531, %dma_start3A_532] : memref<6x2x128xi32, #tpu.memory_space<vmem>> -> memref<1x2x128xi32, #tpu.memory_space<vmem>>
        %dma_start3A_534 = tpu.memref_squeeze %dma_start3A_533 : memref<1x2x128xi32, #tpu.memory_space<vmem>> -> memref<2x128xi32, #tpu.memory_space<vmem>>
        %dma_start3A_535 = arith.constant 0 : i32
        %dma_start3A_536 = arith.constant 0 : i32
        %dma_start3A_537 = tpu.memref_slice %arg3[%add3A_521, %dma_start3A_535, %dma_start3A_536] : memref<2560x2x128xi32, #tpu.memory_space<hbm>> -> memref<1x2x128xi32, #tpu.memory_space<hbm>>
        %dma_start3A_538 = tpu.memref_squeeze %dma_start3A_537 : memref<1x2x128xi32, #tpu.memory_space<hbm>> -> memref<2x128xi32, #tpu.memory_space<hbm>>
        tpu.enqueue_dma source(%dma_start3A_538 : memref<2x128xi32, #tpu.memory_space<hbm>>) target(%dma_start3A_534 : memref<2x128xi32, #tpu.memory_space<vmem>>) target_semaphore(%arg18 : memref<!tpu.dma_semaphore, #tpu.memory_space<semaphore_mem>>)
      } else {
      }
      %dma_wait3A_493 = arith.constant 0 : i32
      %dma_wait3A_494 = arith.constant 0 : i32
      %dma_wait3A_495 = arith.constant 2 : i32
      %dma_wait3A_496 = arith.constant 0 : i32
      %dma_wait3A_497 = arith.constant 0 : i32
      %dma_wait3A_498 = tpu.memref_slice %arg8[%dma_wait3A_495, %dma_wait3A_496, %dma_wait3A_497] : memref<3x128x128xf32, #tpu.memory_space<vmem>> -> memref<1x128x128xf32, #tpu.memory_space<vmem>>
      %dma_wait3A_499 = tpu.memref_squeeze %dma_wait3A_498 : memref<1x128x128xf32, #tpu.memory_space<vmem>> -> memref<128x128xf32, #tpu.memory_space<vmem>>
      %dma_wait3A_500 = arith.constant 0 : i32
      %dma_wait3A_501 = tpu.memref_slice %arg7[%dma_wait3A_493, %dma_wait3A_494, %dma_wait3A_500] : memref<6x2x128xi32, #tpu.memory_space<vmem>> -> memref<1x1x128xi32, #tpu.memory_space<vmem>>
      %dma_wait3A_502 = tpu.memref_squeeze %dma_wait3A_501 : memref<1x1x128xi32, #tpu.memory_space<vmem>> -> memref<128xi32, #tpu.memory_space<vmem>>
      %dma_wait3A_503 = arith.constant 0 : i32
      %dma_wait3A_504 = arith.constant 0 : i32
      %dma_wait3A_505 = tpu.memref_slice %arg2[%dma_wait3A_503, %dma_wait3A_504] : memref<10240x128xf32, #tpu.memory_space<hbm>> -> memref<10240x128xf32, #tpu.memory_space<hbm>>
      tpu.wait_indirect_dma semaphore(%arg11 : memref<!tpu.dma_semaphore, #tpu.memory_space<semaphore_mem>>) src(%dma_wait3A_505 : memref<10240x128xf32, #tpu.memory_space<hbm>>) dst(%dma_wait3A_499 : memref<128x128xf32, #tpu.memory_space<vmem>>)
      %dma_start3A_506 = arith.constant 2 : i32
      %dma_start3A_507 = arith.constant 5 : i32
      %dma_start3A_508 = arith.constant 1 : i32
      %dma_start3A_509 = arith.constant 0 : i32
      %dma_start3A_510 = arith.constant 0 : i32
      %dma_start3A_511 = tpu.memref_slice %arg8[%dma_start3A_506, %dma_start3A_509, %dma_start3A_510] : memref<3x128x128xf32, #tpu.memory_space<vmem>> -> memref<1x128x128xf32, #tpu.memory_space<vmem>>
      %dma_start3A_512 = tpu.memref_squeeze %dma_start3A_511 : memref<1x128x128xf32, #tpu.memory_space<vmem>> -> memref<128x128xf32, #tpu.memory_space<vmem>>
      %dma_start3A_513 = arith.constant 0 : i32
      %dma_start3A_514 = tpu.memref_slice %arg7[%dma_start3A_507, %dma_start3A_508, %dma_start3A_513] : memref<6x2x128xi32, #tpu.memory_space<vmem>> -> memref<1x1x128xi32, #tpu.memory_space<vmem>>
      %dma_start3A_515 = tpu.memref_squeeze %dma_start3A_514 : memref<1x1x128xi32, #tpu.memory_space<vmem>> -> memref<128xi32, #tpu.memory_space<vmem>>
      %dma_start3A_516 = arith.constant 0 : i32
      %dma_start3A_517 = arith.constant 0 : i32
      %dma_start3A_518 = tpu.memref_slice %arg6[%dma_start3A_516, %dma_start3A_517] : memref<10016x128xf32, #tpu.memory_space<vmem_shared>> -> memref<10016x128xf32, #tpu.memory_space<vmem_shared>>
      tpu.enqueue_indirect_dma source(%dma_start3A_512 : memref<128x128xf32, #tpu.memory_space<vmem>>) target(%dma_start3A_518 : memref<10016x128xf32, #tpu.memory_space<vmem_shared>>) offsets(%dma_start3A_515 : memref<128xi32, #tpu.memory_space<vmem>>) semaphore(%arg14 : memref<!tpu.dma_semaphore, #tpu.memory_space<semaphore_mem>>) {add = true}
    }
    %scan3A_116 = arith.constant 13 : i32
    %dma_wait3A_117 = arith.constant 1 : i32
    %dma_wait3A_118 = arith.constant 0 : i32
    %dma_wait3A_119 = arith.constant 1 : i32
    %dma_wait3A_120 = arith.constant 0 : i32
    %dma_wait3A_121 = arith.constant 0 : i32
    %dma_wait3A_122 = tpu.memref_slice %arg8[%dma_wait3A_117, %dma_wait3A_120, %dma_wait3A_121] : memref<3x128x128xf32, #tpu.memory_space<vmem>> -> memref<1x128x128xf32, #tpu.memory_space<vmem>>
    %dma_wait3A_123 = tpu.memref_squeeze %dma_wait3A_122 : memref<1x128x128xf32, #tpu.memory_space<vmem>> -> memref<128x128xf32, #tpu.memory_space<vmem>>
    %dma_wait3A_124 = arith.constant 0 : i32
    %dma_wait3A_125 = tpu.memref_slice %arg7[%dma_wait3A_118, %dma_wait3A_119, %dma_wait3A_124] : memref<6x2x128xi32, #tpu.memory_space<vmem>> -> memref<1x1x128xi32, #tpu.memory_space<vmem>>
    %dma_wait3A_126 = tpu.memref_squeeze %dma_wait3A_125 : memref<1x1x128xi32, #tpu.memory_space<vmem>> -> memref<128xi32, #tpu.memory_space<vmem>>
    %dma_wait3A_127 = arith.constant 0 : i32
    %dma_wait3A_128 = arith.constant 0 : i32
    %dma_wait3A_129 = tpu.memref_slice %arg6[%dma_wait3A_127, %dma_wait3A_128] : memref<10016x128xf32, #tpu.memory_space<vmem_shared>> -> memref<10016x128xf32, #tpu.memory_space<vmem_shared>>
    tpu.wait_indirect_dma semaphore(%arg13 : memref<!tpu.dma_semaphore, #tpu.memory_space<semaphore_mem>>) src(%dma_wait3A_123 : memref<128x128xf32, #tpu.memory_space<vmem>>) dst(%dma_wait3A_129 : memref<10016x128xf32, #tpu.memory_space<vmem_shared>>)
    %dma_wait3A_130 = arith.constant 1 : i32
    %dma_wait3A_131 = arith.constant 0 : i32
    %dma_wait3A_132 = arith.constant 0 : i32
    %dma_wait3A_133 = tpu.memref_slice %arg7[%dma_wait3A_130, %dma_wait3A_131, %dma_wait3A_132] : memref<6x2x128xi32, #tpu.memory_space<vmem>> -> memref<1x2x128xi32, #tpu.memory_space<vmem>>
    %dma_wait3A_134 = tpu.memref_squeeze %dma_wait3A_133 : memref<1x2x128xi32, #tpu.memory_space<vmem>> -> memref<2x128xi32, #tpu.memory_space<vmem>>
    %dma_wait3A_135 = arith.constant 0 : i32
    %dma_wait3A_136 = arith.constant 0 : i32
    %dma_wait3A_137 = tpu.memref_slice %arg3[%mul3A_2, %dma_wait3A_135, %dma_wait3A_136] : memref<2560x2x128xi32, #tpu.memory_space<hbm>> -> memref<1x2x128xi32, #tpu.memory_space<hbm>>
    %dma_wait3A_138 = tpu.memref_squeeze %dma_wait3A_137 : memref<1x2x128xi32, #tpu.memory_space<hbm>> -> memref<2x128xi32, #tpu.memory_space<hbm>>
    %dma_wait3A_139 = arith.constant 0 : i32
    %dma_wait3A_140 = arith.constant 0 : i32
    %dma_wait3A_141 = tpu.memref_slice %arg7[%dma_wait3A_130, %dma_wait3A_139, %dma_wait3A_140] : memref<6x2x128xi32, #tpu.memory_space<vmem>> -> memref<1x2x128xi32, #tpu.memory_space<vmem>>
    %dma_wait3A_142 = tpu.memref_squeeze %dma_wait3A_141 : memref<1x2x128xi32, #tpu.memory_space<vmem>> -> memref<2x128xi32, #tpu.memory_space<vmem>>
    %dma_wait3A_143 = arith.constant 0 : i32
    %dma_wait3A_144 = arith.constant 0 : i32
    %dma_wait3A_145 = tpu.memref_slice %arg3[%mul3A_2, %dma_wait3A_143, %dma_wait3A_144] : memref<2560x2x128xi32, #tpu.memory_space<hbm>> -> memref<1x2x128xi32, #tpu.memory_space<hbm>>
    %dma_wait3A_146 = tpu.memref_squeeze %dma_wait3A_145 : memref<1x2x128xi32, #tpu.memory_space<hbm>> -> memref<2x128xi32, #tpu.memory_space<hbm>>
    tpu.wait_dma2 semaphore(%arg16 : memref<!tpu.dma_semaphore, #tpu.memory_space<semaphore_mem>>) src(%dma_wait3A_146 : memref<2x128xi32, #tpu.memory_space<hbm>>) dst(%dma_wait3A_142 : memref<2x128xi32, #tpu.memory_space<vmem>>)
    %dma_start3A_147 = arith.constant 1 : i32
    %dma_start3A_148 = arith.constant 0 : i32
    %dma_start3A_149 = arith.constant 1 : i32
    %dma_start3A_150 = arith.constant 0 : i32
    %dma_start3A_151 = arith.constant 0 : i32
    %dma_start3A_152 = tpu.memref_slice %arg8[%dma_start3A_149, %dma_start3A_150, %dma_start3A_151] : memref<3x128x128xf32, #tpu.memory_space<vmem>> -> memref<1x128x128xf32, #tpu.memory_space<vmem>>
    %dma_start3A_153 = tpu.memref_squeeze %dma_start3A_152 : memref<1x128x128xf32, #tpu.memory_space<vmem>> -> memref<128x128xf32, #tpu.memory_space<vmem>>
    %dma_start3A_154 = arith.constant 0 : i32
    %dma_start3A_155 = tpu.memref_slice %arg7[%dma_start3A_147, %dma_start3A_148, %dma_start3A_154] : memref<6x2x128xi32, #tpu.memory_space<vmem>> -> memref<1x1x128xi32, #tpu.memory_space<vmem>>
    %dma_start3A_156 = tpu.memref_squeeze %dma_start3A_155 : memref<1x1x128xi32, #tpu.memory_space<vmem>> -> memref<128xi32, #tpu.memory_space<vmem>>
    %dma_start3A_157 = arith.constant 0 : i32
    %dma_start3A_158 = arith.constant 0 : i32
    %dma_start3A_159 = tpu.memref_slice %arg2[%dma_start3A_157, %dma_start3A_158] : memref<10240x128xf32, #tpu.memory_space<hbm>> -> memref<10240x128xf32, #tpu.memory_space<hbm>>
    tpu.enqueue_indirect_dma source(%dma_start3A_159 : memref<10240x128xf32, #tpu.memory_space<hbm>>) target(%dma_start3A_153 : memref<128x128xf32, #tpu.memory_space<vmem>>) offsets(%dma_start3A_156 : memref<128xi32, #tpu.memory_space<vmem>>) semaphore(%arg10 : memref<!tpu.dma_semaphore, #tpu.memory_space<semaphore_mem>>)
    %dma_wait3A_160 = arith.constant 0 : i32
    %dma_wait3A_161 = arith.constant 0 : i32
    %dma_wait3A_162 = arith.constant 0 : i32
    %dma_wait3A_163 = arith.constant 0 : i32
    %dma_wait3A_164 = arith.constant 0 : i32
    %dma_wait3A_165 = tpu.memref_slice %arg8[%dma_wait3A_162, %dma_wait3A_163, %dma_wait3A_164] : memref<3x128x128xf32, #tpu.memory_space<vmem>> -> memref<1x128x128xf32, #tpu.memory_space<vmem>>
    %dma_wait3A_166 = tpu.memref_squeeze %dma_wait3A_165 : memref<1x128x128xf32, #tpu.memory_space<vmem>> -> memref<128x128xf32, #tpu.memory_space<vmem>>
    %dma_wait3A_167 = arith.constant 0 : i32
    %dma_wait3A_168 = tpu.memref_slice %arg7[%dma_wait3A_160, %dma_wait3A_161, %dma_wait3A_167] : memref<6x2x128xi32, #tpu.memory_space<vmem>> -> memref<1x1x128xi32, #tpu.memory_space<vmem>>
    %dma_wait3A_169 = tpu.memref_squeeze %dma_wait3A_168 : memref<1x1x128xi32, #tpu.memory_space<vmem>> -> memref<128xi32, #tpu.memory_space<vmem>>
    %dma_wait3A_170 = arith.constant 0 : i32
    %dma_wait3A_171 = arith.constant 0 : i32
    %dma_wait3A_172 = tpu.memref_slice %arg2[%dma_wait3A_170, %dma_wait3A_171] : memref<10240x128xf32, #tpu.memory_space<hbm>> -> memref<10240x128xf32, #tpu.memory_space<hbm>>
    tpu.wait_indirect_dma semaphore(%arg9 : memref<!tpu.dma_semaphore, #tpu.memory_space<semaphore_mem>>) src(%dma_wait3A_172 : memref<10240x128xf32, #tpu.memory_space<hbm>>) dst(%dma_wait3A_166 : memref<128x128xf32, #tpu.memory_space<vmem>>)
    %dma_start3A_173 = arith.constant 0 : i32
    %dma_start3A_174 = arith.constant 0 : i32
    %dma_start3A_175 = arith.constant 1 : i32
    %dma_start3A_176 = arith.constant 0 : i32
    %dma_start3A_177 = arith.constant 0 : i32
    %dma_start3A_178 = tpu.memref_slice %arg8[%dma_start3A_173, %dma_start3A_176, %dma_start3A_177] : memref<3x128x128xf32, #tpu.memory_space<vmem>> -> memref<1x128x128xf32, #tpu.memory_space<vmem>>
    %dma_start3A_179 = tpu.memref_squeeze %dma_start3A_178 : memref<1x128x128xf32, #tpu.memory_space<vmem>> -> memref<128x128xf32, #tpu.memory_space<vmem>>
    %dma_start3A_180 = arith.constant 0 : i32
    %dma_start3A_181 = tpu.memref_slice %arg7[%dma_start3A_174, %dma_start3A_175, %dma_start3A_180] : memref<6x2x128xi32, #tpu.memory_space<vmem>> -> memref<1x1x128xi32, #tpu.memory_space<vmem>>
    %dma_start3A_182 = tpu.memref_squeeze %dma_start3A_181 : memref<1x1x128xi32, #tpu.memory_space<vmem>> -> memref<128xi32, #tpu.memory_space<vmem>>
    %dma_start3A_183 = arith.constant 0 : i32
    %dma_start3A_184 = arith.constant 0 : i32
    %dma_start3A_185 = tpu.memref_slice %arg6[%dma_start3A_183, %dma_start3A_184] : memref<10016x128xf32, #tpu.memory_space<vmem_shared>> -> memref<10016x128xf32, #tpu.memory_space<vmem_shared>>
    tpu.enqueue_indirect_dma source(%dma_start3A_179 : memref<128x128xf32, #tpu.memory_space<vmem>>) target(%dma_start3A_185 : memref<10016x128xf32, #tpu.memory_space<vmem_shared>>) offsets(%dma_start3A_182 : memref<128xi32, #tpu.memory_space<vmem>>) semaphore(%arg12 : memref<!tpu.dma_semaphore, #tpu.memory_space<semaphore_mem>>) {add = true}
    %dma_wait3A_186 = arith.constant 0 : i32
    %dma_wait3A_187 = arith.constant 0 : i32
    %dma_wait3A_188 = arith.constant 1 : i32
    %dma_wait3A_189 = arith.constant 0 : i32
    %dma_wait3A_190 = arith.constant 0 : i32
    %dma_wait3A_191 = tpu.memref_slice %arg8[%dma_wait3A_188, %dma_wait3A_189, %dma_wait3A_190] : memref<3x128x128xf32, #tpu.memory_space<vmem>> -> memref<1x128x128xf32, #tpu.memory_space<vmem>>
    %dma_wait3A_192 = tpu.memref_squeeze %dma_wait3A_191 : memref<1x128x128xf32, #tpu.memory_space<vmem>> -> memref<128x128xf32, #tpu.memory_space<vmem>>
    %dma_wait3A_193 = arith.constant 0 : i32
    %dma_wait3A_194 = tpu.memref_slice %arg7[%dma_wait3A_186, %dma_wait3A_187, %dma_wait3A_193] : memref<6x2x128xi32, #tpu.memory_space<vmem>> -> memref<1x1x128xi32, #tpu.memory_space<vmem>>
    %dma_wait3A_195 = tpu.memref_squeeze %dma_wait3A_194 : memref<1x1x128xi32, #tpu.memory_space<vmem>> -> memref<128xi32, #tpu.memory_space<vmem>>
    %dma_wait3A_196 = arith.constant 0 : i32
    %dma_wait3A_197 = arith.constant 0 : i32
    %dma_wait3A_198 = tpu.memref_slice %arg2[%dma_wait3A_196, %dma_wait3A_197] : memref<10240x128xf32, #tpu.memory_space<hbm>> -> memref<10240x128xf32, #tpu.memory_space<hbm>>
    tpu.wait_indirect_dma semaphore(%arg10 : memref<!tpu.dma_semaphore, #tpu.memory_space<semaphore_mem>>) src(%dma_wait3A_198 : memref<10240x128xf32, #tpu.memory_space<hbm>>) dst(%dma_wait3A_192 : memref<128x128xf32, #tpu.memory_space<vmem>>)
    %dma_start3A_199 = arith.constant 1 : i32
    %dma_start3A_200 = arith.constant 1 : i32
    %dma_start3A_201 = arith.constant 1 : i32
    %dma_start3A_202 = arith.constant 0 : i32
    %dma_start3A_203 = arith.constant 0 : i32
    %dma_start3A_204 = tpu.memref_slice %arg8[%dma_start3A_199, %dma_start3A_202, %dma_start3A_203] : memref<3x128x128xf32, #tpu.memory_space<vmem>> -> memref<1x128x128xf32, #tpu.memory_space<vmem>>
    %dma_start3A_205 = tpu.memref_squeeze %dma_start3A_204 : memref<1x128x128xf32, #tpu.memory_space<vmem>> -> memref<128x128xf32, #tpu.memory_space<vmem>>
    %dma_start3A_206 = arith.constant 0 : i32
    %dma_start3A_207 = tpu.memref_slice %arg7[%dma_start3A_200, %dma_start3A_201, %dma_start3A_206] : memref<6x2x128xi32, #tpu.memory_space<vmem>> -> memref<1x1x128xi32, #tpu.memory_space<vmem>>
    %dma_start3A_208 = tpu.memref_squeeze %dma_start3A_207 : memref<1x1x128xi32, #tpu.memory_space<vmem>> -> memref<128xi32, #tpu.memory_space<vmem>>
    %dma_start3A_209 = arith.constant 0 : i32
    %dma_start3A_210 = arith.constant 0 : i32
    %dma_start3A_211 = tpu.memref_slice %arg6[%dma_start3A_209, %dma_start3A_210] : memref<10016x128xf32, #tpu.memory_space<vmem_shared>> -> memref<10016x128xf32, #tpu.memory_space<vmem_shared>>
    tpu.enqueue_indirect_dma source(%dma_start3A_205 : memref<128x128xf32, #tpu.memory_space<vmem>>) target(%dma_start3A_211 : memref<10016x128xf32, #tpu.memory_space<vmem_shared>>) offsets(%dma_start3A_208 : memref<128xi32, #tpu.memory_space<vmem>>) semaphore(%arg13 : memref<!tpu.dma_semaphore, #tpu.memory_space<semaphore_mem>>) {add = true}
    %dma_wait3A_212 = arith.constant 2 : i32
    %dma_wait3A_213 = arith.constant 0 : i32
    %dma_wait3A_214 = arith.constant 1 : i32
    %dma_wait3A_215 = arith.constant 0 : i32
    %dma_wait3A_216 = arith.constant 0 : i32
    %dma_wait3A_217 = tpu.memref_slice %arg8[%dma_wait3A_212, %dma_wait3A_215, %dma_wait3A_216] : memref<3x128x128xf32, #tpu.memory_space<vmem>> -> memref<1x128x128xf32, #tpu.memory_space<vmem>>
    %dma_wait3A_218 = tpu.memref_squeeze %dma_wait3A_217 : memref<1x128x128xf32, #tpu.memory_space<vmem>> -> memref<128x128xf32, #tpu.memory_space<vmem>>
    %dma_wait3A_219 = arith.constant 0 : i32
    %dma_wait3A_220 = tpu.memref_slice %arg7[%dma_wait3A_213, %dma_wait3A_214, %dma_wait3A_219] : memref<6x2x128xi32, #tpu.memory_space<vmem>> -> memref<1x1x128xi32, #tpu.memory_space<vmem>>
    %dma_wait3A_221 = tpu.memref_squeeze %dma_wait3A_220 : memref<1x1x128xi32, #tpu.memory_space<vmem>> -> memref<128xi32, #tpu.memory_space<vmem>>
    %dma_wait3A_222 = arith.constant 0 : i32
    %dma_wait3A_223 = arith.constant 0 : i32
    %dma_wait3A_224 = tpu.memref_slice %arg6[%dma_wait3A_222, %dma_wait3A_223] : memref<10016x128xf32, #tpu.memory_space<vmem_shared>> -> memref<10016x128xf32, #tpu.memory_space<vmem_shared>>
    tpu.wait_indirect_dma semaphore(%arg14 : memref<!tpu.dma_semaphore, #tpu.memory_space<semaphore_mem>>) src(%dma_wait3A_218 : memref<128x128xf32, #tpu.memory_space<vmem>>) dst(%dma_wait3A_224 : memref<10016x128xf32, #tpu.memory_space<vmem_shared>>)
    %dma_wait3A_225 = arith.constant 0 : i32
    %dma_wait3A_226 = arith.constant 0 : i32
    %dma_wait3A_227 = arith.constant 1 : i32
    %dma_wait3A_228 = arith.constant 0 : i32
    %dma_wait3A_229 = arith.constant 0 : i32
    %dma_wait3A_230 = tpu.memref_slice %arg8[%dma_wait3A_225, %dma_wait3A_228, %dma_wait3A_229] : memref<3x128x128xf32, #tpu.memory_space<vmem>> -> memref<1x128x128xf32, #tpu.memory_space<vmem>>
    %dma_wait3A_231 = tpu.memref_squeeze %dma_wait3A_230 : memref<1x128x128xf32, #tpu.memory_space<vmem>> -> memref<128x128xf32, #tpu.memory_space<vmem>>
    %dma_wait3A_232 = arith.constant 0 : i32
    %dma_wait3A_233 = tpu.memref_slice %arg7[%dma_wait3A_226, %dma_wait3A_227, %dma_wait3A_232] : memref<6x2x128xi32, #tpu.memory_space<vmem>> -> memref<1x1x128xi32, #tpu.memory_space<vmem>>
    %dma_wait3A_234 = tpu.memref_squeeze %dma_wait3A_233 : memref<1x1x128xi32, #tpu.memory_space<vmem>> -> memref<128xi32, #tpu.memory_space<vmem>>
    %dma_wait3A_235 = arith.constant 0 : i32
    %dma_wait3A_236 = arith.constant 0 : i32
    %dma_wait3A_237 = tpu.memref_slice %arg6[%dma_wait3A_235, %dma_wait3A_236] : memref<10016x128xf32, #tpu.memory_space<vmem_shared>> -> memref<10016x128xf32, #tpu.memory_space<vmem_shared>>
    tpu.wait_indirect_dma semaphore(%arg12 : memref<!tpu.dma_semaphore, #tpu.memory_space<semaphore_mem>>) src(%dma_wait3A_231 : memref<128x128xf32, #tpu.memory_space<vmem>>) dst(%dma_wait3A_237 : memref<10016x128xf32, #tpu.memory_space<vmem_shared>>)
    %dma_wait3A_238 = arith.constant 1 : i32
    %dma_wait3A_239 = arith.constant 0 : i32
    %dma_wait3A_240 = arith.constant 1 : i32
    %dma_wait3A_241 = arith.constant 0 : i32
    %dma_wait3A_242 = arith.constant 0 : i32
    %dma_wait3A_243 = tpu.memref_slice %arg8[%dma_wait3A_238, %dma_wait3A_241, %dma_wait3A_242] : memref<3x128x128xf32, #tpu.memory_space<vmem>> -> memref<1x128x128xf32, #tpu.memory_space<vmem>>
    %dma_wait3A_244 = tpu.memref_squeeze %dma_wait3A_243 : memref<1x128x128xf32, #tpu.memory_space<vmem>> -> memref<128x128xf32, #tpu.memory_space<vmem>>
    %dma_wait3A_245 = arith.constant 0 : i32
    %dma_wait3A_246 = tpu.memref_slice %arg7[%dma_wait3A_239, %dma_wait3A_240, %dma_wait3A_245] : memref<6x2x128xi32, #tpu.memory_space<vmem>> -> memref<1x1x128xi32, #tpu.memory_space<vmem>>
    %dma_wait3A_247 = tpu.memref_squeeze %dma_wait3A_246 : memref<1x1x128xi32, #tpu.memory_space<vmem>> -> memref<128xi32, #tpu.memory_space<vmem>>
    %dma_wait3A_248 = arith.constant 0 : i32
    %dma_wait3A_249 = arith.constant 0 : i32
    %dma_wait3A_250 = tpu.memref_slice %arg6[%dma_wait3A_248, %dma_wait3A_249] : memref<10016x128xf32, #tpu.memory_space<vmem_shared>> -> memref<10016x128xf32, #tpu.memory_space<vmem_shared>>
    tpu.wait_indirect_dma semaphore(%arg13 : memref<!tpu.dma_semaphore, #tpu.memory_space<semaphore_mem>>) src(%dma_wait3A_244 : memref<128x128xf32, #tpu.memory_space<vmem>>) dst(%dma_wait3A_250 : memref<10016x128xf32, #tpu.memory_space<vmem_shared>>)
    %barrier3A_251 = arith.constant 0 : index
    tpu.barrier barrier_id(%barrier3A_251)
    %lt3A_252 = arith.constant 15 : i32
    %lt3A_253 = arith.cmpi slt, %arg1, %lt3A_252 : i32
    %convert_element_type3A_254 = arith.extui %lt3A_253 : i1 to i32
    %cond3A_255 = arith.constant 0 : i32
    %cond3A_256 = arith.cmpi ne, %convert_element_type3A_254, %cond3A_255 : i32
    scf.if %cond3A_256 {
      %mul3A_262 = arith.constant 632 : i32
      %mul3A_263 = arith.muli %arg1, %mul3A_262 : i32
      %mul3A_264 = arith.constant 632 : i32
      %mul3A_265 = arith.muli %arg1, %mul3A_264 : i32
      "tpu.region"() ({
        %run_scoped3A = tpu.sem_alloc : memref<!tpu.dma_semaphore, #tpu.memory_space<semaphore_mem>>
        %dma_start3A_266 = arith.constant 0 : i32
        %dma_start3A_267 = tpu.memref_slice %arg5[%arg0, %mul3A_265, %dma_start3A_266] : memref<2x10240x128xf32, #tpu.memory_space<hbm>> -> memref<1x632x128xf32, #tpu.memory_space<hbm>>
        %dma_start3A_268 = tpu.memref_squeeze %dma_start3A_267 : memref<1x632x128xf32, #tpu.memory_space<hbm>> -> memref<632x128xf32, #tpu.memory_space<hbm>>
        %dma_start3A_269 = arith.constant 0 : i32
        %dma_start3A_270 = tpu.memref_slice %arg6[%mul3A_263, %dma_start3A_269] : memref<10016x128xf32, #tpu.memory_space<vmem_shared>> -> memref<632x128xf32, #tpu.memory_space<vmem_shared>>
        tpu.enqueue_dma source(%dma_start3A_270 : memref<632x128xf32, #tpu.memory_space<vmem_shared>>) target(%dma_start3A_268 : memref<632x128xf32, #tpu.memory_space<hbm>>) target_semaphore(%run_scoped3A : memref<!tpu.dma_semaphore, #tpu.memory_space<semaphore_mem>>)
        %dma_wait3A_271 = arith.constant 0 : i32
        %dma_wait3A_272 = tpu.memref_slice %arg5[%arg0, %mul3A_265, %dma_wait3A_271] : memref<2x10240x128xf32, #tpu.memory_space<hbm>> -> memref<1x632x128xf32, #tpu.memory_space<hbm>>
        %dma_wait3A_273 = tpu.memref_squeeze %dma_wait3A_272 : memref<1x632x128xf32, #tpu.memory_space<hbm>> -> memref<632x128xf32, #tpu.memory_space<hbm>>
        %dma_wait3A_274 = arith.constant 0 : i32
        %dma_wait3A_275 = tpu.memref_slice %arg6[%mul3A_263, %dma_wait3A_274] : memref<10016x128xf32, #tpu.memory_space<vmem_shared>> -> memref<632x128xf32, #tpu.memory_space<vmem_shared>>
        tpu.wait_dma2 semaphore(%run_scoped3A : memref<!tpu.dma_semaphore, #tpu.memory_space<semaphore_mem>>) src(%dma_wait3A_275 : memref<632x128xf32, #tpu.memory_space<vmem_shared>>) dst(%dma_wait3A_273 : memref<632x128xf32, #tpu.memory_space<hbm>>)
        tpu.yield
      }) : () -> ()
    } else {
    }
    %eq3A_257 = arith.constant 15 : i32
    %eq3A_258 = arith.cmpi eq, %arg1, %eq3A_257 : i32
    %convert_element_type3A_259 = arith.extui %eq3A_258 : i1 to i32
    %cond3A_260 = arith.constant 0 : i32
    %cond3A_261 = arith.cmpi ne, %convert_element_type3A_259, %cond3A_260 : i32
    scf.if %cond3A_261 {
      "tpu.region"() ({
        %run_scoped3A = tpu.sem_alloc : memref<!tpu.dma_semaphore, #tpu.memory_space<semaphore_mem>>
        %dma_start3A_262 = arith.constant 9480 : i32
        %dma_start3A_263 = arith.constant 0 : i32
        %dma_start3A_264 = tpu.memref_slice %arg5[%arg0, %dma_start3A_262, %dma_start3A_263] : memref<2x10240x128xf32, #tpu.memory_space<hbm>> -> memref<1x536x128xf32, #tpu.memory_space<hbm>>
        %dma_start3A_265 = tpu.memref_squeeze %dma_start3A_264 : memref<1x536x128xf32, #tpu.memory_space<hbm>> -> memref<536x128xf32, #tpu.memory_space<hbm>>
        %dma_start3A_266 = arith.constant 9480 : i32
        %dma_start3A_267 = arith.constant 0 : i32
        %dma_start3A_268 = tpu.memref_slice %arg6[%dma_start3A_266, %dma_start3A_267] : memref<10016x128xf32, #tpu.memory_space<vmem_shared>> -> memref<536x128xf32, #tpu.memory_space<vmem_shared>>
        tpu.enqueue_dma source(%dma_start3A_268 : memref<536x128xf32, #tpu.memory_space<vmem_shared>>) target(%dma_start3A_265 : memref<536x128xf32, #tpu.memory_space<hbm>>) target_semaphore(%run_scoped3A : memref<!tpu.dma_semaphore, #tpu.memory_space<semaphore_mem>>)
        %dma_wait3A_269 = arith.constant 9480 : i32
        %dma_wait3A_270 = arith.constant 0 : i32
        %dma_wait3A_271 = tpu.memref_slice %arg5[%arg0, %dma_wait3A_269, %dma_wait3A_270] : memref<2x10240x128xf32, #tpu.memory_space<hbm>> -> memref<1x536x128xf32, #tpu.memory_space<hbm>>
        %dma_wait3A_272 = tpu.memref_squeeze %dma_wait3A_271 : memref<1x536x128xf32, #tpu.memory_space<hbm>> -> memref<536x128xf32, #tpu.memory_space<hbm>>
        %dma_wait3A_273 = arith.constant 9480 : i32
        %dma_wait3A_274 = arith.constant 0 : i32
        %dma_wait3A_275 = tpu.memref_slice %arg6[%dma_wait3A_273, %dma_wait3A_274] : memref<10016x128xf32, #tpu.memory_space<vmem_shared>> -> memref<536x128xf32, #tpu.memory_space<vmem_shared>>
        tpu.wait_dma2 semaphore(%run_scoped3A : memref<!tpu.dma_semaphore, #tpu.memory_space<semaphore_mem>>) src(%dma_wait3A_275 : memref<536x128xf32, #tpu.memory_space<vmem_shared>>) dst(%dma_wait3A_272 : memref<536x128xf32, #tpu.memory_space<hbm>>)
        tpu.yield
      }) : () -> ()
    } else {
    }
    return
  }
}

module attributes {stable_mosaic.version = 14 : i64} {
  func.func @_mm_scale_body(%arg0: i32, %arg1: memref<256x128xf32, #tpu.memory_space<vmem>>, %arg2: memref<128x128xf32, #tpu.memory_space<vmem>>, %arg3: memref<2x256x8xf32, #tpu.memory_space<vmem>>, %arg4: memref<256x128xf32, #tpu.memory_space<vmem>>, %arg5: memref<256x8xf32, #tpu.memory_space<vmem>>) attributes {dimension_semantics = [#tpu.dimension_semantics<arbitrary>], iteration_bounds = array<i64: 40>, scalar_prefetch = 0 : i64, scratch_operands = 0 : i64, tpu.core_type = #tpu.core_type<tc>, window_params = [{transform_indices = @transform_0, window_bounds = array<i64: 256, 128>}, {pipeline_mode = #tpu.pipeline_mode<synchronous>, transform_indices = @transform_1, window_bounds = array<i64: 128, 128>}, {transform_indices = @transform_2, window_bounds = array<i64: 2, 256, 8>}, {transform_indices = @transform_3, window_bounds = array<i64: 256, 128>}, {transform_indices = @transform_4, window_bounds = array<i64: 256, 8>}]} {
    %get3A = arith.constant 0 : index
    %get3A_0 = arith.constant 0 : index
    %get3A_1 = arith.constant 0 : index
    %get3A_2 = vector.load %arg3[%get3A, %get3A_0, %get3A_1] : memref<2x256x8xf32, #tpu.memory_space<vmem>>, vector<1x256x8xf32>
    %get3A_3 = vector.shape_cast %get3A_2 : vector<1x256x8xf32> to vector<256x8xf32>
    %get3A_4 = arith.constant 1 : index
    %get3A_5 = arith.constant 0 : index
    %get3A_6 = arith.constant 0 : index
    %get3A_7 = vector.load %arg3[%get3A_4, %get3A_5, %get3A_6] : memref<2x256x8xf32, #tpu.memory_space<vmem>>, vector<1x256x8xf32>
    %get3A_8 = vector.shape_cast %get3A_7 : vector<1x256x8xf32> to vector<256x8xf32>
    %add3A = arith.addf %get3A_3, %get3A_8 : vector<256x8xf32>
    %add3A_9 = arith.constant 1.000000e+00 : f32
    %add3A_10 = vector.broadcast %add3A_9 : f32 to vector<256x8xf32>
    %add3A_11 = arith.addf %add3A, %add3A_10 : vector<256x8xf32>
    %rsqrt3A = math.rsqrt %add3A_11 : vector<256x8xf32>
    %swap3A = arith.constant 0 : index
    %swap3A_12 = arith.constant 0 : index
    %swap3A_13 = vector.load %arg5[%swap3A, %swap3A_12] : memref<256x8xf32, #tpu.memory_space<vmem>>, vector<256x8xf32>
    tpu.vector_store %arg5[%swap3A, %swap3A_12], %rsqrt3A {strides = array<i32>} : memref<256x8xf32, #tpu.memory_space<vmem>>, vector<256x8xf32>,
    %get3A_14 = arith.constant 0 : index
    %get3A_15 = arith.constant 0 : index
    %get3A_16 = vector.load %arg1[%get3A_14, %get3A_15] : memref<256x128xf32, #tpu.memory_space<vmem>>, vector<256x128xf32>
    %get3A_17 = arith.constant 0 : index
    %get3A_18 = arith.constant 0 : index
    %get3A_19 = vector.load %arg2[%get3A_17, %get3A_18] : memref<128x128xf32, #tpu.memory_space<vmem>>, vector<128x128xf32>
    %dot_general3A = arith.constant dense<0.000000e+00> : vector<256x128xf32>
    %dot_general3A_20 = tpu.matmul %get3A_16, %get3A_19, %dot_general3A {dimension_numbers = #tpu.dot_dimension_numbers<[1], [0], [0], [1], [0, 0, 1, 1], [], []>, transpose_lhs_hint = false} : vector<256x128xf32>, vector<128x128xf32>, vector<256x128xf32> -> vector<256x128xf32>
    %slice3A = vector.extract_strided_slice %rsqrt3A {offsets = [0, 0], sizes = [256, 1], strides = [1, 1]} : vector<256x8xf32> to vector<256x1xf32>
    %mul3A = vector.broadcast %slice3A : vector<256x1xf32> to vector<256x128xf32>
    %mul3A_21 = arith.mulf %dot_general3A_20, %mul3A : vector<256x128xf32>
    %swap3A_22 = arith.constant 0 : index
    %swap3A_23 = arith.constant 0 : index
    %swap3A_24 = vector.load %arg4[%swap3A_22, %swap3A_23] : memref<256x128xf32, #tpu.memory_space<vmem>>, vector<256x128xf32>
    tpu.vector_store %arg4[%swap3A_22, %swap3A_23], %mul3A_21 {strides = array<i32>} : memref<256x128xf32, #tpu.memory_space<vmem>>, vector<256x128xf32>,
    return
  }
  func.func @transform_0(%arg0: i32) -> (i32, i32) {
    %c0_i32 = arith.constant 0 : i32
    %c0_i32_0 = arith.constant 0 : i32
    return %arg0, %c0_i32 : i32, i32
  }
  func.func @transform_1(%arg0: i32) -> (i32, i32) {
    %c0_i32 = arith.constant 0 : i32
    %c0_i32_0 = arith.constant 0 : i32
    %c0_i32_1 = arith.constant 0 : i32
    return %c0_i32, %c0_i32_0 : i32, i32
  }
  func.func @transform_2(%arg0: i32) -> (i32, i32, i32) {
    %c0_i32 = arith.constant 0 : i32
    %c0_i32_0 = arith.constant 0 : i32
    %c0_i32_1 = arith.constant 0 : i32
    return %c0_i32, %arg0, %c0_i32_0 : i32, i32, i32
  }
  func.func @transform_3(%arg0: i32) -> (i32, i32) {
    %c0_i32 = arith.constant 0 : i32
    %c0_i32_0 = arith.constant 0 : i32
    return %arg0, %c0_i32 : i32, i32
  }
  func.func @transform_4(%arg0: i32) -> (i32, i32) {
    %c0_i32 = arith.constant 0 : i32
    %c0_i32_0 = arith.constant 0 : i32
    return %arg0, %c0_i32 : i32, i32
  }
}

module attributes {stable_mosaic.version = 14 : i64} {
  func.func @_layer_body(%arg0: i32, %arg1: memref<2x256x128xf32, #tpu.memory_space<vmem>>, %arg2: memref<256x128xf32, #tpu.memory_space<vmem>>, %arg3: memref<256x8xf32, #tpu.memory_space<vmem>>, %arg4: memref<1x128xf32, #tpu.memory_space<vmem>>, %arg5: memref<128x128xf32, #tpu.memory_space<vmem>>, %arg6: memref<256x128xf32, #tpu.memory_space<vmem>>) attributes {dimension_semantics = [#tpu.dimension_semantics<arbitrary>], iteration_bounds = array<i64: 40>, scalar_prefetch = 0 : i64, scratch_operands = 0 : i64, tpu.core_type = #tpu.core_type<tc>, window_params = [{transform_indices = @transform_0, window_bounds = array<i64: 2, 256, 128>}, {transform_indices = @transform_1, window_bounds = array<i64: 256, 128>}, {transform_indices = @transform_2, window_bounds = array<i64: 256, 8>}, {pipeline_mode = #tpu.pipeline_mode<synchronous>, transform_indices = @transform_3, window_bounds = array<i64: 1, 128>}, {pipeline_mode = #tpu.pipeline_mode<synchronous>, transform_indices = @transform_4, window_bounds = array<i64: 128, 128>}, {transform_indices = @transform_5, window_bounds = array<i64: 256, 128>}]} {
    %get3A = arith.constant 0 : index
    %get3A_0 = arith.constant 0 : index
    %get3A_1 = vector.load %arg3[%get3A, %get3A_0] : memref<256x8xf32, #tpu.memory_space<vmem>>, vector<256x1xf32>
    %get3A_2 = arith.constant 0 : index
    %get3A_3 = arith.constant 0 : index
    %get3A_4 = arith.constant 0 : index
    %get3A_5 = vector.load %arg1[%get3A_2, %get3A_3, %get3A_4] : memref<2x256x128xf32, #tpu.memory_space<vmem>>, vector<1x256x128xf32>
    %get3A_6 = vector.shape_cast %get3A_5 : vector<1x256x128xf32> to vector<256x128xf32>
    %get3A_7 = arith.constant 1 : index
    %get3A_8 = arith.constant 0 : index
    %get3A_9 = arith.constant 0 : index
    %get3A_10 = vector.load %arg1[%get3A_7, %get3A_8, %get3A_9] : memref<2x256x128xf32, #tpu.memory_space<vmem>>, vector<1x256x128xf32>
    %get3A_11 = vector.shape_cast %get3A_10 : vector<1x256x128xf32> to vector<256x128xf32>
    %add3A = arith.addf %get3A_6, %get3A_11 : vector<256x128xf32>
    %get3A_12 = arith.constant 0 : index
    %get3A_13 = arith.constant 0 : index
    %get3A_14 = vector.load %arg2[%get3A_12, %get3A_13] : memref<256x128xf32, #tpu.memory_space<vmem>>, vector<256x128xf32>
    %add3A_15 = arith.addf %add3A, %get3A_14 : vector<256x128xf32>
    %mul3A = vector.broadcast %get3A_1 : vector<256x1xf32> to vector<256x128xf32>
    %mul3A_16 = arith.mulf %mul3A, %add3A_15 : vector<256x128xf32>
    %get3A_17 = arith.constant 0 : index
    %get3A_18 = arith.constant 0 : index
    %get3A_19 = vector.load %arg4[%get3A_17, %get3A_18] : memref<1x128xf32, #tpu.memory_space<vmem>>, vector<1x128xf32>
    %add3A_20 = vector.broadcast %get3A_19 : vector<1x128xf32> to vector<256x128xf32>
    %add3A_21 = arith.addf %mul3A_16, %add3A_20 : vector<256x128xf32>
    %max3A = arith.constant 0.000000e+00 : f32
    %max3A_22 = vector.broadcast %max3A : f32 to vector<256x128xf32>
    %max3A_23 = arith.maximumf %add3A_21, %max3A_22 : vector<256x128xf32>
    %get3A_24 = arith.constant 0 : index
    %get3A_25 = arith.constant 0 : index
    %get3A_26 = vector.load %arg5[%get3A_24, %get3A_25] : memref<128x128xf32, #tpu.memory_space<vmem>>, vector<128x128xf32>
    %dot_general3A = arith.constant dense<0.000000e+00> : vector<256x128xf32>
    %dot_general3A_27 = tpu.matmul %max3A_23, %get3A_26, %dot_general3A {dimension_numbers = #tpu.dot_dimension_numbers<[1], [0], [0], [1], [0, 0, 1, 1], [], []>, transpose_lhs_hint = false} : vector<256x128xf32>, vector<128x128xf32>, vector<256x128xf32> -> vector<256x128xf32>
    %mul3A_28 = vector.broadcast %get3A_1 : vector<256x1xf32> to vector<256x128xf32>
    %mul3A_29 = arith.mulf %mul3A_28, %dot_general3A_27 : vector<256x128xf32>
    %swap3A = arith.constant 0 : index
    %swap3A_30 = arith.constant 0 : index
    %swap3A_31 = vector.load %arg6[%swap3A, %swap3A_30] : memref<256x128xf32, #tpu.memory_space<vmem>>, vector<256x128xf32>
    tpu.vector_store %arg6[%swap3A, %swap3A_30], %mul3A_29 {strides = array<i32>} : memref<256x128xf32, #tpu.memory_space<vmem>>, vector<256x128xf32>,
    return
  }
  func.func @transform_0(%arg0: i32) -> (i32, i32, i32) {
    %c0_i32 = arith.constant 0 : i32
    %c0_i32_0 = arith.constant 0 : i32
    %c0_i32_1 = arith.constant 0 : i32
    return %c0_i32, %arg0, %c0_i32_0 : i32, i32, i32
  }
  func.func @transform_1(%arg0: i32) -> (i32, i32) {
    %c0_i32 = arith.constant 0 : i32
    %c0_i32_0 = arith.constant 0 : i32
    return %arg0, %c0_i32 : i32, i32
  }
  func.func @transform_2(%arg0: i32) -> (i32, i32) {
    %c0_i32 = arith.constant 0 : i32
    %c0_i32_0 = arith.constant 0 : i32
    return %arg0, %c0_i32 : i32, i32
  }
  func.func @transform_3(%arg0: i32) -> (i32, i32) {
    %c0_i32 = arith.constant 0 : i32
    %c0_i32_0 = arith.constant 0 : i32
    %c0_i32_1 = arith.constant 0 : i32
    return %c0_i32, %c0_i32_0 : i32, i32
  }
  func.func @transform_4(%arg0: i32) -> (i32, i32) {
    %c0_i32 = arith.constant 0 : i32
    %c0_i32_0 = arith.constant 0 : i32
    %c0_i32_1 = arith.constant 0 : i32
    return %c0_i32, %c0_i32_0 : i32, i32
  }
  func.func @transform_5(%arg0: i32) -> (i32, i32) {
    %c0_i32 = arith.constant 0 : i32
    %c0_i32_0 = arith.constant 0 : i32
    return %arg0, %c0_i32 : i32, i32
  }
}

module attributes {stable_mosaic.version = 14 : i64} {
  func.func @_final_body(%arg0: i32, %arg1: memref<2x256x128xf32, #tpu.memory_space<vmem>>, %arg2: memref<256x128xf32, #tpu.memory_space<vmem>>, %arg3: memref<256x8xf32, #tpu.memory_space<vmem>>, %arg4: memref<1x128xf32, #tpu.memory_space<vmem>>, %arg5: memref<256x128xf32, #tpu.memory_space<vmem>>) attributes {dimension_semantics = [#tpu.dimension_semantics<arbitrary>], iteration_bounds = array<i64: 40>, scalar_prefetch = 0 : i64, scratch_operands = 0 : i64, tpu.core_type = #tpu.core_type<tc>, window_params = [{transform_indices = @transform_0, window_bounds = array<i64: 2, 256, 128>}, {transform_indices = @transform_1, window_bounds = array<i64: 256, 128>}, {transform_indices = @transform_2, window_bounds = array<i64: 256, 8>}, {pipeline_mode = #tpu.pipeline_mode<synchronous>, transform_indices = @transform_3, window_bounds = array<i64: 1, 128>}, {transform_indices = @transform_4, window_bounds = array<i64: 256, 128>}]} {
    %get3A = arith.constant 0 : index
    %get3A_0 = arith.constant 0 : index
    %get3A_1 = vector.load %arg3[%get3A, %get3A_0] : memref<256x8xf32, #tpu.memory_space<vmem>>, vector<256x1xf32>
    %get3A_2 = arith.constant 0 : index
    %get3A_3 = arith.constant 0 : index
    %get3A_4 = arith.constant 0 : index
    %get3A_5 = vector.load %arg1[%get3A_2, %get3A_3, %get3A_4] : memref<2x256x128xf32, #tpu.memory_space<vmem>>, vector<1x256x128xf32>
    %get3A_6 = vector.shape_cast %get3A_5 : vector<1x256x128xf32> to vector<256x128xf32>
    %get3A_7 = arith.constant 1 : index
    %get3A_8 = arith.constant 0 : index
    %get3A_9 = arith.constant 0 : index
    %get3A_10 = vector.load %arg1[%get3A_7, %get3A_8, %get3A_9] : memref<2x256x128xf32, #tpu.memory_space<vmem>>, vector<1x256x128xf32>
    %get3A_11 = vector.shape_cast %get3A_10 : vector<1x256x128xf32> to vector<256x128xf32>
    %add3A = arith.addf %get3A_6, %get3A_11 : vector<256x128xf32>
    %get3A_12 = arith.constant 0 : index
    %get3A_13 = arith.constant 0 : index
    %get3A_14 = vector.load %arg2[%get3A_12, %get3A_13] : memref<256x128xf32, #tpu.memory_space<vmem>>, vector<256x128xf32>
    %add3A_15 = arith.addf %add3A, %get3A_14 : vector<256x128xf32>
    %mul3A = vector.broadcast %get3A_1 : vector<256x1xf32> to vector<256x128xf32>
    %mul3A_16 = arith.mulf %mul3A, %add3A_15 : vector<256x128xf32>
    %get3A_17 = arith.constant 0 : index
    %get3A_18 = arith.constant 0 : index
    %get3A_19 = vector.load %arg4[%get3A_17, %get3A_18] : memref<1x128xf32, #tpu.memory_space<vmem>>, vector<1x128xf32>
    %add3A_20 = vector.broadcast %get3A_19 : vector<1x128xf32> to vector<256x128xf32>
    %add3A_21 = arith.addf %mul3A_16, %add3A_20 : vector<256x128xf32>
    %max3A = arith.constant 0.000000e+00 : f32
    %max3A_22 = vector.broadcast %max3A : f32 to vector<256x128xf32>
    %max3A_23 = arith.maximumf %add3A_21, %max3A_22 : vector<256x128xf32>
    %swap3A = arith.constant 0 : index
    %swap3A_24 = arith.constant 0 : index
    %swap3A_25 = vector.load %arg5[%swap3A, %swap3A_24] : memref<256x128xf32, #tpu.memory_space<vmem>>, vector<256x128xf32>
    tpu.vector_store %arg5[%swap3A, %swap3A_24], %max3A_23 {strides = array<i32>} : memref<256x128xf32, #tpu.memory_space<vmem>>, vector<256x128xf32>,
    return
  }
  func.func @transform_0(%arg0: i32) -> (i32, i32, i32) {
    %c0_i32 = arith.constant 0 : i32
    %c0_i32_0 = arith.constant 0 : i32
    %c0_i32_1 = arith.constant 0 : i32
    return %c0_i32, %arg0, %c0_i32_0 : i32, i32, i32
  }
  func.func @transform_1(%arg0: i32) -> (i32, i32) {
    %c0_i32 = arith.constant 0 : i32
    %c0_i32_0 = arith.constant 0 : i32
    return %arg0, %c0_i32 : i32, i32
  }
  func.func @transform_2(%arg0: i32) -> (i32, i32) {
    %c0_i32 = arith.constant 0 : i32
    %c0_i32_0 = arith.constant 0 : i32
    return %arg0, %c0_i32 : i32, i32
  }
  func.func @transform_3(%arg0: i32) -> (i32, i32) {
    %c0_i32 = arith.constant 0 : i32
    %c0_i32_0 = arith.constant 0 : i32
    %c0_i32_1 = arith.constant 0 : i32
    return %c0_i32, %c0_i32_0 : i32, i32
  }
  func.func @transform_4(%arg0: i32) -> (i32, i32) {
    %c0_i32 = arith.constant 0 : i32
    %c0_i32_0 = arith.constant 0 : i32
    return %arg0, %c0_i32 : i32, i32
  }
}

</mosaic_0001>

<sc_bundles>
// kernel: kernel.11.cloned.1.call-start
scs
__scs_entry_jumppad:
0x0: {  	(pc) =	sbr.rel $0x88, $3  }
0x1: {  	(tag) =	ssettag $0x0;
	lr =	simm.s32 $0x1  }
0x2: {  	[smem:$0x3F9B] =	sst lr;
	_ =	strace $0xD0000000  }
0x3: {  	_ = 	snop  }
0x4: {  	_ = 	snop  }
0x5: {  	_ = 	snop  }
0x6: {  	_ = 	snop  }
0x7: {  	_ = 	snop  }
__scs_overlays_trampoline_lowered:
0x8: {  	[smem:$0x3FAA] =	sst s0  }
0x9: {  	[smem:$0x3FAB] =	sst s1  }
0xa: {  	[smem:$0x3FAC] =	sst s2  }
0xb: {  	[smem:$0x3FAD] =	sst s3  }
0xc: {  	[smem:$0x3FAE] =	sst s4  }
0xd: {  	[smem:$0x3FAF] =	sst s5  }
0xe: {  	[smem:$0x3FB0] =	sst s6  }
0xf: {  	[smem:$0x3FB1] =	sst s7  }
0x10: {  	[smem:$0x3FB2] =	sst s8  }
0x11: {  	[smem:$0x3FB3] =	sst s9;
	s0 =	simm.s32 @!p0 $0x0  }
0x12: {  	s1 =	sld [smem:$0x3F99];
	s0 =	simm.s32 @p0 $0x1  }
0x13: {  	[smem:$0x3FB4] =	sst s0;
	s0 =	simm.s32 @!p1 $0x0  }
0x14: {  	s2 =	sld [smem:$0x3F98];
	s0 =	simm.s32 @p1 $0x1  }
0x15: {  	[smem:$0x3FB5] =	sst s0;
	s0 =	simm.s32 @!p2 $0x0  }
0x16: {  	s3 =	sld [smem:$0x3FDB];
	s0 =	simm.s32 @p2 $0x1  }
0x17: {  	s4 =	simm.s32 $0x1BF5;
	[smem:$0x3FB7] =	sst s0  }
0x18: {  	s0 =	sld [smem:$0x3F9A];
	_ =	swait.ge [sflag:s4], $0x0  }
0x19: {  	s7 =	sld [smem:$0x3F9B]  }
0x1a: {  	s8 =	sadd.s32 $0xFFFFE003, lr  }
0x1b: {  	s9 =	sadd.s32 $0xFFFFFEF7, lr;
	s5 =	simm.s32 $0xFFFFFFFF;
	p2 =	slt.u32 s8, $0xFFFFF086  }
0x1c: {  	p1 =	slt.u32 s9, $0xF7A;
	s5 =	simm.s32 @!p2 $0x0  }
0x1d: {  	s5 =	simm.s32 @p1 $0x1;
	p0 =	seq.s32 s7, s2  }
0x1e: {  	s7 =	smul.u32 @!p0 $0xF7A, s2;
	p2 =	seq.s32 @!p0 s5, $0x0  }
0x1f: {  	s9 =	smul.u32 $0xF7A, s1;
	s8 =	simm.s32 @!p0 $0x1BF5;
	p2 =	por !p2, p0  }
0x20: {  	[sflag:s8] =	ssyncset.s32 @!p0 $0xFFFFF086;
	s6 =	sadd.s32 @!p0 s3, s7;
	s7 =	simm.s32 @!p0 $0x108  }
0x21: {  	s3 =	sadd.s32 s3, s9;
	s6 =	sadd.s32 @!p0 $0x88, s6;
	s7 =	simm.s32 @p2 $0x1082  }
0x22: {  	[simem:s7], [sflag:s8] =	dma.local @!p0 [hbm:s6], $0xF7A  }
0x23: {  	s9 =	sor.u32 $0xD0000000, s2;
	s6 =	simm.s32 $0x108;
	_ =	swait.ge @!p0 [sflag:s8], $0x0  }
0x24: {  	s3 =	sadd.s32 $0x88, s3;
	s6 =	simm.s32 @!p1 $0x1082;
	[sflag:s4] =	ssyncset.s32 $0xFFFFF086  }
0x25: {  	[simem:s6], [sflag:s4] =	dma.local [hbm:s3], $0xF7A  }
0x26: {  	[smem:$0x3F9B] =	sst s1;
	(tag) =	ssettag s2;
	_ =	strace s9  }
0x27: {  	s1 =	sld [smem:$0x3FAB]  }
0x28: {  	s2 =	sld [smem:$0x3FAC]  }
0x29: {  	s4 =	sld [smem:$0x3FAE]  }
0x2a: {  	p0 =	seq.s32 s5, $0x0;
	s5 =	sld [smem:$0x3FAF]  }
0x2b: {  	s6 =	sld [smem:$0x3FB0]  }
0x2c: {  	s7 =	sld [smem:$0x3FB1]  }
0x2d: {  	s3 =	simm.s32 $0x108;
	s8 =	sld [smem:$0x3FB2]  }
0x2e: {  	s3 =	simm.s32 @!p0 $0x1082;
	s9 =	sld [smem:$0x3FB3]  }
0x2f: {  	lr =	sadd.s32 s0, s3;
	s0 =	sld [smem:$0x3FAA]  }
0x30: {  	s3 =	sld [smem:$0x3FAD]  }
0x31: {  	[smem:$0x3FB6] =	sst s10  }
0x32: {  	s10 =	sld [smem:$0x3FB4];
	_ =	sdelay $0x3  }
0x33: {  	p0 =	seq.s32 s10, $0x1;
	s10 =	sld [smem:$0x3FB6];
	_ =	sdelay $0x3  }
0x34: {  	[smem:$0x3FB6] =	sst s10  }
0x35: {  	s10 =	sld [smem:$0x3FB5];
	_ =	sdelay $0x3  }
0x36: {  	p1 =	seq.s32 s10, $0x1;
	s10 =	sld [smem:$0x3FB6];
	_ =	sdelay $0x3  }
0x37: {  	[smem:$0x3FB6] =	sst s10  }
0x38: {  	s10 =	sld [smem:$0x3FB7]  }
0x39: {  	_ = 	snop;
	(pc) =	sbr.ind lr, $3  }
0x3a: {  	_ = 	snop  }
0x3b: {  	_ = 	snop  }
0x3c: {  	p2 =	seq.s32 s10, $0x1;
	s10 =	sld [smem:$0x3FB6]  }
0x3d: {  	_ =	shalt  }
0x3e: {  	_ =	shalt  }
0x3f: {  	_ =	shalt  }
0x40: {  	_ =	shalt  }
0x41: {  	_ =	shalt  }
0x42: {  	_ =	shalt  }
0x43: {  	_ =	shalt  }
0x44: {  	_ =	shalt  }
0x45: {  	_ =	shalt  }
0x46: {  	_ =	shalt  }
0x47: {  	_ =	shalt  }
0x48: {  	_ =	shalt  }
0x49: {  	_ =	shalt  }
0x4a: {  	_ =	shalt  }
0x4b: {  	_ =	shalt  }
0x4c: {  	_ =	shalt  }
0x4d: {  	_ =	shalt  }
0x4e: {  	_ =	shalt  }
0x4f: {  	_ =	shalt  }
0x50: {  	_ =	shalt  }
0x51: {  	_ =	shalt  }
0x52: {  	_ =	shalt  }
0x53: {  	_ =	shalt  }
0x54: {  	_ =	shalt  }
0x55: {  	_ =	shalt  }
0x56: {  	_ =	shalt  }
0x57: {  	_ =	shalt  }
0x58: {  	_ =	shalt  }
0x59: {  	_ =	shalt  }
0x5a: {  	_ =	shalt  }
0x5b: {  	_ =	shalt  }
0x5c: {  	_ =	shalt  }
0x5d: {  	_ =	shalt  }
0x5e: {  	_ =	shalt  }
0x5f: {  	_ =	shalt  }
0x60: {  	_ =	shalt  }
0x61: {  	_ =	shalt  }
0x62: {  	_ =	shalt  }
0x63: {  	_ =	shalt  }
0x64: {  	_ =	shalt  }
0x65: {  	_ =	shalt  }
0x66: {  	_ =	shalt  }
0x67: {  	_ =	shalt  }
0x68: {  	_ =	shalt  }
0x69: {  	_ =	shalt  }
0x6a: {  	_ =	shalt  }
0x6b: {  	_ =	shalt  }
0x6c: {  	_ =	shalt  }
0x6d: {  	_ =	shalt  }
0x6e: {  	_ =	shalt  }
0x6f: {  	_ =	shalt  }
0x70: {  	_ =	shalt  }
0x71: {  	_ =	shalt  }
0x72: {  	_ =	shalt  }
0x73: {  	_ =	shalt  }
0x74: {  	_ =	shalt  }
0x75: {  	_ =	shalt  }
0x76: {  	_ =	shalt  }
0x77: {  	_ =	shalt  }
0x78: {  	_ =	shalt  }
0x79: {  	_ =	shalt  }
0x7a: {  	_ =	shalt  }
0x7b: {  	_ =	shalt  }
0x7c: {  	_ =	shalt  }
0x7d: {  	_ =	shalt  }
0x7e: {  	_ =	shalt  }
0x7f: {  	_ =	shalt  }
0x80: {  	_ =	shalt  }
0x81: {  	_ =	shalt  }
0x82: {  	_ =	shalt  }
0x83: {  	_ =	shalt  }
0x84: {  	_ =	shalt  }
0x85: {  	_ =	shalt  }
0x86: {  	_ =	shalt  }
0x87: {  	_ =	shalt  }
.Lfunc_end0:
.L_simem_size_0:
called_computation.1_lowered:
.L_overlay_start_0:
0x88: {  	s2 =	sld [smem:$0x3FD9]  }
0x89: {  	s3 =	sld [smem:$0x3FFE];
	_ =	sdelay $0x1  }
0x8a: {  	s1 =	srdreg.scid  }
0x8b: {  	s0 =	sand.u32 $0x1, s1  }
0x8c: {  	s17 =	sshll.u32 s0, $0xA;
	s2 =	sadd.s32 s3, s2  }
0x8d: {  	s2 =	sadd.s32 s2, s17  }
0x8e: {  	[smem:$0x3FC2] =	sst s2  }
0x8f: {  	_ = 	snop  }
0x90: {  	s2 =	sld [smem:$0x3FD0];
	(tm) =	ssettm $0x1  }
0x91: {  	s18 =	sld [smem:$0x3FFB];
	_ =	sdelay $0x3  }
0x92: {  	_ =	strace s18  }
0x93: {  	s3 =	sld [smem:$0x3FFC];
	_ =	sdelay $0x3  }
0x94: {  	_ =	strace s3  }
0x95: {  	s3 =	sld [smem:$0x3FFD];
	_ =	sdelay $0x3  }
0x96: {  	_ =	strace s3  }
0x97: {  	_ =	strace $0x8FFFFFFF  }
0x98: {  	s19 =	sld [smem:$0x3FDB];
	_ =	sdelay $0x1  }
0x99: {  	s4 =	simm.s32 $_scs_section_size  }
0x9a: {  	s5 =	simm.s32 $_size__tile_overlayer_lowered;
	s6 =	simm.s32 $_tile_overlayer_lowered  }
0x9b: {  	s22 =	simm.s32 $0x1BFF;
	s21 =	sshll.u32 s6, $0x1;
	s3 =	sadd.s32 s4, s19  }
0x9c: {  	s7 =	simm.s32 $0x0;
	s20 =	sshll.u32 s5, $0x1;
	s5 =	sadd.s32 s21, s3  }
0x9d: {  	[timem:s7], [sflag:s22] =	dma.local [hbm:s5], s20  }
0x9e: {  	_ =	swait.ge [sflag:s22], s20  }
0x9f: {  	s4 =	ssub.s32 $0x0, s20;
	[sflag:s22] =	ssyncset.done $0x0  }
0xa0: {  	[sflag:s22] =	ssyncadd.s32 s4;
	_ =	sdelay $0x1  }
0xa1: {  	s23 =	simm.s32 $0x1B8B  }
0xa2: {  	_ =	swait.ge [sflag:s23], $0x1  }
0xa3: {  	[sflag:s23] =	ssyncset.done $0x0  }
0xa4: {  	s25 =	simm.s32 $0x1B8E;
	s24 =	sld [smem:$0x3FFE];
	[sflag:s23] =	ssyncadd.s32 $0xFFFFFFFF  }
0xa5: {  	s26 =	simm.s32 $execute0_lowered;
	[smem:$0x3FD2] =	sst s25  }
0xa6: {  	s5 =	sshll.u32 s26, $0x1;
	_ =	strace $0x80000049;
	[dreg:$0x1] =	wrdreg $0xFFFFFFFF  }
0xa7: {  	s28 =	simm.s32 $_size_execute0_lowered;
	s3 =	sadd.s32 s3, s5;
	[dreg:$0x0] =	wrdreg $0x0  }
0xa8: {  	s5 =	sshll.u32 s28, $0x1;
	[dreg:$0x2] =	wrdreg s3  }
0xa9: {  	[dreg:$0x3] =	wrdreg s5  }
0xaa: {  	[dreg:$0x4] =	wrdreg $0xC0  }
0xab: {  	_ =	task [dreg:s7], $0x5FFFF  }
0xac: {  	[dreg:$0x1] =	wrdreg $0xFFFFFFFF  }
0xad: {  	[dreg:$0x0] =	wrdreg $0x60  }
0xae: {  	[dreg:$0x2] =	wrdreg s24  }
0xaf: {  	[dreg:$0x3] =	wrdreg s2  }
0xb0: {  	[dreg:$0x4] =	wrdreg $0x0  }
0xb1: {  	[dreg:$0x5] =	wrdreg $0x9  }
0xb2: {  	_ =	task.clear_ibuf [dreg:s7], $0x6FFFF;
	_ =	strace $0x90000049  }
0xb3: {  	s29 =	simm.s32 $0x9;
	_ =	strace $0x8000004B  }
0xb4: {  	_ =	swait.ge [sflag:s29], $0x1  }
0xb5: {  	[sflag:s29] =	ssyncadd.s32 $0xFFFFFFFF  }
0xb6: {  	_ =	strace $0x9000004B  }
0xb7: {  	_ =	sfence  }
0xb8: {  	s30 =	sld [smem:$0x0];
	_ =	sdelay $0x2  }
0xb9: {  	s31 =	sshll.u32 s1, $0xD;
	s1 =	sshrl.u32 s1, $0x2  }
0xba: {  	s3 =	sand.u32 $0x4000, s31;
	s1 =	sadd.s32 s1, s30  }
0xbb: {  	s0 =	sor.u32 s3, s0;
	s1 =	sshll.u32 s1, $0x11  }
0xbc: {  	s0 =	sor.u32 s1, s0  }
0xbd: {  	s0 =	sadd.s32 $0x8F2B, s0  }
0xbe: {  	[sflag:s0] =	ssyncadd.remote.s32 $0x1  }
0xbf: {  	_ =	sfence.sel $0xFFFF  }
0xc0: {  	[dreg:$0x0] =	wrdreg $0xFFFFFFFF;
	(pc) =	sbr.abs _section_cstart, $3  }
0xc1: {  	[dreg:$0x1] =	wrdreg $0xFFFFFFFF  }
0xc2: {  	_ =	task.clear_ibuf [dreg:s7], $0x2FFFF;
	_ =	strace $0x9FFFFFFF  }
0xc3: {  	(tm) =	ssettm $0x7FFFFFFF  }
tec
execute0_lowered:
.L_overlay_start_1:
0x0: {  	(tag) =	ssettag $0x1  }
0x1: {  	s0 =	rddreg [dreg:$0x0]  }
0x2: {  	s2 =	rddreg [dreg:$0x1]  }
0x3: {  	s1 =	rddreg [dreg:$0x2];
	s4 =	srdreg.scid;
	s3 =	simm.s32 $0x0  }
0x4: {  	s12 =	stileid.u32;
	s24 =	simm.s32 $0x13B80;
	s25 =	simm.s32 $0x13C80  }
0x5: {  	s26 =	simm.s32 $0x13D80;
	s29 =	simm.s32 $0x13E80;
	s28 =	simm.s32 $0x1  }
0x6: {  	s30 =	simm.s32 $0x9;
	s31 =	simm.s32 $0x1BF00;
	s5 =	sand.u32 $0x1, s4  }
0x7: {  	[smem:$0x7FF] =	sst s3;
	s7 =	smul.u32 $0x4F000, s12;
	s8 =	sadd.s32 $0x2A400, s0  }
0x8: {  	s15 =	smul.u32 $0x50, s12;
	_ =	strace $0x8000004A;
	[dreg:$0xb] =	wrdreg s8  }
0x9: {  	s11 =	sadd.s32 $0x128400, s1;
	s16 =	smul.u32 $0x13C00, s12;
	[dreg:$0x7] =	wrdreg s24  }
0xa: {  	p0 =	seq.s32 s12, $0xF;
	s4 =	sshll.u32 s5, $0x4;
	[dreg:$0x8] =	wrdreg s25  }
0xb: {  	s14 =	ssub.s32 $0x2, s5;
	s9 =	smul.u32 $0x140000, s5;
	[dreg:$0x9] =	wrdreg s26  }
0xc: {  	s5 =	smul.u32 $0x500, s5;
	s24 =	simm.s32 $0x8;
	[dreg:$0xa] =	wrdreg s29  }
0xd: {  	s25 =	simm.s32 $0x17F00;
	s26 =	simm.s32 $0x13A00;
	s6 =	sor.u32 s12, s4  }
0xe: {  	s4 =	sadd.s32 $0x2400, s0;
	s0 =	sadd.s32 $0x2CC00, s0;
	s10 =	sshrl.u32 s14, $0x1  }
0xf: {  	s7 =	sshrl.u32 s7, $0x2;
	s6 =	smul.u32 $0xA00, s6;
	s5 =	sadd.s32 s15, s5  }
0x10: {  	s8 =	ssub.s32 s14, s10;
	s7 =	sadd.s32 s7, s1;
	s5 =	sshll.u32 s5, $0x5  }
0x11: {  	s23 =	smax.u32 s8, $0x1;
	s8 =	simm.s32 $0x4;
	s13 =	sadd.s32 s2, s6  }
0x12: {  	s6 =	sadd.s32 s16, s9;
	s9 =	sshrl.u32 s9, $0x3;
	[dreg:$0x12] =	wrdreg s23  }
0x13: {  	s10 =	sadd.s32 s5, s2;
	s16 =	sshrl.u32 @p0 s11, $0x3;
	[dreg:$0xc] =	wrdreg s13  }
0x14: {  	s23 =	simm.s32 $0x13F00;
	s14 =	sadd.s32 $0x20, s13;
	[dreg:$0x13] =	wrdreg s16  }
0x15: {  	s2 =	simm.s32 $0x2;
	s17 =	sadd.s32 $0x40, s13;
	[dreg:$0xd] =	wrdreg s14  }
0x16: {  	s11 =	simm.s32 $0x3;
	s18 =	sadd.s32 $0x60, s13;
	[dreg:$0xe] =	wrdreg s17  }
0x17: {  	s5 =	simm.s32 $0xC;
	s20 =	sadd.s32 $0x100, s10;
	[dreg:$0xf] =	wrdreg s18  }
0x18: {  	s6 =	sshrl.u32 s6, $0x3;
	s21 =	sadd.s32 $0xC0, s10;
	[dreg:$0x4] =	wrdreg s20  }
0x19: {  	s22 =	sadd.s32 $0x80, s10;
	s13 =	simm.s32 $0xB;
	[dreg:$0x5] =	wrdreg s21  }
0x1a: {  	s19 =	sadd.s32 s0, s6;
	s0 =	sadd.s32 s0, s9;
	[dreg:$0x6] =	wrdreg s22  }
0x1b: {  	s20 =	sshrl.u32 @!p0 s7, $0x3;
	s21 =	simm.s32 $0x7;
	s22 =	simm.s32 $0x80  }
0x1c: {  	s17 =	simm.s32 $0x13A80;
	[dreg:$0x10] =	wrdreg s19;
	s0 =	sadd.s32 $0x25080, s0  }
0x1d: {  	s9 =	simm.s32 $0xA;
	[dreg:$0x11] =	wrdreg s0;
	s0 =	sshll.u32 @!p0 s12, $0x6  }
0x1e: {  	s6 =	simm.s32 $0x6;
	[dreg:$0x15] =	wrdreg s20;
	s19 =	sor.u32 @!p0 $0x1C0D, s0  }
0x1f: {  	s12 =	simm.s32 $0x5;
	s0 =	simm.s32 $0x0;
	[dreg:$0x14] =	wrdreg s19  }
.LBB2_1:
0x20: {  	[dreg:$0x16] =	wrdreg s0  }
0x21: {  	s14 =	simm.s32 @p0 $0x1FCD;
	s15 =	rddreg [dreg:$0xb]  }
0x22: {  	[spmem:s16], [sflag:s14] =	dma.local @p0 [hbm:s15], $0x2180  }
0x23: {  	s14 =	simm.s32 @p0 $0xD  }
0x24: {  	_ =	swait.ge @p0 [sflag:s14], $0x2180  }
0x25: {  	[sflag:s14] =	ssyncset.done @p0 $0x0  }
0x26: {  	[sflag:s14] =	ssyncadd.s32 @p0 $0xFFFFDE80;
	s14 =	simm.s32 @!p0 $0xD  }
0x27: {  	[spmem:s20], [sflag:s19] =	dma.local @!p0 [hbm:s15], $0x2780  }
0x28: {  	_ =	swait.ge @!p0 [sflag:s14], $0x2780  }
0x29: {  	[sflag:s14] =	ssyncset.done @!p0 $0x0  }
0x2a: {  	s19 =	simm.s32 $0x13900;
	s15 =	rddreg [dreg:$0xc];
	[sflag:s14] =	ssyncadd.s32 @!p0 $0xFFFFD880  }
0x2b: {  	[tilespmem:s19], [sflag:$0x7] =	stream.linear.gather [hbm4b:s15+s3], $0x100, $0x38;
	[tilespmem:$0x1FF00] =	vst v63  }
0x2c: {  	s18 =	simm.s32 $0x13A00;
	s16 =	rddreg [dreg:$0xd]  }
0x2d: {  	[tilespmem:s18], [sflag:$0x8] =	stream.linear.gather [hbm4b:s16+s3], $0x100, $0x38;
	[tilespmem:$0x1FF00] =	vst v63  }
0x2e: {  	s29 =	simm.s32 $0x13B00;
	s20 =	rddreg [dreg:$0xe]  }
0x2f: {  	[tilespmem:s29], [sflag:$0x9] =	stream.linear.gather [hbm4b:s20+s3], $0x100, $0x38;
	[tilespmem:$0x1FF00] =	vst v63  }
0x30: {  	s0 =	rddreg [dreg:$0xf];
	s16 =	simm.s32 $0x13C00  }
0x31: {  	[tilespmem:s16], [sflag:$0xA] =	stream.linear.gather [hbm4b:s0+s3], $0x100, $0x38;
	[tilespmem:$0x1FF00] =	vst v63  }
0x32: {  	[bflag:$0x0] =	sbarrier.arrive $0xFFFF  }
0x33: {  	p1 =	por $0x1, $0x1;
	_ =	swait.ge [sflag:s21], $0x100  }
0x34: {  	p1 =	por p1, p1;
	[sflag:s21] =	ssyncset.done $0x0  }
0x35: {  	s14 =	simm.s32 @!p1 $0x5;
	[sflag:s21] =	ssyncadd.s32 $0xFFFFFF00  }
0x36: {  	[tilespmem:s23], [sflag:$0x1] =	stream.indirect.gather [hbm4b:s4+s22], $0x80, s19, s22, $0xb8;
	[tilespmem:$0x1FF00] =	vst v63  }
0x37: {  	_ =	swait.ge @!p1 [sflag:s14], $0x4000  }
0x38: {  	[sflag:s14] =	ssyncset.done @!p1 $0x0  }
0x39: {  	[sflag:s14] =	ssyncadd.s32 @!p1 $0xFFFFC000  }
0x3a: {  	_ =	swait.ge [sflag:s24], $0x100  }
0x3b: {  	[sflag:s24] =	ssyncset.done $0x0  }
0x3c: {  	s7 =	rddreg [dreg:$0x6];
	[sflag:s24] =	ssyncadd.s32 $0xFFFFFF00  }
0x3d: {  	[tilespmem:s25], [sflag:$0x2] =	stream.indirect.gather [hbm4b:s4+s22], $0x80, s18, s22, $0xb8;
	[tilespmem:$0x1FF00] =	vst v63  }
0x3e: {  	s0 =	simm.s32 $0x13D00;
	s14 =	sadd.s32 $0x0, s7  }
0x3f: {  	[tilespmem:s0], [sflag:$0xB] =	stream.linear.gather [hbm4b:s14+s3], $0x100, $0x38;
	[tilespmem:$0x1FF00] =	vst v63  }
0x40: {  	_ =	swait.ge [sflag:s28], $0x4000  }
0x41: {  	[sflag:s28] =	ssyncset.done $0x0  }
0x42: {  	s7 =	simm.s32 $0x13980;
	s14 =	simm.s32 @!p1 $0x6;
	[sflag:s28] =	ssyncadd.s32 $0xFFFFC000  }
0x43: {  	[spmem:s1] =	stream.indirect.scatter.add.f32 [tilespmem:s23], [sflag:$0x4], $0x80, s7, s22, $0xb8;
	[tilespmem:$0x1FF00] =	vst v63  }
0x44: {  	_ =	swait.ge @!p1 [sflag:s14], $0x4000  }
0x45: {  	[sflag:s14] =	ssyncset.done @!p1 $0x0  }
0x46: {  	[sflag:s14] =	ssyncadd.s32 @!p1 $0xFFFFC000  }
0x47: {  	_ =	swait.ge [sflag:s30], $0x100  }
0x48: {  	[sflag:s30] =	ssyncset.done $0x0  }
0x49: {  	s14 =	sadd.s32 $0x0, s10;
	[sflag:s30] =	ssyncadd.s32 $0xFFFFFF00  }
0x4a: {  	[tilespmem:s31], [sflag:$0x3] =	stream.indirect.gather [hbm4b:s4+s22], $0x80, s29, s22, $0xb8;
	[tilespmem:$0x1FF00] =	vst v63  }
0x4b: {  	s7 =	simm.s32 $0x13E00;
	s20 =	sadd.s32 $0xA0, s14  }
0x4c: {  	[tilespmem:s7], [sflag:$0xC] =	stream.linear.gather [hbm4b:s20+s3], $0x100, $0x38;
	[tilespmem:$0x1FF00] =	vst v63  }
0x4d: {  	_ =	swait.ge [sflag:s2], $0x4000  }
0x4e: {  	[sflag:s2] =	ssyncset.done $0x0  }
0x4f: {  	[sflag:s2] =	ssyncadd.s32 $0xFFFFC000  }
0x50: {  	[spmem:s1] =	stream.indirect.scatter.add.f32 [tilespmem:s25], [sflag:$0x5], $0x80, s17, s22, $0xb8;
	[tilespmem:$0x1FF00] =	vst v63  }
0x51: {  	_ =	swait.ge [sflag:s8], $0x4000  }
0x52: {  	[sflag:s8] =	ssyncset.done $0x0  }
0x53: {  	[sflag:s8] =	ssyncadd.s32 $0xFFFFC000  }
0x54: {  	_ =	swait.ge [sflag:s9], $0x100  }
0x55: {  	[sflag:s9] =	ssyncset.done $0x0  }
0x56: {  	s29 =	rddreg [dreg:$0x5];
	[sflag:s9] =	ssyncadd.s32 $0xFFFFFF00  }
0x57: {  	[tilespmem:s23], [sflag:$0x1] =	stream.indirect.gather [hbm4b:s4+s22], $0x80, s16, s22, $0xb8;
	[tilespmem:$0x1FF00] =	vst v63  }
0x58: {  	s15 =	sadd.s32 $0x0, s29  }
0x59: {  	[tilespmem:s19], [sflag:$0x7] =	stream.linear.gather [hbm4b:s15+s3], $0x100, $0x38;
	[tilespmem:$0x1FF00] =	vst v63  }
0x5a: {  	_ =	swait.ge [sflag:s11], $0x4000  }
0x5b: {  	[sflag:s11] =	ssyncset.done $0x0  }
0x5c: {  	s16 =	rddreg [dreg:$0x7];
	[sflag:s11] =	ssyncadd.s32 $0xFFFFC000  }
0x5d: {  	[spmem:s1] =	stream.indirect.scatter.add.f32 [tilespmem:s31], [sflag:$0x6], $0x80, s16, s22, $0xb8;
	[tilespmem:$0x1FF00] =	vst v63  }
0x5e: {  	_ =	swait.ge [sflag:s12], $0x4000  }
0x5f: {  	[sflag:s12] =	ssyncset.done $0x0  }
0x60: {  	[sflag:s12] =	ssyncadd.s32 $0xFFFFC000  }
0x61: {  	_ =	swait.ge [sflag:s13], $0x100  }
0x62: {  	[sflag:s13] =	ssyncset.done $0x0  }
0x63: {  	[sflag:s13] =	ssyncadd.s32 $0xFFFFFF00  }
0x64: {  	[tilespmem:s25], [sflag:$0x2] =	stream.indirect.gather [hbm4b:s4+s22], $0x80, s0, s22, $0xb8;
	[tilespmem:$0x1FF00] =	vst v63  }
0x65: {  	s14 =	sadd.s32 $0xE0, s14  }
0x66: {  	[tilespmem:s18], [sflag:$0x8] =	stream.linear.gather [hbm4b:s14+s3], $0x100, $0x38;
	[tilespmem:$0x1FF00] =	vst v63  }
0x67: {  	_ =	swait.ge [sflag:s28], $0x4000  }
0x68: {  	[sflag:s28] =	ssyncset.done $0x0  }
0x69: {  	s20 =	rddreg [dreg:$0x8];
	[sflag:s28] =	ssyncadd.s32 $0xFFFFC000  }
0x6a: {  	[spmem:s1] =	stream.indirect.scatter.add.f32 [tilespmem:s23], [sflag:$0x4], $0x80, s20, s22, $0xb8;
	[tilespmem:$0x1FF00] =	vst v63  }
0x6b: {  	_ =	swait.ge [sflag:s6], $0x4000  }
0x6c: {  	[sflag:s6] =	ssyncset.done $0x0  }
0x6d: {  	[sflag:s6] =	ssyncadd.s32 $0xFFFFC000  }
0x6e: {  	_ =	swait.ge [sflag:s5], $0x100  }
0x6f: {  	[sflag:s5] =	ssyncset.done $0x0  }
0x70: {  	p1 =	por $0x0, $0x0;
	s14 =	rddreg [dreg:$0x4];
	[sflag:s5] =	ssyncadd.s32 $0xFFFFFF00  }
0x71: {  	[tilespmem:s31], [sflag:$0x3] =	stream.indirect.gather [hbm4b:s4+s22], $0x80, s7, s22, $0xb8;
	[tilespmem:$0x1FF00] =	vst v63  }
0x72: {  	s15 =	simm.s32 @!p1 $0x0;
	s16 =	simm.s32 @!p1 $0x13B00;
	s14 =	sadd.s32 @!p1 $0x0, s14  }
0x73: {  	[tilespmem:s16], [sflag:$0x9] =	stream.linear.gather @!p1 [hbm4b:s14+s15], $0x100, $0x38;
	[tilespmem:$0x1FF00] =	vst v63  }
0x74: {  	_ =	swait.ge [sflag:s2], $0x4000  }
0x75: {  	[sflag:s2] =	ssyncset.done $0x0  }
0x76: {  	s29 =	rddreg [dreg:$0x9];
	[sflag:s2] =	ssyncadd.s32 $0xFFFFC000  }
0x77: {  	[spmem:s1] =	stream.indirect.scatter.add.f32 [tilespmem:s25], [sflag:$0x5], $0x80, s29, s22, $0xb8;
	[tilespmem:$0x1FF00] =	vst v63  }
0x78: {  	_ =	swait.ge [sflag:s8], $0x4000  }
0x79: {  	[sflag:s8] =	ssyncset.done $0x0  }
0x7a: {  	[sflag:s8] =	ssyncadd.s32 $0xFFFFC000  }
0x7b: {  	_ =	swait.ge [sflag:s21], $0x100  }
0x7c: {  	[sflag:s21] =	ssyncset.done $0x0  }
0x7d: {  	s14 =	sadd.s32 @!p1 $0x0, s10;
	[sflag:s21] =	ssyncadd.s32 $0xFFFFFF00  }
0x7e: {  	[tilespmem:s23], [sflag:$0x1] =	stream.indirect.gather [hbm4b:s4+s22], $0x80, s19, s22, $0xb8;
	[tilespmem:$0x1FF00] =	vst v63  }
0x7f: {  	s16 =	simm.s32 @!p1 $0x13C00;
	s14 =	sadd.s32 @!p1 $0x120, s14  }
0x80: {  	[tilespmem:s16], [sflag:$0xA] =	stream.linear.gather @!p1 [hbm4b:s14+s15], $0x100, $0x38;
	[tilespmem:$0x1FF00] =	vst v63  }
0x81: {  	p6 =	por $0x0, $0x0;
	_ =	swait.ge [sflag:s11], $0x4000  }
0x82: {  	s15 =	simm.s32 $0xC0;
	s16 =	simm.s32 $0x180;
	[sflag:s11] =	ssyncset.done $0x0  }
0x83: {  	p1 =	por p6, p6;
	s14 =	rddreg [dreg:$0xa];
	[sflag:s11] =	ssyncadd.s32 $0xFFFFC000  }
.LBB2_2:
0x84: {  	[spmem:s1] =	stream.indirect.scatter.add.f32 [tilespmem:s31], [sflag:$0x6], $0x80, s14, s22, $0xb8;
	[tilespmem:$0x1FF00] =	vst v63  }
0x85: {  	s19 =	simm.s32 @!p1 $0x5  }
0x86: {  	_ =	swait.ge @!p1 [sflag:s19], $0x4000  }
0x87: {  	[sflag:s19] =	ssyncset.done @!p1 $0x0  }
0x88: {  	[sflag:s19] =	ssyncadd.s32 @!p1 $0xFFFFC000  }
0x89: {  	_ =	swait.ge [sflag:s24], $0x100  }
0x8a: {  	[sflag:s24] =	ssyncset.done $0x0  }
0x8b: {  	s20 =	rddreg [dreg:$0x6];
	[sflag:s24] =	ssyncadd.s32 $0xFFFFFF00  }
0x8c: {  	[tilespmem:s25], [sflag:$0x2] =	stream.indirect.gather [hbm4b:s4+s22], $0x80, s26, s22, $0xb8;
	[tilespmem:$0x1FF00] =	vst v63  }
0x8d: {  	s0 =	simm.s32 $0x13D00;
	s19 =	sadd.s32 s15, s20  }
0x8e: {  	[tilespmem:s0], [sflag:$0xB] =	stream.linear.gather [hbm4b:s19+s3], $0x100, $0x38;
	[tilespmem:$0x1FF00] =	vst v63  }
0x8f: {  	_ =	swait.ge [sflag:s28], $0x4000  }
0x90: {  	[sflag:s28] =	ssyncset.done $0x0  }
0x91: {  	s7 =	simm.s32 $0x13980;
	s19 =	simm.s32 @!p1 $0x6;
	[sflag:s28] =	ssyncadd.s32 $0xFFFFC000  }
0x92: {  	[spmem:s1] =	stream.indirect.scatter.add.f32 [tilespmem:s23], [sflag:$0x4], $0x80, s7, s22, $0xb8;
	[tilespmem:$0x1FF00] =	vst v63  }
0x93: {  	_ =	swait.ge @!p1 [sflag:s19], $0x4000  }
0x94: {  	[sflag:s19] =	ssyncset.done @!p1 $0x0  }
0x95: {  	[sflag:s19] =	ssyncadd.s32 @!p1 $0xFFFFC000  }
0x96: {  	_ =	swait.ge [sflag:s30], $0x100  }
0x97: {  	[sflag:s30] =	ssyncset.done $0x0  }
0x98: {  	s20 =	simm.s32 $0x13B00;
	s19 =	sadd.s32 s15, s10;
	[sflag:s30] =	ssyncadd.s32 $0xFFFFFF00  }
0x99: {  	[tilespmem:s31], [sflag:$0x3] =	stream.indirect.gather [hbm4b:s4+s22], $0x80, s20, s22, $0xb8;
	[tilespmem:$0x1FF00] =	vst v63  }
0x9a: {  	s7 =	simm.s32 $0x13E00;
	s29 =	sadd.s32 $0xA0, s19  }
0x9b: {  	[tilespmem:s7], [sflag:$0xC] =	stream.linear.gather [hbm4b:s29+s3], $0x100, $0x38;
	[tilespmem:$0x1FF00] =	vst v63  }
0x9c: {  	_ =	swait.ge [sflag:s2], $0x4000  }
0x9d: {  	[sflag:s2] =	ssyncset.done $0x0  }
0x9e: {  	[sflag:s2] =	ssyncadd.s32 $0xFFFFC000  }
0x9f: {  	[spmem:s1] =	stream.indirect.scatter.add.f32 [tilespmem:s25], [sflag:$0x5], $0x80, s17, s22, $0xb8;
	[tilespmem:$0x1FF00] =	vst v63  }
0xa0: {  	_ =	swait.ge [sflag:s8], $0x4000  }
0xa1: {  	[sflag:s8] =	ssyncset.done $0x0  }
0xa2: {  	[sflag:s8] =	ssyncadd.s32 $0xFFFFC000  }
0xa3: {  	_ =	swait.ge [sflag:s9], $0x100  }
0xa4: {  	[sflag:s9] =	ssyncset.done $0x0  }
0xa5: {  	s29 =	simm.s32 $0x13C00;
	s18 =	rddreg [dreg:$0x5];
	[sflag:s9] =	ssyncadd.s32 $0xFFFFFF00  }
0xa6: {  	[tilespmem:s23], [sflag:$0x1] =	stream.indirect.gather [hbm4b:s4+s22], $0x80, s29, s22, $0xb8;
	[tilespmem:$0x1FF00] =	vst v63  }
0xa7: {  	s20 =	sadd.s32 s15, s18;
	s18 =	simm.s32 $0x13900  }
0xa8: {  	[tilespmem:s18], [sflag:$0x7] =	stream.linear.gather [hbm4b:s20+s3], $0x100, $0x38;
	[tilespmem:$0x1FF00] =	vst v63  }
0xa9: {  	_ =	swait.ge [sflag:s11], $0x4000  }
0xaa: {  	[sflag:s11] =	ssyncset.done $0x0  }
0xab: {  	s29 =	rddreg [dreg:$0x7];
	[sflag:s11] =	ssyncadd.s32 $0xFFFFC000  }
0xac: {  	[spmem:s1] =	stream.indirect.scatter.add.f32 [tilespmem:s31], [sflag:$0x6], $0x80, s29, s22, $0xb8;
	[tilespmem:$0x1FF00] =	vst v63  }
0xad: {  	_ =	swait.ge [sflag:s12], $0x4000  }
0xae: {  	[sflag:s12] =	ssyncset.done $0x0  }
0xaf: {  	[sflag:s12] =	ssyncadd.s32 $0xFFFFC000  }
0xb0: {  	_ =	swait.ge [sflag:s13], $0x100  }
0xb1: {  	[sflag:s13] =	ssyncset.done $0x0  }
0xb2: {  	[sflag:s13] =	ssyncadd.s32 $0xFFFFFF00  }
0xb3: {  	[tilespmem:s25], [sflag:$0x2] =	stream.indirect.gather [hbm4b:s4+s22], $0x80, s0, s22, $0xb8;
	[tilespmem:$0x1FF00] =	vst v63  }
0xb4: {  	s19 =	sadd.s32 $0xE0, s19  }
0xb5: {  	[tilespmem:s26], [sflag:$0x8] =	stream.linear.gather [hbm4b:s19+s3], $0x100, $0x38;
	[tilespmem:$0x1FF00] =	vst v63  }
0xb6: {  	_ =	swait.ge [sflag:s28], $0x4000  }
0xb7: {  	[sflag:s28] =	ssyncset.done $0x0  }
0xb8: {  	s20 =	rddreg [dreg:$0x8];
	[sflag:s28] =	ssyncadd.s32 $0xFFFFC000  }
0xb9: {  	[spmem:s1] =	stream.indirect.scatter.add.f32 [tilespmem:s23], [sflag:$0x4], $0x80, s20, s22, $0xb8;
	[tilespmem:$0x1FF00] =	vst v63  }
0xba: {  	_ =	swait.ge [sflag:s6], $0x4000  }
0xbb: {  	[sflag:s6] =	ssyncset.done $0x0  }
0xbc: {  	s14 =	smov.u32 s16;
	[sflag:s6] =	ssyncadd.s32 $0xFFFFC000  }
0xbd: {  	p3 =	seq.s32 s14, $0x0;
	_ =	swait.ge [sflag:s5], $0x100  }
0xbe: {  	p1 =	por p3, p3;
	[sflag:s5] =	ssyncset.done $0x0  }
0xbf: {  	p3 =	seq.s32 s15, $0x900;
	s19 =	rddreg [dreg:$0x4];
	[sflag:s5] =	ssyncadd.s32 $0xFFFFFF00  }
0xc0: {  	[tilespmem:s31], [sflag:$0x3] =	stream.indirect.gather [hbm4b:s4+s22], $0x80, s7, s22, $0xb8;
	[tilespmem:$0x1FF00] =	vst v63  }
0xc1: {  	s29 =	simm.s32 @!p3 $0x13B00;
	s20 =	simm.s32 @!p3 $0x0;
	s19 =	sadd.s32 @!p3 s15, s19  }
0xc2: {  	[tilespmem:s29], [sflag:$0x9] =	stream.linear.gather @!p3 [hbm4b:s19+s20], $0x100, $0x38;
	[tilespmem:$0x1FF00] =	vst v63  }
0xc3: {  	_ =	swait.ge [sflag:s2], $0x4000  }
0xc4: {  	[sflag:s2] =	ssyncset.done $0x0  }
0xc5: {  	s29 =	rddreg [dreg:$0x9];
	[sflag:s2] =	ssyncadd.s32 $0xFFFFC000  }
0xc6: {  	[spmem:s1] =	stream.indirect.scatter.add.f32 [tilespmem:s25], [sflag:$0x5], $0x80, s29, s22, $0xb8;
	[tilespmem:$0x1FF00] =	vst v63  }
0xc7: {  	_ =	swait.ge [sflag:s8], $0x4000  }
0xc8: {  	[sflag:s8] =	ssyncset.done $0x0  }
0xc9: {  	[sflag:s8] =	ssyncadd.s32 $0xFFFFC000  }
0xca: {  	s16 =	sadd.s32 $0xC0, s16;
	_ =	swait.ge [sflag:s21], $0x100  }
0xcb: {  	p2 =	sne.s32 s16, $0x9C0;
	[sflag:s21] =	ssyncset.done $0x0  }
0xcc: {  	s19 =	sadd.s32 @!p3 s15, s10;
	s15 =	smov.u32 s14;
	[sflag:s21] =	ssyncadd.s32 $0xFFFFFF00  }
0xcd: {  	[tilespmem:s23], [sflag:$0x1] =	stream.indirect.gather [hbm4b:s4+s22], $0x80, s18, s22, $0xb8;
	[tilespmem:$0x1FF00] =	vst v63  }
.Ltmp0:
0xce: {  	s14 =	simm.s32 @!p3 $0x13C00;
	s19 =	sadd.s32 @!p3 $0x120, s19;
	(pc) =	sbr.rel @p2 .LBB2_2-.Ltmp0, $4  }
0xcf: {  	[tilespmem:s14], [sflag:$0xA] =	stream.linear.gather @!p3 [hbm4b:s19+s20], $0x100, $0x38;
	[tilespmem:$0x1FF00] =	vst v63  }
0xd0: {  	_ =	swait.ge [sflag:s11], $0x4000  }
0xd1: {  	[sflag:s11] =	ssyncset.done $0x0  }
0xd2: {  	s14 =	rddreg [dreg:$0xa];
	[sflag:s11] =	ssyncadd.s32 $0xFFFFC000  }
0xd3: {  	[spmem:s1] =	stream.indirect.scatter.add.f32 [tilespmem:s31], [sflag:$0x6], $0x80, s14, s22, $0xb8;
	[tilespmem:$0x1FF00] =	vst v63  }
0xd4: {  	s14 =	simm.s32 @!p1 $0x5  }
0xd5: {  	_ =	swait.ge @!p1 [sflag:s14], $0x4000  }
0xd6: {  	[sflag:s14] =	ssyncset.done @!p1 $0x0  }
0xd7: {  	[sflag:s14] =	ssyncadd.s32 @!p1 $0xFFFFC000  }
0xd8: {  	_ =	swait.ge [sflag:s24], $0x100  }
0xd9: {  	[sflag:s24] =	ssyncset.done $0x0  }
0xda: {  	s17 =	simm.s32 $0x13A00;
	s18 =	rddreg [dreg:$0x6];
	[sflag:s24] =	ssyncadd.s32 $0xFFFFFF00  }
0xdb: {  	[tilespmem:s25], [sflag:$0x2] =	stream.indirect.gather [hbm4b:s4+s22], $0x80, s17, s22, $0xb8;
	[tilespmem:$0x1FF00] =	vst v63  }
0xdc: {  	s0 =	simm.s32 $0x13D00;
	s14 =	sadd.s32 s15, s18  }
0xdd: {  	[tilespmem:s0], [sflag:$0xB] =	stream.linear.gather [hbm4b:s14+s3], $0x100, $0x38;
	[tilespmem:$0x1FF00] =	vst v63  }
0xde: {  	_ =	swait.ge [sflag:s28], $0x4000  }
0xdf: {  	[sflag:s28] =	ssyncset.done $0x0  }
0xe0: {  	s20 =	simm.s32 $0x13980;
	s14 =	simm.s32 @!p1 $0x6;
	[sflag:s28] =	ssyncadd.s32 $0xFFFFC000  }
0xe1: {  	[spmem:s1] =	stream.indirect.scatter.add.f32 [tilespmem:s23], [sflag:$0x4], $0x80, s20, s22, $0xb8;
	[tilespmem:$0x1FF00] =	vst v63  }
0xe2: {  	_ =	swait.ge @!p1 [sflag:s14], $0x4000  }
0xe3: {  	[sflag:s14] =	ssyncset.done @!p1 $0x0  }
0xe4: {  	[sflag:s14] =	ssyncadd.s32 @!p1 $0xFFFFC000  }
0xe5: {  	_ =	swait.ge [sflag:s30], $0x100  }
0xe6: {  	[sflag:s30] =	ssyncset.done $0x0  }
0xe7: {  	s7 =	simm.s32 $0x13B00;
	s14 =	sadd.s32 s15, s10;
	[sflag:s30] =	ssyncadd.s32 $0xFFFFFF00  }
0xe8: {  	[tilespmem:s31], [sflag:$0x3] =	stream.indirect.gather [hbm4b:s4+s22], $0x80, s7, s22, $0xb8;
	[tilespmem:$0x1FF00] =	vst v63  }
0xe9: {  	s18 =	simm.s32 $0x13E00;
	s16 =	sadd.s32 $0xA0, s14  }
0xea: {  	[tilespmem:s18], [sflag:$0xC] =	stream.linear.gather [hbm4b:s16+s3], $0x100, $0x38;
	[tilespmem:$0x1FF00] =	vst v63  }
0xeb: {  	_ =	swait.ge [sflag:s2], $0x4000  }
0xec: {  	[sflag:s2] =	ssyncset.done $0x0  }
0xed: {  	s29 =	simm.s32 $0x13A80;
	[sflag:s2] =	ssyncadd.s32 $0xFFFFC000  }
0xee: {  	[spmem:s1] =	stream.indirect.scatter.add.f32 [tilespmem:s25], [sflag:$0x5], $0x80, s29, s22, $0xb8;
	[tilespmem:$0x1FF00] =	vst v63  }
0xef: {  	_ =	swait.ge [sflag:s8], $0x4000  }
0xf0: {  	[sflag:s8] =	ssyncset.done $0x0  }
0xf1: {  	[sflag:s8] =	ssyncadd.s32 $0xFFFFC000  }
0xf2: {  	_ =	swait.ge [sflag:s9], $0x100  }
0xf3: {  	[sflag:s9] =	ssyncset.done $0x0  }
0xf4: {  	s19 =	simm.s32 $0x13C00;
	s16 =	rddreg [dreg:$0x5];
	[sflag:s9] =	ssyncadd.s32 $0xFFFFFF00  }
0xf5: {  	[tilespmem:s23], [sflag:$0x1] =	stream.indirect.gather [hbm4b:s4+s22], $0x80, s19, s22, $0xb8;
	[tilespmem:$0x1FF00] =	vst v63  }
0xf6: {  	s7 =	simm.s32 $0x13900;
	s16 =	sadd.s32 s15, s16  }
0xf7: {  	[tilespmem:s7], [sflag:$0x7] =	stream.linear.gather [hbm4b:s16+s3], $0x100, $0x38;
	[tilespmem:$0x1FF00] =	vst v63  }
0xf8: {  	_ =	swait.ge [sflag:s11], $0x4000  }
0xf9: {  	[sflag:s11] =	ssyncset.done $0x0  }
0xfa: {  	s19 =	rddreg [dreg:$0x7];
	[sflag:s11] =	ssyncadd.s32 $0xFFFFC000  }
0xfb: {  	[spmem:s1] =	stream.indirect.scatter.add.f32 [tilespmem:s31], [sflag:$0x6], $0x80, s19, s22, $0xb8;
	[tilespmem:$0x1FF00] =	vst v63  }
0xfc: {  	_ =	swait.ge [sflag:s12], $0x4000  }
0xfd: {  	[sflag:s12] =	ssyncset.done $0x0  }
0xfe: {  	[sflag:s12] =	ssyncadd.s32 $0xFFFFC000  }
0xff: {  	_ =	swait.ge [sflag:s13], $0x100  }
0x100: {  	[sflag:s13] =	ssyncset.done $0x0  }
0x101: {  	[sflag:s13] =	ssyncadd.s32 $0xFFFFFF00  }
0x102: {  	[tilespmem:s25], [sflag:$0x2] =	stream.indirect.gather [hbm4b:s4+s22], $0x80, s0, s22, $0xb8;
	[tilespmem:$0x1FF00] =	vst v63  }
0x103: {  	s14 =	sadd.s32 $0xE0, s14  }
0x104: {  	[tilespmem:s17], [sflag:$0x8] =	stream.linear.gather [hbm4b:s14+s3], $0x100, $0x38;
	[tilespmem:$0x1FF00] =	vst v63  }
0x105: {  	_ =	swait.ge [sflag:s28], $0x4000  }
0x106: {  	[sflag:s28] =	ssyncset.done $0x0  }
0x107: {  	s19 =	rddreg [dreg:$0x8];
	[sflag:s28] =	ssyncadd.s32 $0xFFFFC000  }
0x108: {  	[spmem:s1] =	stream.indirect.scatter.add.f32 [tilespmem:s23], [sflag:$0x4], $0x80, s19, s22, $0xb8;
	[tilespmem:$0x1FF00] =	vst v63  }
0x109: {  	_ =	swait.ge [sflag:s6], $0x4000  }
0x10a: {  	[sflag:s6] =	ssyncset.done $0x0  }
0x10b: {  	[sflag:s6] =	ssyncadd.s32 $0xFFFFC000  }
0x10c: {  	_ =	swait.ge [sflag:s5], $0x100  }
0x10d: {  	[sflag:s5] =	ssyncset.done $0x0  }
0x10e: {  	p1 =	seq.s32 s15, $0x900;
	s14 =	rddreg [dreg:$0x4];
	[sflag:s5] =	ssyncadd.s32 $0xFFFFFF00  }
0x10f: {  	[tilespmem:s31], [sflag:$0x3] =	stream.indirect.gather [hbm4b:s4+s22], $0x80, s18, s22, $0xb8;
	[tilespmem:$0x1FF00] =	vst v63  }
0x110: {  	s16 =	simm.s32 @!p1 $0x0;
	s19 =	simm.s32 @!p1 $0x13B00;
	s14 =	sadd.s32 @!p1 s15, s14  }
0x111: {  	[tilespmem:s19], [sflag:$0x9] =	stream.linear.gather @!p1 [hbm4b:s14+s16], $0x100, $0x38;
	[tilespmem:$0x1FF00] =	vst v63  }
0x112: {  	_ =	swait.ge [sflag:s2], $0x4000  }
0x113: {  	[sflag:s2] =	ssyncset.done $0x0  }
0x114: {  	s0 =	rddreg [dreg:$0x9];
	[sflag:s2] =	ssyncadd.s32 $0xFFFFC000  }
0x115: {  	[spmem:s1] =	stream.indirect.scatter.add.f32 [tilespmem:s25], [sflag:$0x5], $0x80, s0, s22, $0xb8;
	[tilespmem:$0x1FF00] =	vst v63  }
0x116: {  	_ =	swait.ge [sflag:s8], $0x4000  }
0x117: {  	[sflag:s8] =	ssyncset.done $0x0  }
0x118: {  	[sflag:s8] =	ssyncadd.s32 $0xFFFFC000  }
0x119: {  	_ =	swait.ge [sflag:s21], $0x100  }
0x11a: {  	[sflag:s21] =	ssyncset.done $0x0  }
0x11b: {  	s14 =	sadd.s32 @!p1 s15, s10;
	[sflag:s21] =	ssyncadd.s32 $0xFFFFFF00  }
0x11c: {  	[tilespmem:s23], [sflag:$0x1] =	stream.indirect.gather [hbm4b:s4+s22], $0x80, s7, s22, $0xb8;
	[tilespmem:$0x1FF00] =	vst v63  }
0x11d: {  	s15 =	simm.s32 @!p1 $0x13C00;
	s14 =	sadd.s32 @!p1 $0x120, s14  }
0x11e: {  	[tilespmem:s15], [sflag:$0xA] =	stream.linear.gather @!p1 [hbm4b:s14+s16], $0x100, $0x38;
	[tilespmem:$0x1FF00] =	vst v63  }
0x11f: {  	_ =	swait.ge [sflag:s11], $0x4000  }
0x120: {  	[sflag:s11] =	ssyncset.done $0x0  }
0x121: {  	s16 =	rddreg [dreg:$0xa];
	[sflag:s11] =	ssyncadd.s32 $0xFFFFC000  }
0x122: {  	[spmem:s1] =	stream.indirect.scatter.add.f32 [tilespmem:s31], [sflag:$0x6], $0x80, s16, s22, $0xb8;
	[tilespmem:$0x1FF00] =	vst v63  }
0x123: {  	_ =	swait.ge [sflag:s12], $0x4000  }
0x124: {  	[sflag:s12] =	ssyncset.done $0x0  }
0x125: {  	[sflag:s12] =	ssyncadd.s32 $0xFFFFC000  }
0x126: {  	_ =	swait.ge [sflag:s24], $0x100  }
0x127: {  	[sflag:s24] =	ssyncset.done $0x0  }
0x128: {  	[sflag:s24] =	ssyncadd.s32 $0xFFFFFF00  }
0x129: {  	[tilespmem:s25], [sflag:$0x2] =	stream.indirect.gather [hbm4b:s4+s22], $0x80, s17, s22, $0xb8;
	[tilespmem:$0x1FF00] =	vst v63  }
0x12a: {  	_ =	swait.ge [sflag:s28], $0x4000  }
0x12b: {  	[sflag:s28] =	ssyncset.done $0x0  }
0x12c: {  	[sflag:s28] =	ssyncadd.s32 $0xFFFFC000  }
0x12d: {  	[spmem:s1] =	stream.indirect.scatter.add.f32 [tilespmem:s23], [sflag:$0x4], $0x80, s20, s22, $0xb8;
	[tilespmem:$0x1FF00] =	vst v63  }
0x12e: {  	_ =	swait.ge [sflag:s2], $0x4000  }
0x12f: {  	[sflag:s2] =	ssyncset.done $0x0  }
0x130: {  	[sflag:s2] =	ssyncadd.s32 $0xFFFFC000  }
0x131: {  	[spmem:s1] =	stream.indirect.scatter.add.f32 [tilespmem:s25], [sflag:$0x5], $0x80, s29, s22, $0xb8;
	[tilespmem:$0x1FF00] =	vst v63  }
0x132: {  	_ =	swait.ge [sflag:s6], $0x4000  }
0x133: {  	[sflag:s6] =	ssyncset.done $0x0  }
0x134: {  	[sflag:s6] =	ssyncadd.s32 $0xFFFFC000  }
0x135: {  	_ =	swait.ge [sflag:s8], $0x4000  }
0x136: {  	[sflag:s8] =	ssyncset.done $0x0  }
0x137: {  	[sflag:s8] =	ssyncadd.s32 $0xFFFFC000  }
0x138: {  	_ =	swait.ge [sflag:s12], $0x4000  }
0x139: {  	[sflag:s12] =	ssyncset.done $0x0  }
0x13a: {  	[sflag:s12] =	ssyncadd.s32 $0xFFFFC000  }
0x13b: {  	[bflag:$0x0] =	sbarrier.arrive $0xFFFF  }
0x13c: {  	s15 =	rddreg [dreg:$0x11]  }
0x13d: {  	s14 =	simm.s32 @p0 $0x1FCD;
	s16 =	rddreg [dreg:$0x13]  }
0x13e: {  	[hbm:s15], [sflag:s14] =	dma.local @p0 [spmem:s16], $0x2180  }
0x13f: {  	s14 =	simm.s32 @p0 $0xD  }
0x140: {  	_ =	swait.ge @p0 [sflag:s14], $0x2180  }
0x141: {  	s19 =	rddreg [dreg:$0x14]  }
0x142: {  	[sflag:s14] =	ssyncset.done @p0 $0x0;
	s20 =	rddreg [dreg:$0x15]  }
0x143: {  	[sflag:s14] =	ssyncadd.s32 @p0 $0xFFFFDE80;
	s14 =	rddreg [dreg:$0x10]  }
0x144: {  	[hbm:s14], [sflag:s19] =	dma.local @!p0 [spmem:s20], $0x2780  }
0x145: {  	s14 =	simm.s32 @!p0 $0xD  }
0x146: {  	_ =	swait.ge @!p0 [sflag:s14], $0x2780  }
0x147: {  	s18 =	rddreg [dreg:$0x16]  }
0x148: {  	s29 =	rddreg [dreg:$0x12];
	s0 =	sadd.s32 $0x1, s18  }
0x149: {  	p1 =	sne.s32 s0, s29  }
.Ltmp1:
0x14a: {  	_ = 	snop;
	(pc) =	sbr.rel @p1 .LBB2_1-.Ltmp1, $3  }
0x14b: {  	_ =	sdelay $0x1  }
0x14c: {  	[sflag:s14] =	ssyncset.done @!p0 $0x0  }
0x14d: {  	s17 =	simm.s32 $0x13A80;
	[sflag:s14] =	ssyncadd.s32 @!p0 $0xFFFFD880  }
0x14e: {  	_ =	sfence.sel $0x180000  }
0x14f: {  	[bflag:$0x0] =	sbarrier.arrive $0xFFFF  }
0x150: {  	_ =	strace $0x9000004A  }
0x151: {  	s0 =	stileid.u32;
	[bflag:$0x2] =	sbarrier.arrive $0xFFFF  }
0x152: {  	p0 =	sne.s32 s0, $0x0;
	s0 =	rddreg [dreg:$0x3]  }
0x153: {  	s0 =	sadd.s32 @!p0 $0x100000, s0  }
0x154: {  	[sflag:s0] =	ssyncadd.tile.s32 @!p0 $0x1;
	_ =	shalt  }
.Lfunc_end2:
_tile_overlayer_lowered:
.L_overlay_start_2:
0x155: {  	(tag) =	ssettag $0x2  }
0x156: {  	s0 =	rddreg [dreg:$0x0];
	s2 =	stileid.u32  }
0x157: {  	s1 =	rddreg [dreg:$0x1];
	p0 =	sne.s32 s2, $0x0  }
0x158: {  	s3 =	rddreg [dreg:$0x2];
	[bflag:$0x3] =	sbarrier.arrive $0xFFFF;
	s2 =	simm.s32 @!p0 $0x1C0D  }
0x159: {  	[timem:s3], [sflag:s2] =	dma.local @!p0 [hbm:s0], s1  }
0x15a: {  	s0 =	simm.s32 @!p0 $0xD  }
0x15b: {  	_ =	swait.ge @!p0 [sflag:s0], s1  }
0x15c: {  	s1 =	ssub.s32 @!p0 $0x0, s1;
	[sflag:s0] =	ssyncset.done @!p0 $0x0  }
0x15d: {  	[sflag:s0] =	ssyncadd.s32 @!p0 s1  }
0x15e: {  	[bflag:$0x3] =	sbarrier.arrive $0xFFFF  }
0x15f: {  	_ =	shalt  }

// kernel: kernel.14.cloned.1.call-start
scs
__scs_entry_jumppad:
0x0: {  	(pc) =	sbr.rel $0x88, $3  }
0x1: {  	(tag) =	ssettag $0x0;
	lr =	simm.s32 $0x1  }
0x2: {  	[smem:$0x3F9B] =	sst lr;
	_ =	strace $0xD0000000  }
0x3: {  	_ = 	snop  }
0x4: {  	_ = 	snop  }
0x5: {  	_ = 	snop  }
0x6: {  	_ = 	snop  }
0x7: {  	_ = 	snop  }
__scs_overlays_trampoline_lowered:
0x8: {  	[smem:$0x3FAA] =	sst s0  }
0x9: {  	[smem:$0x3FAB] =	sst s1  }
0xa: {  	[smem:$0x3FAC] =	sst s2  }
0xb: {  	[smem:$0x3FAD] =	sst s3  }
0xc: {  	[smem:$0x3FAE] =	sst s4  }
0xd: {  	[smem:$0x3FAF] =	sst s5  }
0xe: {  	[smem:$0x3FB0] =	sst s6  }
0xf: {  	[smem:$0x3FB1] =	sst s7  }
0x10: {  	[smem:$0x3FB2] =	sst s8  }
0x11: {  	[smem:$0x3FB3] =	sst s9;
	s0 =	simm.s32 @!p0 $0x0  }
0x12: {  	s1 =	sld [smem:$0x3F99];
	s0 =	simm.s32 @p0 $0x1  }
0x13: {  	[smem:$0x3FB4] =	sst s0;
	s0 =	simm.s32 @!p1 $0x0  }
0x14: {  	s2 =	sld [smem:$0x3F98];
	s0 =	simm.s32 @p1 $0x1  }
0x15: {  	[smem:$0x3FB5] =	sst s0;
	s0 =	simm.s32 @!p2 $0x0  }
0x16: {  	s3 =	sld [smem:$0x3FDB];
	s0 =	simm.s32 @p2 $0x1  }
0x17: {  	s4 =	simm.s32 $0x1BF5;
	[smem:$0x3FB7] =	sst s0  }
0x18: {  	s0 =	sld [smem:$0x3F9A];
	_ =	swait.ge [sflag:s4], $0x0  }
0x19: {  	s7 =	sld [smem:$0x3F9B]  }
0x1a: {  	s8 =	sadd.s32 $0xFFFFE003, lr  }
0x1b: {  	s9 =	sadd.s32 $0xFFFFFEF7, lr;
	s5 =	simm.s32 $0xFFFFFFFF;
	p2 =	slt.u32 s8, $0xFFFFF086  }
0x1c: {  	p1 =	slt.u32 s9, $0xF7A;
	s5 =	simm.s32 @!p2 $0x0  }
0x1d: {  	s5 =	simm.s32 @p1 $0x1;
	p0 =	seq.s32 s7, s2  }
0x1e: {  	s7 =	smul.u32 @!p0 $0xF7A, s2;
	p2 =	seq.s32 @!p0 s5, $0x0  }
0x1f: {  	s9 =	smul.u32 $0xF7A, s1;
	s8 =	simm.s32 @!p0 $0x1BF5;
	p2 =	por !p2, p0  }
0x20: {  	[sflag:s8] =	ssyncset.s32 @!p0 $0xFFFFF086;
	s6 =	sadd.s32 @!p0 s3, s7;
	s7 =	simm.s32 @!p0 $0x108  }
0x21: {  	s3 =	sadd.s32 s3, s9;
	s6 =	sadd.s32 @!p0 $0x88, s6;
	s7 =	simm.s32 @p2 $0x1082  }
0x22: {  	[simem:s7], [sflag:s8] =	dma.local @!p0 [hbm:s6], $0xF7A  }
0x23: {  	s9 =	sor.u32 $0xD0000000, s2;
	s6 =	simm.s32 $0x108;
	_ =	swait.ge @!p0 [sflag:s8], $0x0  }
0x24: {  	s3 =	sadd.s32 $0x88, s3;
	s6 =	simm.s32 @!p1 $0x1082;
	[sflag:s4] =	ssyncset.s32 $0xFFFFF086  }
0x25: {  	[simem:s6], [sflag:s4] =	dma.local [hbm:s3], $0xF7A  }
0x26: {  	[smem:$0x3F9B] =	sst s1;
	(tag) =	ssettag s2;
	_ =	strace s9  }
0x27: {  	s1 =	sld [smem:$0x3FAB]  }
0x28: {  	s2 =	sld [smem:$0x3FAC]  }
0x29: {  	s4 =	sld [smem:$0x3FAE]  }
0x2a: {  	p0 =	seq.s32 s5, $0x0;
	s5 =	sld [smem:$0x3FAF]  }
0x2b: {  	s6 =	sld [smem:$0x3FB0]  }
0x2c: {  	s7 =	sld [smem:$0x3FB1]  }
0x2d: {  	s3 =	simm.s32 $0x108;
	s8 =	sld [smem:$0x3FB2]  }
0x2e: {  	s3 =	simm.s32 @!p0 $0x1082;
	s9 =	sld [smem:$0x3FB3]  }
0x2f: {  	lr =	sadd.s32 s0, s3;
	s0 =	sld [smem:$0x3FAA]  }
0x30: {  	s3 =	sld [smem:$0x3FAD]  }
0x31: {  	[smem:$0x3FB6] =	sst s10  }
0x32: {  	s10 =	sld [smem:$0x3FB4];
	_ =	sdelay $0x3  }
0x33: {  	p0 =	seq.s32 s10, $0x1;
	s10 =	sld [smem:$0x3FB6];
	_ =	sdelay $0x3  }
0x34: {  	[smem:$0x3FB6] =	sst s10  }
0x35: {  	s10 =	sld [smem:$0x3FB5];
	_ =	sdelay $0x3  }
0x36: {  	p1 =	seq.s32 s10, $0x1;
	s10 =	sld [smem:$0x3FB6];
	_ =	sdelay $0x3  }
0x37: {  	[smem:$0x3FB6] =	sst s10  }
0x38: {  	s10 =	sld [smem:$0x3FB7]  }
0x39: {  	_ = 	snop;
	(pc) =	sbr.ind lr, $3  }
0x3a: {  	_ = 	snop  }
0x3b: {  	_ = 	snop  }
0x3c: {  	p2 =	seq.s32 s10, $0x1;
	s10 =	sld [smem:$0x3FB6]  }
0x3d: {  	_ =	shalt  }
0x3e: {  	_ =	shalt  }
0x3f: {  	_ =	shalt  }
0x40: {  	_ =	shalt  }
0x41: {  	_ =	shalt  }
0x42: {  	_ =	shalt  }
0x43: {  	_ =	shalt  }
0x44: {  	_ =	shalt  }
0x45: {  	_ =	shalt  }
0x46: {  	_ =	shalt  }
0x47: {  	_ =	shalt  }
0x48: {  	_ =	shalt  }
0x49: {  	_ =	shalt  }
0x4a: {  	_ =	shalt  }
0x4b: {  	_ =	shalt  }
0x4c: {  	_ =	shalt  }
0x4d: {  	_ =	shalt  }
0x4e: {  	_ =	shalt  }
0x4f: {  	_ =	shalt  }
0x50: {  	_ =	shalt  }
0x51: {  	_ =	shalt  }
0x52: {  	_ =	shalt  }
0x53: {  	_ =	shalt  }
0x54: {  	_ =	shalt  }
0x55: {  	_ =	shalt  }
0x56: {  	_ =	shalt  }
0x57: {  	_ =	shalt  }
0x58: {  	_ =	shalt  }
0x59: {  	_ =	shalt  }
0x5a: {  	_ =	shalt  }
0x5b: {  	_ =	shalt  }
0x5c: {  	_ =	shalt  }
0x5d: {  	_ =	shalt  }
0x5e: {  	_ =	shalt  }
0x5f: {  	_ =	shalt  }
0x60: {  	_ =	shalt  }
0x61: {  	_ =	shalt  }
0x62: {  	_ =	shalt  }
0x63: {  	_ =	shalt  }
0x64: {  	_ =	shalt  }
0x65: {  	_ =	shalt  }
0x66: {  	_ =	shalt  }
0x67: {  	_ =	shalt  }
0x68: {  	_ =	shalt  }
0x69: {  	_ =	shalt  }
0x6a: {  	_ =	shalt  }
0x6b: {  	_ =	shalt  }
0x6c: {  	_ =	shalt  }
0x6d: {  	_ =	shalt  }
0x6e: {  	_ =	shalt  }
0x6f: {  	_ =	shalt  }
0x70: {  	_ =	shalt  }
0x71: {  	_ =	shalt  }
0x72: {  	_ =	shalt  }
0x73: {  	_ =	shalt  }
0x74: {  	_ =	shalt  }
0x75: {  	_ =	shalt  }
0x76: {  	_ =	shalt  }
0x77: {  	_ =	shalt  }
0x78: {  	_ =	shalt  }
0x79: {  	_ =	shalt  }
0x7a: {  	_ =	shalt  }
0x7b: {  	_ =	shalt  }
0x7c: {  	_ =	shalt  }
0x7d: {  	_ =	shalt  }
0x7e: {  	_ =	shalt  }
0x7f: {  	_ =	shalt  }
0x80: {  	_ =	shalt  }
0x81: {  	_ =	shalt  }
0x82: {  	_ =	shalt  }
0x83: {  	_ =	shalt  }
0x84: {  	_ =	shalt  }
0x85: {  	_ =	shalt  }
0x86: {  	_ =	shalt  }
0x87: {  	_ =	shalt  }
.Lfunc_end0:
.L_simem_size_0:
called_computation.2_lowered:
.L_overlay_start_0:
0x88: {  	s2 =	sld [smem:$0x3FD9]  }
0x89: {  	s3 =	sld [smem:$0x3FFE];
	_ =	sdelay $0x1  }
0x8a: {  	s1 =	srdreg.scid  }
0x8b: {  	s0 =	sand.u32 $0x1, s1  }
0x8c: {  	s17 =	sshll.u32 s0, $0xA;
	s2 =	sadd.s32 s3, s2  }
0x8d: {  	s2 =	sadd.s32 s2, s17  }
0x8e: {  	[smem:$0x3FC2] =	sst s2  }
0x8f: {  	_ = 	snop  }
0x90: {  	s2 =	sld [smem:$0x3FD0];
	(tm) =	ssettm $0x1  }
0x91: {  	s18 =	sld [smem:$0x3FFB];
	_ =	sdelay $0x3  }
0x92: {  	_ =	strace s18  }
0x93: {  	s3 =	sld [smem:$0x3FFC];
	_ =	sdelay $0x3  }
0x94: {  	_ =	strace s3  }
0x95: {  	s3 =	sld [smem:$0x3FFD];
	_ =	sdelay $0x3  }
0x96: {  	_ =	strace s3  }
0x97: {  	_ =	strace $0x8FFFFFFF  }
0x98: {  	s19 =	sld [smem:$0x3FDB];
	_ =	sdelay $0x1  }
0x99: {  	s4 =	simm.s32 $_scs_section_size  }
0x9a: {  	s5 =	simm.s32 $_size__tile_overlayer_lowered;
	s6 =	simm.s32 $_tile_overlayer_lowered  }
0x9b: {  	s22 =	simm.s32 $0x1BFF;
	s21 =	sshll.u32 s6, $0x1;
	s3 =	sadd.s32 s4, s19  }
0x9c: {  	s7 =	simm.s32 $0x0;
	s20 =	sshll.u32 s5, $0x1;
	s5 =	sadd.s32 s21, s3  }
0x9d: {  	[timem:s7], [sflag:s22] =	dma.local [hbm:s5], s20  }
0x9e: {  	_ =	swait.ge [sflag:s22], s20  }
0x9f: {  	s4 =	ssub.s32 $0x0, s20;
	[sflag:s22] =	ssyncset.done $0x0  }
0xa0: {  	[sflag:s22] =	ssyncadd.s32 s4;
	_ =	sdelay $0x1  }
0xa1: {  	s23 =	simm.s32 $0x1B8B  }
0xa2: {  	_ =	swait.ge [sflag:s23], $0x1  }
0xa3: {  	[sflag:s23] =	ssyncset.done $0x0  }
0xa4: {  	s25 =	simm.s32 $0x1B8E;
	s24 =	sld [smem:$0x3FFE];
	[sflag:s23] =	ssyncadd.s32 $0xFFFFFFFF  }
0xa5: {  	s26 =	simm.s32 $execute0_lowered;
	[smem:$0x3FD2] =	sst s25  }
0xa6: {  	s5 =	sshll.u32 s26, $0x1;
	_ =	strace $0x8000004C;
	[dreg:$0x1] =	wrdreg $0xFFFFFFFF  }
0xa7: {  	s28 =	simm.s32 $_size_execute0_lowered;
	s3 =	sadd.s32 s3, s5;
	[dreg:$0x0] =	wrdreg $0x0  }
0xa8: {  	s5 =	sshll.u32 s28, $0x1;
	[dreg:$0x2] =	wrdreg s3  }
0xa9: {  	[dreg:$0x3] =	wrdreg s5  }
0xaa: {  	[dreg:$0x4] =	wrdreg $0xC0  }
0xab: {  	_ =	task [dreg:s7], $0x5FFFF  }
0xac: {  	[dreg:$0x1] =	wrdreg $0xFFFFFFFF  }
0xad: {  	[dreg:$0x0] =	wrdreg $0x60  }
0xae: {  	[dreg:$0x2] =	wrdreg s24  }
0xaf: {  	[dreg:$0x3] =	wrdreg s2  }
0xb0: {  	[dreg:$0x4] =	wrdreg $0x0  }
0xb1: {  	[dreg:$0x5] =	wrdreg $0x9  }
0xb2: {  	_ =	task.clear_ibuf [dreg:s7], $0x6FFFF;
	_ =	strace $0x9000004C  }
0xb3: {  	s29 =	simm.s32 $0x9;
	_ =	strace $0x8000004E  }
0xb4: {  	_ =	swait.ge [sflag:s29], $0x1  }
0xb5: {  	[sflag:s29] =	ssyncadd.s32 $0xFFFFFFFF  }
0xb6: {  	_ =	strace $0x9000004E  }
0xb7: {  	_ =	sfence  }
0xb8: {  	s30 =	sld [smem:$0x0];
	_ =	sdelay $0x2  }
0xb9: {  	s31 =	sshll.u32 s1, $0xD;
	s1 =	sshrl.u32 s1, $0x2  }
0xba: {  	s3 =	sand.u32 $0x4000, s31;
	s1 =	sadd.s32 s1, s30  }
0xbb: {  	s0 =	sor.u32 s3, s0;
	s1 =	sshll.u32 s1, $0x11  }
0xbc: {  	s0 =	sor.u32 s1, s0  }
0xbd: {  	s0 =	sadd.s32 $0x8F2B, s0  }
0xbe: {  	[sflag:s0] =	ssyncadd.remote.s32 $0x1  }
0xbf: {  	_ =	sfence.sel $0xFFFF  }
0xc0: {  	[dreg:$0x0] =	wrdreg $0xFFFFFFFF;
	(pc) =	sbr.abs _section_cstart, $3  }
0xc1: {  	[dreg:$0x1] =	wrdreg $0xFFFFFFFF  }
0xc2: {  	_ =	task.clear_ibuf [dreg:s7], $0x2FFFF;
	_ =	strace $0x9FFFFFFF  }
0xc3: {  	(tm) =	ssettm $0x7FFFFFFF  }
tec
execute0_lowered:
.L_overlay_start_1:
0x0: {  	(tag) =	ssettag $0x1  }
0x1: {  	s0 =	rddreg [dreg:$0x0]  }
0x2: {  	s2 =	rddreg [dreg:$0x1]  }
0x3: {  	s1 =	rddreg [dreg:$0x2];
	s4 =	srdreg.scid;
	s3 =	simm.s32 $0x0  }
0x4: {  	s12 =	stileid.u32;
	s24 =	simm.s32 $0x13B80;
	s25 =	simm.s32 $0x13C80  }
0x5: {  	s26 =	simm.s32 $0x13D80;
	s29 =	simm.s32 $0x13E80;
	s28 =	simm.s32 $0x1  }
0x6: {  	s30 =	simm.s32 $0x9;
	s31 =	simm.s32 $0x1BF00;
	s5 =	sand.u32 $0x1, s4  }
0x7: {  	[smem:$0x7FF] =	sst s3;
	s7 =	smul.u32 $0x4F000, s12;
	s8 =	sadd.s32 $0x2A400, s0  }
0x8: {  	s15 =	smul.u32 $0x50, s12;
	_ =	strace $0x8000004D;
	[dreg:$0xb] =	wrdreg s8  }
0x9: {  	s11 =	sadd.s32 $0x128400, s1;
	s16 =	smul.u32 $0x13C00, s12;
	[dreg:$0x7] =	wrdreg s24  }
0xa: {  	p0 =	seq.s32 s12, $0xF;
	s4 =	sshll.u32 s5, $0x4;
	[dreg:$0x8] =	wrdreg s25  }
0xb: {  	s14 =	ssub.s32 $0x2, s5;
	s9 =	smul.u32 $0x140000, s5;
	[dreg:$0x9] =	wrdreg s26  }
0xc: {  	s5 =	smul.u32 $0x500, s5;
	s24 =	simm.s32 $0x8;
	[dreg:$0xa] =	wrdreg s29  }
0xd: {  	s25 =	simm.s32 $0x17F00;
	s26 =	simm.s32 $0x13A00;
	s6 =	sor.u32 s12, s4  }
0xe: {  	s4 =	sadd.s32 $0x2400, s0;
	s0 =	sadd.s32 $0x2CC00, s0;
	s10 =	sshrl.u32 s14, $0x1  }
0xf: {  	s7 =	sshrl.u32 s7, $0x2;
	s6 =	smul.u32 $0xA00, s6;
	s5 =	sadd.s32 s15, s5  }
0x10: {  	s8 =	ssub.s32 s14, s10;
	s7 =	sadd.s32 s7, s1;
	s5 =	sshll.u32 s5, $0x5  }
0x11: {  	s23 =	smax.u32 s8, $0x1;
	s8 =	simm.s32 $0x4;
	s13 =	sadd.s32 s2, s6  }
0x12: {  	s6 =	sadd.s32 s16, s9;
	s9 =	sshrl.u32 s9, $0x3;
	[dreg:$0x12] =	wrdreg s23  }
0x13: {  	s10 =	sadd.s32 s5, s2;
	s16 =	sshrl.u32 @p0 s11, $0x3;
	[dreg:$0xc] =	wrdreg s13  }
0x14: {  	s23 =	simm.s32 $0x13F00;
	s14 =	sadd.s32 $0x20, s13;
	[dreg:$0x13] =	wrdreg s16  }
0x15: {  	s2 =	simm.s32 $0x2;
	s17 =	sadd.s32 $0x40, s13;
	[dreg:$0xd] =	wrdreg s14  }
0x16: {  	s11 =	simm.s32 $0x3;
	s18 =	sadd.s32 $0x60, s13;
	[dreg:$0xe] =	wrdreg s17  }
0x17: {  	s5 =	simm.s32 $0xC;
	s20 =	sadd.s32 $0x100, s10;
	[dreg:$0xf] =	wrdreg s18  }
0x18: {  	s6 =	sshrl.u32 s6, $0x3;
	s21 =	sadd.s32 $0xC0, s10;
	[dreg:$0x4] =	wrdreg s20  }
0x19: {  	s22 =	sadd.s32 $0x80, s10;
	s13 =	simm.s32 $0xB;
	[dreg:$0x5] =	wrdreg s21  }
0x1a: {  	s19 =	sadd.s32 s0, s6;
	s0 =	sadd.s32 s0, s9;
	[dreg:$0x6] =	wrdreg s22  }
0x1b: {  	s20 =	sshrl.u32 @!p0 s7, $0x3;
	s21 =	simm.s32 $0x7;
	s22 =	simm.s32 $0x80  }
0x1c: {  	s17 =	simm.s32 $0x13A80;
	[dreg:$0x10] =	wrdreg s19;
	s0 =	sadd.s32 $0x25080, s0  }
0x1d: {  	s9 =	simm.s32 $0xA;
	[dreg:$0x11] =	wrdreg s0;
	s0 =	sshll.u32 @!p0 s12, $0x6  }
0x1e: {  	s6 =	simm.s32 $0x6;
	[dreg:$0x15] =	wrdreg s20;
	s19 =	sor.u32 @!p0 $0x1C0D, s0  }
0x1f: {  	s12 =	simm.s32 $0x5;
	s0 =	simm.s32 $0x0;
	[dreg:$0x14] =	wrdreg s19  }
.LBB2_1:
0x20: {  	[dreg:$0x16] =	wrdreg s0  }
0x21: {  	s14 =	simm.s32 @p0 $0x1FCD;
	s15 =	rddreg [dreg:$0xb]  }
0x22: {  	[spmem:s16], [sflag:s14] =	dma.local @p0 [hbm:s15], $0x2180  }
0x23: {  	s14 =	simm.s32 @p0 $0xD  }
0x24: {  	_ =	swait.ge @p0 [sflag:s14], $0x2180  }
0x25: {  	[sflag:s14] =	ssyncset.done @p0 $0x0  }
0x26: {  	[sflag:s14] =	ssyncadd.s32 @p0 $0xFFFFDE80;
	s14 =	simm.s32 @!p0 $0xD  }
0x27: {  	[spmem:s20], [sflag:s19] =	dma.local @!p0 [hbm:s15], $0x2780  }
0x28: {  	_ =	swait.ge @!p0 [sflag:s14], $0x2780  }
0x29: {  	[sflag:s14] =	ssyncset.done @!p0 $0x0  }
0x2a: {  	s19 =	simm.s32 $0x13900;
	s15 =	rddreg [dreg:$0xc];
	[sflag:s14] =	ssyncadd.s32 @!p0 $0xFFFFD880  }
0x2b: {  	[tilespmem:s19], [sflag:$0x7] =	stream.linear.gather [hbm4b:s15+s3], $0x100, $0x38;
	[tilespmem:$0x1FF00] =	vst v63  }
0x2c: {  	s18 =	simm.s32 $0x13A00;
	s16 =	rddreg [dreg:$0xd]  }
0x2d: {  	[tilespmem:s18], [sflag:$0x8] =	stream.linear.gather [hbm4b:s16+s3], $0x100, $0x38;
	[tilespmem:$0x1FF00] =	vst v63  }
0x2e: {  	s29 =	simm.s32 $0x13B00;
	s20 =	rddreg [dreg:$0xe]  }
0x2f: {  	[tilespmem:s29], [sflag:$0x9] =	stream.linear.gather [hbm4b:s20+s3], $0x100, $0x38;
	[tilespmem:$0x1FF00] =	vst v63  }
0x30: {  	s0 =	rddreg [dreg:$0xf];
	s16 =	simm.s32 $0x13C00  }
0x31: {  	[tilespmem:s16], [sflag:$0xA] =	stream.linear.gather [hbm4b:s0+s3], $0x100, $0x38;
	[tilespmem:$0x1FF00] =	vst v63  }
0x32: {  	[bflag:$0x0] =	sbarrier.arrive $0xFFFF  }
0x33: {  	p1 =	por $0x1, $0x1;
	_ =	swait.ge [sflag:s21], $0x100  }
0x34: {  	p1 =	por p1, p1;
	[sflag:s21] =	ssyncset.done $0x0  }
0x35: {  	s14 =	simm.s32 @!p1 $0x5;
	[sflag:s21] =	ssyncadd.s32 $0xFFFFFF00  }
0x36: {  	[tilespmem:s23], [sflag:$0x1] =	stream.indirect.gather [hbm4b:s4+s22], $0x80, s19, s22, $0xb8;
	[tilespmem:$0x1FF00] =	vst v63  }
0x37: {  	_ =	swait.ge @!p1 [sflag:s14], $0x4000  }
0x38: {  	[sflag:s14] =	ssyncset.done @!p1 $0x0  }
0x39: {  	[sflag:s14] =	ssyncadd.s32 @!p1 $0xFFFFC000  }
0x3a: {  	_ =	swait.ge [sflag:s24], $0x100  }
0x3b: {  	[sflag:s24] =	ssyncset.done $0x0  }
0x3c: {  	s7 =	rddreg [dreg:$0x6];
	[sflag:s24] =	ssyncadd.s32 $0xFFFFFF00  }
0x3d: {  	[tilespmem:s25], [sflag:$0x2] =	stream.indirect.gather [hbm4b:s4+s22], $0x80, s18, s22, $0xb8;
	[tilespmem:$0x1FF00] =	vst v63  }
0x3e: {  	s0 =	simm.s32 $0x13D00;
	s14 =	sadd.s32 $0x0, s7  }
0x3f: {  	[tilespmem:s0], [sflag:$0xB] =	stream.linear.gather [hbm4b:s14+s3], $0x100, $0x38;
	[tilespmem:$0x1FF00] =	vst v63  }
0x40: {  	_ =	swait.ge [sflag:s28], $0x4000  }
0x41: {  	[sflag:s28] =	ssyncset.done $0x0  }
0x42: {  	s7 =	simm.s32 $0x13980;
	s14 =	simm.s32 @!p1 $0x6;
	[sflag:s28] =	ssyncadd.s32 $0xFFFFC000  }
0x43: {  	[spmem:s1] =	stream.indirect.scatter.add.f32 [tilespmem:s23], [sflag:$0x4], $0x80, s7, s22, $0xb8;
	[tilespmem:$0x1FF00] =	vst v63  }
0x44: {  	_ =	swait.ge @!p1 [sflag:s14], $0x4000  }
0x45: {  	[sflag:s14] =	ssyncset.done @!p1 $0x0  }
0x46: {  	[sflag:s14] =	ssyncadd.s32 @!p1 $0xFFFFC000  }
0x47: {  	_ =	swait.ge [sflag:s30], $0x100  }
0x48: {  	[sflag:s30] =	ssyncset.done $0x0  }
0x49: {  	s14 =	sadd.s32 $0x0, s10;
	[sflag:s30] =	ssyncadd.s32 $0xFFFFFF00  }
0x4a: {  	[tilespmem:s31], [sflag:$0x3] =	stream.indirect.gather [hbm4b:s4+s22], $0x80, s29, s22, $0xb8;
	[tilespmem:$0x1FF00] =	vst v63  }
0x4b: {  	s7 =	simm.s32 $0x13E00;
	s20 =	sadd.s32 $0xA0, s14  }
0x4c: {  	[tilespmem:s7], [sflag:$0xC] =	stream.linear.gather [hbm4b:s20+s3], $0x100, $0x38;
	[tilespmem:$0x1FF00] =	vst v63  }
0x4d: {  	_ =	swait.ge [sflag:s2], $0x4000  }
0x4e: {  	[sflag:s2] =	ssyncset.done $0x0  }
0x4f: {  	[sflag:s2] =	ssyncadd.s32 $0xFFFFC000  }
0x50: {  	[spmem:s1] =	stream.indirect.scatter.add.f32 [tilespmem:s25], [sflag:$0x5], $0x80, s17, s22, $0xb8;
	[tilespmem:$0x1FF00] =	vst v63  }
0x51: {  	_ =	swait.ge [sflag:s8], $0x4000  }
0x52: {  	[sflag:s8] =	ssyncset.done $0x0  }
0x53: {  	[sflag:s8] =	ssyncadd.s32 $0xFFFFC000  }
0x54: {  	_ =	swait.ge [sflag:s9], $0x100  }
0x55: {  	[sflag:s9] =	ssyncset.done $0x0  }
0x56: {  	s29 =	rddreg [dreg:$0x5];
	[sflag:s9] =	ssyncadd.s32 $0xFFFFFF00  }
0x57: {  	[tilespmem:s23], [sflag:$0x1] =	stream.indirect.gather [hbm4b:s4+s22], $0x80, s16, s22, $0xb8;
	[tilespmem:$0x1FF00] =	vst v63  }
0x58: {  	s15 =	sadd.s32 $0x0, s29  }
0x59: {  	[tilespmem:s19], [sflag:$0x7] =	stream.linear.gather [hbm4b:s15+s3], $0x100, $0x38;
	[tilespmem:$0x1FF00] =	vst v63  }
0x5a: {  	_ =	swait.ge [sflag:s11], $0x4000  }
0x5b: {  	[sflag:s11] =	ssyncset.done $0x0  }
0x5c: {  	s16 =	rddreg [dreg:$0x7];
	[sflag:s11] =	ssyncadd.s32 $0xFFFFC000  }
0x5d: {  	[spmem:s1] =	stream.indirect.scatter.add.f32 [tilespmem:s31], [sflag:$0x6], $0x80, s16, s22, $0xb8;
	[tilespmem:$0x1FF00] =	vst v63  }
0x5e: {  	_ =	swait.ge [sflag:s12], $0x4000  }
0x5f: {  	[sflag:s12] =	ssyncset.done $0x0  }
0x60: {  	[sflag:s12] =	ssyncadd.s32 $0xFFFFC000  }
0x61: {  	_ =	swait.ge [sflag:s13], $0x100  }
0x62: {  	[sflag:s13] =	ssyncset.done $0x0  }
0x63: {  	[sflag:s13] =	ssyncadd.s32 $0xFFFFFF00  }
0x64: {  	[tilespmem:s25], [sflag:$0x2] =	stream.indirect.gather [hbm4b:s4+s22], $0x80, s0, s22, $0xb8;
	[tilespmem:$0x1FF00] =	vst v63  }
0x65: {  	s14 =	sadd.s32 $0xE0, s14  }
0x66: {  	[tilespmem:s18], [sflag:$0x8] =	stream.linear.gather [hbm4b:s14+s3], $0x100, $0x38;
	[tilespmem:$0x1FF00] =	vst v63  }
0x67: {  	_ =	swait.ge [sflag:s28], $0x4000  }
0x68: {  	[sflag:s28] =	ssyncset.done $0x0  }
0x69: {  	s20 =	rddreg [dreg:$0x8];
	[sflag:s28] =	ssyncadd.s32 $0xFFFFC000  }
0x6a: {  	[spmem:s1] =	stream.indirect.scatter.add.f32 [tilespmem:s23], [sflag:$0x4], $0x80, s20, s22, $0xb8;
	[tilespmem:$0x1FF00] =	vst v63  }
0x6b: {  	_ =	swait.ge [sflag:s6], $0x4000  }
0x6c: {  	[sflag:s6] =	ssyncset.done $0x0  }
0x6d: {  	[sflag:s6] =	ssyncadd.s32 $0xFFFFC000  }
0x6e: {  	_ =	swait.ge [sflag:s5], $0x100  }
0x6f: {  	[sflag:s5] =	ssyncset.done $0x0  }
0x70: {  	p1 =	por $0x0, $0x0;
	s14 =	rddreg [dreg:$0x4];
	[sflag:s5] =	ssyncadd.s32 $0xFFFFFF00  }
0x71: {  	[tilespmem:s31], [sflag:$0x3] =	stream.indirect.gather [hbm4b:s4+s22], $0x80, s7, s22, $0xb8;
	[tilespmem:$0x1FF00] =	vst v63  }
0x72: {  	s15 =	simm.s32 @!p1 $0x0;
	s16 =	simm.s32 @!p1 $0x13B00;
	s14 =	sadd.s32 @!p1 $0x0, s14  }
0x73: {  	[tilespmem:s16], [sflag:$0x9] =	stream.linear.gather @!p1 [hbm4b:s14+s15], $0x100, $0x38;
	[tilespmem:$0x1FF00] =	vst v63  }
0x74: {  	_ =	swait.ge [sflag:s2], $0x4000  }
0x75: {  	[sflag:s2] =	ssyncset.done $0x0  }
0x76: {  	s29 =	rddreg [dreg:$0x9];
	[sflag:s2] =	ssyncadd.s32 $0xFFFFC000  }
0x77: {  	[spmem:s1] =	stream.indirect.scatter.add.f32 [tilespmem:s25], [sflag:$0x5], $0x80, s29, s22, $0xb8;
	[tilespmem:$0x1FF00] =	vst v63  }
0x78: {  	_ =	swait.ge [sflag:s8], $0x4000  }
0x79: {  	[sflag:s8] =	ssyncset.done $0x0  }
0x7a: {  	[sflag:s8] =	ssyncadd.s32 $0xFFFFC000  }
0x7b: {  	_ =	swait.ge [sflag:s21], $0x100  }
0x7c: {  	[sflag:s21] =	ssyncset.done $0x0  }
0x7d: {  	s14 =	sadd.s32 @!p1 $0x0, s10;
	[sflag:s21] =	ssyncadd.s32 $0xFFFFFF00  }
0x7e: {  	[tilespmem:s23], [sflag:$0x1] =	stream.indirect.gather [hbm4b:s4+s22], $0x80, s19, s22, $0xb8;
	[tilespmem:$0x1FF00] =	vst v63  }
0x7f: {  	s16 =	simm.s32 @!p1 $0x13C00;
	s14 =	sadd.s32 @!p1 $0x120, s14  }
0x80: {  	[tilespmem:s16], [sflag:$0xA] =	stream.linear.gather @!p1 [hbm4b:s14+s15], $0x100, $0x38;
	[tilespmem:$0x1FF00] =	vst v63  }
0x81: {  	p6 =	por $0x0, $0x0;
	_ =	swait.ge [sflag:s11], $0x4000  }
0x82: {  	s15 =	simm.s32 $0xC0;
	s16 =	simm.s32 $0x180;
	[sflag:s11] =	ssyncset.done $0x0  }
0x83: {  	p1 =	por p6, p6;
	s14 =	rddreg [dreg:$0xa];
	[sflag:s11] =	ssyncadd.s32 $0xFFFFC000  }
.LBB2_2:
0x84: {  	[spmem:s1] =	stream.indirect.scatter.add.f32 [tilespmem:s31], [sflag:$0x6], $0x80, s14, s22, $0xb8;
	[tilespmem:$0x1FF00] =	vst v63  }
0x85: {  	s19 =	simm.s32 @!p1 $0x5  }
0x86: {  	_ =	swait.ge @!p1 [sflag:s19], $0x4000  }
0x87: {  	[sflag:s19] =	ssyncset.done @!p1 $0x0  }
0x88: {  	[sflag:s19] =	ssyncadd.s32 @!p1 $0xFFFFC000  }
0x89: {  	_ =	swait.ge [sflag:s24], $0x100  }
0x8a: {  	[sflag:s24] =	ssyncset.done $0x0  }
0x8b: {  	s20 =	rddreg [dreg:$0x6];
	[sflag:s24] =	ssyncadd.s32 $0xFFFFFF00  }
0x8c: {  	[tilespmem:s25], [sflag:$0x2] =	stream.indirect.gather [hbm4b:s4+s22], $0x80, s26, s22, $0xb8;
	[tilespmem:$0x1FF00] =	vst v63  }
0x8d: {  	s0 =	simm.s32 $0x13D00;
	s19 =	sadd.s32 s15, s20  }
0x8e: {  	[tilespmem:s0], [sflag:$0xB] =	stream.linear.gather [hbm4b:s19+s3], $0x100, $0x38;
	[tilespmem:$0x1FF00] =	vst v63  }
0x8f: {  	_ =	swait.ge [sflag:s28], $0x4000  }
0x90: {  	[sflag:s28] =	ssyncset.done $0x0  }
0x91: {  	s7 =	simm.s32 $0x13980;
	s19 =	simm.s32 @!p1 $0x6;
	[sflag:s28] =	ssyncadd.s32 $0xFFFFC000  }
0x92: {  	[spmem:s1] =	stream.indirect.scatter.add.f32 [tilespmem:s23], [sflag:$0x4], $0x80, s7, s22, $0xb8;
	[tilespmem:$0x1FF00] =	vst v63  }
0x93: {  	_ =	swait.ge @!p1 [sflag:s19], $0x4000  }
0x94: {  	[sflag:s19] =	ssyncset.done @!p1 $0x0  }
0x95: {  	[sflag:s19] =	ssyncadd.s32 @!p1 $0xFFFFC000  }
0x96: {  	_ =	swait.ge [sflag:s30], $0x100  }
0x97: {  	[sflag:s30] =	ssyncset.done $0x0  }
0x98: {  	s20 =	simm.s32 $0x13B00;
	s19 =	sadd.s32 s15, s10;
	[sflag:s30] =	ssyncadd.s32 $0xFFFFFF00  }
0x99: {  	[tilespmem:s31], [sflag:$0x3] =	stream.indirect.gather [hbm4b:s4+s22], $0x80, s20, s22, $0xb8;
	[tilespmem:$0x1FF00] =	vst v63  }
0x9a: {  	s7 =	simm.s32 $0x13E00;
	s29 =	sadd.s32 $0xA0, s19  }
0x9b: {  	[tilespmem:s7], [sflag:$0xC] =	stream.linear.gather [hbm4b:s29+s3], $0x100, $0x38;
	[tilespmem:$0x1FF00] =	vst v63  }
0x9c: {  	_ =	swait.ge [sflag:s2], $0x4000  }
0x9d: {  	[sflag:s2] =	ssyncset.done $0x0  }
0x9e: {  	[sflag:s2] =	ssyncadd.s32 $0xFFFFC000  }
0x9f: {  	[spmem:s1] =	stream.indirect.scatter.add.f32 [tilespmem:s25], [sflag:$0x5], $0x80, s17, s22, $0xb8;
	[tilespmem:$0x1FF00] =	vst v63  }
0xa0: {  	_ =	swait.ge [sflag:s8], $0x4000  }
0xa1: {  	[sflag:s8] =	ssyncset.done $0x0  }
0xa2: {  	[sflag:s8] =	ssyncadd.s32 $0xFFFFC000  }
0xa3: {  	_ =	swait.ge [sflag:s9], $0x100  }
0xa4: {  	[sflag:s9] =	ssyncset.done $0x0  }
0xa5: {  	s29 =	simm.s32 $0x13C00;
	s18 =	rddreg [dreg:$0x5];
	[sflag:s9] =	ssyncadd.s32 $0xFFFFFF00  }
0xa6: {  	[tilespmem:s23], [sflag:$0x1] =	stream.indirect.gather [hbm4b:s4+s22], $0x80, s29, s22, $0xb8;
	[tilespmem:$0x1FF00] =	vst v63  }
0xa7: {  	s20 =	sadd.s32 s15, s18;
	s18 =	simm.s32 $0x13900  }
0xa8: {  	[tilespmem:s18], [sflag:$0x7] =	stream.linear.gather [hbm4b:s20+s3], $0x100, $0x38;
	[tilespmem:$0x1FF00] =	vst v63  }
0xa9: {  	_ =	swait.ge [sflag:s11], $0x4000  }
0xaa: {  	[sflag:s11] =	ssyncset.done $0x0  }
0xab: {  	s29 =	rddreg [dreg:$0x7];
	[sflag:s11] =	ssyncadd.s32 $0xFFFFC000  }
0xac: {  	[spmem:s1] =	stream.indirect.scatter.add.f32 [tilespmem:s31], [sflag:$0x6], $0x80, s29, s22, $0xb8;
	[tilespmem:$0x1FF00] =	vst v63  }
0xad: {  	_ =	swait.ge [sflag:s12], $0x4000  }
0xae: {  	[sflag:s12] =	ssyncset.done $0x0  }
0xaf: {  	[sflag:s12] =	ssyncadd.s32 $0xFFFFC000  }
0xb0: {  	_ =	swait.ge [sflag:s13], $0x100  }
0xb1: {  	[sflag:s13] =	ssyncset.done $0x0  }
0xb2: {  	[sflag:s13] =	ssyncadd.s32 $0xFFFFFF00  }
0xb3: {  	[tilespmem:s25], [sflag:$0x2] =	stream.indirect.gather [hbm4b:s4+s22], $0x80, s0, s22, $0xb8;
	[tilespmem:$0x1FF00] =	vst v63  }
0xb4: {  	s19 =	sadd.s32 $0xE0, s19  }
0xb5: {  	[tilespmem:s26], [sflag:$0x8] =	stream.linear.gather [hbm4b:s19+s3], $0x100, $0x38;
	[tilespmem:$0x1FF00] =	vst v63  }
0xb6: {  	_ =	swait.ge [sflag:s28], $0x4000  }
0xb7: {  	[sflag:s28] =	ssyncset.done $0x0  }
0xb8: {  	s20 =	rddreg [dreg:$0x8];
	[sflag:s28] =	ssyncadd.s32 $0xFFFFC000  }
0xb9: {  	[spmem:s1] =	stream.indirect.scatter.add.f32 [tilespmem:s23], [sflag:$0x4], $0x80, s20, s22, $0xb8;
	[tilespmem:$0x1FF00] =	vst v63  }
0xba: {  	_ =	swait.ge [sflag:s6], $0x4000  }
0xbb: {  	[sflag:s6] =	ssyncset.done $0x0  }
0xbc: {  	s14 =	smov.u32 s16;
	[sflag:s6] =	ssyncadd.s32 $0xFFFFC000  }
0xbd: {  	p3 =	seq.s32 s14, $0x0;
	_ =	swait.ge [sflag:s5], $0x100  }
0xbe: {  	p1 =	por p3, p3;
	[sflag:s5] =	ssyncset.done $0x0  }
0xbf: {  	p3 =	seq.s32 s15, $0x900;
	s19 =	rddreg [dreg:$0x4];
	[sflag:s5] =	ssyncadd.s32 $0xFFFFFF00  }
0xc0: {  	[tilespmem:s31], [sflag:$0x3] =	stream.indirect.gather [hbm4b:s4+s22], $0x80, s7, s22, $0xb8;
	[tilespmem:$0x1FF00] =	vst v63  }
0xc1: {  	s29 =	simm.s32 @!p3 $0x13B00;
	s20 =	simm.s32 @!p3 $0x0;
	s19 =	sadd.s32 @!p3 s15, s19  }
0xc2: {  	[tilespmem:s29], [sflag:$0x9] =	stream.linear.gather @!p3 [hbm4b:s19+s20], $0x100, $0x38;
	[tilespmem:$0x1FF00] =	vst v63  }
0xc3: {  	_ =	swait.ge [sflag:s2], $0x4000  }
0xc4: {  	[sflag:s2] =	ssyncset.done $0x0  }
0xc5: {  	s29 =	rddreg [dreg:$0x9];
	[sflag:s2] =	ssyncadd.s32 $0xFFFFC000  }
0xc6: {  	[spmem:s1] =	stream.indirect.scatter.add.f32 [tilespmem:s25], [sflag:$0x5], $0x80, s29, s22, $0xb8;
	[tilespmem:$0x1FF00] =	vst v63  }
0xc7: {  	_ =	swait.ge [sflag:s8], $0x4000  }
0xc8: {  	[sflag:s8] =	ssyncset.done $0x0  }
0xc9: {  	[sflag:s8] =	ssyncadd.s32 $0xFFFFC000  }
0xca: {  	s16 =	sadd.s32 $0xC0, s16;
	_ =	swait.ge [sflag:s21], $0x100  }
0xcb: {  	p2 =	sne.s32 s16, $0x9C0;
	[sflag:s21] =	ssyncset.done $0x0  }
0xcc: {  	s19 =	sadd.s32 @!p3 s15, s10;
	s15 =	smov.u32 s14;
	[sflag:s21] =	ssyncadd.s32 $0xFFFFFF00  }
0xcd: {  	[tilespmem:s23], [sflag:$0x1] =	stream.indirect.gather [hbm4b:s4+s22], $0x80, s18, s22, $0xb8;
	[tilespmem:$0x1FF00] =	vst v63  }
.Ltmp0:
0xce: {  	s14 =	simm.s32 @!p3 $0x13C00;
	s19 =	sadd.s32 @!p3 $0x120, s19;
	(pc) =	sbr.rel @p2 .LBB2_2-.Ltmp0, $4  }
0xcf: {  	[tilespmem:s14], [sflag:$0xA] =	stream.linear.gather @!p3 [hbm4b:s19+s20], $0x100, $0x38;
	[tilespmem:$0x1FF00] =	vst v63  }
0xd0: {  	_ =	swait.ge [sflag:s11], $0x4000  }
0xd1: {  	[sflag:s11] =	ssyncset.done $0x0  }
0xd2: {  	s14 =	rddreg [dreg:$0xa];
	[sflag:s11] =	ssyncadd.s32 $0xFFFFC000  }
0xd3: {  	[spmem:s1] =	stream.indirect.scatter.add.f32 [tilespmem:s31], [sflag:$0x6], $0x80, s14, s22, $0xb8;
	[tilespmem:$0x1FF00] =	vst v63  }
0xd4: {  	s14 =	simm.s32 @!p1 $0x5  }
0xd5: {  	_ =	swait.ge @!p1 [sflag:s14], $0x4000  }
0xd6: {  	[sflag:s14] =	ssyncset.done @!p1 $0x0  }
0xd7: {  	[sflag:s14] =	ssyncadd.s32 @!p1 $0xFFFFC000  }
0xd8: {  	_ =	swait.ge [sflag:s24], $0x100  }
0xd9: {  	[sflag:s24] =	ssyncset.done $0x0  }
0xda: {  	s17 =	simm.s32 $0x13A00;
	s18 =	rddreg [dreg:$0x6];
	[sflag:s24] =	ssyncadd.s32 $0xFFFFFF00  }
0xdb: {  	[tilespmem:s25], [sflag:$0x2] =	stream.indirect.gather [hbm4b:s4+s22], $0x80, s17, s22, $0xb8;
	[tilespmem:$0x1FF00] =	vst v63  }
0xdc: {  	s0 =	simm.s32 $0x13D00;
	s14 =	sadd.s32 s15, s18  }
0xdd: {  	[tilespmem:s0], [sflag:$0xB] =	stream.linear.gather [hbm4b:s14+s3], $0x100, $0x38;
	[tilespmem:$0x1FF00] =	vst v63  }
0xde: {  	_ =	swait.ge [sflag:s28], $0x4000  }
0xdf: {  	[sflag:s28] =	ssyncset.done $0x0  }
0xe0: {  	s20 =	simm.s32 $0x13980;
	s14 =	simm.s32 @!p1 $0x6;
	[sflag:s28] =	ssyncadd.s32 $0xFFFFC000  }
0xe1: {  	[spmem:s1] =	stream.indirect.scatter.add.f32 [tilespmem:s23], [sflag:$0x4], $0x80, s20, s22, $0xb8;
	[tilespmem:$0x1FF00] =	vst v63  }
0xe2: {  	_ =	swait.ge @!p1 [sflag:s14], $0x4000  }
0xe3: {  	[sflag:s14] =	ssyncset.done @!p1 $0x0  }
0xe4: {  	[sflag:s14] =	ssyncadd.s32 @!p1 $0xFFFFC000  }
0xe5: {  	_ =	swait.ge [sflag:s30], $0x100  }
0xe6: {  	[sflag:s30] =	ssyncset.done $0x0  }
0xe7: {  	s7 =	simm.s32 $0x13B00;
	s14 =	sadd.s32 s15, s10;
	[sflag:s30] =	ssyncadd.s32 $0xFFFFFF00  }
0xe8: {  	[tilespmem:s31], [sflag:$0x3] =	stream.indirect.gather [hbm4b:s4+s22], $0x80, s7, s22, $0xb8;
	[tilespmem:$0x1FF00] =	vst v63  }
0xe9: {  	s18 =	simm.s32 $0x13E00;
	s16 =	sadd.s32 $0xA0, s14  }
0xea: {  	[tilespmem:s18], [sflag:$0xC] =	stream.linear.gather [hbm4b:s16+s3], $0x100, $0x38;
	[tilespmem:$0x1FF00] =	vst v63  }
0xeb: {  	_ =	swait.ge [sflag:s2], $0x4000  }
0xec: {  	[sflag:s2] =	ssyncset.done $0x0  }
0xed: {  	s29 =	simm.s32 $0x13A80;
	[sflag:s2] =	ssyncadd.s32 $0xFFFFC000  }
0xee: {  	[spmem:s1] =	stream.indirect.scatter.add.f32 [tilespmem:s25], [sflag:$0x5], $0x80, s29, s22, $0xb8;
	[tilespmem:$0x1FF00] =	vst v63  }
0xef: {  	_ =	swait.ge [sflag:s8], $0x4000  }
0xf0: {  	[sflag:s8] =	ssyncset.done $0x0  }
0xf1: {  	[sflag:s8] =	ssyncadd.s32 $0xFFFFC000  }
0xf2: {  	_ =	swait.ge [sflag:s9], $0x100  }
0xf3: {  	[sflag:s9] =	ssyncset.done $0x0  }
0xf4: {  	s19 =	simm.s32 $0x13C00;
	s16 =	rddreg [dreg:$0x5];
	[sflag:s9] =	ssyncadd.s32 $0xFFFFFF00  }
0xf5: {  	[tilespmem:s23], [sflag:$0x1] =	stream.indirect.gather [hbm4b:s4+s22], $0x80, s19, s22, $0xb8;
	[tilespmem:$0x1FF00] =	vst v63  }
0xf6: {  	s7 =	simm.s32 $0x13900;
	s16 =	sadd.s32 s15, s16  }
0xf7: {  	[tilespmem:s7], [sflag:$0x7] =	stream.linear.gather [hbm4b:s16+s3], $0x100, $0x38;
	[tilespmem:$0x1FF00] =	vst v63  }
0xf8: {  	_ =	swait.ge [sflag:s11], $0x4000  }
0xf9: {  	[sflag:s11] =	ssyncset.done $0x0  }
0xfa: {  	s19 =	rddreg [dreg:$0x7];
	[sflag:s11] =	ssyncadd.s32 $0xFFFFC000  }
0xfb: {  	[spmem:s1] =	stream.indirect.scatter.add.f32 [tilespmem:s31], [sflag:$0x6], $0x80, s19, s22, $0xb8;
	[tilespmem:$0x1FF00] =	vst v63  }
0xfc: {  	_ =	swait.ge [sflag:s12], $0x4000  }
0xfd: {  	[sflag:s12] =	ssyncset.done $0x0  }
0xfe: {  	[sflag:s12] =	ssyncadd.s32 $0xFFFFC000  }
0xff: {  	_ =	swait.ge [sflag:s13], $0x100  }
0x100: {  	[sflag:s13] =	ssyncset.done $0x0  }
0x101: {  	[sflag:s13] =	ssyncadd.s32 $0xFFFFFF00  }
0x102: {  	[tilespmem:s25], [sflag:$0x2] =	stream.indirect.gather [hbm4b:s4+s22], $0x80, s0, s22, $0xb8;
	[tilespmem:$0x1FF00] =	vst v63  }
0x103: {  	s14 =	sadd.s32 $0xE0, s14  }
0x104: {  	[tilespmem:s17], [sflag:$0x8] =	stream.linear.gather [hbm4b:s14+s3], $0x100, $0x38;
	[tilespmem:$0x1FF00] =	vst v63  }
0x105: {  	_ =	swait.ge [sflag:s28], $0x4000  }
0x106: {  	[sflag:s28] =	ssyncset.done $0x0  }
0x107: {  	s19 =	rddreg [dreg:$0x8];
	[sflag:s28] =	ssyncadd.s32 $0xFFFFC000  }
0x108: {  	[spmem:s1] =	stream.indirect.scatter.add.f32 [tilespmem:s23], [sflag:$0x4], $0x80, s19, s22, $0xb8;
	[tilespmem:$0x1FF00] =	vst v63  }
0x109: {  	_ =	swait.ge [sflag:s6], $0x4000  }
0x10a: {  	[sflag:s6] =	ssyncset.done $0x0  }
0x10b: {  	[sflag:s6] =	ssyncadd.s32 $0xFFFFC000  }
0x10c: {  	_ =	swait.ge [sflag:s5], $0x100  }
0x10d: {  	[sflag:s5] =	ssyncset.done $0x0  }
0x10e: {  	p1 =	seq.s32 s15, $0x900;
	s14 =	rddreg [dreg:$0x4];
	[sflag:s5] =	ssyncadd.s32 $0xFFFFFF00  }
0x10f: {  	[tilespmem:s31], [sflag:$0x3] =	stream.indirect.gather [hbm4b:s4+s22], $0x80, s18, s22, $0xb8;
	[tilespmem:$0x1FF00] =	vst v63  }
0x110: {  	s16 =	simm.s32 @!p1 $0x0;
	s19 =	simm.s32 @!p1 $0x13B00;
	s14 =	sadd.s32 @!p1 s15, s14  }
0x111: {  	[tilespmem:s19], [sflag:$0x9] =	stream.linear.gather @!p1 [hbm4b:s14+s16], $0x100, $0x38;
	[tilespmem:$0x1FF00] =	vst v63  }
0x112: {  	_ =	swait.ge [sflag:s2], $0x4000  }
0x113: {  	[sflag:s2] =	ssyncset.done $0x0  }
0x114: {  	s0 =	rddreg [dreg:$0x9];
	[sflag:s2] =	ssyncadd.s32 $0xFFFFC000  }
0x115: {  	[spmem:s1] =	stream.indirect.scatter.add.f32 [tilespmem:s25], [sflag:$0x5], $0x80, s0, s22, $0xb8;
	[tilespmem:$0x1FF00] =	vst v63  }
0x116: {  	_ =	swait.ge [sflag:s8], $0x4000  }
0x117: {  	[sflag:s8] =	ssyncset.done $0x0  }
0x118: {  	[sflag:s8] =	ssyncadd.s32 $0xFFFFC000  }
0x119: {  	_ =	swait.ge [sflag:s21], $0x100  }
0x11a: {  	[sflag:s21] =	ssyncset.done $0x0  }
0x11b: {  	s14 =	sadd.s32 @!p1 s15, s10;
	[sflag:s21] =	ssyncadd.s32 $0xFFFFFF00  }
0x11c: {  	[tilespmem:s23], [sflag:$0x1] =	stream.indirect.gather [hbm4b:s4+s22], $0x80, s7, s22, $0xb8;
	[tilespmem:$0x1FF00] =	vst v63  }
0x11d: {  	s15 =	simm.s32 @!p1 $0x13C00;
	s14 =	sadd.s32 @!p1 $0x120, s14  }
0x11e: {  	[tilespmem:s15], [sflag:$0xA] =	stream.linear.gather @!p1 [hbm4b:s14+s16], $0x100, $0x38;
	[tilespmem:$0x1FF00] =	vst v63  }
0x11f: {  	_ =	swait.ge [sflag:s11], $0x4000  }
0x120: {  	[sflag:s11] =	ssyncset.done $0x0  }
0x121: {  	s16 =	rddreg [dreg:$0xa];
	[sflag:s11] =	ssyncadd.s32 $0xFFFFC000  }
0x122: {  	[spmem:s1] =	stream.indirect.scatter.add.f32 [tilespmem:s31], [sflag:$0x6], $0x80, s16, s22, $0xb8;
	[tilespmem:$0x1FF00] =	vst v63  }
0x123: {  	_ =	swait.ge [sflag:s12], $0x4000  }
0x124: {  	[sflag:s12] =	ssyncset.done $0x0  }
0x125: {  	[sflag:s12] =	ssyncadd.s32 $0xFFFFC000  }
0x126: {  	_ =	swait.ge [sflag:s24], $0x100  }
0x127: {  	[sflag:s24] =	ssyncset.done $0x0  }
0x128: {  	[sflag:s24] =	ssyncadd.s32 $0xFFFFFF00  }
0x129: {  	[tilespmem:s25], [sflag:$0x2] =	stream.indirect.gather [hbm4b:s4+s22], $0x80, s17, s22, $0xb8;
	[tilespmem:$0x1FF00] =	vst v63  }
0x12a: {  	_ =	swait.ge [sflag:s28], $0x4000  }
0x12b: {  	[sflag:s28] =	ssyncset.done $0x0  }
0x12c: {  	[sflag:s28] =	ssyncadd.s32 $0xFFFFC000  }
0x12d: {  	[spmem:s1] =	stream.indirect.scatter.add.f32 [tilespmem:s23], [sflag:$0x4], $0x80, s20, s22, $0xb8;
	[tilespmem:$0x1FF00] =	vst v63  }
0x12e: {  	_ =	swait.ge [sflag:s2], $0x4000  }
0x12f: {  	[sflag:s2] =	ssyncset.done $0x0  }
0x130: {  	[sflag:s2] =	ssyncadd.s32 $0xFFFFC000  }
0x131: {  	[spmem:s1] =	stream.indirect.scatter.add.f32 [tilespmem:s25], [sflag:$0x5], $0x80, s29, s22, $0xb8;
	[tilespmem:$0x1FF00] =	vst v63  }
0x132: {  	_ =	swait.ge [sflag:s6], $0x4000  }
0x133: {  	[sflag:s6] =	ssyncset.done $0x0  }
0x134: {  	[sflag:s6] =	ssyncadd.s32 $0xFFFFC000  }
0x135: {  	_ =	swait.ge [sflag:s8], $0x4000  }
0x136: {  	[sflag:s8] =	ssyncset.done $0x0  }
0x137: {  	[sflag:s8] =	ssyncadd.s32 $0xFFFFC000  }
0x138: {  	_ =	swait.ge [sflag:s12], $0x4000  }
0x139: {  	[sflag:s12] =	ssyncset.done $0x0  }
0x13a: {  	[sflag:s12] =	ssyncadd.s32 $0xFFFFC000  }
0x13b: {  	[bflag:$0x0] =	sbarrier.arrive $0xFFFF  }
0x13c: {  	s15 =	rddreg [dreg:$0x11]  }
0x13d: {  	s14 =	simm.s32 @p0 $0x1FCD;
	s16 =	rddreg [dreg:$0x13]  }
0x13e: {  	[hbm:s15], [sflag:s14] =	dma.local @p0 [spmem:s16], $0x2180  }
0x13f: {  	s14 =	simm.s32 @p0 $0xD  }
0x140: {  	_ =	swait.ge @p0 [sflag:s14], $0x2180  }
0x141: {  	s19 =	rddreg [dreg:$0x14]  }
0x142: {  	[sflag:s14] =	ssyncset.done @p0 $0x0;
	s20 =	rddreg [dreg:$0x15]  }
0x143: {  	[sflag:s14] =	ssyncadd.s32 @p0 $0xFFFFDE80;
	s14 =	rddreg [dreg:$0x10]  }
0x144: {  	[hbm:s14], [sflag:s19] =	dma.local @!p0 [spmem:s20], $0x2780  }
0x145: {  	s14 =	simm.s32 @!p0 $0xD  }
0x146: {  	_ =	swait.ge @!p0 [sflag:s14], $0x2780  }
0x147: {  	s18 =	rddreg [dreg:$0x16]  }
0x148: {  	s29 =	rddreg [dreg:$0x12];
	s0 =	sadd.s32 $0x1, s18  }
0x149: {  	p1 =	sne.s32 s0, s29  }
.Ltmp1:
0x14a: {  	_ = 	snop;
	(pc) =	sbr.rel @p1 .LBB2_1-.Ltmp1, $3  }
0x14b: {  	_ =	sdelay $0x1  }
0x14c: {  	[sflag:s14] =	ssyncset.done @!p0 $0x0  }
0x14d: {  	s17 =	simm.s32 $0x13A80;
	[sflag:s14] =	ssyncadd.s32 @!p0 $0xFFFFD880  }
0x14e: {  	_ =	sfence.sel $0x180000  }
0x14f: {  	[bflag:$0x0] =	sbarrier.arrive $0xFFFF  }
0x150: {  	_ =	strace $0x9000004D  }
0x151: {  	s0 =	stileid.u32;
	[bflag:$0x2] =	sbarrier.arrive $0xFFFF  }
0x152: {  	p0 =	sne.s32 s0, $0x0;
	s0 =	rddreg [dreg:$0x3]  }
0x153: {  	s0 =	sadd.s32 @!p0 $0x100000, s0  }
0x154: {  	[sflag:s0] =	ssyncadd.tile.s32 @!p0 $0x1;
	_ =	shalt  }
.Lfunc_end2:
_tile_overlayer_lowered:
.L_overlay_start_2:
0x155: {  	(tag) =	ssettag $0x2  }
0x156: {  	s0 =	rddreg [dreg:$0x0];
	s2 =	stileid.u32  }
0x157: {  	s1 =	rddreg [dreg:$0x1];
	p0 =	sne.s32 s2, $0x0  }
0x158: {  	s3 =	rddreg [dreg:$0x2];
	[bflag:$0x3] =	sbarrier.arrive $0xFFFF;
	s2 =	simm.s32 @!p0 $0x1C0D  }
0x159: {  	[timem:s3], [sflag:s2] =	dma.local @!p0 [hbm:s0], s1  }
0x15a: {  	s0 =	simm.s32 @!p0 $0xD  }
0x15b: {  	_ =	swait.ge @!p0 [sflag:s0], s1  }
0x15c: {  	s1 =	ssub.s32 @!p0 $0x0, s1;
	[sflag:s0] =	ssyncset.done @!p0 $0x0  }
0x15d: {  	[sflag:s0] =	ssyncadd.s32 @!p0 s1  }
0x15e: {  	[bflag:$0x3] =	sbarrier.arrive $0xFFFF  }
0x15f: {  	_ =	shalt  }

// kernel: kernel.8.cloned.1.call-start
scs
__scs_entry_jumppad:
0x0: {  	(pc) =	sbr.rel $0x88, $3  }
0x1: {  	(tag) =	ssettag $0x0;
	lr =	simm.s32 $0x1  }
0x2: {  	[smem:$0x3F9B] =	sst lr;
	_ =	strace $0xD0000000  }
0x3: {  	_ = 	snop  }
0x4: {  	_ = 	snop  }
0x5: {  	_ = 	snop  }
0x6: {  	_ = 	snop  }
0x7: {  	_ = 	snop  }
__scs_overlays_trampoline_lowered:
0x8: {  	[smem:$0x3FAA] =	sst s0  }
0x9: {  	[smem:$0x3FAB] =	sst s1  }
0xa: {  	[smem:$0x3FAC] =	sst s2  }
0xb: {  	[smem:$0x3FAD] =	sst s3  }
0xc: {  	[smem:$0x3FAE] =	sst s4  }
0xd: {  	[smem:$0x3FAF] =	sst s5  }
0xe: {  	[smem:$0x3FB0] =	sst s6  }
0xf: {  	[smem:$0x3FB1] =	sst s7  }
0x10: {  	[smem:$0x3FB2] =	sst s8  }
0x11: {  	[smem:$0x3FB3] =	sst s9;
	s0 =	simm.s32 @!p0 $0x0  }
0x12: {  	s1 =	sld [smem:$0x3F99];
	s0 =	simm.s32 @p0 $0x1  }
0x13: {  	[smem:$0x3FB4] =	sst s0;
	s0 =	simm.s32 @!p1 $0x0  }
0x14: {  	s2 =	sld [smem:$0x3F98];
	s0 =	simm.s32 @p1 $0x1  }
0x15: {  	[smem:$0x3FB5] =	sst s0;
	s0 =	simm.s32 @!p2 $0x0  }
0x16: {  	s3 =	sld [smem:$0x3FDB];
	s0 =	simm.s32 @p2 $0x1  }
0x17: {  	s4 =	simm.s32 $0x1BF5;
	[smem:$0x3FB7] =	sst s0  }
0x18: {  	s0 =	sld [smem:$0x3F9A];
	_ =	swait.ge [sflag:s4], $0x0  }
0x19: {  	s7 =	sld [smem:$0x3F9B]  }
0x1a: {  	s8 =	sadd.s32 $0xFFFFE003, lr  }
0x1b: {  	s9 =	sadd.s32 $0xFFFFFEF7, lr;
	s5 =	simm.s32 $0xFFFFFFFF;
	p2 =	slt.u32 s8, $0xFFFFF086  }
0x1c: {  	p1 =	slt.u32 s9, $0xF7A;
	s5 =	simm.s32 @!p2 $0x0  }
0x1d: {  	s5 =	simm.s32 @p1 $0x1;
	p0 =	seq.s32 s7, s2  }
0x1e: {  	s7 =	smul.u32 @!p0 $0xF7A, s2;
	p2 =	seq.s32 @!p0 s5, $0x0  }
0x1f: {  	s9 =	smul.u32 $0xF7A, s1;
	s8 =	simm.s32 @!p0 $0x1BF5;
	p2 =	por !p2, p0  }
0x20: {  	[sflag:s8] =	ssyncset.s32 @!p0 $0xFFFFF086;
	s6 =	sadd.s32 @!p0 s3, s7;
	s7 =	simm.s32 @!p0 $0x108  }
0x21: {  	s3 =	sadd.s32 s3, s9;
	s6 =	sadd.s32 @!p0 $0x88, s6;
	s7 =	simm.s32 @p2 $0x1082  }
0x22: {  	[simem:s7], [sflag:s8] =	dma.local @!p0 [hbm:s6], $0xF7A  }
0x23: {  	s9 =	sor.u32 $0xD0000000, s2;
	s6 =	simm.s32 $0x108;
	_ =	swait.ge @!p0 [sflag:s8], $0x0  }
0x24: {  	s3 =	sadd.s32 $0x88, s3;
	s6 =	simm.s32 @!p1 $0x1082;
	[sflag:s4] =	ssyncset.s32 $0xFFFFF086  }
0x25: {  	[simem:s6], [sflag:s4] =	dma.local [hbm:s3], $0xF7A  }
0x26: {  	[smem:$0x3F9B] =	sst s1;
	(tag) =	ssettag s2;
	_ =	strace s9  }
0x27: {  	s1 =	sld [smem:$0x3FAB]  }
0x28: {  	s2 =	sld [smem:$0x3FAC]  }
0x29: {  	s4 =	sld [smem:$0x3FAE]  }
0x2a: {  	p0 =	seq.s32 s5, $0x0;
	s5 =	sld [smem:$0x3FAF]  }
0x2b: {  	s6 =	sld [smem:$0x3FB0]  }
0x2c: {  	s7 =	sld [smem:$0x3FB1]  }
0x2d: {  	s3 =	simm.s32 $0x108;
	s8 =	sld [smem:$0x3FB2]  }
0x2e: {  	s3 =	simm.s32 @!p0 $0x1082;
	s9 =	sld [smem:$0x3FB3]  }
0x2f: {  	lr =	sadd.s32 s0, s3;
	s0 =	sld [smem:$0x3FAA]  }
0x30: {  	s3 =	sld [smem:$0x3FAD]  }
0x31: {  	[smem:$0x3FB6] =	sst s10  }
0x32: {  	s10 =	sld [smem:$0x3FB4];
	_ =	sdelay $0x3  }
0x33: {  	p0 =	seq.s32 s10, $0x1;
	s10 =	sld [smem:$0x3FB6];
	_ =	sdelay $0x3  }
0x34: {  	[smem:$0x3FB6] =	sst s10  }
0x35: {  	s10 =	sld [smem:$0x3FB5];
	_ =	sdelay $0x3  }
0x36: {  	p1 =	seq.s32 s10, $0x1;
	s10 =	sld [smem:$0x3FB6];
	_ =	sdelay $0x3  }
0x37: {  	[smem:$0x3FB6] =	sst s10  }
0x38: {  	s10 =	sld [smem:$0x3FB7]  }
0x39: {  	_ = 	snop;
	(pc) =	sbr.ind lr, $3  }
0x3a: {  	_ = 	snop  }
0x3b: {  	_ = 	snop  }
0x3c: {  	p2 =	seq.s32 s10, $0x1;
	s10 =	sld [smem:$0x3FB6]  }
0x3d: {  	_ =	shalt  }
0x3e: {  	_ =	shalt  }
0x3f: {  	_ =	shalt  }
0x40: {  	_ =	shalt  }
0x41: {  	_ =	shalt  }
0x42: {  	_ =	shalt  }
0x43: {  	_ =	shalt  }
0x44: {  	_ =	shalt  }
0x45: {  	_ =	shalt  }
0x46: {  	_ =	shalt  }
0x47: {  	_ =	shalt  }
0x48: {  	_ =	shalt  }
0x49: {  	_ =	shalt  }
0x4a: {  	_ =	shalt  }
0x4b: {  	_ =	shalt  }
0x4c: {  	_ =	shalt  }
0x4d: {  	_ =	shalt  }
0x4e: {  	_ =	shalt  }
0x4f: {  	_ =	shalt  }
0x50: {  	_ =	shalt  }
0x51: {  	_ =	shalt  }
0x52: {  	_ =	shalt  }
0x53: {  	_ =	shalt  }
0x54: {  	_ =	shalt  }
0x55: {  	_ =	shalt  }
0x56: {  	_ =	shalt  }
0x57: {  	_ =	shalt  }
0x58: {  	_ =	shalt  }
0x59: {  	_ =	shalt  }
0x5a: {  	_ =	shalt  }
0x5b: {  	_ =	shalt  }
0x5c: {  	_ =	shalt  }
0x5d: {  	_ =	shalt  }
0x5e: {  	_ =	shalt  }
0x5f: {  	_ =	shalt  }
0x60: {  	_ =	shalt  }
0x61: {  	_ =	shalt  }
0x62: {  	_ =	shalt  }
0x63: {  	_ =	shalt  }
0x64: {  	_ =	shalt  }
0x65: {  	_ =	shalt  }
0x66: {  	_ =	shalt  }
0x67: {  	_ =	shalt  }
0x68: {  	_ =	shalt  }
0x69: {  	_ =	shalt  }
0x6a: {  	_ =	shalt  }
0x6b: {  	_ =	shalt  }
0x6c: {  	_ =	shalt  }
0x6d: {  	_ =	shalt  }
0x6e: {  	_ =	shalt  }
0x6f: {  	_ =	shalt  }
0x70: {  	_ =	shalt  }
0x71: {  	_ =	shalt  }
0x72: {  	_ =	shalt  }
0x73: {  	_ =	shalt  }
0x74: {  	_ =	shalt  }
0x75: {  	_ =	shalt  }
0x76: {  	_ =	shalt  }
0x77: {  	_ =	shalt  }
0x78: {  	_ =	shalt  }
0x79: {  	_ =	shalt  }
0x7a: {  	_ =	shalt  }
0x7b: {  	_ =	shalt  }
0x7c: {  	_ =	shalt  }
0x7d: {  	_ =	shalt  }
0x7e: {  	_ =	shalt  }
0x7f: {  	_ =	shalt  }
0x80: {  	_ =	shalt  }
0x81: {  	_ =	shalt  }
0x82: {  	_ =	shalt  }
0x83: {  	_ =	shalt  }
0x84: {  	_ =	shalt  }
0x85: {  	_ =	shalt  }
0x86: {  	_ =	shalt  }
0x87: {  	_ =	shalt  }
.Lfunc_end0:
.L_simem_size_0:
called_computation_lowered:
.L_overlay_start_0:
0x88: {  	s2 =	sld [smem:$0x3FD9]  }
0x89: {  	s3 =	sld [smem:$0x3FFE];
	_ =	sdelay $0x1  }
0x8a: {  	s1 =	srdreg.scid  }
0x8b: {  	s0 =	sand.u32 $0x1, s1  }
0x8c: {  	s17 =	sshll.u32 s0, $0xA;
	s2 =	sadd.s32 s3, s2  }
0x8d: {  	s2 =	sadd.s32 s2, s17  }
0x8e: {  	[smem:$0x3FC2] =	sst s2  }
0x8f: {  	_ = 	snop  }
0x90: {  	s2 =	sld [smem:$0x3FD0];
	(tm) =	ssettm $0x1  }
0x91: {  	s18 =	sld [smem:$0x3FFB];
	_ =	sdelay $0x3  }
0x92: {  	_ =	strace s18  }
0x93: {  	s3 =	sld [smem:$0x3FFC];
	_ =	sdelay $0x3  }
0x94: {  	_ =	strace s3  }
0x95: {  	s3 =	sld [smem:$0x3FFD];
	_ =	sdelay $0x3  }
0x96: {  	_ =	strace s3  }
0x97: {  	_ =	strace $0x8FFFFFFF  }
0x98: {  	s19 =	sld [smem:$0x3FDB];
	_ =	sdelay $0x1  }
0x99: {  	s4 =	simm.s32 $_scs_section_size  }
0x9a: {  	s5 =	simm.s32 $_size__tile_overlayer_lowered;
	s6 =	simm.s32 $_tile_overlayer_lowered  }
0x9b: {  	s22 =	simm.s32 $0x1BFF;
	s21 =	sshll.u32 s6, $0x1;
	s3 =	sadd.s32 s4, s19  }
0x9c: {  	s7 =	simm.s32 $0x0;
	s20 =	sshll.u32 s5, $0x1;
	s5 =	sadd.s32 s21, s3  }
0x9d: {  	[timem:s7], [sflag:s22] =	dma.local [hbm:s5], s20  }
0x9e: {  	_ =	swait.ge [sflag:s22], s20  }
0x9f: {  	s4 =	ssub.s32 $0x0, s20;
	[sflag:s22] =	ssyncset.done $0x0  }
0xa0: {  	[sflag:s22] =	ssyncadd.s32 s4;
	_ =	sdelay $0x1  }
0xa1: {  	s23 =	simm.s32 $0x1B8B  }
0xa2: {  	_ =	swait.ge [sflag:s23], $0x1  }
0xa3: {  	[sflag:s23] =	ssyncset.done $0x0  }
0xa4: {  	s25 =	simm.s32 $0x1B8E;
	s24 =	sld [smem:$0x3FFE];
	[sflag:s23] =	ssyncadd.s32 $0xFFFFFFFF  }
0xa5: {  	s26 =	simm.s32 $execute0_lowered;
	[smem:$0x3FD2] =	sst s25  }
0xa6: {  	s5 =	sshll.u32 s26, $0x1;
	_ =	strace $0x80000046;
	[dreg:$0x1] =	wrdreg $0xFFFFFFFF  }
0xa7: {  	s28 =	simm.s32 $_size_execute0_lowered;
	s3 =	sadd.s32 s3, s5;
	[dreg:$0x0] =	wrdreg $0x0  }
0xa8: {  	s5 =	sshll.u32 s28, $0x1;
	[dreg:$0x2] =	wrdreg s3  }
0xa9: {  	[dreg:$0x3] =	wrdreg s5  }
0xaa: {  	[dreg:$0x4] =	wrdreg $0xC0  }
0xab: {  	_ =	task [dreg:s7], $0x5FFFF  }
0xac: {  	[dreg:$0x1] =	wrdreg $0xFFFFFFFF  }
0xad: {  	[dreg:$0x0] =	wrdreg $0x60  }
0xae: {  	[dreg:$0x2] =	wrdreg s2  }
0xaf: {  	[dreg:$0x3] =	wrdreg s24  }
0xb0: {  	[dreg:$0x4] =	wrdreg $0x0  }
0xb1: {  	[dreg:$0x5] =	wrdreg $0x9  }
0xb2: {  	_ =	task.clear_ibuf [dreg:s7], $0x6FFFF;
	_ =	strace $0x90000046  }
0xb3: {  	s29 =	simm.s32 $0x9;
	_ =	strace $0x80000048  }
0xb4: {  	_ =	swait.ge [sflag:s29], $0x1  }
0xb5: {  	[sflag:s29] =	ssyncadd.s32 $0xFFFFFFFF  }
0xb6: {  	_ =	strace $0x90000048  }
0xb7: {  	_ =	sfence  }
0xb8: {  	s30 =	sld [smem:$0x0];
	_ =	sdelay $0x2  }
0xb9: {  	s31 =	sshll.u32 s1, $0xD;
	s1 =	sshrl.u32 s1, $0x2  }
0xba: {  	s3 =	sand.u32 $0x4000, s31;
	s1 =	sadd.s32 s1, s30  }
0xbb: {  	s0 =	sor.u32 s3, s0;
	s1 =	sshll.u32 s1, $0x11  }
0xbc: {  	s0 =	sor.u32 s1, s0  }
0xbd: {  	s0 =	sadd.s32 $0x8F2B, s0  }
0xbe: {  	[sflag:s0] =	ssyncadd.remote.s32 $0x1  }
0xbf: {  	_ =	sfence.sel $0xFFFF  }
0xc0: {  	[dreg:$0x0] =	wrdreg $0xFFFFFFFF;
	(pc) =	sbr.abs _section_cstart, $3  }
0xc1: {  	[dreg:$0x1] =	wrdreg $0xFFFFFFFF  }
0xc2: {  	_ =	task.clear_ibuf [dreg:s7], $0x2FFFF;
	_ =	strace $0x9FFFFFFF  }
0xc3: {  	(tm) =	ssettm $0x7FFFFFFF  }
tec
execute0_lowered:
.L_overlay_start_1:
0x0: {  	(tag) =	ssettag $0x1  }
0x1: {  	s6 =	rddreg [dreg:$0x0]  }
0x2: {  	s7 =	rddreg [dreg:$0x1]  }
0x3: {  	s1 =	rddreg [dreg:$0x2]  }
0x4: {  	s0 =	rddreg [dreg:$0x3];
	s2 =	simm.s32 $0x0  }
0x5: {  	s8 =	srdreg.scid;
	s3 =	stileid.u32;
	s15 =	simm.s32 $0x1390  }
0x6: {  	s16 =	simm.s32 $0x80;
	s17 =	simm.s32 $0x1;
	s18 =	simm.s32 $0x0  }
0x7: {  	[smem:$0x7FF] =	sst s2;
	s4 =	sadd.s32 $0x4C00, s7;
	s5 =	sadd.s32 $0x2400, s7  }
0x8: {  	s9 =	sadd.s32 $0x5400, s7;
	s26 =	sand.u32 $0x1, s8;
	s28 =	smul.u32 $0x4F000, s3  }
0x9: {  	s13 =	smul.u32 $0x13C00, s3;
	s14 =	sadd.s32 $0x128400, s1;
	p0 =	seq.s32 s3, $0xF  }
0xa: {  	_ =	strace $0x80000047;
	s10 =	ssub.s32 $0x2, s26;
	s11 =	sshll.u32 s26, $0x4  }
0xb: {  	s7 =	smul.u32 $0x140000, s26;
	s12 =	sshrl.u32 s10, $0x1;
	s11 =	sor.u32 s3, s11  }
0xc: {  	s8 =	sshrl.u32 s28, $0x2;
	s10 =	ssub.s32 s10, s12;
	s11 =	smul.u32 $0xA00, s11  }
0xd: {  	s12 =	sadd.s32 s8, s1;
	s29 =	sadd.s32 s13, s7;
	s30 =	sshrl.u32 s7, $0x3  }
0xe: {  	s13 =	simm.s32 $0x6390;
	s8 =	sshrl.u32 s29, $0x3;
	s31 =	sadd.s32 s9, s30  }
0xf: {  	s12 =	sshrl.u32 @!p0 s12, $0x3;
	s6 =	sadd.s32 s6, s11;
	s7 =	sadd.s32 s9, s8  }
0x10: {  	s8 =	sadd.s32 $0x25080, s31;
	s9 =	smax.u32 s10, $0x1;
	s11 =	sshll.u32 @!p0 s3, $0x6  }
0x11: {  	s10 =	sshrl.u32 @p0 s14, $0x3;
	s14 =	simm.s32 $0x2;
	s11 =	sor.u32 @!p0 $0x1C02, s11  }
.LBB2_1:
0x12: {  	s19 =	simm.s32 @p0 $0x1FC2  }
0x13: {  	[spmem:s10], [sflag:s19] =	dma.local @p0 [hbm:s5], $0x2180  }
0x14: {  	s19 =	simm.s32 @p0 $0x2  }
0x15: {  	_ =	swait.ge @p0 [sflag:s19], $0x2180  }
0x16: {  	[sflag:s19] =	ssyncset.done @p0 $0x0  }
0x17: {  	[sflag:s19] =	ssyncadd.s32 @p0 $0xFFFFDE80;
	s19 =	simm.s32 @!p0 $0x2  }
0x18: {  	[spmem:s12], [sflag:s11] =	dma.local @!p0 [hbm:s5], $0x2780  }
0x19: {  	_ =	swait.ge @!p0 [sflag:s19], $0x2780  }
0x1a: {  	[sflag:s19] =	ssyncset.done @!p0 $0x0  }
0x1b: {  	[sflag:s19] =	ssyncadd.s32 @!p0 $0xFFFFD880  }
0x1c: {  	[tilespmem:s13], [sflag:$0x2] =	stream.linear.gather [hbm4b:s4+s2], $0x4000, $0x38;
	[tilespmem:$0xA390] =	vst v63  }
0x1d: {  	_ =	swait.ge [sflag:s14], $0x4000  }
0x1e: {  	[sflag:s14] =	ssyncset.done $0x0  }
0x1f: {  	[sflag:s14] =	ssyncadd.s32 $0xFFFFC000  }
0x20: {  	[tilespmem:s15], [sflag:$0x2] =	stream.linear.gather [hbm4b:s6+s2], $0x5000, $0x38;
	[tilespmem:$0xA390] =	vst v63  }
0x21: {  	_ =	swait.ge [sflag:s14], $0x5000  }
0x22: {  	[sflag:s14] =	ssyncset.done $0x0  }
0x23: {  	p1 =	por $0x1, $0x1;
	[sflag:s14] =	ssyncadd.s32 $0xFFFFB000  }
0x24: {  	s21 =	simm.s32 @!p1 $0x1;
	s19 =	simm.s32 $0x1410;
	[bflag:$0x0] =	sbarrier.arrive $0xFFFF  }
0x25: {  	[spmem:s1] =	stream.indirect.scatter.add.f32 [tilespmem:s13], [sflag:$0x1], $0x8, s19, s16, $0xb8;
	[tilespmem:$0xA390] =	vst v63  }
0x26: {  	_ =	swait.ge @!p1 [sflag:s21], $0x400  }
0x27: {  	s20 =	simm.s32 $0x1;
	[sflag:s21] =	ssyncset.done @!p1 $0x0  }
.LBB2_2:
0x28: {  	[sflag:s21] =	ssyncadd.s32 @!p1 $0xFFFFFC00  }
0x29: {  	s19 =	sadd.s32 $0x100, s19;
	s21 =	smov.u32 s20;
	s20 =	sadd.s32 $0x1, s20  }
0x2a: {  	p2 =	sne.s32 s20, $0x50  }
0x2b: {  	[spmem:s1] =	stream.indirect.scatter.add.f32 [tilespmem:s13], [sflag:$0x1], $0x8, s19, s16, $0xb8;
	[tilespmem:$0xA390] =	vst v63  }
.Ltmp0:
0x2c: {  	_ = 	snop;
	(pc) =	sbr.rel @p2 .LBB2_2-.Ltmp0, $4  }
0x2d: {  	p1 =	slt.u32 s21, $0x8  }
0x2e: {  	s21 =	simm.s32 @!p1 $0x1  }
0x2f: {  	_ =	swait.ge @!p1 [sflag:s21], $0x400  }
0x30: {  	[sflag:s21] =	ssyncset.done @!p1 $0x0  }
0x31: {  	[sflag:s21] =	ssyncadd.s32 @!p1 $0xFFFFFC00  }
0x32: {  	_ =	swait.ge [sflag:s17], $0x400  }
0x33: {  	[sflag:s17] =	ssyncset.done $0x0  }
0x34: {  	[sflag:s17] =	ssyncadd.s32 $0xFFFFFC00  }
0x35: {  	_ =	swait.ge [sflag:s17], $0x400  }
0x36: {  	[sflag:s17] =	ssyncset.done $0x0  }
0x37: {  	[sflag:s17] =	ssyncadd.s32 $0xFFFFFC00  }
0x38: {  	_ =	swait.ge [sflag:s17], $0x400  }
0x39: {  	[sflag:s17] =	ssyncset.done $0x0  }
0x3a: {  	[sflag:s17] =	ssyncadd.s32 $0xFFFFFC00  }
0x3b: {  	_ =	swait.ge [sflag:s17], $0x400  }
0x3c: {  	[sflag:s17] =	ssyncset.done $0x0  }
0x3d: {  	[sflag:s17] =	ssyncadd.s32 $0xFFFFFC00  }
0x3e: {  	_ =	swait.ge [sflag:s17], $0x400  }
0x3f: {  	[sflag:s17] =	ssyncset.done $0x0  }
0x40: {  	[sflag:s17] =	ssyncadd.s32 $0xFFFFFC00  }
0x41: {  	_ =	swait.ge [sflag:s17], $0x400  }
0x42: {  	[sflag:s17] =	ssyncset.done $0x0  }
0x43: {  	[sflag:s17] =	ssyncadd.s32 $0xFFFFFC00  }
0x44: {  	_ =	swait.ge [sflag:s17], $0x400  }
0x45: {  	[sflag:s17] =	ssyncset.done $0x0  }
0x46: {  	[sflag:s17] =	ssyncadd.s32 $0xFFFFFC00  }
0x47: {  	_ =	swait.ge [sflag:s17], $0x400  }
0x48: {  	[sflag:s17] =	ssyncset.done $0x0  }
0x49: {  	[sflag:s17] =	ssyncadd.s32 $0xFFFFFC00  }
0x4a: {  	s19 =	simm.s32 @p0 $0x1FC2;
	[bflag:$0x0] =	sbarrier.arrive $0xFFFF  }
0x4b: {  	[hbm:s8], [sflag:s19] =	dma.local @p0 [spmem:s10], $0x2180  }
0x4c: {  	s19 =	simm.s32 @p0 $0x2  }
0x4d: {  	s18 =	sadd.s32 $0x1, s18;
	_ =	swait.ge @p0 [sflag:s19], $0x2180  }
0x4e: {  	p1 =	sne.s32 s18, s9;
	[sflag:s19] =	ssyncset.done @p0 $0x0  }
.Ltmp1:
0x4f: {  	[sflag:s19] =	ssyncadd.s32 @p0 $0xFFFFDE80;
	s19 =	simm.s32 @!p0 $0x2;
	(pc) =	sbr.rel @p1 .LBB2_1-.Ltmp1, $4  }
0x50: {  	[hbm:s7], [sflag:s11] =	dma.local @!p0 [spmem:s12], $0x2780  }
0x51: {  	_ =	swait.ge @!p0 [sflag:s19], $0x2780  }
0x52: {  	[sflag:s19] =	ssyncset.done @!p0 $0x0  }
0x53: {  	[sflag:s19] =	ssyncadd.s32 @!p0 $0xFFFFD880  }
0x54: {  	_ =	sfence.sel $0x180000  }
0x55: {  	[bflag:$0x0] =	sbarrier.arrive $0xFFFF  }
0x56: {  	p0 =	sne.s32 s3, $0x0;
	_ =	strace $0x90000047  }
0x57: {  	s0 =	sadd.s32 @!p0 $0x100000, s0;
	[bflag:$0x2] =	sbarrier.arrive $0xFFFF  }
0x58: {  	[sflag:s0] =	ssyncadd.tile.s32 @!p0 $0x1;
	_ =	shalt  }
.Lfunc_end2:
_tile_overlayer_lowered:
.L_overlay_start_2:
0x59: {  	(tag) =	ssettag $0x2  }
0x5a: {  	s0 =	rddreg [dreg:$0x0];
	s2 =	stileid.u32  }
0x5b: {  	s1 =	rddreg [dreg:$0x1];
	p0 =	sne.s32 s2, $0x0  }
0x5c: {  	s3 =	rddreg [dreg:$0x2];
	[bflag:$0x3] =	sbarrier.arrive $0xFFFF;
	s2 =	simm.s32 @!p0 $0x1C02  }
0x5d: {  	[timem:s3], [sflag:s2] =	dma.local @!p0 [hbm:s0], s1  }
0x5e: {  	s0 =	simm.s32 @!p0 $0x2  }
0x5f: {  	_ =	swait.ge @!p0 [sflag:s0], s1  }
0x60: {  	s1 =	ssub.s32 @!p0 $0x0, s1;
	[sflag:s0] =	ssyncset.done @!p0 $0x0  }
0x61: {  	[sflag:s0] =	ssyncadd.s32 @!p0 s1  }
0x62: {  	[bflag:$0x3] =	sbarrier.arrive $0xFFFF  }
0x63: {  	_ =	shalt  }

</sc_bundles>
